<compile_context>
chip_gen: v7x
topology: tpu7x:2x2x1
jax: 0.10.2.dev20260603
libtpu: 0.0.44.dev20260713+nightly
codegen_flags: <defaults>
</compile_context>

<pallas_src>
import jax
import jax.numpy as jnp
from jax import lax
from jax.experimental import pallas as pl
from jax.experimental.pallas import tpu as pltpu
from jax.experimental.pallas import tpu_sc as plsc

C = 6
NUM_USERS = 100000
NUM_ITEMS = 100000
HIDDEN = 64
BATCH = 16384

NC, NS, L = 2, 16, 16
NW = NC * NS
BPW = BATCH // NW
NCHUNK = 4
CHUNK = BPW // NCHUNK
NBLK = BPW // L
MH = HIDDEN // L


def _body(u_hbm, i_hbm, p_hbm, q_hbm, w_hbm, r_out, p_out,
          uidx, iidx, uoff, ioff, p_rows, q_rows, r_acc, p_acc,
          w_vmem, sem):
  wid = lax.axis_index("s") * NC + lax.axis_index("c")
  base = wid * BPW

  for j in range(NCHUNK):
    pltpu.sync_copy(u_hbm.at[pl.ds(base + j * CHUNK, CHUNK)], uidx.at[j])
    pltpu.sync_copy(i_hbm.at[pl.ds(base + j * CHUNK, CHUNK)], iidx.at[j])
  pltpu.sync_copy(w_hbm, w_vmem)

  zero = jnp.zeros((L,), jnp.float32)
  for k in range(NBLK):
    r_acc[pl.ds(k * L, L)] = zero
    p_acc[pl.ds(k * L, L)] = zero

  iota = lax.iota(jnp.int32, L)
  perms = [iota ^ 1, iota ^ 2, iota ^ 4, iota ^ 8]
  lane_eq = [iota == l for l in range(L)]

  for j in range(NCHUNK):
    for k in range(CHUNK // L):
      sl = pl.ds(k * L, L)
      uoff[j, sl] = lax.shift_right_logical(uidx[j, sl], 1)
      ioff[j, sl] = lax.shift_right_logical(iidx[j, sl], 1)

  NSTEP = C * NCHUNK

  pltpu.async_copy(p_hbm.at[0].at[uoff.at[0]], p_rows.at[0], sem)
  pltpu.async_copy(q_hbm.at[0].at[ioff.at[0]], q_rows.at[0], sem)

  def step_body(st, carry):
    comp = lax.shift_right_logical(st, 2)
    q = st & 3
    jb = st & 1
    pltpu.make_async_copy(p_hbm.at[comp].at[uoff.at[q]],
                          p_rows.at[jb], sem).wait()
    pltpu.make_async_copy(q_hbm.at[comp].at[ioff.at[q]],
                          q_rows.at[jb], sem).wait()

    @pl.when(st < NSTEP - 1)
    def _prefetch():
      nst = st + 1
      ncomp = lax.shift_right_logical(nst, 2)
      nq = nst & 3
      njb = nst & 1
      pltpu.async_copy(p_hbm.at[ncomp].at[uoff.at[nq]], p_rows.at[njb], sem)
      pltpu.async_copy(q_hbm.at[ncomp].at[ioff.at[nq]], q_rows.at[njb], sem)

    cch = [w_vmem[pl.ds(comp * HIDDEN + m * L, L)] for m in range(MH)]
    dch = w_vmem[pl.ds(C * HIDDEN, L)]
    dsplat = dch.at[jnp.full((L,), comp, jnp.int32)].get(
        mode="promise_in_bounds")

    def blk_body(bi, carry2):
      col = bi * L
      u_chunk = uidx[q, pl.ds(col, L)]
      i_chunk = iidx[q, pl.ds(col, L)]
      racc = zero
      pacc = dsplat
      for l in range(L):
        row = bi * L + l
        uo = lax.shift_left(u_chunk[l] & 1, 6)
        io = lax.shift_left(i_chunk[l] & 1, 6)
        t = None
        s = None
        for m in range(MH):
          pv = p_rows[jb, row, pl.ds(uo + m * L, L)]
          qv = q_rows[jb, row, pl.ds(io + m * L, L)]
          t = pv * qv if t is None else t + pv * qv
          s = qv * cch[m] if s is None else s + qv * cch[m]
        for p in perms:
          t = t + t.at[p].get(mode="promise_in_bounds")
          s = s + s.at[p].get(mode="promise_in_bounds")
        racc = jnp.where(lane_eq[l], t, racc)
        pacc = jnp.where(lane_eq[l], s + pacc, pacc)
      pop = 1.0 / (1.0 + jnp.exp(-pacc))
      sl = pl.ds(q * CHUNK + bi * L, L)
      r_acc[sl] = r_acc[sl] + racc
      p_acc[sl] = p_acc[sl] + pop
      return carry2

    lax.fori_loop(0, CHUNK // L, blk_body, None)
    return carry

  lax.fori_loop(0, NSTEP, step_body, None)

  inv = jnp.float32(1.0 / C)
  for k in range(NBLK):
    sl = pl.ds(k * L, L)
    r_acc[sl] = r_acc[sl] * inv
    p_acc[sl] = p_acc[sl] * inv

  pltpu.sync_copy(r_acc, r_out.at[pl.ds(base, BPW)])
  pltpu.sync_copy(p_acc, p_out.at[pl.ds(base, BPW)])


def _pair_view(x):
  return x.reshape(C, NUM_USERS // 2, 2 * HIDDEN)


@jax.jit
def _run(u_batch, i_batch, p_tab, q_tab, w_flat):
  mesh = plsc.VectorSubcoreMesh(core_axis_name="c", subcore_axis_name="s",
                                num_cores=NC, num_subcores=NS)
  f = pl.kernel(
      _body,
      out_type=[jax.ShapeDtypeStruct((BATCH,), jnp.float32),
                jax.ShapeDtypeStruct((BATCH,), jnp.float32)],
      mesh=mesh,
      compiler_params=pltpu.CompilerParams(needs_layout_passes=False,
                                           use_tc_tiling_on_sc=True),
      scratch_types=[
          pltpu.VMEM((NCHUNK, CHUNK), jnp.int32),
          pltpu.VMEM((NCHUNK, CHUNK), jnp.int32),
          pltpu.VMEM((NCHUNK, CHUNK), jnp.int32),
          pltpu.VMEM((NCHUNK, CHUNK), jnp.int32),
          pltpu.VMEM((2, CHUNK, 2 * HIDDEN), jnp.float32),
          pltpu.VMEM((2, CHUNK, 2 * HIDDEN), jnp.float32),
          pltpu.VMEM((BPW,), jnp.float32),
          pltpu.VMEM((BPW,), jnp.float32),
          pltpu.VMEM((512,), jnp.float32),
          pltpu.SemaphoreType.DMA,
      ],
  )
  return f(u_batch, i_batch, p_tab, q_tab, w_flat)


def kernel(u_batch, i_batch, P, Q, c, d):
  w_flat = jnp.concatenate(
      [c.reshape(C * HIDDEN), d.reshape(C),
       jnp.zeros((512 - C * HIDDEN - C,), jnp.float32)])
  r, p = _run(u_batch, i_batch, _pair_view(P), _pair_view(Q), w_flat)
  return (r.reshape(-1, 1), p.reshape(-1, 1))

# --- scband reference (transcript-rebuilt; emitter-appended) ---
"""Pipeline reference for scband-cjbpr-22995254903289 (READ-ONLY COPY).

The authoritative reference and input builder live on the scoring server;
editing this copy changes nothing except your own understanding.
"""

import jax, jax.numpy as jnp
import numpy as np

C = 6
NUM_USERS = 100000
NUM_ITEMS = 100000
HIDDEN = 64
BATCH = 16384


def setup_inputs(seed: int = 0) -> dict:
    key = jax.random.key(seed)
    k1, k2, k3, k4, k5, k6 = jax.random.split(key, 6)
    u_batch = jax.random.randint(k1, (BATCH,), 0, NUM_USERS, dtype=jnp.int32)
    i_batch = jax.random.randint(k2, (BATCH,), 0, NUM_ITEMS, dtype=jnp.int32)
    # Learned parameters, one set per ensemble component (stacked on axis 0)
    P = jax.random.normal(k3, (C, NUM_USERS, HIDDEN), dtype=jnp.float32) * 0.03
    Q = jax.random.normal(k4, (C, NUM_ITEMS, HIDDEN), dtype=jnp.float32) * 0.03
    c = jax.random.normal(k5, (C, HIDDEN, 1), dtype=jnp.float32) * 0.03
    d = jax.random.normal(k6, (C, 1, 1), dtype=jnp.float32) * 0.03
    return {"u_batch": u_batch, "i_batch": i_batch, "P": P, "Q": Q, "c": c, "d": d}


def reference(u_batch, i_batch, P, Q, c, d):
    # Per-component embedding lookups (tf.nn.embedding_lookup -> jnp.take)
    p = jnp.take(P, u_batch, axis=1)  # [C, B, H]
    q = jnp.take(Q, i_batch, axis=1)  # [C, B, H]
    # Relevance prediction: dot product of user/item embeddings per component
    r = jnp.sum(p * q, axis=-1)  # [C, B]
    # Popularity/exposure prediction head: sigmoid(q @ c + d) per component
    pop_logit = jnp.einsum('cbh,cho->cbo', q, c) + d  # [C, B, 1]
    pop = jax.nn.sigmoid(pop_logit)[..., 0]  # [C, B]
    # Ensemble average over C components (matches r_pred / self.C in call)
    r_pred = jnp.sum(r, axis=0) / C
    p_pred = jnp.sum(pop, axis=0) / C
    return (r_pred.reshape(-1, 1), p_pred.reshape(-1, 1))

if __name__ == "__main__":
    import jax
    _d = setup_inputs()
    print(jax.jit(kernel)(*tuple(_d.values())))

</pallas_src>

<mosaic_0001>
#map = affine_map<(d0, d1) -> (0)>
#map1 = affine_map<(d0, d1) -> (0, 0, 0)>
module attributes {stable_mosaic.version = 14 : i64} {
  func.func @_body(%arg0: i32, %arg1: i32, %arg2: memref<16384xi32, #tpu.memory_space<hbm>>, %arg3: memref<16384xi32, #tpu.memory_space<hbm>>, %arg4: memref<6x50000x128xf32, #tpu.memory_space<hbm>>, %arg5: memref<6x50000x128xf32, #tpu.memory_space<hbm>>, %arg6: memref<512xf32, #tpu.memory_space<hbm>>, %arg7: memref<16384xf32, #tpu.memory_space<hbm>>, %arg8: memref<16384xf32, #tpu.memory_space<hbm>>, %arg9: memref<4x128xi32, #tpu.memory_space<vmem>>, %arg10: memref<4x128xi32, #tpu.memory_space<vmem>>, %arg11: memref<4x128xi32, #tpu.memory_space<vmem>>, %arg12: memref<4x128xi32, #tpu.memory_space<vmem>>, %arg13: memref<2x128x128xf32, #tpu.memory_space<vmem>>, %arg14: memref<2x128x128xf32, #tpu.memory_space<vmem>>, %arg15: memref<512xf32, #tpu.memory_space<vmem>>, %arg16: memref<512xf32, #tpu.memory_space<vmem>>, %arg17: memref<512xf32, #tpu.memory_space<vmem>>, %arg18: memref<!tpu.dma_semaphore, #tpu.memory_space<semaphore_mem>>) attributes {dimension_semantics = [#tpu.dimension_semantics<core_parallel>, #tpu.dimension_semantics<subcore_parallel>], iteration_bounds = array<i64: 2, 16>, scalar_prefetch = 0 : i64, scratch_operands = 10 : i64, tpu.core_type = #tpu.core_type<sc_vector_subcore>, window_params = [{transform_indices = #map}, {transform_indices = #map}, {transform_indices = #map1}, {transform_indices = #map1}, {transform_indices = #map}, {transform_indices = #map}, {transform_indices = #map}]} {
    %mul3A = arith.constant 2 : i32
    %mul3A_0 = arith.muli %arg1, %mul3A : i32
    %add3A = arith.addi %mul3A_0, %arg0 : i32
    %mul3A_1 = arith.constant 512 : i32
    %mul3A_2 = arith.muli %add3A, %mul3A_1 : i32
    %add3A_3 = arith.constant 0 : i32
    %add3A_4 = arith.addi %mul3A_2, %add3A_3 : i32
    %run_scoped3A = arith.constant 0 : i32
    "tpu.region"() ({
      %run_scoped3A_1399 = tpu.sem_alloc : memref<!tpu.dma_semaphore, #tpu.memory_space<semaphore_mem>>
      %dma_start3A_1400 = arith.constant 0 : i32
      %dma_start3A_1401 = tpu.memref_slice %arg9[%run_scoped3A, %dma_start3A_1400] : memref<4x128xi32, #tpu.memory_space<vmem>> -> memref<1x128xi32, #tpu.memory_space<vmem>>
      %dma_start3A_1402 = tpu.memref_squeeze %dma_start3A_1401 : memref<1x128xi32, #tpu.memory_space<vmem>> -> memref<128xi32, #tpu.memory_space<vmem>>
      %dma_start3A_1403 = tpu.memref_slice %arg2[%add3A_4] : memref<16384xi32, #tpu.memory_space<hbm>> -> memref<128xi32, #tpu.memory_space<hbm>>
      %dma_start3A_1404 = arith.constant 0 : i32
      %dma_start3A_1405 = tpu.memref_slice %arg9[%run_scoped3A, %dma_start3A_1404] : memref<4x128xi32, #tpu.memory_space<vmem>> -> memref<1x128xi32, #tpu.memory_space<vmem>>
      %dma_start3A_1406 = tpu.memref_squeeze %dma_start3A_1405 : memref<1x128xi32, #tpu.memory_space<vmem>> -> memref<128xi32, #tpu.memory_space<vmem>>
      %dma_start3A_1407 = tpu.memref_slice %arg2[%add3A_4] : memref<16384xi32, #tpu.memory_space<hbm>> -> memref<128xi32, #tpu.memory_space<hbm>>
      tpu.enqueue_dma source(%dma_start3A_1407 : memref<128xi32, #tpu.memory_space<hbm>>) target(%dma_start3A_1406 : memref<128xi32, #tpu.memory_space<vmem>>) target_semaphore(%run_scoped3A_1399 : memref<!tpu.dma_semaphore, #tpu.memory_space<semaphore_mem>>)
      %dma_wait3A = arith.constant 0 : i32
      %dma_wait3A_1408 = tpu.memref_slice %arg9[%run_scoped3A, %dma_wait3A] : memref<4x128xi32, #tpu.memory_space<vmem>> -> memref<1x128xi32, #tpu.memory_space<vmem>>
      %dma_wait3A_1409 = tpu.memref_squeeze %dma_wait3A_1408 : memref<1x128xi32, #tpu.memory_space<vmem>> -> memref<128xi32, #tpu.memory_space<vmem>>
      %dma_wait3A_1410 = tpu.memref_slice %arg2[%add3A_4] : memref<16384xi32, #tpu.memory_space<hbm>> -> memref<128xi32, #tpu.memory_space<hbm>>
      %dma_wait3A_1411 = arith.constant 0 : i32
      %dma_wait3A_1412 = tpu.memref_slice %arg9[%run_scoped3A, %dma_wait3A_1411] : memref<4x128xi32, #tpu.memory_space<vmem>> -> memref<1x128xi32, #tpu.memory_space<vmem>>
      %dma_wait3A_1413 = tpu.memref_squeeze %dma_wait3A_1412 : memref<1x128xi32, #tpu.memory_space<vmem>> -> memref<128xi32, #tpu.memory_space<vmem>>
      %dma_wait3A_1414 = tpu.memref_slice %arg2[%add3A_4] : memref<16384xi32, #tpu.memory_space<hbm>> -> memref<128xi32, #tpu.memory_space<hbm>>
      tpu.wait_dma2 semaphore(%run_scoped3A_1399 : memref<!tpu.dma_semaphore, #tpu.memory_space<semaphore_mem>>) src(%dma_wait3A_1414 : memref<128xi32, #tpu.memory_space<hbm>>) dst(%dma_wait3A_1413 : memref<128xi32, #tpu.memory_space<vmem>>)
      tpu.yield
    }) : () -> ()
    %add3A_5 = arith.constant 0 : i32
    %add3A_6 = arith.addi %mul3A_2, %add3A_5 : i32
    %run_scoped3A_7 = arith.constant 0 : i32
    "tpu.region"() ({
      %run_scoped3A_1399 = tpu.sem_alloc : memref<!tpu.dma_semaphore, #tpu.memory_space<semaphore_mem>>
      %dma_start3A_1400 = arith.constant 0 : i32
      %dma_start3A_1401 = tpu.memref_slice %arg10[%run_scoped3A_7, %dma_start3A_1400] : memref<4x128xi32, #tpu.memory_space<vmem>> -> memref<1x128xi32, #tpu.memory_space<vmem>>
      %dma_start3A_1402 = tpu.memref_squeeze %dma_start3A_1401 : memref<1x128xi32, #tpu.memory_space<vmem>> -> memref<128xi32, #tpu.memory_space<vmem>>
      %dma_start3A_1403 = tpu.memref_slice %arg3[%add3A_6] : memref<16384xi32, #tpu.memory_space<hbm>> -> memref<128xi32, #tpu.memory_space<hbm>>
      %dma_start3A_1404 = arith.constant 0 : i32
      %dma_start3A_1405 = tpu.memref_slice %arg10[%run_scoped3A_7, %dma_start3A_1404] : memref<4x128xi32, #tpu.memory_space<vmem>> -> memref<1x128xi32, #tpu.memory_space<vmem>>
      %dma_start3A_1406 = tpu.memref_squeeze %dma_start3A_1405 : memref<1x128xi32, #tpu.memory_space<vmem>> -> memref<128xi32, #tpu.memory_space<vmem>>
      %dma_start3A_1407 = tpu.memref_slice %arg3[%add3A_6] : memref<16384xi32, #tpu.memory_space<hbm>> -> memref<128xi32, #tpu.memory_space<hbm>>
      tpu.enqueue_dma source(%dma_start3A_1407 : memref<128xi32, #tpu.memory_space<hbm>>) target(%dma_start3A_1406 : memref<128xi32, #tpu.memory_space<vmem>>) target_semaphore(%run_scoped3A_1399 : memref<!tpu.dma_semaphore, #tpu.memory_space<semaphore_mem>>)
      %dma_wait3A = arith.constant 0 : i32
      %dma_wait3A_1408 = tpu.memref_slice %arg10[%run_scoped3A_7, %dma_wait3A] : memref<4x128xi32, #tpu.memory_space<vmem>> -> memref<1x128xi32, #tpu.memory_space<vmem>>
      %dma_wait3A_1409 = tpu.memref_squeeze %dma_wait3A_1408 : memref<1x128xi32, #tpu.memory_space<vmem>> -> memref<128xi32, #tpu.memory_space<vmem>>
      %dma_wait3A_1410 = tpu.memref_slice %arg3[%add3A_6] : memref<16384xi32, #tpu.memory_space<hbm>> -> memref<128xi32, #tpu.memory_space<hbm>>
      %dma_wait3A_1411 = arith.constant 0 : i32
      %dma_wait3A_1412 = tpu.memref_slice %arg10[%run_scoped3A_7, %dma_wait3A_1411] : memref<4x128xi32, #tpu.memory_space<vmem>> -> memref<1x128xi32, #tpu.memory_space<vmem>>
      %dma_wait3A_1413 = tpu.memref_squeeze %dma_wait3A_1412 : memref<1x128xi32, #tpu.memory_space<vmem>> -> memref<128xi32, #tpu.memory_space<vmem>>
      %dma_wait3A_1414 = tpu.memref_slice %arg3[%add3A_6] : memref<16384xi32, #tpu.memory_space<hbm>> -> memref<128xi32, #tpu.memory_space<hbm>>
      tpu.wait_dma2 semaphore(%run_scoped3A_1399 : memref<!tpu.dma_semaphore, #tpu.memory_space<semaphore_mem>>) src(%dma_wait3A_1414 : memref<128xi32, #tpu.memory_space<hbm>>) dst(%dma_wait3A_1413 : memref<128xi32, #tpu.memory_space<vmem>>)
      tpu.yield
    }) : () -> ()
    %add3A_8 = arith.constant 128 : i32
    %add3A_9 = arith.addi %mul3A_2, %add3A_8 : i32
    %run_scoped3A_10 = arith.constant 1 : i32
    "tpu.region"() ({
      %run_scoped3A_1399 = tpu.sem_alloc : memref<!tpu.dma_semaphore, #tpu.memory_space<semaphore_mem>>
      %dma_start3A_1400 = arith.constant 0 : i32
      %dma_start3A_1401 = tpu.memref_slice %arg9[%run_scoped3A_10, %dma_start3A_1400] : memref<4x128xi32, #tpu.memory_space<vmem>> -> memref<1x128xi32, #tpu.memory_space<vmem>>
      %dma_start3A_1402 = tpu.memref_squeeze %dma_start3A_1401 : memref<1x128xi32, #tpu.memory_space<vmem>> -> memref<128xi32, #tpu.memory_space<vmem>>
      %dma_start3A_1403 = tpu.memref_slice %arg2[%add3A_9] : memref<16384xi32, #tpu.memory_space<hbm>> -> memref<128xi32, #tpu.memory_space<hbm>>
      %dma_start3A_1404 = arith.constant 0 : i32
      %dma_start3A_1405 = tpu.memref_slice %arg9[%run_scoped3A_10, %dma_start3A_1404] : memref<4x128xi32, #tpu.memory_space<vmem>> -> memref<1x128xi32, #tpu.memory_space<vmem>>
      %dma_start3A_1406 = tpu.memref_squeeze %dma_start3A_1405 : memref<1x128xi32, #tpu.memory_space<vmem>> -> memref<128xi32, #tpu.memory_space<vmem>>
      %dma_start3A_1407 = tpu.memref_slice %arg2[%add3A_9] : memref<16384xi32, #tpu.memory_space<hbm>> -> memref<128xi32, #tpu.memory_space<hbm>>
      tpu.enqueue_dma source(%dma_start3A_1407 : memref<128xi32, #tpu.memory_space<hbm>>) target(%dma_start3A_1406 : memref<128xi32, #tpu.memory_space<vmem>>) target_semaphore(%run_scoped3A_1399 : memref<!tpu.dma_semaphore, #tpu.memory_space<semaphore_mem>>)
      %dma_wait3A = arith.constant 0 : i32
      %dma_wait3A_1408 = tpu.memref_slice %arg9[%run_scoped3A_10, %dma_wait3A] : memref<4x128xi32, #tpu.memory_space<vmem>> -> memref<1x128xi32, #tpu.memory_space<vmem>>
      %dma_wait3A_1409 = tpu.memref_squeeze %dma_wait3A_1408 : memref<1x128xi32, #tpu.memory_space<vmem>> -> memref<128xi32, #tpu.memory_space<vmem>>
      %dma_wait3A_1410 = tpu.memref_slice %arg2[%add3A_9] : memref<16384xi32, #tpu.memory_space<hbm>> -> memref<128xi32, #tpu.memory_space<hbm>>
      %dma_wait3A_1411 = arith.constant 0 : i32
      %dma_wait3A_1412 = tpu.memref_slice %arg9[%run_scoped3A_10, %dma_wait3A_1411] : memref<4x128xi32, #tpu.memory_space<vmem>> -> memref<1x128xi32, #tpu.memory_space<vmem>>
      %dma_wait3A_1413 = tpu.memref_squeeze %dma_wait3A_1412 : memref<1x128xi32, #tpu.memory_space<vmem>> -> memref<128xi32, #tpu.memory_space<vmem>>
      %dma_wait3A_1414 = tpu.memref_slice %arg2[%add3A_9] : memref<16384xi32, #tpu.memory_space<hbm>> -> memref<128xi32, #tpu.memory_space<hbm>>
      tpu.wait_dma2 semaphore(%run_scoped3A_1399 : memref<!tpu.dma_semaphore, #tpu.memory_space<semaphore_mem>>) src(%dma_wait3A_1414 : memref<128xi32, #tpu.memory_space<hbm>>) dst(%dma_wait3A_1413 : memref<128xi32, #tpu.memory_space<vmem>>)
      tpu.yield
    }) : () -> ()
    %add3A_11 = arith.constant 128 : i32
    %add3A_12 = arith.addi %mul3A_2, %add3A_11 : i32
    %run_scoped3A_13 = arith.constant 1 : i32
    "tpu.region"() ({
      %run_scoped3A_1399 = tpu.sem_alloc : memref<!tpu.dma_semaphore, #tpu.memory_space<semaphore_mem>>
      %dma_start3A_1400 = arith.constant 0 : i32
      %dma_start3A_1401 = tpu.memref_slice %arg10[%run_scoped3A_13, %dma_start3A_1400] : memref<4x128xi32, #tpu.memory_space<vmem>> -> memref<1x128xi32, #tpu.memory_space<vmem>>
      %dma_start3A_1402 = tpu.memref_squeeze %dma_start3A_1401 : memref<1x128xi32, #tpu.memory_space<vmem>> -> memref<128xi32, #tpu.memory_space<vmem>>
      %dma_start3A_1403 = tpu.memref_slice %arg3[%add3A_12] : memref<16384xi32, #tpu.memory_space<hbm>> -> memref<128xi32, #tpu.memory_space<hbm>>
      %dma_start3A_1404 = arith.constant 0 : i32
      %dma_start3A_1405 = tpu.memref_slice %arg10[%run_scoped3A_13, %dma_start3A_1404] : memref<4x128xi32, #tpu.memory_space<vmem>> -> memref<1x128xi32, #tpu.memory_space<vmem>>
      %dma_start3A_1406 = tpu.memref_squeeze %dma_start3A_1405 : memref<1x128xi32, #tpu.memory_space<vmem>> -> memref<128xi32, #tpu.memory_space<vmem>>
      %dma_start3A_1407 = tpu.memref_slice %arg3[%add3A_12] : memref<16384xi32, #tpu.memory_space<hbm>> -> memref<128xi32, #tpu.memory_space<hbm>>
      tpu.enqueue_dma source(%dma_start3A_1407 : memref<128xi32, #tpu.memory_space<hbm>>) target(%dma_start3A_1406 : memref<128xi32, #tpu.memory_space<vmem>>) target_semaphore(%run_scoped3A_1399 : memref<!tpu.dma_semaphore, #tpu.memory_space<semaphore_mem>>)
      %dma_wait3A = arith.constant 0 : i32
      %dma_wait3A_1408 = tpu.memref_slice %arg10[%run_scoped3A_13, %dma_wait3A] : memref<4x128xi32, #tpu.memory_space<vmem>> -> memref<1x128xi32, #tpu.memory_space<vmem>>
      %dma_wait3A_1409 = tpu.memref_squeeze %dma_wait3A_1408 : memref<1x128xi32, #tpu.memory_space<vmem>> -> memref<128xi32, #tpu.memory_space<vmem>>
      %dma_wait3A_1410 = tpu.memref_slice %arg3[%add3A_12] : memref<16384xi32, #tpu.memory_space<hbm>> -> memref<128xi32, #tpu.memory_space<hbm>>
      %dma_wait3A_1411 = arith.constant 0 : i32
      %dma_wait3A_1412 = tpu.memref_slice %arg10[%run_scoped3A_13, %dma_wait3A_1411] : memref<4x128xi32, #tpu.memory_space<vmem>> -> memref<1x128xi32, #tpu.memory_space<vmem>>
      %dma_wait3A_1413 = tpu.memref_squeeze %dma_wait3A_1412 : memref<1x128xi32, #tpu.memory_space<vmem>> -> memref<128xi32, #tpu.memory_space<vmem>>
      %dma_wait3A_1414 = tpu.memref_slice %arg3[%add3A_12] : memref<16384xi32, #tpu.memory_space<hbm>> -> memref<128xi32, #tpu.memory_space<hbm>>
      tpu.wait_dma2 semaphore(%run_scoped3A_1399 : memref<!tpu.dma_semaphore, #tpu.memory_space<semaphore_mem>>) src(%dma_wait3A_1414 : memref<128xi32, #tpu.memory_space<hbm>>) dst(%dma_wait3A_1413 : memref<128xi32, #tpu.memory_space<vmem>>)
      tpu.yield
    }) : () -> ()
    %add3A_14 = arith.constant 256 : i32
    %add3A_15 = arith.addi %mul3A_2, %add3A_14 : i32
    %run_scoped3A_16 = arith.constant 2 : i32
    "tpu.region"() ({
      %run_scoped3A_1399 = tpu.sem_alloc : memref<!tpu.dma_semaphore, #tpu.memory_space<semaphore_mem>>
      %dma_start3A_1400 = arith.constant 0 : i32
      %dma_start3A_1401 = tpu.memref_slice %arg9[%run_scoped3A_16, %dma_start3A_1400] : memref<4x128xi32, #tpu.memory_space<vmem>> -> memref<1x128xi32, #tpu.memory_space<vmem>>
      %dma_start3A_1402 = tpu.memref_squeeze %dma_start3A_1401 : memref<1x128xi32, #tpu.memory_space<vmem>> -> memref<128xi32, #tpu.memory_space<vmem>>
      %dma_start3A_1403 = tpu.memref_slice %arg2[%add3A_15] : memref<16384xi32, #tpu.memory_space<hbm>> -> memref<128xi32, #tpu.memory_space<hbm>>
      %dma_start3A_1404 = arith.constant 0 : i32
      %dma_start3A_1405 = tpu.memref_slice %arg9[%run_scoped3A_16, %dma_start3A_1404] : memref<4x128xi32, #tpu.memory_space<vmem>> -> memref<1x128xi32, #tpu.memory_space<vmem>>
      %dma_start3A_1406 = tpu.memref_squeeze %dma_start3A_1405 : memref<1x128xi32, #tpu.memory_space<vmem>> -> memref<128xi32, #tpu.memory_space<vmem>>
      %dma_start3A_1407 = tpu.memref_slice %arg2[%add3A_15] : memref<16384xi32, #tpu.memory_space<hbm>> -> memref<128xi32, #tpu.memory_space<hbm>>
      tpu.enqueue_dma source(%dma_start3A_1407 : memref<128xi32, #tpu.memory_space<hbm>>) target(%dma_start3A_1406 : memref<128xi32, #tpu.memory_space<vmem>>) target_semaphore(%run_scoped3A_1399 : memref<!tpu.dma_semaphore, #tpu.memory_space<semaphore_mem>>)
      %dma_wait3A = arith.constant 0 : i32
      %dma_wait3A_1408 = tpu.memref_slice %arg9[%run_scoped3A_16, %dma_wait3A] : memref<4x128xi32, #tpu.memory_space<vmem>> -> memref<1x128xi32, #tpu.memory_space<vmem>>
      %dma_wait3A_1409 = tpu.memref_squeeze %dma_wait3A_1408 : memref<1x128xi32, #tpu.memory_space<vmem>> -> memref<128xi32, #tpu.memory_space<vmem>>
      %dma_wait3A_1410 = tpu.memref_slice %arg2[%add3A_15] : memref<16384xi32, #tpu.memory_space<hbm>> -> memref<128xi32, #tpu.memory_space<hbm>>
      %dma_wait3A_1411 = arith.constant 0 : i32
      %dma_wait3A_1412 = tpu.memref_slice %arg9[%run_scoped3A_16, %dma_wait3A_1411] : memref<4x128xi32, #tpu.memory_space<vmem>> -> memref<1x128xi32, #tpu.memory_space<vmem>>
      %dma_wait3A_1413 = tpu.memref_squeeze %dma_wait3A_1412 : memref<1x128xi32, #tpu.memory_space<vmem>> -> memref<128xi32, #tpu.memory_space<vmem>>
      %dma_wait3A_1414 = tpu.memref_slice %arg2[%add3A_15] : memref<16384xi32, #tpu.memory_space<hbm>> -> memref<128xi32, #tpu.memory_space<hbm>>
      tpu.wait_dma2 semaphore(%run_scoped3A_1399 : memref<!tpu.dma_semaphore, #tpu.memory_space<semaphore_mem>>) src(%dma_wait3A_1414 : memref<128xi32, #tpu.memory_space<hbm>>) dst(%dma_wait3A_1413 : memref<128xi32, #tpu.memory_space<vmem>>)
      tpu.yield
    }) : () -> ()
    %add3A_17 = arith.constant 256 : i32
    %add3A_18 = arith.addi %mul3A_2, %add3A_17 : i32
    %run_scoped3A_19 = arith.constant 2 : i32
    "tpu.region"() ({
      %run_scoped3A_1399 = tpu.sem_alloc : memref<!tpu.dma_semaphore, #tpu.memory_space<semaphore_mem>>
      %dma_start3A_1400 = arith.constant 0 : i32
      %dma_start3A_1401 = tpu.memref_slice %arg10[%run_scoped3A_19, %dma_start3A_1400] : memref<4x128xi32, #tpu.memory_space<vmem>> -> memref<1x128xi32, #tpu.memory_space<vmem>>
      %dma_start3A_1402 = tpu.memref_squeeze %dma_start3A_1401 : memref<1x128xi32, #tpu.memory_space<vmem>> -> memref<128xi32, #tpu.memory_space<vmem>>
      %dma_start3A_1403 = tpu.memref_slice %arg3[%add3A_18] : memref<16384xi32, #tpu.memory_space<hbm>> -> memref<128xi32, #tpu.memory_space<hbm>>
      %dma_start3A_1404 = arith.constant 0 : i32
      %dma_start3A_1405 = tpu.memref_slice %arg10[%run_scoped3A_19, %dma_start3A_1404] : memref<4x128xi32, #tpu.memory_space<vmem>> -> memref<1x128xi32, #tpu.memory_space<vmem>>
      %dma_start3A_1406 = tpu.memref_squeeze %dma_start3A_1405 : memref<1x128xi32, #tpu.memory_space<vmem>> -> memref<128xi32, #tpu.memory_space<vmem>>
      %dma_start3A_1407 = tpu.memref_slice %arg3[%add3A_18] : memref<16384xi32, #tpu.memory_space<hbm>> -> memref<128xi32, #tpu.memory_space<hbm>>
      tpu.enqueue_dma source(%dma_start3A_1407 : memref<128xi32, #tpu.memory_space<hbm>>) target(%dma_start3A_1406 : memref<128xi32, #tpu.memory_space<vmem>>) target_semaphore(%run_scoped3A_1399 : memref<!tpu.dma_semaphore, #tpu.memory_space<semaphore_mem>>)
      %dma_wait3A = arith.constant 0 : i32
      %dma_wait3A_1408 = tpu.memref_slice %arg10[%run_scoped3A_19, %dma_wait3A] : memref<4x128xi32, #tpu.memory_space<vmem>> -> memref<1x128xi32, #tpu.memory_space<vmem>>
      %dma_wait3A_1409 = tpu.memref_squeeze %dma_wait3A_1408 : memref<1x128xi32, #tpu.memory_space<vmem>> -> memref<128xi32, #tpu.memory_space<vmem>>
      %dma_wait3A_1410 = tpu.memref_slice %arg3[%add3A_18] : memref<16384xi32, #tpu.memory_space<hbm>> -> memref<128xi32, #tpu.memory_space<hbm>>
      %dma_wait3A_1411 = arith.constant 0 : i32
      %dma_wait3A_1412 = tpu.memref_slice %arg10[%run_scoped3A_19, %dma_wait3A_1411] : memref<4x128xi32, #tpu.memory_space<vmem>> -> memref<1x128xi32, #tpu.memory_space<vmem>>
      %dma_wait3A_1413 = tpu.memref_squeeze %dma_wait3A_1412 : memref<1x128xi32, #tpu.memory_space<vmem>> -> memref<128xi32, #tpu.memory_space<vmem>>
      %dma_wait3A_1414 = tpu.memref_slice %arg3[%add3A_18] : memref<16384xi32, #tpu.memory_space<hbm>> -> memref<128xi32, #tpu.memory_space<hbm>>
      tpu.wait_dma2 semaphore(%run_scoped3A_1399 : memref<!tpu.dma_semaphore, #tpu.memory_space<semaphore_mem>>) src(%dma_wait3A_1414 : memref<128xi32, #tpu.memory_space<hbm>>) dst(%dma_wait3A_1413 : memref<128xi32, #tpu.memory_space<vmem>>)
      tpu.yield
    }) : () -> ()
    %add3A_20 = arith.constant 384 : i32
    %add3A_21 = arith.addi %mul3A_2, %add3A_20 : i32
    %run_scoped3A_22 = arith.constant 3 : i32
    "tpu.region"() ({
      %run_scoped3A_1399 = tpu.sem_alloc : memref<!tpu.dma_semaphore, #tpu.memory_space<semaphore_mem>>
      %dma_start3A_1400 = arith.constant 0 : i32
      %dma_start3A_1401 = tpu.memref_slice %arg9[%run_scoped3A_22, %dma_start3A_1400] : memref<4x128xi32, #tpu.memory_space<vmem>> -> memref<1x128xi32, #tpu.memory_space<vmem>>
      %dma_start3A_1402 = tpu.memref_squeeze %dma_start3A_1401 : memref<1x128xi32, #tpu.memory_space<vmem>> -> memref<128xi32, #tpu.memory_space<vmem>>
      %dma_start3A_1403 = tpu.memref_slice %arg2[%add3A_21] : memref<16384xi32, #tpu.memory_space<hbm>> -> memref<128xi32, #tpu.memory_space<hbm>>
      %dma_start3A_1404 = arith.constant 0 : i32
      %dma_start3A_1405 = tpu.memref_slice %arg9[%run_scoped3A_22, %dma_start3A_1404] : memref<4x128xi32, #tpu.memory_space<vmem>> -> memref<1x128xi32, #tpu.memory_space<vmem>>
      %dma_start3A_1406 = tpu.memref_squeeze %dma_start3A_1405 : memref<1x128xi32, #tpu.memory_space<vmem>> -> memref<128xi32, #tpu.memory_space<vmem>>
      %dma_start3A_1407 = tpu.memref_slice %arg2[%add3A_21] : memref<16384xi32, #tpu.memory_space<hbm>> -> memref<128xi32, #tpu.memory_space<hbm>>
      tpu.enqueue_dma source(%dma_start3A_1407 : memref<128xi32, #tpu.memory_space<hbm>>) target(%dma_start3A_1406 : memref<128xi32, #tpu.memory_space<vmem>>) target_semaphore(%run_scoped3A_1399 : memref<!tpu.dma_semaphore, #tpu.memory_space<semaphore_mem>>)
      %dma_wait3A = arith.constant 0 : i32
      %dma_wait3A_1408 = tpu.memref_slice %arg9[%run_scoped3A_22, %dma_wait3A] : memref<4x128xi32, #tpu.memory_space<vmem>> -> memref<1x128xi32, #tpu.memory_space<vmem>>
      %dma_wait3A_1409 = tpu.memref_squeeze %dma_wait3A_1408 : memref<1x128xi32, #tpu.memory_space<vmem>> -> memref<128xi32, #tpu.memory_space<vmem>>
      %dma_wait3A_1410 = tpu.memref_slice %arg2[%add3A_21] : memref<16384xi32, #tpu.memory_space<hbm>> -> memref<128xi32, #tpu.memory_space<hbm>>
      %dma_wait3A_1411 = arith.constant 0 : i32
      %dma_wait3A_1412 = tpu.memref_slice %arg9[%run_scoped3A_22, %dma_wait3A_1411] : memref<4x128xi32, #tpu.memory_space<vmem>> -> memref<1x128xi32, #tpu.memory_space<vmem>>
      %dma_wait3A_1413 = tpu.memref_squeeze %dma_wait3A_1412 : memref<1x128xi32, #tpu.memory_space<vmem>> -> memref<128xi32, #tpu.memory_space<vmem>>
      %dma_wait3A_1414 = tpu.memref_slice %arg2[%add3A_21] : memref<16384xi32, #tpu.memory_space<hbm>> -> memref<128xi32, #tpu.memory_space<hbm>>
      tpu.wait_dma2 semaphore(%run_scoped3A_1399 : memref<!tpu.dma_semaphore, #tpu.memory_space<semaphore_mem>>) src(%dma_wait3A_1414 : memref<128xi32, #tpu.memory_space<hbm>>) dst(%dma_wait3A_1413 : memref<128xi32, #tpu.memory_space<vmem>>)
      tpu.yield
    }) : () -> ()
    %add3A_23 = arith.constant 384 : i32
    %add3A_24 = arith.addi %mul3A_2, %add3A_23 : i32
    %run_scoped3A_25 = arith.constant 3 : i32
    "tpu.region"() ({
      %run_scoped3A_1399 = tpu.sem_alloc : memref<!tpu.dma_semaphore, #tpu.memory_space<semaphore_mem>>
      %dma_start3A_1400 = arith.constant 0 : i32
      %dma_start3A_1401 = tpu.memref_slice %arg10[%run_scoped3A_25, %dma_start3A_1400] : memref<4x128xi32, #tpu.memory_space<vmem>> -> memref<1x128xi32, #tpu.memory_space<vmem>>
      %dma_start3A_1402 = tpu.memref_squeeze %dma_start3A_1401 : memref<1x128xi32, #tpu.memory_space<vmem>> -> memref<128xi32, #tpu.memory_space<vmem>>
      %dma_start3A_1403 = tpu.memref_slice %arg3[%add3A_24] : memref<16384xi32, #tpu.memory_space<hbm>> -> memref<128xi32, #tpu.memory_space<hbm>>
      %dma_start3A_1404 = arith.constant 0 : i32
      %dma_start3A_1405 = tpu.memref_slice %arg10[%run_scoped3A_25, %dma_start3A_1404] : memref<4x128xi32, #tpu.memory_space<vmem>> -> memref<1x128xi32, #tpu.memory_space<vmem>>
      %dma_start3A_1406 = tpu.memref_squeeze %dma_start3A_1405 : memref<1x128xi32, #tpu.memory_space<vmem>> -> memref<128xi32, #tpu.memory_space<vmem>>
      %dma_start3A_1407 = tpu.memref_slice %arg3[%add3A_24] : memref<16384xi32, #tpu.memory_space<hbm>> -> memref<128xi32, #tpu.memory_space<hbm>>
      tpu.enqueue_dma source(%dma_start3A_1407 : memref<128xi32, #tpu.memory_space<hbm>>) target(%dma_start3A_1406 : memref<128xi32, #tpu.memory_space<vmem>>) target_semaphore(%run_scoped3A_1399 : memref<!tpu.dma_semaphore, #tpu.memory_space<semaphore_mem>>)
      %dma_wait3A = arith.constant 0 : i32
      %dma_wait3A_1408 = tpu.memref_slice %arg10[%run_scoped3A_25, %dma_wait3A] : memref<4x128xi32, #tpu.memory_space<vmem>> -> memref<1x128xi32, #tpu.memory_space<vmem>>
      %dma_wait3A_1409 = tpu.memref_squeeze %dma_wait3A_1408 : memref<1x128xi32, #tpu.memory_space<vmem>> -> memref<128xi32, #tpu.memory_space<vmem>>
      %dma_wait3A_1410 = tpu.memref_slice %arg3[%add3A_24] : memref<16384xi32, #tpu.memory_space<hbm>> -> memref<128xi32, #tpu.memory_space<hbm>>
      %dma_wait3A_1411 = arith.constant 0 : i32
      %dma_wait3A_1412 = tpu.memref_slice %arg10[%run_scoped3A_25, %dma_wait3A_1411] : memref<4x128xi32, #tpu.memory_space<vmem>> -> memref<1x128xi32, #tpu.memory_space<vmem>>
      %dma_wait3A_1413 = tpu.memref_squeeze %dma_wait3A_1412 : memref<1x128xi32, #tpu.memory_space<vmem>> -> memref<128xi32, #tpu.memory_space<vmem>>
      %dma_wait3A_1414 = tpu.memref_slice %arg3[%add3A_24] : memref<16384xi32, #tpu.memory_space<hbm>> -> memref<128xi32, #tpu.memory_space<hbm>>
      tpu.wait_dma2 semaphore(%run_scoped3A_1399 : memref<!tpu.dma_semaphore, #tpu.memory_space<semaphore_mem>>) src(%dma_wait3A_1414 : memref<128xi32, #tpu.memory_space<hbm>>) dst(%dma_wait3A_1413 : memref<128xi32, #tpu.memory_space<vmem>>)
      tpu.yield
    }) : () -> ()
    "tpu.region"() ({
      %run_scoped3A_1399 = tpu.sem_alloc : memref<!tpu.dma_semaphore, #tpu.memory_space<semaphore_mem>>
      tpu.enqueue_dma source(%arg6 : memref<512xf32, #tpu.memory_space<hbm>>) target(%arg17 : memref<512xf32, #tpu.memory_space<vmem>>) target_semaphore(%run_scoped3A_1399 : memref<!tpu.dma_semaphore, #tpu.memory_space<semaphore_mem>>)
      tpu.wait_dma2 semaphore(%run_scoped3A_1399 : memref<!tpu.dma_semaphore, #tpu.memory_space<semaphore_mem>>) src(%arg6 : memref<512xf32, #tpu.memory_space<hbm>>) dst(%arg17 : memref<512xf32, #tpu.memory_space<vmem>>)
      tpu.yield
    }) : () -> ()
    %broadcast_in_dim3A = arith.constant 0.000000e+00 : f32
    %broadcast_in_dim3A_26 = vector.broadcast %broadcast_in_dim3A : f32 to vector<16xf32>
    %swap3A = arith.constant 0 : index
    %swap3A_27 = tpu.vector_load %arg15[%swap3A] {strides = array<i32>} : memref<512xf32, #tpu.memory_space<vmem>>, vector<16xf32>,
    tpu.vector_store %arg15[%swap3A], %broadcast_in_dim3A_26 {strides = array<i32>} : memref<512xf32, #tpu.memory_space<vmem>>, vector<16xf32>,
    %swap3A_28 = arith.constant 0 : index
    %swap3A_29 = tpu.vector_load %arg16[%swap3A_28] {strides = array<i32>} : memref<512xf32, #tpu.memory_space<vmem>>, vector<16xf32>,
    tpu.vector_store %arg16[%swap3A_28], %broadcast_in_dim3A_26 {strides = array<i32>} : memref<512xf32, #tpu.memory_space<vmem>>, vector<16xf32>,
    %swap3A_30 = arith.constant 16 : index
    %swap3A_31 = tpu.vector_load %arg15[%swap3A_30] {strides = array<i32>} : memref<512xf32, #tpu.memory_space<vmem>>, vector<16xf32>,
    tpu.vector_store %arg15[%swap3A_30], %broadcast_in_dim3A_26 {strides = array<i32>} : memref<512xf32, #tpu.memory_space<vmem>>, vector<16xf32>,
    %swap3A_32 = arith.constant 16 : index
    %swap3A_33 = tpu.vector_load %arg16[%swap3A_32] {strides = array<i32>} : memref<512xf32, #tpu.memory_space<vmem>>, vector<16xf32>,
    tpu.vector_store %arg16[%swap3A_32], %broadcast_in_dim3A_26 {strides = array<i32>} : memref<512xf32, #tpu.memory_space<vmem>>, vector<16xf32>,
    %swap3A_34 = arith.constant 32 : index
    %swap3A_35 = tpu.vector_load %arg15[%swap3A_34] {strides = array<i32>} : memref<512xf32, #tpu.memory_space<vmem>>, vector<16xf32>,
    tpu.vector_store %arg15[%swap3A_34], %broadcast_in_dim3A_26 {strides = array<i32>} : memref<512xf32, #tpu.memory_space<vmem>>, vector<16xf32>,
    %swap3A_36 = arith.constant 32 : index
    %swap3A_37 = tpu.vector_load %arg16[%swap3A_36] {strides = array<i32>} : memref<512xf32, #tpu.memory_space<vmem>>, vector<16xf32>,
    tpu.vector_store %arg16[%swap3A_36], %broadcast_in_dim3A_26 {strides = array<i32>} : memref<512xf32, #tpu.memory_space<vmem>>, vector<16xf32>,
    %swap3A_38 = arith.constant 48 : index
    %swap3A_39 = tpu.vector_load %arg15[%swap3A_38] {strides = array<i32>} : memref<512xf32, #tpu.memory_space<vmem>>, vector<16xf32>,
    tpu.vector_store %arg15[%swap3A_38], %broadcast_in_dim3A_26 {strides = array<i32>} : memref<512xf32, #tpu.memory_space<vmem>>, vector<16xf32>,
    %swap3A_40 = arith.constant 48 : index
    %swap3A_41 = tpu.vector_load %arg16[%swap3A_40] {strides = array<i32>} : memref<512xf32, #tpu.memory_space<vmem>>, vector<16xf32>,
    tpu.vector_store %arg16[%swap3A_40], %broadcast_in_dim3A_26 {strides = array<i32>} : memref<512xf32, #tpu.memory_space<vmem>>, vector<16xf32>,
    %swap3A_42 = arith.constant 64 : index
    %swap3A_43 = tpu.vector_load %arg15[%swap3A_42] {strides = array<i32>} : memref<512xf32, #tpu.memory_space<vmem>>, vector<16xf32>,
    tpu.vector_store %arg15[%swap3A_42], %broadcast_in_dim3A_26 {strides = array<i32>} : memref<512xf32, #tpu.memory_space<vmem>>, vector<16xf32>,
    %swap3A_44 = arith.constant 64 : index
    %swap3A_45 = tpu.vector_load %arg16[%swap3A_44] {strides = array<i32>} : memref<512xf32, #tpu.memory_space<vmem>>, vector<16xf32>,
    tpu.vector_store %arg16[%swap3A_44], %broadcast_in_dim3A_26 {strides = array<i32>} : memref<512xf32, #tpu.memory_space<vmem>>, vector<16xf32>,
    %swap3A_46 = arith.constant 80 : index
    %swap3A_47 = tpu.vector_load %arg15[%swap3A_46] {strides = array<i32>} : memref<512xf32, #tpu.memory_space<vmem>>, vector<16xf32>,
    tpu.vector_store %arg15[%swap3A_46], %broadcast_in_dim3A_26 {strides = array<i32>} : memref<512xf32, #tpu.memory_space<vmem>>, vector<16xf32>,
    %swap3A_48 = arith.constant 80 : index
    %swap3A_49 = tpu.vector_load %arg16[%swap3A_48] {strides = array<i32>} : memref<512xf32, #tpu.memory_space<vmem>>, vector<16xf32>,
    tpu.vector_store %arg16[%swap3A_48], %broadcast_in_dim3A_26 {strides = array<i32>} : memref<512xf32, #tpu.memory_space<vmem>>, vector<16xf32>,
    %swap3A_50 = arith.constant 96 : index
    %swap3A_51 = tpu.vector_load %arg15[%swap3A_50] {strides = array<i32>} : memref<512xf32, #tpu.memory_space<vmem>>, vector<16xf32>,
    tpu.vector_store %arg15[%swap3A_50], %broadcast_in_dim3A_26 {strides = array<i32>} : memref<512xf32, #tpu.memory_space<vmem>>, vector<16xf32>,
    %swap3A_52 = arith.constant 96 : index
    %swap3A_53 = tpu.vector_load %arg16[%swap3A_52] {strides = array<i32>} : memref<512xf32, #tpu.memory_space<vmem>>, vector<16xf32>,
    tpu.vector_store %arg16[%swap3A_52], %broadcast_in_dim3A_26 {strides = array<i32>} : memref<512xf32, #tpu.memory_space<vmem>>, vector<16xf32>,
    %swap3A_54 = arith.constant 112 : index
    %swap3A_55 = tpu.vector_load %arg15[%swap3A_54] {strides = array<i32>} : memref<512xf32, #tpu.memory_space<vmem>>, vector<16xf32>,
    tpu.vector_store %arg15[%swap3A_54], %broadcast_in_dim3A_26 {strides = array<i32>} : memref<512xf32, #tpu.memory_space<vmem>>, vector<16xf32>,
    %swap3A_56 = arith.constant 112 : index
    %swap3A_57 = tpu.vector_load %arg16[%swap3A_56] {strides = array<i32>} : memref<512xf32, #tpu.memory_space<vmem>>, vector<16xf32>,
    tpu.vector_store %arg16[%swap3A_56], %broadcast_in_dim3A_26 {strides = array<i32>} : memref<512xf32, #tpu.memory_space<vmem>>, vector<16xf32>,
    %swap3A_58 = arith.constant 128 : index
    %swap3A_59 = tpu.vector_load %arg15[%swap3A_58] {strides = array<i32>} : memref<512xf32, #tpu.memory_space<vmem>>, vector<16xf32>,
    tpu.vector_store %arg15[%swap3A_58], %broadcast_in_dim3A_26 {strides = array<i32>} : memref<512xf32, #tpu.memory_space<vmem>>, vector<16xf32>,
    %swap3A_60 = arith.constant 128 : index
    %swap3A_61 = tpu.vector_load %arg16[%swap3A_60] {strides = array<i32>} : memref<512xf32, #tpu.memory_space<vmem>>, vector<16xf32>,
    tpu.vector_store %arg16[%swap3A_60], %broadcast_in_dim3A_26 {strides = array<i32>} : memref<512xf32, #tpu.memory_space<vmem>>, vector<16xf32>,
    %swap3A_62 = arith.constant 144 : index
    %swap3A_63 = tpu.vector_load %arg15[%swap3A_62] {strides = array<i32>} : memref<512xf32, #tpu.memory_space<vmem>>, vector<16xf32>,
    tpu.vector_store %arg15[%swap3A_62], %broadcast_in_dim3A_26 {strides = array<i32>} : memref<512xf32, #tpu.memory_space<vmem>>, vector<16xf32>,
    %swap3A_64 = arith.constant 144 : index
    %swap3A_65 = tpu.vector_load %arg16[%swap3A_64] {strides = array<i32>} : memref<512xf32, #tpu.memory_space<vmem>>, vector<16xf32>,
    tpu.vector_store %arg16[%swap3A_64], %broadcast_in_dim3A_26 {strides = array<i32>} : memref<512xf32, #tpu.memory_space<vmem>>, vector<16xf32>,
    %swap3A_66 = arith.constant 160 : index
    %swap3A_67 = tpu.vector_load %arg15[%swap3A_66] {strides = array<i32>} : memref<512xf32, #tpu.memory_space<vmem>>, vector<16xf32>,
    tpu.vector_store %arg15[%swap3A_66], %broadcast_in_dim3A_26 {strides = array<i32>} : memref<512xf32, #tpu.memory_space<vmem>>, vector<16xf32>,
    %swap3A_68 = arith.constant 160 : index
    %swap3A_69 = tpu.vector_load %arg16[%swap3A_68] {strides = array<i32>} : memref<512xf32, #tpu.memory_space<vmem>>, vector<16xf32>,
    tpu.vector_store %arg16[%swap3A_68], %broadcast_in_dim3A_26 {strides = array<i32>} : memref<512xf32, #tpu.memory_space<vmem>>, vector<16xf32>,
    %swap3A_70 = arith.constant 176 : index
    %swap3A_71 = tpu.vector_load %arg15[%swap3A_70] {strides = array<i32>} : memref<512xf32, #tpu.memory_space<vmem>>, vector<16xf32>,
    tpu.vector_store %arg15[%swap3A_70], %broadcast_in_dim3A_26 {strides = array<i32>} : memref<512xf32, #tpu.memory_space<vmem>>, vector<16xf32>,
    %swap3A_72 = arith.constant 176 : index
    %swap3A_73 = tpu.vector_load %arg16[%swap3A_72] {strides = array<i32>} : memref<512xf32, #tpu.memory_space<vmem>>, vector<16xf32>,
    tpu.vector_store %arg16[%swap3A_72], %broadcast_in_dim3A_26 {strides = array<i32>} : memref<512xf32, #tpu.memory_space<vmem>>, vector<16xf32>,
    %swap3A_74 = arith.constant 192 : index
    %swap3A_75 = tpu.vector_load %arg15[%swap3A_74] {strides = array<i32>} : memref<512xf32, #tpu.memory_space<vmem>>, vector<16xf32>,
    tpu.vector_store %arg15[%swap3A_74], %broadcast_in_dim3A_26 {strides = array<i32>} : memref<512xf32, #tpu.memory_space<vmem>>, vector<16xf32>,
    %swap3A_76 = arith.constant 192 : index
    %swap3A_77 = tpu.vector_load %arg16[%swap3A_76] {strides = array<i32>} : memref<512xf32, #tpu.memory_space<vmem>>, vector<16xf32>,
    tpu.vector_store %arg16[%swap3A_76], %broadcast_in_dim3A_26 {strides = array<i32>} : memref<512xf32, #tpu.memory_space<vmem>>, vector<16xf32>,
    %swap3A_78 = arith.constant 208 : index
    %swap3A_79 = tpu.vector_load %arg15[%swap3A_78] {strides = array<i32>} : memref<512xf32, #tpu.memory_space<vmem>>, vector<16xf32>,
    tpu.vector_store %arg15[%swap3A_78], %broadcast_in_dim3A_26 {strides = array<i32>} : memref<512xf32, #tpu.memory_space<vmem>>, vector<16xf32>,
    %swap3A_80 = arith.constant 208 : index
    %swap3A_81 = tpu.vector_load %arg16[%swap3A_80] {strides = array<i32>} : memref<512xf32, #tpu.memory_space<vmem>>, vector<16xf32>,
    tpu.vector_store %arg16[%swap3A_80], %broadcast_in_dim3A_26 {strides = array<i32>} : memref<512xf32, #tpu.memory_space<vmem>>, vector<16xf32>,
    %swap3A_82 = arith.constant 224 : index
    %swap3A_83 = tpu.vector_load %arg15[%swap3A_82] {strides = array<i32>} : memref<512xf32, #tpu.memory_space<vmem>>, vector<16xf32>,
    tpu.vector_store %arg15[%swap3A_82], %broadcast_in_dim3A_26 {strides = array<i32>} : memref<512xf32, #tpu.memory_space<vmem>>, vector<16xf32>,
    %swap3A_84 = arith.constant 224 : index
    %swap3A_85 = tpu.vector_load %arg16[%swap3A_84] {strides = array<i32>} : memref<512xf32, #tpu.memory_space<vmem>>, vector<16xf32>,
    tpu.vector_store %arg16[%swap3A_84], %broadcast_in_dim3A_26 {strides = array<i32>} : memref<512xf32, #tpu.memory_space<vmem>>, vector<16xf32>,
    %swap3A_86 = arith.constant 240 : index
    %swap3A_87 = tpu.vector_load %arg15[%swap3A_86] {strides = array<i32>} : memref<512xf32, #tpu.memory_space<vmem>>, vector<16xf32>,
    tpu.vector_store %arg15[%swap3A_86], %broadcast_in_dim3A_26 {strides = array<i32>} : memref<512xf32, #tpu.memory_space<vmem>>, vector<16xf32>,
    %swap3A_88 = arith.constant 240 : index
    %swap3A_89 = tpu.vector_load %arg16[%swap3A_88] {strides = array<i32>} : memref<512xf32, #tpu.memory_space<vmem>>, vector<16xf32>,
    tpu.vector_store %arg16[%swap3A_88], %broadcast_in_dim3A_26 {strides = array<i32>} : memref<512xf32, #tpu.memory_space<vmem>>, vector<16xf32>,
    %swap3A_90 = arith.constant 256 : index
    %swap3A_91 = tpu.vector_load %arg15[%swap3A_90] {strides = array<i32>} : memref<512xf32, #tpu.memory_space<vmem>>, vector<16xf32>,
    tpu.vector_store %arg15[%swap3A_90], %broadcast_in_dim3A_26 {strides = array<i32>} : memref<512xf32, #tpu.memory_space<vmem>>, vector<16xf32>,
    %swap3A_92 = arith.constant 256 : index
    %swap3A_93 = tpu.vector_load %arg16[%swap3A_92] {strides = array<i32>} : memref<512xf32, #tpu.memory_space<vmem>>, vector<16xf32>,
    tpu.vector_store %arg16[%swap3A_92], %broadcast_in_dim3A_26 {strides = array<i32>} : memref<512xf32, #tpu.memory_space<vmem>>, vector<16xf32>,
    %swap3A_94 = arith.constant 272 : index
    %swap3A_95 = tpu.vector_load %arg15[%swap3A_94] {strides = array<i32>} : memref<512xf32, #tpu.memory_space<vmem>>, vector<16xf32>,
    tpu.vector_store %arg15[%swap3A_94], %broadcast_in_dim3A_26 {strides = array<i32>} : memref<512xf32, #tpu.memory_space<vmem>>, vector<16xf32>,
    %swap3A_96 = arith.constant 272 : index
    %swap3A_97 = tpu.vector_load %arg16[%swap3A_96] {strides = array<i32>} : memref<512xf32, #tpu.memory_space<vmem>>, vector<16xf32>,
    tpu.vector_store %arg16[%swap3A_96], %broadcast_in_dim3A_26 {strides = array<i32>} : memref<512xf32, #tpu.memory_space<vmem>>, vector<16xf32>,
    %swap3A_98 = arith.constant 288 : index
    %swap3A_99 = tpu.vector_load %arg15[%swap3A_98] {strides = array<i32>} : memref<512xf32, #tpu.memory_space<vmem>>, vector<16xf32>,
    tpu.vector_store %arg15[%swap3A_98], %broadcast_in_dim3A_26 {strides = array<i32>} : memref<512xf32, #tpu.memory_space<vmem>>, vector<16xf32>,
    %swap3A_100 = arith.constant 288 : index
    %swap3A_101 = tpu.vector_load %arg16[%swap3A_100] {strides = array<i32>} : memref<512xf32, #tpu.memory_space<vmem>>, vector<16xf32>,
    tpu.vector_store %arg16[%swap3A_100], %broadcast_in_dim3A_26 {strides = array<i32>} : memref<512xf32, #tpu.memory_space<vmem>>, vector<16xf32>,
    %swap3A_102 = arith.constant 304 : index
    %swap3A_103 = tpu.vector_load %arg15[%swap3A_102] {strides = array<i32>} : memref<512xf32, #tpu.memory_space<vmem>>, vector<16xf32>,
    tpu.vector_store %arg15[%swap3A_102], %broadcast_in_dim3A_26 {strides = array<i32>} : memref<512xf32, #tpu.memory_space<vmem>>, vector<16xf32>,
    %swap3A_104 = arith.constant 304 : index
    %swap3A_105 = tpu.vector_load %arg16[%swap3A_104] {strides = array<i32>} : memref<512xf32, #tpu.memory_space<vmem>>, vector<16xf32>,
    tpu.vector_store %arg16[%swap3A_104], %broadcast_in_dim3A_26 {strides = array<i32>} : memref<512xf32, #tpu.memory_space<vmem>>, vector<16xf32>,
    %swap3A_106 = arith.constant 320 : index
    %swap3A_107 = tpu.vector_load %arg15[%swap3A_106] {strides = array<i32>} : memref<512xf32, #tpu.memory_space<vmem>>, vector<16xf32>,
    tpu.vector_store %arg15[%swap3A_106], %broadcast_in_dim3A_26 {strides = array<i32>} : memref<512xf32, #tpu.memory_space<vmem>>, vector<16xf32>,
    %swap3A_108 = arith.constant 320 : index
    %swap3A_109 = tpu.vector_load %arg16[%swap3A_108] {strides = array<i32>} : memref<512xf32, #tpu.memory_space<vmem>>, vector<16xf32>,
    tpu.vector_store %arg16[%swap3A_108], %broadcast_in_dim3A_26 {strides = array<i32>} : memref<512xf32, #tpu.memory_space<vmem>>, vector<16xf32>,
    %swap3A_110 = arith.constant 336 : index
    %swap3A_111 = tpu.vector_load %arg15[%swap3A_110] {strides = array<i32>} : memref<512xf32, #tpu.memory_space<vmem>>, vector<16xf32>,
    tpu.vector_store %arg15[%swap3A_110], %broadcast_in_dim3A_26 {strides = array<i32>} : memref<512xf32, #tpu.memory_space<vmem>>, vector<16xf32>,
    %swap3A_112 = arith.constant 336 : index
    %swap3A_113 = tpu.vector_load %arg16[%swap3A_112] {strides = array<i32>} : memref<512xf32, #tpu.memory_space<vmem>>, vector<16xf32>,
    tpu.vector_store %arg16[%swap3A_112], %broadcast_in_dim3A_26 {strides = array<i32>} : memref<512xf32, #tpu.memory_space<vmem>>, vector<16xf32>,
    %swap3A_114 = arith.constant 352 : index
    %swap3A_115 = tpu.vector_load %arg15[%swap3A_114] {strides = array<i32>} : memref<512xf32, #tpu.memory_space<vmem>>, vector<16xf32>,
    tpu.vector_store %arg15[%swap3A_114], %broadcast_in_dim3A_26 {strides = array<i32>} : memref<512xf32, #tpu.memory_space<vmem>>, vector<16xf32>,
    %swap3A_116 = arith.constant 352 : index
    %swap3A_117 = tpu.vector_load %arg16[%swap3A_116] {strides = array<i32>} : memref<512xf32, #tpu.memory_space<vmem>>, vector<16xf32>,
    tpu.vector_store %arg16[%swap3A_116], %broadcast_in_dim3A_26 {strides = array<i32>} : memref<512xf32, #tpu.memory_space<vmem>>, vector<16xf32>,
    %swap3A_118 = arith.constant 368 : index
    %swap3A_119 = tpu.vector_load %arg15[%swap3A_118] {strides = array<i32>} : memref<512xf32, #tpu.memory_space<vmem>>, vector<16xf32>,
    tpu.vector_store %arg15[%swap3A_118], %broadcast_in_dim3A_26 {strides = array<i32>} : memref<512xf32, #tpu.memory_space<vmem>>, vector<16xf32>,
    %swap3A_120 = arith.constant 368 : index
    %swap3A_121 = tpu.vector_load %arg16[%swap3A_120] {strides = array<i32>} : memref<512xf32, #tpu.memory_space<vmem>>, vector<16xf32>,
    tpu.vector_store %arg16[%swap3A_120], %broadcast_in_dim3A_26 {strides = array<i32>} : memref<512xf32, #tpu.memory_space<vmem>>, vector<16xf32>,
    %swap3A_122 = arith.constant 384 : index
    %swap3A_123 = tpu.vector_load %arg15[%swap3A_122] {strides = array<i32>} : memref<512xf32, #tpu.memory_space<vmem>>, vector<16xf32>,
    tpu.vector_store %arg15[%swap3A_122], %broadcast_in_dim3A_26 {strides = array<i32>} : memref<512xf32, #tpu.memory_space<vmem>>, vector<16xf32>,
    %swap3A_124 = arith.constant 384 : index
    %swap3A_125 = tpu.vector_load %arg16[%swap3A_124] {strides = array<i32>} : memref<512xf32, #tpu.memory_space<vmem>>, vector<16xf32>,
    tpu.vector_store %arg16[%swap3A_124], %broadcast_in_dim3A_26 {strides = array<i32>} : memref<512xf32, #tpu.memory_space<vmem>>, vector<16xf32>,
    %swap3A_126 = arith.constant 400 : index
    %swap3A_127 = tpu.vector_load %arg15[%swap3A_126] {strides = array<i32>} : memref<512xf32, #tpu.memory_space<vmem>>, vector<16xf32>,
    tpu.vector_store %arg15[%swap3A_126], %broadcast_in_dim3A_26 {strides = array<i32>} : memref<512xf32, #tpu.memory_space<vmem>>, vector<16xf32>,
    %swap3A_128 = arith.constant 400 : index
    %swap3A_129 = tpu.vector_load %arg16[%swap3A_128] {strides = array<i32>} : memref<512xf32, #tpu.memory_space<vmem>>, vector<16xf32>,
    tpu.vector_store %arg16[%swap3A_128], %broadcast_in_dim3A_26 {strides = array<i32>} : memref<512xf32, #tpu.memory_space<vmem>>, vector<16xf32>,
    %swap3A_130 = arith.constant 416 : index
    %swap3A_131 = tpu.vector_load %arg15[%swap3A_130] {strides = array<i32>} : memref<512xf32, #tpu.memory_space<vmem>>, vector<16xf32>,
    tpu.vector_store %arg15[%swap3A_130], %broadcast_in_dim3A_26 {strides = array<i32>} : memref<512xf32, #tpu.memory_space<vmem>>, vector<16xf32>,
    %swap3A_132 = arith.constant 416 : index
    %swap3A_133 = tpu.vector_load %arg16[%swap3A_132] {strides = array<i32>} : memref<512xf32, #tpu.memory_space<vmem>>, vector<16xf32>,
    tpu.vector_store %arg16[%swap3A_132], %broadcast_in_dim3A_26 {strides = array<i32>} : memref<512xf32, #tpu.memory_space<vmem>>, vector<16xf32>,
    %swap3A_134 = arith.constant 432 : index
    %swap3A_135 = tpu.vector_load %arg15[%swap3A_134] {strides = array<i32>} : memref<512xf32, #tpu.memory_space<vmem>>, vector<16xf32>,
    tpu.vector_store %arg15[%swap3A_134], %broadcast_in_dim3A_26 {strides = array<i32>} : memref<512xf32, #tpu.memory_space<vmem>>, vector<16xf32>,
    %swap3A_136 = arith.constant 432 : index
    %swap3A_137 = tpu.vector_load %arg16[%swap3A_136] {strides = array<i32>} : memref<512xf32, #tpu.memory_space<vmem>>, vector<16xf32>,
    tpu.vector_store %arg16[%swap3A_136], %broadcast_in_dim3A_26 {strides = array<i32>} : memref<512xf32, #tpu.memory_space<vmem>>, vector<16xf32>,
    %swap3A_138 = arith.constant 448 : index
    %swap3A_139 = tpu.vector_load %arg15[%swap3A_138] {strides = array<i32>} : memref<512xf32, #tpu.memory_space<vmem>>, vector<16xf32>,
    tpu.vector_store %arg15[%swap3A_138], %broadcast_in_dim3A_26 {strides = array<i32>} : memref<512xf32, #tpu.memory_space<vmem>>, vector<16xf32>,
    %swap3A_140 = arith.constant 448 : index
    %swap3A_141 = tpu.vector_load %arg16[%swap3A_140] {strides = array<i32>} : memref<512xf32, #tpu.memory_space<vmem>>, vector<16xf32>,
    tpu.vector_store %arg16[%swap3A_140], %broadcast_in_dim3A_26 {strides = array<i32>} : memref<512xf32, #tpu.memory_space<vmem>>, vector<16xf32>,
    %swap3A_142 = arith.constant 464 : index
    %swap3A_143 = tpu.vector_load %arg15[%swap3A_142] {strides = array<i32>} : memref<512xf32, #tpu.memory_space<vmem>>, vector<16xf32>,
    tpu.vector_store %arg15[%swap3A_142], %broadcast_in_dim3A_26 {strides = array<i32>} : memref<512xf32, #tpu.memory_space<vmem>>, vector<16xf32>,
    %swap3A_144 = arith.constant 464 : index
    %swap3A_145 = tpu.vector_load %arg16[%swap3A_144] {strides = array<i32>} : memref<512xf32, #tpu.memory_space<vmem>>, vector<16xf32>,
    tpu.vector_store %arg16[%swap3A_144], %broadcast_in_dim3A_26 {strides = array<i32>} : memref<512xf32, #tpu.memory_space<vmem>>, vector<16xf32>,
    %swap3A_146 = arith.constant 480 : index
    %swap3A_147 = tpu.vector_load %arg15[%swap3A_146] {strides = array<i32>} : memref<512xf32, #tpu.memory_space<vmem>>, vector<16xf32>,
    tpu.vector_store %arg15[%swap3A_146], %broadcast_in_dim3A_26 {strides = array<i32>} : memref<512xf32, #tpu.memory_space<vmem>>, vector<16xf32>,
    %swap3A_148 = arith.constant 480 : index
    %swap3A_149 = tpu.vector_load %arg16[%swap3A_148] {strides = array<i32>} : memref<512xf32, #tpu.memory_space<vmem>>, vector<16xf32>,
    tpu.vector_store %arg16[%swap3A_148], %broadcast_in_dim3A_26 {strides = array<i32>} : memref<512xf32, #tpu.memory_space<vmem>>, vector<16xf32>,
    %swap3A_150 = arith.constant 496 : index
    %swap3A_151 = tpu.vector_load %arg15[%swap3A_150] {strides = array<i32>} : memref<512xf32, #tpu.memory_space<vmem>>, vector<16xf32>,
    tpu.vector_store %arg15[%swap3A_150], %broadcast_in_dim3A_26 {strides = array<i32>} : memref<512xf32, #tpu.memory_space<vmem>>, vector<16xf32>,
    %swap3A_152 = arith.constant 496 : index
    %swap3A_153 = tpu.vector_load %arg16[%swap3A_152] {strides = array<i32>} : memref<512xf32, #tpu.memory_space<vmem>>, vector<16xf32>,
    tpu.vector_store %arg16[%swap3A_152], %broadcast_in_dim3A_26 {strides = array<i32>} : memref<512xf32, #tpu.memory_space<vmem>>, vector<16xf32>,
    %iota3A = tpu.iota {dimensions = array<i32: 0>} : vector<16xi32>
    %xor3A = arith.constant 1 : i32
    %xor3A_154 = vector.broadcast %xor3A : i32 to vector<16xi32>
    %xor3A_155 = arith.xori %iota3A, %xor3A_154 : vector<16xi32>
    %xor3A_156 = arith.constant 2 : i32
    %xor3A_157 = vector.broadcast %xor3A_156 : i32 to vector<16xi32>
    %xor3A_158 = arith.xori %iota3A, %xor3A_157 : vector<16xi32>
    %xor3A_159 = arith.constant 4 : i32
    %xor3A_160 = vector.broadcast %xor3A_159 : i32 to vector<16xi32>
    %xor3A_161 = arith.xori %iota3A, %xor3A_160 : vector<16xi32>
    %xor3A_162 = arith.constant 8 : i32
    %xor3A_163 = vector.broadcast %xor3A_162 : i32 to vector<16xi32>
    %xor3A_164 = arith.xori %iota3A, %xor3A_163 : vector<16xi32>
    %eq3A = arith.constant 0 : i32
    %eq3A_165 = vector.broadcast %eq3A : i32 to vector<16xi32>
    %eq3A_166 = arith.cmpi eq, %iota3A, %eq3A_165 : vector<16xi32>
    %eq3A_167 = arith.constant 1 : i32
    %eq3A_168 = vector.broadcast %eq3A_167 : i32 to vector<16xi32>
    %eq3A_169 = arith.cmpi eq, %iota3A, %eq3A_168 : vector<16xi32>
    %eq3A_170 = arith.constant 2 : i32
    %eq3A_171 = vector.broadcast %eq3A_170 : i32 to vector<16xi32>
    %eq3A_172 = arith.cmpi eq, %iota3A, %eq3A_171 : vector<16xi32>
    %eq3A_173 = arith.constant 3 : i32
    %eq3A_174 = vector.broadcast %eq3A_173 : i32 to vector<16xi32>
    %eq3A_175 = arith.cmpi eq, %iota3A, %eq3A_174 : vector<16xi32>
    %eq3A_176 = arith.constant 4 : i32
    %eq3A_177 = vector.broadcast %eq3A_176 : i32 to vector<16xi32>
    %eq3A_178 = arith.cmpi eq, %iota3A, %eq3A_177 : vector<16xi32>
    %eq3A_179 = arith.constant 5 : i32
    %eq3A_180 = vector.broadcast %eq3A_179 : i32 to vector<16xi32>
    %eq3A_181 = arith.cmpi eq, %iota3A, %eq3A_180 : vector<16xi32>
    %eq3A_182 = arith.constant 6 : i32
    %eq3A_183 = vector.broadcast %eq3A_182 : i32 to vector<16xi32>
    %eq3A_184 = arith.cmpi eq, %iota3A, %eq3A_183 : vector<16xi32>
    %eq3A_185 = arith.constant 7 : i32
    %eq3A_186 = vector.broadcast %eq3A_185 : i32 to vector<16xi32>
    %eq3A_187 = arith.cmpi eq, %iota3A, %eq3A_186 : vector<16xi32>
    %eq3A_188 = arith.constant 8 : i32
    %eq3A_189 = vector.broadcast %eq3A_188 : i32 to vector<16xi32>
    %eq3A_190 = arith.cmpi eq, %iota3A, %eq3A_189 : vector<16xi32>
    %eq3A_191 = arith.constant 9 : i32
    %eq3A_192 = vector.broadcast %eq3A_191 : i32 to vector<16xi32>
    %eq3A_193 = arith.cmpi eq, %iota3A, %eq3A_192 : vector<16xi32>
    %eq3A_194 = arith.constant 10 : i32
    %eq3A_195 = vector.broadcast %eq3A_194 : i32 to vector<16xi32>
    %eq3A_196 = arith.cmpi eq, %iota3A, %eq3A_195 : vector<16xi32>
    %eq3A_197 = arith.constant 11 : i32
    %eq3A_198 = vector.broadcast %eq3A_197 : i32 to vector<16xi32>
    %eq3A_199 = arith.cmpi eq, %iota3A, %eq3A_198 : vector<16xi32>
    %eq3A_200 = arith.constant 12 : i32
    %eq3A_201 = vector.broadcast %eq3A_200 : i32 to vector<16xi32>
    %eq3A_202 = arith.cmpi eq, %iota3A, %eq3A_201 : vector<16xi32>
    %eq3A_203 = arith.constant 13 : i32
    %eq3A_204 = vector.broadcast %eq3A_203 : i32 to vector<16xi32>
    %eq3A_205 = arith.cmpi eq, %iota3A, %eq3A_204 : vector<16xi32>
    %eq3A_206 = arith.constant 14 : i32
    %eq3A_207 = vector.broadcast %eq3A_206 : i32 to vector<16xi32>
    %eq3A_208 = arith.cmpi eq, %iota3A, %eq3A_207 : vector<16xi32>
    %eq3A_209 = arith.constant 15 : i32
    %eq3A_210 = vector.broadcast %eq3A_209 : i32 to vector<16xi32>
    %eq3A_211 = arith.cmpi eq, %iota3A, %eq3A_210 : vector<16xi32>
    %get3A = arith.constant 0 : i32
    %get3A_212 = arith.index_cast %get3A : i32 to index
    %get3A_213 = arith.constant 0 : index
    %get3A_214 = tpu.vector_load %arg9[%get3A_212, %get3A_213] {strides = array<i32>} : memref<4x128xi32, #tpu.memory_space<vmem>>, vector<16xi32>,
    %shift_right_logical3A = arith.constant 1 : i32
    %shift_right_logical3A_215 = vector.broadcast %shift_right_logical3A : i32 to vector<16xi32>
    %shift_right_logical3A_216 = arith.shrui %get3A_214, %shift_right_logical3A_215 : vector<16xi32>
    %swap3A_217 = arith.constant 0 : i32
    %swap3A_218 = arith.index_cast %swap3A_217 : i32 to index
    %swap3A_219 = arith.constant 0 : index
    %swap3A_220 = tpu.vector_load %arg11[%swap3A_218, %swap3A_219] {strides = array<i32>} : memref<4x128xi32, #tpu.memory_space<vmem>>, vector<16xi32>,
    tpu.vector_store %arg11[%swap3A_218, %swap3A_219], %shift_right_logical3A_216 {strides = array<i32>} : memref<4x128xi32, #tpu.memory_space<vmem>>, vector<16xi32>,
    %get3A_221 = arith.constant 0 : i32
    %get3A_222 = arith.index_cast %get3A_221 : i32 to index
    %get3A_223 = arith.constant 0 : index
    %get3A_224 = tpu.vector_load %arg10[%get3A_222, %get3A_223] {strides = array<i32>} : memref<4x128xi32, #tpu.memory_space<vmem>>, vector<16xi32>,
    %shift_right_logical3A_225 = arith.constant 1 : i32
    %shift_right_logical3A_226 = vector.broadcast %shift_right_logical3A_225 : i32 to vector<16xi32>
    %shift_right_logical3A_227 = arith.shrui %get3A_224, %shift_right_logical3A_226 : vector<16xi32>
    %swap3A_228 = arith.constant 0 : i32
    %swap3A_229 = arith.index_cast %swap3A_228 : i32 to index
    %swap3A_230 = arith.constant 0 : index
    %swap3A_231 = tpu.vector_load %arg12[%swap3A_229, %swap3A_230] {strides = array<i32>} : memref<4x128xi32, #tpu.memory_space<vmem>>, vector<16xi32>,
    tpu.vector_store %arg12[%swap3A_229, %swap3A_230], %shift_right_logical3A_227 {strides = array<i32>} : memref<4x128xi32, #tpu.memory_space<vmem>>, vector<16xi32>,
    %get3A_232 = arith.constant 0 : i32
    %get3A_233 = arith.index_cast %get3A_232 : i32 to index
    %get3A_234 = arith.constant 16 : index
    %get3A_235 = tpu.vector_load %arg9[%get3A_233, %get3A_234] {strides = array<i32>} : memref<4x128xi32, #tpu.memory_space<vmem>>, vector<16xi32>,
    %shift_right_logical3A_236 = arith.constant 1 : i32
    %shift_right_logical3A_237 = vector.broadcast %shift_right_logical3A_236 : i32 to vector<16xi32>
    %shift_right_logical3A_238 = arith.shrui %get3A_235, %shift_right_logical3A_237 : vector<16xi32>
    %swap3A_239 = arith.constant 0 : i32
    %swap3A_240 = arith.index_cast %swap3A_239 : i32 to index
    %swap3A_241 = arith.constant 16 : index
    %swap3A_242 = tpu.vector_load %arg11[%swap3A_240, %swap3A_241] {strides = array<i32>} : memref<4x128xi32, #tpu.memory_space<vmem>>, vector<16xi32>,
    tpu.vector_store %arg11[%swap3A_240, %swap3A_241], %shift_right_logical3A_238 {strides = array<i32>} : memref<4x128xi32, #tpu.memory_space<vmem>>, vector<16xi32>,
    %get3A_243 = arith.constant 0 : i32
    %get3A_244 = arith.index_cast %get3A_243 : i32 to index
    %get3A_245 = arith.constant 16 : index
    %get3A_246 = tpu.vector_load %arg10[%get3A_244, %get3A_245] {strides = array<i32>} : memref<4x128xi32, #tpu.memory_space<vmem>>, vector<16xi32>,
    %shift_right_logical3A_247 = arith.constant 1 : i32
    %shift_right_logical3A_248 = vector.broadcast %shift_right_logical3A_247 : i32 to vector<16xi32>
    %shift_right_logical3A_249 = arith.shrui %get3A_246, %shift_right_logical3A_248 : vector<16xi32>
    %swap3A_250 = arith.constant 0 : i32
    %swap3A_251 = arith.index_cast %swap3A_250 : i32 to index
    %swap3A_252 = arith.constant 16 : index
    %swap3A_253 = tpu.vector_load %arg12[%swap3A_251, %swap3A_252] {strides = array<i32>} : memref<4x128xi32, #tpu.memory_space<vmem>>, vector<16xi32>,
    tpu.vector_store %arg12[%swap3A_251, %swap3A_252], %shift_right_logical3A_249 {strides = array<i32>} : memref<4x128xi32, #tpu.memory_space<vmem>>, vector<16xi32>,
    %get3A_254 = arith.constant 0 : i32
    %get3A_255 = arith.index_cast %get3A_254 : i32 to index
    %get3A_256 = arith.constant 32 : index
    %get3A_257 = tpu.vector_load %arg9[%get3A_255, %get3A_256] {strides = array<i32>} : memref<4x128xi32, #tpu.memory_space<vmem>>, vector<16xi32>,
    %shift_right_logical3A_258 = arith.constant 1 : i32
    %shift_right_logical3A_259 = vector.broadcast %shift_right_logical3A_258 : i32 to vector<16xi32>
    %shift_right_logical3A_260 = arith.shrui %get3A_257, %shift_right_logical3A_259 : vector<16xi32>
    %swap3A_261 = arith.constant 0 : i32
    %swap3A_262 = arith.index_cast %swap3A_261 : i32 to index
    %swap3A_263 = arith.constant 32 : index
    %swap3A_264 = tpu.vector_load %arg11[%swap3A_262, %swap3A_263] {strides = array<i32>} : memref<4x128xi32, #tpu.memory_space<vmem>>, vector<16xi32>,
    tpu.vector_store %arg11[%swap3A_262, %swap3A_263], %shift_right_logical3A_260 {strides = array<i32>} : memref<4x128xi32, #tpu.memory_space<vmem>>, vector<16xi32>,
    %get3A_265 = arith.constant 0 : i32
    %get3A_266 = arith.index_cast %get3A_265 : i32 to index
    %get3A_267 = arith.constant 32 : index
    %get3A_268 = tpu.vector_load %arg10[%get3A_266, %get3A_267] {strides = array<i32>} : memref<4x128xi32, #tpu.memory_space<vmem>>, vector<16xi32>,
    %shift_right_logical3A_269 = arith.constant 1 : i32
    %shift_right_logical3A_270 = vector.broadcast %shift_right_logical3A_269 : i32 to vector<16xi32>
    %shift_right_logical3A_271 = arith.shrui %get3A_268, %shift_right_logical3A_270 : vector<16xi32>
    %swap3A_272 = arith.constant 0 : i32
    %swap3A_273 = arith.index_cast %swap3A_272 : i32 to index
    %swap3A_274 = arith.constant 32 : index
    %swap3A_275 = tpu.vector_load %arg12[%swap3A_273, %swap3A_274] {strides = array<i32>} : memref<4x128xi32, #tpu.memory_space<vmem>>, vector<16xi32>,
    tpu.vector_store %arg12[%swap3A_273, %swap3A_274], %shift_right_logical3A_271 {strides = array<i32>} : memref<4x128xi32, #tpu.memory_space<vmem>>, vector<16xi32>,
    %get3A_276 = arith.constant 0 : i32
    %get3A_277 = arith.index_cast %get3A_276 : i32 to index
    %get3A_278 = arith.constant 48 : index
    %get3A_279 = tpu.vector_load %arg9[%get3A_277, %get3A_278] {strides = array<i32>} : memref<4x128xi32, #tpu.memory_space<vmem>>, vector<16xi32>,
    %shift_right_logical3A_280 = arith.constant 1 : i32
    %shift_right_logical3A_281 = vector.broadcast %shift_right_logical3A_280 : i32 to vector<16xi32>
    %shift_right_logical3A_282 = arith.shrui %get3A_279, %shift_right_logical3A_281 : vector<16xi32>
    %swap3A_283 = arith.constant 0 : i32
    %swap3A_284 = arith.index_cast %swap3A_283 : i32 to index
    %swap3A_285 = arith.constant 48 : index
    %swap3A_286 = tpu.vector_load %arg11[%swap3A_284, %swap3A_285] {strides = array<i32>} : memref<4x128xi32, #tpu.memory_space<vmem>>, vector<16xi32>,
    tpu.vector_store %arg11[%swap3A_284, %swap3A_285], %shift_right_logical3A_282 {strides = array<i32>} : memref<4x128xi32, #tpu.memory_space<vmem>>, vector<16xi32>,
    %get3A_287 = arith.constant 0 : i32
    %get3A_288 = arith.index_cast %get3A_287 : i32 to index
    %get3A_289 = arith.constant 48 : index
    %get3A_290 = tpu.vector_load %arg10[%get3A_288, %get3A_289] {strides = array<i32>} : memref<4x128xi32, #tpu.memory_space<vmem>>, vector<16xi32>,
    %shift_right_logical3A_291 = arith.constant 1 : i32
    %shift_right_logical3A_292 = vector.broadcast %shift_right_logical3A_291 : i32 to vector<16xi32>
    %shift_right_logical3A_293 = arith.shrui %get3A_290, %shift_right_logical3A_292 : vector<16xi32>
    %swap3A_294 = arith.constant 0 : i32
    %swap3A_295 = arith.index_cast %swap3A_294 : i32 to index
    %swap3A_296 = arith.constant 48 : index
    %swap3A_297 = tpu.vector_load %arg12[%swap3A_295, %swap3A_296] {strides = array<i32>} : memref<4x128xi32, #tpu.memory_space<vmem>>, vector<16xi32>,
    tpu.vector_store %arg12[%swap3A_295, %swap3A_296], %shift_right_logical3A_293 {strides = array<i32>} : memref<4x128xi32, #tpu.memory_space<vmem>>, vector<16xi32>,
    %get3A_298 = arith.constant 0 : i32
    %get3A_299 = arith.index_cast %get3A_298 : i32 to index
    %get3A_300 = arith.constant 64 : index
    %get3A_301 = tpu.vector_load %arg9[%get3A_299, %get3A_300] {strides = array<i32>} : memref<4x128xi32, #tpu.memory_space<vmem>>, vector<16xi32>,
    %shift_right_logical3A_302 = arith.constant 1 : i32
    %shift_right_logical3A_303 = vector.broadcast %shift_right_logical3A_302 : i32 to vector<16xi32>
    %shift_right_logical3A_304 = arith.shrui %get3A_301, %shift_right_logical3A_303 : vector<16xi32>
    %swap3A_305 = arith.constant 0 : i32
    %swap3A_306 = arith.index_cast %swap3A_305 : i32 to index
    %swap3A_307 = arith.constant 64 : index
    %swap3A_308 = tpu.vector_load %arg11[%swap3A_306, %swap3A_307] {strides = array<i32>} : memref<4x128xi32, #tpu.memory_space<vmem>>, vector<16xi32>,
    tpu.vector_store %arg11[%swap3A_306, %swap3A_307], %shift_right_logical3A_304 {strides = array<i32>} : memref<4x128xi32, #tpu.memory_space<vmem>>, vector<16xi32>,
    %get3A_309 = arith.constant 0 : i32
    %get3A_310 = arith.index_cast %get3A_309 : i32 to index
    %get3A_311 = arith.constant 64 : index
    %get3A_312 = tpu.vector_load %arg10[%get3A_310, %get3A_311] {strides = array<i32>} : memref<4x128xi32, #tpu.memory_space<vmem>>, vector<16xi32>,
    %shift_right_logical3A_313 = arith.constant 1 : i32
    %shift_right_logical3A_314 = vector.broadcast %shift_right_logical3A_313 : i32 to vector<16xi32>
    %shift_right_logical3A_315 = arith.shrui %get3A_312, %shift_right_logical3A_314 : vector<16xi32>
    %swap3A_316 = arith.constant 0 : i32
    %swap3A_317 = arith.index_cast %swap3A_316 : i32 to index
    %swap3A_318 = arith.constant 64 : index
    %swap3A_319 = tpu.vector_load %arg12[%swap3A_317, %swap3A_318] {strides = array<i32>} : memref<4x128xi32, #tpu.memory_space<vmem>>, vector<16xi32>,
    tpu.vector_store %arg12[%swap3A_317, %swap3A_318], %shift_right_logical3A_315 {strides = array<i32>} : memref<4x128xi32, #tpu.memory_space<vmem>>, vector<16xi32>,
    %get3A_320 = arith.constant 0 : i32
    %get3A_321 = arith.index_cast %get3A_320 : i32 to index
    %get3A_322 = arith.constant 80 : index
    %get3A_323 = tpu.vector_load %arg9[%get3A_321, %get3A_322] {strides = array<i32>} : memref<4x128xi32, #tpu.memory_space<vmem>>, vector<16xi32>,
    %shift_right_logical3A_324 = arith.constant 1 : i32
    %shift_right_logical3A_325 = vector.broadcast %shift_right_logical3A_324 : i32 to vector<16xi32>
    %shift_right_logical3A_326 = arith.shrui %get3A_323, %shift_right_logical3A_325 : vector<16xi32>
    %swap3A_327 = arith.constant 0 : i32
    %swap3A_328 = arith.index_cast %swap3A_327 : i32 to index
    %swap3A_329 = arith.constant 80 : index
    %swap3A_330 = tpu.vector_load %arg11[%swap3A_328, %swap3A_329] {strides = array<i32>} : memref<4x128xi32, #tpu.memory_space<vmem>>, vector<16xi32>,
    tpu.vector_store %arg11[%swap3A_328, %swap3A_329], %shift_right_logical3A_326 {strides = array<i32>} : memref<4x128xi32, #tpu.memory_space<vmem>>, vector<16xi32>,
    %get3A_331 = arith.constant 0 : i32
    %get3A_332 = arith.index_cast %get3A_331 : i32 to index
    %get3A_333 = arith.constant 80 : index
    %get3A_334 = tpu.vector_load %arg10[%get3A_332, %get3A_333] {strides = array<i32>} : memref<4x128xi32, #tpu.memory_space<vmem>>, vector<16xi32>,
    %shift_right_logical3A_335 = arith.constant 1 : i32
    %shift_right_logical3A_336 = vector.broadcast %shift_right_logical3A_335 : i32 to vector<16xi32>
    %shift_right_logical3A_337 = arith.shrui %get3A_334, %shift_right_logical3A_336 : vector<16xi32>
    %swap3A_338 = arith.constant 0 : i32
    %swap3A_339 = arith.index_cast %swap3A_338 : i32 to index
    %swap3A_340 = arith.constant 80 : index
    %swap3A_341 = tpu.vector_load %arg12[%swap3A_339, %swap3A_340] {strides = array<i32>} : memref<4x128xi32, #tpu.memory_space<vmem>>, vector<16xi32>,
    tpu.vector_store %arg12[%swap3A_339, %swap3A_340], %shift_right_logical3A_337 {strides = array<i32>} : memref<4x128xi32, #tpu.memory_space<vmem>>, vector<16xi32>,
    %get3A_342 = arith.constant 0 : i32
    %get3A_343 = arith.index_cast %get3A_342 : i32 to index
    %get3A_344 = arith.constant 96 : index
    %get3A_345 = tpu.vector_load %arg9[%get3A_343, %get3A_344] {strides = array<i32>} : memref<4x128xi32, #tpu.memory_space<vmem>>, vector<16xi32>,
    %shift_right_logical3A_346 = arith.constant 1 : i32
    %shift_right_logical3A_347 = vector.broadcast %shift_right_logical3A_346 : i32 to vector<16xi32>
    %shift_right_logical3A_348 = arith.shrui %get3A_345, %shift_right_logical3A_347 : vector<16xi32>
    %swap3A_349 = arith.constant 0 : i32
    %swap3A_350 = arith.index_cast %swap3A_349 : i32 to index
    %swap3A_351 = arith.constant 96 : index
    %swap3A_352 = tpu.vector_load %arg11[%swap3A_350, %swap3A_351] {strides = array<i32>} : memref<4x128xi32, #tpu.memory_space<vmem>>, vector<16xi32>,
    tpu.vector_store %arg11[%swap3A_350, %swap3A_351], %shift_right_logical3A_348 {strides = array<i32>} : memref<4x128xi32, #tpu.memory_space<vmem>>, vector<16xi32>,
    %get3A_353 = arith.constant 0 : i32
    %get3A_354 = arith.index_cast %get3A_353 : i32 to index
    %get3A_355 = arith.constant 96 : index
    %get3A_356 = tpu.vector_load %arg10[%get3A_354, %get3A_355] {strides = array<i32>} : memref<4x128xi32, #tpu.memory_space<vmem>>, vector<16xi32>,
    %shift_right_logical3A_357 = arith.constant 1 : i32
    %shift_right_logical3A_358 = vector.broadcast %shift_right_logical3A_357 : i32 to vector<16xi32>
    %shift_right_logical3A_359 = arith.shrui %get3A_356, %shift_right_logical3A_358 : vector<16xi32>
    %swap3A_360 = arith.constant 0 : i32
    %swap3A_361 = arith.index_cast %swap3A_360 : i32 to index
    %swap3A_362 = arith.constant 96 : index
    %swap3A_363 = tpu.vector_load %arg12[%swap3A_361, %swap3A_362] {strides = array<i32>} : memref<4x128xi32, #tpu.memory_space<vmem>>, vector<16xi32>,
    tpu.vector_store %arg12[%swap3A_361, %swap3A_362], %shift_right_logical3A_359 {strides = array<i32>} : memref<4x128xi32, #tpu.memory_space<vmem>>, vector<16xi32>,
    %get3A_364 = arith.constant 0 : i32
    %get3A_365 = arith.index_cast %get3A_364 : i32 to index
    %get3A_366 = arith.constant 112 : index
    %get3A_367 = tpu.vector_load %arg9[%get3A_365, %get3A_366] {strides = array<i32>} : memref<4x128xi32, #tpu.memory_space<vmem>>, vector<16xi32>,
    %shift_right_logical3A_368 = arith.constant 1 : i32
    %shift_right_logical3A_369 = vector.broadcast %shift_right_logical3A_368 : i32 to vector<16xi32>
    %shift_right_logical3A_370 = arith.shrui %get3A_367, %shift_right_logical3A_369 : vector<16xi32>
    %swap3A_371 = arith.constant 0 : i32
    %swap3A_372 = arith.index_cast %swap3A_371 : i32 to index
    %swap3A_373 = arith.constant 112 : index
    %swap3A_374 = tpu.vector_load %arg11[%swap3A_372, %swap3A_373] {strides = array<i32>} : memref<4x128xi32, #tpu.memory_space<vmem>>, vector<16xi32>,
    tpu.vector_store %arg11[%swap3A_372, %swap3A_373], %shift_right_logical3A_370 {strides = array<i32>} : memref<4x128xi32, #tpu.memory_space<vmem>>, vector<16xi32>,
    %get3A_375 = arith.constant 0 : i32
    %get3A_376 = arith.index_cast %get3A_375 : i32 to index
    %get3A_377 = arith.constant 112 : index
    %get3A_378 = tpu.vector_load %arg10[%get3A_376, %get3A_377] {strides = array<i32>} : memref<4x128xi32, #tpu.memory_space<vmem>>, vector<16xi32>,
    %shift_right_logical3A_379 = arith.constant 1 : i32
    %shift_right_logical3A_380 = vector.broadcast %shift_right_logical3A_379 : i32 to vector<16xi32>
    %shift_right_logical3A_381 = arith.shrui %get3A_378, %shift_right_logical3A_380 : vector<16xi32>
    %swap3A_382 = arith.constant 0 : i32
    %swap3A_383 = arith.index_cast %swap3A_382 : i32 to index
    %swap3A_384 = arith.constant 112 : index
    %swap3A_385 = tpu.vector_load %arg12[%swap3A_383, %swap3A_384] {strides = array<i32>} : memref<4x128xi32, #tpu.memory_space<vmem>>, vector<16xi32>,
    tpu.vector_store %arg12[%swap3A_383, %swap3A_384], %shift_right_logical3A_381 {strides = array<i32>} : memref<4x128xi32, #tpu.memory_space<vmem>>, vector<16xi32>,
    %get3A_386 = arith.constant 1 : i32
    %get3A_387 = arith.index_cast %get3A_386 : i32 to index
    %get3A_388 = arith.constant 0 : index
    %get3A_389 = tpu.vector_load %arg9[%get3A_387, %get3A_388] {strides = array<i32>} : memref<4x128xi32, #tpu.memory_space<vmem>>, vector<16xi32>,
    %shift_right_logical3A_390 = arith.constant 1 : i32
    %shift_right_logical3A_391 = vector.broadcast %shift_right_logical3A_390 : i32 to vector<16xi32>
    %shift_right_logical3A_392 = arith.shrui %get3A_389, %shift_right_logical3A_391 : vector<16xi32>
    %swap3A_393 = arith.constant 1 : i32
    %swap3A_394 = arith.index_cast %swap3A_393 : i32 to index
    %swap3A_395 = arith.constant 0 : index
    %swap3A_396 = tpu.vector_load %arg11[%swap3A_394, %swap3A_395] {strides = array<i32>} : memref<4x128xi32, #tpu.memory_space<vmem>>, vector<16xi32>,
    tpu.vector_store %arg11[%swap3A_394, %swap3A_395], %shift_right_logical3A_392 {strides = array<i32>} : memref<4x128xi32, #tpu.memory_space<vmem>>, vector<16xi32>,
    %get3A_397 = arith.constant 1 : i32
    %get3A_398 = arith.index_cast %get3A_397 : i32 to index
    %get3A_399 = arith.constant 0 : index
    %get3A_400 = tpu.vector_load %arg10[%get3A_398, %get3A_399] {strides = array<i32>} : memref<4x128xi32, #tpu.memory_space<vmem>>, vector<16xi32>,
    %shift_right_logical3A_401 = arith.constant 1 : i32
    %shift_right_logical3A_402 = vector.broadcast %shift_right_logical3A_401 : i32 to vector<16xi32>
    %shift_right_logical3A_403 = arith.shrui %get3A_400, %shift_right_logical3A_402 : vector<16xi32>
    %swap3A_404 = arith.constant 1 : i32
    %swap3A_405 = arith.index_cast %swap3A_404 : i32 to index
    %swap3A_406 = arith.constant 0 : index
    %swap3A_407 = tpu.vector_load %arg12[%swap3A_405, %swap3A_406] {strides = array<i32>} : memref<4x128xi32, #tpu.memory_space<vmem>>, vector<16xi32>,
    tpu.vector_store %arg12[%swap3A_405, %swap3A_406], %shift_right_logical3A_403 {strides = array<i32>} : memref<4x128xi32, #tpu.memory_space<vmem>>, vector<16xi32>,
    %get3A_408 = arith.constant 1 : i32
    %get3A_409 = arith.index_cast %get3A_408 : i32 to index
    %get3A_410 = arith.constant 16 : index
    %get3A_411 = tpu.vector_load %arg9[%get3A_409, %get3A_410] {strides = array<i32>} : memref<4x128xi32, #tpu.memory_space<vmem>>, vector<16xi32>,
    %shift_right_logical3A_412 = arith.constant 1 : i32
    %shift_right_logical3A_413 = vector.broadcast %shift_right_logical3A_412 : i32 to vector<16xi32>
    %shift_right_logical3A_414 = arith.shrui %get3A_411, %shift_right_logical3A_413 : vector<16xi32>
    %swap3A_415 = arith.constant 1 : i32
    %swap3A_416 = arith.index_cast %swap3A_415 : i32 to index
    %swap3A_417 = arith.constant 16 : index
    %swap3A_418 = tpu.vector_load %arg11[%swap3A_416, %swap3A_417] {strides = array<i32>} : memref<4x128xi32, #tpu.memory_space<vmem>>, vector<16xi32>,
    tpu.vector_store %arg11[%swap3A_416, %swap3A_417], %shift_right_logical3A_414 {strides = array<i32>} : memref<4x128xi32, #tpu.memory_space<vmem>>, vector<16xi32>,
    %get3A_419 = arith.constant 1 : i32
    %get3A_420 = arith.index_cast %get3A_419 : i32 to index
    %get3A_421 = arith.constant 16 : index
    %get3A_422 = tpu.vector_load %arg10[%get3A_420, %get3A_421] {strides = array<i32>} : memref<4x128xi32, #tpu.memory_space<vmem>>, vector<16xi32>,
    %shift_right_logical3A_423 = arith.constant 1 : i32
    %shift_right_logical3A_424 = vector.broadcast %shift_right_logical3A_423 : i32 to vector<16xi32>
    %shift_right_logical3A_425 = arith.shrui %get3A_422, %shift_right_logical3A_424 : vector<16xi32>
    %swap3A_426 = arith.constant 1 : i32
    %swap3A_427 = arith.index_cast %swap3A_426 : i32 to index
    %swap3A_428 = arith.constant 16 : index
    %swap3A_429 = tpu.vector_load %arg12[%swap3A_427, %swap3A_428] {strides = array<i32>} : memref<4x128xi32, #tpu.memory_space<vmem>>, vector<16xi32>,
    tpu.vector_store %arg12[%swap3A_427, %swap3A_428], %shift_right_logical3A_425 {strides = array<i32>} : memref<4x128xi32, #tpu.memory_space<vmem>>, vector<16xi32>,
    %get3A_430 = arith.constant 1 : i32
    %get3A_431 = arith.index_cast %get3A_430 : i32 to index
    %get3A_432 = arith.constant 32 : index
    %get3A_433 = tpu.vector_load %arg9[%get3A_431, %get3A_432] {strides = array<i32>} : memref<4x128xi32, #tpu.memory_space<vmem>>, vector<16xi32>,
    %shift_right_logical3A_434 = arith.constant 1 : i32
    %shift_right_logical3A_435 = vector.broadcast %shift_right_logical3A_434 : i32 to vector<16xi32>
    %shift_right_logical3A_436 = arith.shrui %get3A_433, %shift_right_logical3A_435 : vector<16xi32>
    %swap3A_437 = arith.constant 1 : i32
    %swap3A_438 = arith.index_cast %swap3A_437 : i32 to index
    %swap3A_439 = arith.constant 32 : index
    %swap3A_440 = tpu.vector_load %arg11[%swap3A_438, %swap3A_439] {strides = array<i32>} : memref<4x128xi32, #tpu.memory_space<vmem>>, vector<16xi32>,
    tpu.vector_store %arg11[%swap3A_438, %swap3A_439], %shift_right_logical3A_436 {strides = array<i32>} : memref<4x128xi32, #tpu.memory_space<vmem>>, vector<16xi32>,
    %get3A_441 = arith.constant 1 : i32
    %get3A_442 = arith.index_cast %get3A_441 : i32 to index
    %get3A_443 = arith.constant 32 : index
    %get3A_444 = tpu.vector_load %arg10[%get3A_442, %get3A_443] {strides = array<i32>} : memref<4x128xi32, #tpu.memory_space<vmem>>, vector<16xi32>,
    %shift_right_logical3A_445 = arith.constant 1 : i32
    %shift_right_logical3A_446 = vector.broadcast %shift_right_logical3A_445 : i32 to vector<16xi32>
    %shift_right_logical3A_447 = arith.shrui %get3A_444, %shift_right_logical3A_446 : vector<16xi32>
    %swap3A_448 = arith.constant 1 : i32
    %swap3A_449 = arith.index_cast %swap3A_448 : i32 to index
    %swap3A_450 = arith.constant 32 : index
    %swap3A_451 = tpu.vector_load %arg12[%swap3A_449, %swap3A_450] {strides = array<i32>} : memref<4x128xi32, #tpu.memory_space<vmem>>, vector<16xi32>,
    tpu.vector_store %arg12[%swap3A_449, %swap3A_450], %shift_right_logical3A_447 {strides = array<i32>} : memref<4x128xi32, #tpu.memory_space<vmem>>, vector<16xi32>,
    %get3A_452 = arith.constant 1 : i32
    %get3A_453 = arith.index_cast %get3A_452 : i32 to index
    %get3A_454 = arith.constant 48 : index
    %get3A_455 = tpu.vector_load %arg9[%get3A_453, %get3A_454] {strides = array<i32>} : memref<4x128xi32, #tpu.memory_space<vmem>>, vector<16xi32>,
    %shift_right_logical3A_456 = arith.constant 1 : i32
    %shift_right_logical3A_457 = vector.broadcast %shift_right_logical3A_456 : i32 to vector<16xi32>
    %shift_right_logical3A_458 = arith.shrui %get3A_455, %shift_right_logical3A_457 : vector<16xi32>
    %swap3A_459 = arith.constant 1 : i32
    %swap3A_460 = arith.index_cast %swap3A_459 : i32 to index
    %swap3A_461 = arith.constant 48 : index
    %swap3A_462 = tpu.vector_load %arg11[%swap3A_460, %swap3A_461] {strides = array<i32>} : memref<4x128xi32, #tpu.memory_space<vmem>>, vector<16xi32>,
    tpu.vector_store %arg11[%swap3A_460, %swap3A_461], %shift_right_logical3A_458 {strides = array<i32>} : memref<4x128xi32, #tpu.memory_space<vmem>>, vector<16xi32>,
    %get3A_463 = arith.constant 1 : i32
    %get3A_464 = arith.index_cast %get3A_463 : i32 to index
    %get3A_465 = arith.constant 48 : index
    %get3A_466 = tpu.vector_load %arg10[%get3A_464, %get3A_465] {strides = array<i32>} : memref<4x128xi32, #tpu.memory_space<vmem>>, vector<16xi32>,
    %shift_right_logical3A_467 = arith.constant 1 : i32
    %shift_right_logical3A_468 = vector.broadcast %shift_right_logical3A_467 : i32 to vector<16xi32>
    %shift_right_logical3A_469 = arith.shrui %get3A_466, %shift_right_logical3A_468 : vector<16xi32>
    %swap3A_470 = arith.constant 1 : i32
    %swap3A_471 = arith.index_cast %swap3A_470 : i32 to index
    %swap3A_472 = arith.constant 48 : index
    %swap3A_473 = tpu.vector_load %arg12[%swap3A_471, %swap3A_472] {strides = array<i32>} : memref<4x128xi32, #tpu.memory_space<vmem>>, vector<16xi32>,
    tpu.vector_store %arg12[%swap3A_471, %swap3A_472], %shift_right_logical3A_469 {strides = array<i32>} : memref<4x128xi32, #tpu.memory_space<vmem>>, vector<16xi32>,
    %get3A_474 = arith.constant 1 : i32
    %get3A_475 = arith.index_cast %get3A_474 : i32 to index
    %get3A_476 = arith.constant 64 : index
    %get3A_477 = tpu.vector_load %arg9[%get3A_475, %get3A_476] {strides = array<i32>} : memref<4x128xi32, #tpu.memory_space<vmem>>, vector<16xi32>,
    %shift_right_logical3A_478 = arith.constant 1 : i32
    %shift_right_logical3A_479 = vector.broadcast %shift_right_logical3A_478 : i32 to vector<16xi32>
    %shift_right_logical3A_480 = arith.shrui %get3A_477, %shift_right_logical3A_479 : vector<16xi32>
    %swap3A_481 = arith.constant 1 : i32
    %swap3A_482 = arith.index_cast %swap3A_481 : i32 to index
    %swap3A_483 = arith.constant 64 : index
    %swap3A_484 = tpu.vector_load %arg11[%swap3A_482, %swap3A_483] {strides = array<i32>} : memref<4x128xi32, #tpu.memory_space<vmem>>, vector<16xi32>,
    tpu.vector_store %arg11[%swap3A_482, %swap3A_483], %shift_right_logical3A_480 {strides = array<i32>} : memref<4x128xi32, #tpu.memory_space<vmem>>, vector<16xi32>,
    %get3A_485 = arith.constant 1 : i32
    %get3A_486 = arith.index_cast %get3A_485 : i32 to index
    %get3A_487 = arith.constant 64 : index
    %get3A_488 = tpu.vector_load %arg10[%get3A_486, %get3A_487] {strides = array<i32>} : memref<4x128xi32, #tpu.memory_space<vmem>>, vector<16xi32>,
    %shift_right_logical3A_489 = arith.constant 1 : i32
    %shift_right_logical3A_490 = vector.broadcast %shift_right_logical3A_489 : i32 to vector<16xi32>
    %shift_right_logical3A_491 = arith.shrui %get3A_488, %shift_right_logical3A_490 : vector<16xi32>
    %swap3A_492 = arith.constant 1 : i32
    %swap3A_493 = arith.index_cast %swap3A_492 : i32 to index
    %swap3A_494 = arith.constant 64 : index
    %swap3A_495 = tpu.vector_load %arg12[%swap3A_493, %swap3A_494] {strides = array<i32>} : memref<4x128xi32, #tpu.memory_space<vmem>>, vector<16xi32>,
    tpu.vector_store %arg12[%swap3A_493, %swap3A_494], %shift_right_logical3A_491 {strides = array<i32>} : memref<4x128xi32, #tpu.memory_space<vmem>>, vector<16xi32>,
    %get3A_496 = arith.constant 1 : i32
    %get3A_497 = arith.index_cast %get3A_496 : i32 to index
    %get3A_498 = arith.constant 80 : index
    %get3A_499 = tpu.vector_load %arg9[%get3A_497, %get3A_498] {strides = array<i32>} : memref<4x128xi32, #tpu.memory_space<vmem>>, vector<16xi32>,
    %shift_right_logical3A_500 = arith.constant 1 : i32
    %shift_right_logical3A_501 = vector.broadcast %shift_right_logical3A_500 : i32 to vector<16xi32>
    %shift_right_logical3A_502 = arith.shrui %get3A_499, %shift_right_logical3A_501 : vector<16xi32>
    %swap3A_503 = arith.constant 1 : i32
    %swap3A_504 = arith.index_cast %swap3A_503 : i32 to index
    %swap3A_505 = arith.constant 80 : index
    %swap3A_506 = tpu.vector_load %arg11[%swap3A_504, %swap3A_505] {strides = array<i32>} : memref<4x128xi32, #tpu.memory_space<vmem>>, vector<16xi32>,
    tpu.vector_store %arg11[%swap3A_504, %swap3A_505], %shift_right_logical3A_502 {strides = array<i32>} : memref<4x128xi32, #tpu.memory_space<vmem>>, vector<16xi32>,
    %get3A_507 = arith.constant 1 : i32
    %get3A_508 = arith.index_cast %get3A_507 : i32 to index
    %get3A_509 = arith.constant 80 : index
    %get3A_510 = tpu.vector_load %arg10[%get3A_508, %get3A_509] {strides = array<i32>} : memref<4x128xi32, #tpu.memory_space<vmem>>, vector<16xi32>,
    %shift_right_logical3A_511 = arith.constant 1 : i32
    %shift_right_logical3A_512 = vector.broadcast %shift_right_logical3A_511 : i32 to vector<16xi32>
    %shift_right_logical3A_513 = arith.shrui %get3A_510, %shift_right_logical3A_512 : vector<16xi32>
    %swap3A_514 = arith.constant 1 : i32
    %swap3A_515 = arith.index_cast %swap3A_514 : i32 to index
    %swap3A_516 = arith.constant 80 : index
    %swap3A_517 = tpu.vector_load %arg12[%swap3A_515, %swap3A_516] {strides = array<i32>} : memref<4x128xi32, #tpu.memory_space<vmem>>, vector<16xi32>,
    tpu.vector_store %arg12[%swap3A_515, %swap3A_516], %shift_right_logical3A_513 {strides = array<i32>} : memref<4x128xi32, #tpu.memory_space<vmem>>, vector<16xi32>,
    %get3A_518 = arith.constant 1 : i32
    %get3A_519 = arith.index_cast %get3A_518 : i32 to index
    %get3A_520 = arith.constant 96 : index
    %get3A_521 = tpu.vector_load %arg9[%get3A_519, %get3A_520] {strides = array<i32>} : memref<4x128xi32, #tpu.memory_space<vmem>>, vector<16xi32>,
    %shift_right_logical3A_522 = arith.constant 1 : i32
    %shift_right_logical3A_523 = vector.broadcast %shift_right_logical3A_522 : i32 to vector<16xi32>
    %shift_right_logical3A_524 = arith.shrui %get3A_521, %shift_right_logical3A_523 : vector<16xi32>
    %swap3A_525 = arith.constant 1 : i32
    %swap3A_526 = arith.index_cast %swap3A_525 : i32 to index
    %swap3A_527 = arith.constant 96 : index
    %swap3A_528 = tpu.vector_load %arg11[%swap3A_526, %swap3A_527] {strides = array<i32>} : memref<4x128xi32, #tpu.memory_space<vmem>>, vector<16xi32>,
    tpu.vector_store %arg11[%swap3A_526, %swap3A_527], %shift_right_logical3A_524 {strides = array<i32>} : memref<4x128xi32, #tpu.memory_space<vmem>>, vector<16xi32>,
    %get3A_529 = arith.constant 1 : i32
    %get3A_530 = arith.index_cast %get3A_529 : i32 to index
    %get3A_531 = arith.constant 96 : index
    %get3A_532 = tpu.vector_load %arg10[%get3A_530, %get3A_531] {strides = array<i32>} : memref<4x128xi32, #tpu.memory_space<vmem>>, vector<16xi32>,
    %shift_right_logical3A_533 = arith.constant 1 : i32
    %shift_right_logical3A_534 = vector.broadcast %shift_right_logical3A_533 : i32 to vector<16xi32>
    %shift_right_logical3A_535 = arith.shrui %get3A_532, %shift_right_logical3A_534 : vector<16xi32>
    %swap3A_536 = arith.constant 1 : i32
    %swap3A_537 = arith.index_cast %swap3A_536 : i32 to index
    %swap3A_538 = arith.constant 96 : index
    %swap3A_539 = tpu.vector_load %arg12[%swap3A_537, %swap3A_538] {strides = array<i32>} : memref<4x128xi32, #tpu.memory_space<vmem>>, vector<16xi32>,
    tpu.vector_store %arg12[%swap3A_537, %swap3A_538], %shift_right_logical3A_535 {strides = array<i32>} : memref<4x128xi32, #tpu.memory_space<vmem>>, vector<16xi32>,
    %get3A_540 = arith.constant 1 : i32
    %get3A_541 = arith.index_cast %get3A_540 : i32 to index
    %get3A_542 = arith.constant 112 : index
    %get3A_543 = tpu.vector_load %arg9[%get3A_541, %get3A_542] {strides = array<i32>} : memref<4x128xi32, #tpu.memory_space<vmem>>, vector<16xi32>,
    %shift_right_logical3A_544 = arith.constant 1 : i32
    %shift_right_logical3A_545 = vector.broadcast %shift_right_logical3A_544 : i32 to vector<16xi32>
    %shift_right_logical3A_546 = arith.shrui %get3A_543, %shift_right_logical3A_545 : vector<16xi32>
    %swap3A_547 = arith.constant 1 : i32
    %swap3A_548 = arith.index_cast %swap3A_547 : i32 to index
    %swap3A_549 = arith.constant 112 : index
    %swap3A_550 = tpu.vector_load %arg11[%swap3A_548, %swap3A_549] {strides = array<i32>} : memref<4x128xi32, #tpu.memory_space<vmem>>, vector<16xi32>,
    tpu.vector_store %arg11[%swap3A_548, %swap3A_549], %shift_right_logical3A_546 {strides = array<i32>} : memref<4x128xi32, #tpu.memory_space<vmem>>, vector<16xi32>,
    %get3A_551 = arith.constant 1 : i32
    %get3A_552 = arith.index_cast %get3A_551 : i32 to index
    %get3A_553 = arith.constant 112 : index
    %get3A_554 = tpu.vector_load %arg10[%get3A_552, %get3A_553] {strides = array<i32>} : memref<4x128xi32, #tpu.memory_space<vmem>>, vector<16xi32>,
    %shift_right_logical3A_555 = arith.constant 1 : i32
    %shift_right_logical3A_556 = vector.broadcast %shift_right_logical3A_555 : i32 to vector<16xi32>
    %shift_right_logical3A_557 = arith.shrui %get3A_554, %shift_right_logical3A_556 : vector<16xi32>
    %swap3A_558 = arith.constant 1 : i32
    %swap3A_559 = arith.index_cast %swap3A_558 : i32 to index
    %swap3A_560 = arith.constant 112 : index
    %swap3A_561 = tpu.vector_load %arg12[%swap3A_559, %swap3A_560] {strides = array<i32>} : memref<4x128xi32, #tpu.memory_space<vmem>>, vector<16xi32>,
    tpu.vector_store %arg12[%swap3A_559, %swap3A_560], %shift_right_logical3A_557 {strides = array<i32>} : memref<4x128xi32, #tpu.memory_space<vmem>>, vector<16xi32>,
    %get3A_562 = arith.constant 2 : i32
    %get3A_563 = arith.index_cast %get3A_562 : i32 to index
    %get3A_564 = arith.constant 0 : index
    %get3A_565 = tpu.vector_load %arg9[%get3A_563, %get3A_564] {strides = array<i32>} : memref<4x128xi32, #tpu.memory_space<vmem>>, vector<16xi32>,
    %shift_right_logical3A_566 = arith.constant 1 : i32
    %shift_right_logical3A_567 = vector.broadcast %shift_right_logical3A_566 : i32 to vector<16xi32>
    %shift_right_logical3A_568 = arith.shrui %get3A_565, %shift_right_logical3A_567 : vector<16xi32>
    %swap3A_569 = arith.constant 2 : i32
    %swap3A_570 = arith.index_cast %swap3A_569 : i32 to index
    %swap3A_571 = arith.constant 0 : index
    %swap3A_572 = tpu.vector_load %arg11[%swap3A_570, %swap3A_571] {strides = array<i32>} : memref<4x128xi32, #tpu.memory_space<vmem>>, vector<16xi32>,
    tpu.vector_store %arg11[%swap3A_570, %swap3A_571], %shift_right_logical3A_568 {strides = array<i32>} : memref<4x128xi32, #tpu.memory_space<vmem>>, vector<16xi32>,
    %get3A_573 = arith.constant 2 : i32
    %get3A_574 = arith.index_cast %get3A_573 : i32 to index
    %get3A_575 = arith.constant 0 : index
    %get3A_576 = tpu.vector_load %arg10[%get3A_574, %get3A_575] {strides = array<i32>} : memref<4x128xi32, #tpu.memory_space<vmem>>, vector<16xi32>,
    %shift_right_logical3A_577 = arith.constant 1 : i32
    %shift_right_logical3A_578 = vector.broadcast %shift_right_logical3A_577 : i32 to vector<16xi32>
    %shift_right_logical3A_579 = arith.shrui %get3A_576, %shift_right_logical3A_578 : vector<16xi32>
    %swap3A_580 = arith.constant 2 : i32
    %swap3A_581 = arith.index_cast %swap3A_580 : i32 to index
    %swap3A_582 = arith.constant 0 : index
    %swap3A_583 = tpu.vector_load %arg12[%swap3A_581, %swap3A_582] {strides = array<i32>} : memref<4x128xi32, #tpu.memory_space<vmem>>, vector<16xi32>,
    tpu.vector_store %arg12[%swap3A_581, %swap3A_582], %shift_right_logical3A_579 {strides = array<i32>} : memref<4x128xi32, #tpu.memory_space<vmem>>, vector<16xi32>,
    %get3A_584 = arith.constant 2 : i32
    %get3A_585 = arith.index_cast %get3A_584 : i32 to index
    %get3A_586 = arith.constant 16 : index
    %get3A_587 = tpu.vector_load %arg9[%get3A_585, %get3A_586] {strides = array<i32>} : memref<4x128xi32, #tpu.memory_space<vmem>>, vector<16xi32>,
    %shift_right_logical3A_588 = arith.constant 1 : i32
    %shift_right_logical3A_589 = vector.broadcast %shift_right_logical3A_588 : i32 to vector<16xi32>
    %shift_right_logical3A_590 = arith.shrui %get3A_587, %shift_right_logical3A_589 : vector<16xi32>
    %swap3A_591 = arith.constant 2 : i32
    %swap3A_592 = arith.index_cast %swap3A_591 : i32 to index
    %swap3A_593 = arith.constant 16 : index
    %swap3A_594 = tpu.vector_load %arg11[%swap3A_592, %swap3A_593] {strides = array<i32>} : memref<4x128xi32, #tpu.memory_space<vmem>>, vector<16xi32>,
    tpu.vector_store %arg11[%swap3A_592, %swap3A_593], %shift_right_logical3A_590 {strides = array<i32>} : memref<4x128xi32, #tpu.memory_space<vmem>>, vector<16xi32>,
    %get3A_595 = arith.constant 2 : i32
    %get3A_596 = arith.index_cast %get3A_595 : i32 to index
    %get3A_597 = arith.constant 16 : index
    %get3A_598 = tpu.vector_load %arg10[%get3A_596, %get3A_597] {strides = array<i32>} : memref<4x128xi32, #tpu.memory_space<vmem>>, vector<16xi32>,
    %shift_right_logical3A_599 = arith.constant 1 : i32
    %shift_right_logical3A_600 = vector.broadcast %shift_right_logical3A_599 : i32 to vector<16xi32>
    %shift_right_logical3A_601 = arith.shrui %get3A_598, %shift_right_logical3A_600 : vector<16xi32>
    %swap3A_602 = arith.constant 2 : i32
    %swap3A_603 = arith.index_cast %swap3A_602 : i32 to index
    %swap3A_604 = arith.constant 16 : index
    %swap3A_605 = tpu.vector_load %arg12[%swap3A_603, %swap3A_604] {strides = array<i32>} : memref<4x128xi32, #tpu.memory_space<vmem>>, vector<16xi32>,
    tpu.vector_store %arg12[%swap3A_603, %swap3A_604], %shift_right_logical3A_601 {strides = array<i32>} : memref<4x128xi32, #tpu.memory_space<vmem>>, vector<16xi32>,
    %get3A_606 = arith.constant 2 : i32
    %get3A_607 = arith.index_cast %get3A_606 : i32 to index
    %get3A_608 = arith.constant 32 : index
    %get3A_609 = tpu.vector_load %arg9[%get3A_607, %get3A_608] {strides = array<i32>} : memref<4x128xi32, #tpu.memory_space<vmem>>, vector<16xi32>,
    %shift_right_logical3A_610 = arith.constant 1 : i32
    %shift_right_logical3A_611 = vector.broadcast %shift_right_logical3A_610 : i32 to vector<16xi32>
    %shift_right_logical3A_612 = arith.shrui %get3A_609, %shift_right_logical3A_611 : vector<16xi32>
    %swap3A_613 = arith.constant 2 : i32
    %swap3A_614 = arith.index_cast %swap3A_613 : i32 to index
    %swap3A_615 = arith.constant 32 : index
    %swap3A_616 = tpu.vector_load %arg11[%swap3A_614, %swap3A_615] {strides = array<i32>} : memref<4x128xi32, #tpu.memory_space<vmem>>, vector<16xi32>,
    tpu.vector_store %arg11[%swap3A_614, %swap3A_615], %shift_right_logical3A_612 {strides = array<i32>} : memref<4x128xi32, #tpu.memory_space<vmem>>, vector<16xi32>,
    %get3A_617 = arith.constant 2 : i32
    %get3A_618 = arith.index_cast %get3A_617 : i32 to index
    %get3A_619 = arith.constant 32 : index
    %get3A_620 = tpu.vector_load %arg10[%get3A_618, %get3A_619] {strides = array<i32>} : memref<4x128xi32, #tpu.memory_space<vmem>>, vector<16xi32>,
    %shift_right_logical3A_621 = arith.constant 1 : i32
    %shift_right_logical3A_622 = vector.broadcast %shift_right_logical3A_621 : i32 to vector<16xi32>
    %shift_right_logical3A_623 = arith.shrui %get3A_620, %shift_right_logical3A_622 : vector<16xi32>
    %swap3A_624 = arith.constant 2 : i32
    %swap3A_625 = arith.index_cast %swap3A_624 : i32 to index
    %swap3A_626 = arith.constant 32 : index
    %swap3A_627 = tpu.vector_load %arg12[%swap3A_625, %swap3A_626] {strides = array<i32>} : memref<4x128xi32, #tpu.memory_space<vmem>>, vector<16xi32>,
    tpu.vector_store %arg12[%swap3A_625, %swap3A_626], %shift_right_logical3A_623 {strides = array<i32>} : memref<4x128xi32, #tpu.memory_space<vmem>>, vector<16xi32>,
    %get3A_628 = arith.constant 2 : i32
    %get3A_629 = arith.index_cast %get3A_628 : i32 to index
    %get3A_630 = arith.constant 48 : index
    %get3A_631 = tpu.vector_load %arg9[%get3A_629, %get3A_630] {strides = array<i32>} : memref<4x128xi32, #tpu.memory_space<vmem>>, vector<16xi32>,
    %shift_right_logical3A_632 = arith.constant 1 : i32
    %shift_right_logical3A_633 = vector.broadcast %shift_right_logical3A_632 : i32 to vector<16xi32>
    %shift_right_logical3A_634 = arith.shrui %get3A_631, %shift_right_logical3A_633 : vector<16xi32>
    %swap3A_635 = arith.constant 2 : i32
    %swap3A_636 = arith.index_cast %swap3A_635 : i32 to index
    %swap3A_637 = arith.constant 48 : index
    %swap3A_638 = tpu.vector_load %arg11[%swap3A_636, %swap3A_637] {strides = array<i32>} : memref<4x128xi32, #tpu.memory_space<vmem>>, vector<16xi32>,
    tpu.vector_store %arg11[%swap3A_636, %swap3A_637], %shift_right_logical3A_634 {strides = array<i32>} : memref<4x128xi32, #tpu.memory_space<vmem>>, vector<16xi32>,
    %get3A_639 = arith.constant 2 : i32
    %get3A_640 = arith.index_cast %get3A_639 : i32 to index
    %get3A_641 = arith.constant 48 : index
    %get3A_642 = tpu.vector_load %arg10[%get3A_640, %get3A_641] {strides = array<i32>} : memref<4x128xi32, #tpu.memory_space<vmem>>, vector<16xi32>,
    %shift_right_logical3A_643 = arith.constant 1 : i32
    %shift_right_logical3A_644 = vector.broadcast %shift_right_logical3A_643 : i32 to vector<16xi32>
    %shift_right_logical3A_645 = arith.shrui %get3A_642, %shift_right_logical3A_644 : vector<16xi32>
    %swap3A_646 = arith.constant 2 : i32
    %swap3A_647 = arith.index_cast %swap3A_646 : i32 to index
    %swap3A_648 = arith.constant 48 : index
    %swap3A_649 = tpu.vector_load %arg12[%swap3A_647, %swap3A_648] {strides = array<i32>} : memref<4x128xi32, #tpu.memory_space<vmem>>, vector<16xi32>,
    tpu.vector_store %arg12[%swap3A_647, %swap3A_648], %shift_right_logical3A_645 {strides = array<i32>} : memref<4x128xi32, #tpu.memory_space<vmem>>, vector<16xi32>,
    %get3A_650 = arith.constant 2 : i32
    %get3A_651 = arith.index_cast %get3A_650 : i32 to index
    %get3A_652 = arith.constant 64 : index
    %get3A_653 = tpu.vector_load %arg9[%get3A_651, %get3A_652] {strides = array<i32>} : memref<4x128xi32, #tpu.memory_space<vmem>>, vector<16xi32>,
    %shift_right_logical3A_654 = arith.constant 1 : i32
    %shift_right_logical3A_655 = vector.broadcast %shift_right_logical3A_654 : i32 to vector<16xi32>
    %shift_right_logical3A_656 = arith.shrui %get3A_653, %shift_right_logical3A_655 : vector<16xi32>
    %swap3A_657 = arith.constant 2 : i32
    %swap3A_658 = arith.index_cast %swap3A_657 : i32 to index
    %swap3A_659 = arith.constant 64 : index
    %swap3A_660 = tpu.vector_load %arg11[%swap3A_658, %swap3A_659] {strides = array<i32>} : memref<4x128xi32, #tpu.memory_space<vmem>>, vector<16xi32>,
    tpu.vector_store %arg11[%swap3A_658, %swap3A_659], %shift_right_logical3A_656 {strides = array<i32>} : memref<4x128xi32, #tpu.memory_space<vmem>>, vector<16xi32>,
    %get3A_661 = arith.constant 2 : i32
    %get3A_662 = arith.index_cast %get3A_661 : i32 to index
    %get3A_663 = arith.constant 64 : index
    %get3A_664 = tpu.vector_load %arg10[%get3A_662, %get3A_663] {strides = array<i32>} : memref<4x128xi32, #tpu.memory_space<vmem>>, vector<16xi32>,
    %shift_right_logical3A_665 = arith.constant 1 : i32
    %shift_right_logical3A_666 = vector.broadcast %shift_right_logical3A_665 : i32 to vector<16xi32>
    %shift_right_logical3A_667 = arith.shrui %get3A_664, %shift_right_logical3A_666 : vector<16xi32>
    %swap3A_668 = arith.constant 2 : i32
    %swap3A_669 = arith.index_cast %swap3A_668 : i32 to index
    %swap3A_670 = arith.constant 64 : index
    %swap3A_671 = tpu.vector_load %arg12[%swap3A_669, %swap3A_670] {strides = array<i32>} : memref<4x128xi32, #tpu.memory_space<vmem>>, vector<16xi32>,
    tpu.vector_store %arg12[%swap3A_669, %swap3A_670], %shift_right_logical3A_667 {strides = array<i32>} : memref<4x128xi32, #tpu.memory_space<vmem>>, vector<16xi32>,
    %get3A_672 = arith.constant 2 : i32
    %get3A_673 = arith.index_cast %get3A_672 : i32 to index
    %get3A_674 = arith.constant 80 : index
    %get3A_675 = tpu.vector_load %arg9[%get3A_673, %get3A_674] {strides = array<i32>} : memref<4x128xi32, #tpu.memory_space<vmem>>, vector<16xi32>,
    %shift_right_logical3A_676 = arith.constant 1 : i32
    %shift_right_logical3A_677 = vector.broadcast %shift_right_logical3A_676 : i32 to vector<16xi32>
    %shift_right_logical3A_678 = arith.shrui %get3A_675, %shift_right_logical3A_677 : vector<16xi32>
    %swap3A_679 = arith.constant 2 : i32
    %swap3A_680 = arith.index_cast %swap3A_679 : i32 to index
    %swap3A_681 = arith.constant 80 : index
    %swap3A_682 = tpu.vector_load %arg11[%swap3A_680, %swap3A_681] {strides = array<i32>} : memref<4x128xi32, #tpu.memory_space<vmem>>, vector<16xi32>,
    tpu.vector_store %arg11[%swap3A_680, %swap3A_681], %shift_right_logical3A_678 {strides = array<i32>} : memref<4x128xi32, #tpu.memory_space<vmem>>, vector<16xi32>,
    %get3A_683 = arith.constant 2 : i32
    %get3A_684 = arith.index_cast %get3A_683 : i32 to index
    %get3A_685 = arith.constant 80 : index
    %get3A_686 = tpu.vector_load %arg10[%get3A_684, %get3A_685] {strides = array<i32>} : memref<4x128xi32, #tpu.memory_space<vmem>>, vector<16xi32>,
    %shift_right_logical3A_687 = arith.constant 1 : i32
    %shift_right_logical3A_688 = vector.broadcast %shift_right_logical3A_687 : i32 to vector<16xi32>
    %shift_right_logical3A_689 = arith.shrui %get3A_686, %shift_right_logical3A_688 : vector<16xi32>
    %swap3A_690 = arith.constant 2 : i32
    %swap3A_691 = arith.index_cast %swap3A_690 : i32 to index
    %swap3A_692 = arith.constant 80 : index
    %swap3A_693 = tpu.vector_load %arg12[%swap3A_691, %swap3A_692] {strides = array<i32>} : memref<4x128xi32, #tpu.memory_space<vmem>>, vector<16xi32>,
    tpu.vector_store %arg12[%swap3A_691, %swap3A_692], %shift_right_logical3A_689 {strides = array<i32>} : memref<4x128xi32, #tpu.memory_space<vmem>>, vector<16xi32>,
    %get3A_694 = arith.constant 2 : i32
    %get3A_695 = arith.index_cast %get3A_694 : i32 to index
    %get3A_696 = arith.constant 96 : index
    %get3A_697 = tpu.vector_load %arg9[%get3A_695, %get3A_696] {strides = array<i32>} : memref<4x128xi32, #tpu.memory_space<vmem>>, vector<16xi32>,
    %shift_right_logical3A_698 = arith.constant 1 : i32
    %shift_right_logical3A_699 = vector.broadcast %shift_right_logical3A_698 : i32 to vector<16xi32>
    %shift_right_logical3A_700 = arith.shrui %get3A_697, %shift_right_logical3A_699 : vector<16xi32>
    %swap3A_701 = arith.constant 2 : i32
    %swap3A_702 = arith.index_cast %swap3A_701 : i32 to index
    %swap3A_703 = arith.constant 96 : index
    %swap3A_704 = tpu.vector_load %arg11[%swap3A_702, %swap3A_703] {strides = array<i32>} : memref<4x128xi32, #tpu.memory_space<vmem>>, vector<16xi32>,
    tpu.vector_store %arg11[%swap3A_702, %swap3A_703], %shift_right_logical3A_700 {strides = array<i32>} : memref<4x128xi32, #tpu.memory_space<vmem>>, vector<16xi32>,
    %get3A_705 = arith.constant 2 : i32
    %get3A_706 = arith.index_cast %get3A_705 : i32 to index
    %get3A_707 = arith.constant 96 : index
    %get3A_708 = tpu.vector_load %arg10[%get3A_706, %get3A_707] {strides = array<i32>} : memref<4x128xi32, #tpu.memory_space<vmem>>, vector<16xi32>,
    %shift_right_logical3A_709 = arith.constant 1 : i32
    %shift_right_logical3A_710 = vector.broadcast %shift_right_logical3A_709 : i32 to vector<16xi32>
    %shift_right_logical3A_711 = arith.shrui %get3A_708, %shift_right_logical3A_710 : vector<16xi32>
    %swap3A_712 = arith.constant 2 : i32
    %swap3A_713 = arith.index_cast %swap3A_712 : i32 to index
    %swap3A_714 = arith.constant 96 : index
    %swap3A_715 = tpu.vector_load %arg12[%swap3A_713, %swap3A_714] {strides = array<i32>} : memref<4x128xi32, #tpu.memory_space<vmem>>, vector<16xi32>,
    tpu.vector_store %arg12[%swap3A_713, %swap3A_714], %shift_right_logical3A_711 {strides = array<i32>} : memref<4x128xi32, #tpu.memory_space<vmem>>, vector<16xi32>,
    %get3A_716 = arith.constant 2 : i32
    %get3A_717 = arith.index_cast %get3A_716 : i32 to index
    %get3A_718 = arith.constant 112 : index
    %get3A_719 = tpu.vector_load %arg9[%get3A_717, %get3A_718] {strides = array<i32>} : memref<4x128xi32, #tpu.memory_space<vmem>>, vector<16xi32>,
    %shift_right_logical3A_720 = arith.constant 1 : i32
    %shift_right_logical3A_721 = vector.broadcast %shift_right_logical3A_720 : i32 to vector<16xi32>
    %shift_right_logical3A_722 = arith.shrui %get3A_719, %shift_right_logical3A_721 : vector<16xi32>
    %swap3A_723 = arith.constant 2 : i32
    %swap3A_724 = arith.index_cast %swap3A_723 : i32 to index
    %swap3A_725 = arith.constant 112 : index
    %swap3A_726 = tpu.vector_load %arg11[%swap3A_724, %swap3A_725] {strides = array<i32>} : memref<4x128xi32, #tpu.memory_space<vmem>>, vector<16xi32>,
    tpu.vector_store %arg11[%swap3A_724, %swap3A_725], %shift_right_logical3A_722 {strides = array<i32>} : memref<4x128xi32, #tpu.memory_space<vmem>>, vector<16xi32>,
    %get3A_727 = arith.constant 2 : i32
    %get3A_728 = arith.index_cast %get3A_727 : i32 to index
    %get3A_729 = arith.constant 112 : index
    %get3A_730 = tpu.vector_load %arg10[%get3A_728, %get3A_729] {strides = array<i32>} : memref<4x128xi32, #tpu.memory_space<vmem>>, vector<16xi32>,
    %shift_right_logical3A_731 = arith.constant 1 : i32
    %shift_right_logical3A_732 = vector.broadcast %shift_right_logical3A_731 : i32 to vector<16xi32>
    %shift_right_logical3A_733 = arith.shrui %get3A_730, %shift_right_logical3A_732 : vector<16xi32>
    %swap3A_734 = arith.constant 2 : i32
    %swap3A_735 = arith.index_cast %swap3A_734 : i32 to index
    %swap3A_736 = arith.constant 112 : index
    %swap3A_737 = tpu.vector_load %arg12[%swap3A_735, %swap3A_736] {strides = array<i32>} : memref<4x128xi32, #tpu.memory_space<vmem>>, vector<16xi32>,
    tpu.vector_store %arg12[%swap3A_735, %swap3A_736], %shift_right_logical3A_733 {strides = array<i32>} : memref<4x128xi32, #tpu.memory_space<vmem>>, vector<16xi32>,
    %get3A_738 = arith.constant 3 : i32
    %get3A_739 = arith.index_cast %get3A_738 : i32 to index
    %get3A_740 = arith.constant 0 : index
    %get3A_741 = tpu.vector_load %arg9[%get3A_739, %get3A_740] {strides = array<i32>} : memref<4x128xi32, #tpu.memory_space<vmem>>, vector<16xi32>,
    %shift_right_logical3A_742 = arith.constant 1 : i32
    %shift_right_logical3A_743 = vector.broadcast %shift_right_logical3A_742 : i32 to vector<16xi32>
    %shift_right_logical3A_744 = arith.shrui %get3A_741, %shift_right_logical3A_743 : vector<16xi32>
    %swap3A_745 = arith.constant 3 : i32
    %swap3A_746 = arith.index_cast %swap3A_745 : i32 to index
    %swap3A_747 = arith.constant 0 : index
    %swap3A_748 = tpu.vector_load %arg11[%swap3A_746, %swap3A_747] {strides = array<i32>} : memref<4x128xi32, #tpu.memory_space<vmem>>, vector<16xi32>,
    tpu.vector_store %arg11[%swap3A_746, %swap3A_747], %shift_right_logical3A_744 {strides = array<i32>} : memref<4x128xi32, #tpu.memory_space<vmem>>, vector<16xi32>,
    %get3A_749 = arith.constant 3 : i32
    %get3A_750 = arith.index_cast %get3A_749 : i32 to index
    %get3A_751 = arith.constant 0 : index
    %get3A_752 = tpu.vector_load %arg10[%get3A_750, %get3A_751] {strides = array<i32>} : memref<4x128xi32, #tpu.memory_space<vmem>>, vector<16xi32>,
    %shift_right_logical3A_753 = arith.constant 1 : i32
    %shift_right_logical3A_754 = vector.broadcast %shift_right_logical3A_753 : i32 to vector<16xi32>
    %shift_right_logical3A_755 = arith.shrui %get3A_752, %shift_right_logical3A_754 : vector<16xi32>
    %swap3A_756 = arith.constant 3 : i32
    %swap3A_757 = arith.index_cast %swap3A_756 : i32 to index
    %swap3A_758 = arith.constant 0 : index
    %swap3A_759 = tpu.vector_load %arg12[%swap3A_757, %swap3A_758] {strides = array<i32>} : memref<4x128xi32, #tpu.memory_space<vmem>>, vector<16xi32>,
    tpu.vector_store %arg12[%swap3A_757, %swap3A_758], %shift_right_logical3A_755 {strides = array<i32>} : memref<4x128xi32, #tpu.memory_space<vmem>>, vector<16xi32>,
    %get3A_760 = arith.constant 3 : i32
    %get3A_761 = arith.index_cast %get3A_760 : i32 to index
    %get3A_762 = arith.constant 16 : index
    %get3A_763 = tpu.vector_load %arg9[%get3A_761, %get3A_762] {strides = array<i32>} : memref<4x128xi32, #tpu.memory_space<vmem>>, vector<16xi32>,
    %shift_right_logical3A_764 = arith.constant 1 : i32
    %shift_right_logical3A_765 = vector.broadcast %shift_right_logical3A_764 : i32 to vector<16xi32>
    %shift_right_logical3A_766 = arith.shrui %get3A_763, %shift_right_logical3A_765 : vector<16xi32>
    %swap3A_767 = arith.constant 3 : i32
    %swap3A_768 = arith.index_cast %swap3A_767 : i32 to index
    %swap3A_769 = arith.constant 16 : index
    %swap3A_770 = tpu.vector_load %arg11[%swap3A_768, %swap3A_769] {strides = array<i32>} : memref<4x128xi32, #tpu.memory_space<vmem>>, vector<16xi32>,
    tpu.vector_store %arg11[%swap3A_768, %swap3A_769], %shift_right_logical3A_766 {strides = array<i32>} : memref<4x128xi32, #tpu.memory_space<vmem>>, vector<16xi32>,
    %get3A_771 = arith.constant 3 : i32
    %get3A_772 = arith.index_cast %get3A_771 : i32 to index
    %get3A_773 = arith.constant 16 : index
    %get3A_774 = tpu.vector_load %arg10[%get3A_772, %get3A_773] {strides = array<i32>} : memref<4x128xi32, #tpu.memory_space<vmem>>, vector<16xi32>,
    %shift_right_logical3A_775 = arith.constant 1 : i32
    %shift_right_logical3A_776 = vector.broadcast %shift_right_logical3A_775 : i32 to vector<16xi32>
    %shift_right_logical3A_777 = arith.shrui %get3A_774, %shift_right_logical3A_776 : vector<16xi32>
    %swap3A_778 = arith.constant 3 : i32
    %swap3A_779 = arith.index_cast %swap3A_778 : i32 to index
    %swap3A_780 = arith.constant 16 : index
    %swap3A_781 = tpu.vector_load %arg12[%swap3A_779, %swap3A_780] {strides = array<i32>} : memref<4x128xi32, #tpu.memory_space<vmem>>, vector<16xi32>,
    tpu.vector_store %arg12[%swap3A_779, %swap3A_780], %shift_right_logical3A_777 {strides = array<i32>} : memref<4x128xi32, #tpu.memory_space<vmem>>, vector<16xi32>,
    %get3A_782 = arith.constant 3 : i32
    %get3A_783 = arith.index_cast %get3A_782 : i32 to index
    %get3A_784 = arith.constant 32 : index
    %get3A_785 = tpu.vector_load %arg9[%get3A_783, %get3A_784] {strides = array<i32>} : memref<4x128xi32, #tpu.memory_space<vmem>>, vector<16xi32>,
    %shift_right_logical3A_786 = arith.constant 1 : i32
    %shift_right_logical3A_787 = vector.broadcast %shift_right_logical3A_786 : i32 to vector<16xi32>
    %shift_right_logical3A_788 = arith.shrui %get3A_785, %shift_right_logical3A_787 : vector<16xi32>
    %swap3A_789 = arith.constant 3 : i32
    %swap3A_790 = arith.index_cast %swap3A_789 : i32 to index
    %swap3A_791 = arith.constant 32 : index
    %swap3A_792 = tpu.vector_load %arg11[%swap3A_790, %swap3A_791] {strides = array<i32>} : memref<4x128xi32, #tpu.memory_space<vmem>>, vector<16xi32>,
    tpu.vector_store %arg11[%swap3A_790, %swap3A_791], %shift_right_logical3A_788 {strides = array<i32>} : memref<4x128xi32, #tpu.memory_space<vmem>>, vector<16xi32>,
    %get3A_793 = arith.constant 3 : i32
    %get3A_794 = arith.index_cast %get3A_793 : i32 to index
    %get3A_795 = arith.constant 32 : index
    %get3A_796 = tpu.vector_load %arg10[%get3A_794, %get3A_795] {strides = array<i32>} : memref<4x128xi32, #tpu.memory_space<vmem>>, vector<16xi32>,
    %shift_right_logical3A_797 = arith.constant 1 : i32
    %shift_right_logical3A_798 = vector.broadcast %shift_right_logical3A_797 : i32 to vector<16xi32>
    %shift_right_logical3A_799 = arith.shrui %get3A_796, %shift_right_logical3A_798 : vector<16xi32>
    %swap3A_800 = arith.constant 3 : i32
    %swap3A_801 = arith.index_cast %swap3A_800 : i32 to index
    %swap3A_802 = arith.constant 32 : index
    %swap3A_803 = tpu.vector_load %arg12[%swap3A_801, %swap3A_802] {strides = array<i32>} : memref<4x128xi32, #tpu.memory_space<vmem>>, vector<16xi32>,
    tpu.vector_store %arg12[%swap3A_801, %swap3A_802], %shift_right_logical3A_799 {strides = array<i32>} : memref<4x128xi32, #tpu.memory_space<vmem>>, vector<16xi32>,
    %get3A_804 = arith.constant 3 : i32
    %get3A_805 = arith.index_cast %get3A_804 : i32 to index
    %get3A_806 = arith.constant 48 : index
    %get3A_807 = tpu.vector_load %arg9[%get3A_805, %get3A_806] {strides = array<i32>} : memref<4x128xi32, #tpu.memory_space<vmem>>, vector<16xi32>,
    %shift_right_logical3A_808 = arith.constant 1 : i32
    %shift_right_logical3A_809 = vector.broadcast %shift_right_logical3A_808 : i32 to vector<16xi32>
    %shift_right_logical3A_810 = arith.shrui %get3A_807, %shift_right_logical3A_809 : vector<16xi32>
    %swap3A_811 = arith.constant 3 : i32
    %swap3A_812 = arith.index_cast %swap3A_811 : i32 to index
    %swap3A_813 = arith.constant 48 : index
    %swap3A_814 = tpu.vector_load %arg11[%swap3A_812, %swap3A_813] {strides = array<i32>} : memref<4x128xi32, #tpu.memory_space<vmem>>, vector<16xi32>,
    tpu.vector_store %arg11[%swap3A_812, %swap3A_813], %shift_right_logical3A_810 {strides = array<i32>} : memref<4x128xi32, #tpu.memory_space<vmem>>, vector<16xi32>,
    %get3A_815 = arith.constant 3 : i32
    %get3A_816 = arith.index_cast %get3A_815 : i32 to index
    %get3A_817 = arith.constant 48 : index
    %get3A_818 = tpu.vector_load %arg10[%get3A_816, %get3A_817] {strides = array<i32>} : memref<4x128xi32, #tpu.memory_space<vmem>>, vector<16xi32>,
    %shift_right_logical3A_819 = arith.constant 1 : i32
    %shift_right_logical3A_820 = vector.broadcast %shift_right_logical3A_819 : i32 to vector<16xi32>
    %shift_right_logical3A_821 = arith.shrui %get3A_818, %shift_right_logical3A_820 : vector<16xi32>
    %swap3A_822 = arith.constant 3 : i32
    %swap3A_823 = arith.index_cast %swap3A_822 : i32 to index
    %swap3A_824 = arith.constant 48 : index
    %swap3A_825 = tpu.vector_load %arg12[%swap3A_823, %swap3A_824] {strides = array<i32>} : memref<4x128xi32, #tpu.memory_space<vmem>>, vector<16xi32>,
    tpu.vector_store %arg12[%swap3A_823, %swap3A_824], %shift_right_logical3A_821 {strides = array<i32>} : memref<4x128xi32, #tpu.memory_space<vmem>>, vector<16xi32>,
    %get3A_826 = arith.constant 3 : i32
    %get3A_827 = arith.index_cast %get3A_826 : i32 to index
    %get3A_828 = arith.constant 64 : index
    %get3A_829 = tpu.vector_load %arg9[%get3A_827, %get3A_828] {strides = array<i32>} : memref<4x128xi32, #tpu.memory_space<vmem>>, vector<16xi32>,
    %shift_right_logical3A_830 = arith.constant 1 : i32
    %shift_right_logical3A_831 = vector.broadcast %shift_right_logical3A_830 : i32 to vector<16xi32>
    %shift_right_logical3A_832 = arith.shrui %get3A_829, %shift_right_logical3A_831 : vector<16xi32>
    %swap3A_833 = arith.constant 3 : i32
    %swap3A_834 = arith.index_cast %swap3A_833 : i32 to index
    %swap3A_835 = arith.constant 64 : index
    %swap3A_836 = tpu.vector_load %arg11[%swap3A_834, %swap3A_835] {strides = array<i32>} : memref<4x128xi32, #tpu.memory_space<vmem>>, vector<16xi32>,
    tpu.vector_store %arg11[%swap3A_834, %swap3A_835], %shift_right_logical3A_832 {strides = array<i32>} : memref<4x128xi32, #tpu.memory_space<vmem>>, vector<16xi32>,
    %get3A_837 = arith.constant 3 : i32
    %get3A_838 = arith.index_cast %get3A_837 : i32 to index
    %get3A_839 = arith.constant 64 : index
    %get3A_840 = tpu.vector_load %arg10[%get3A_838, %get3A_839] {strides = array<i32>} : memref<4x128xi32, #tpu.memory_space<vmem>>, vector<16xi32>,
    %shift_right_logical3A_841 = arith.constant 1 : i32
    %shift_right_logical3A_842 = vector.broadcast %shift_right_logical3A_841 : i32 to vector<16xi32>
    %shift_right_logical3A_843 = arith.shrui %get3A_840, %shift_right_logical3A_842 : vector<16xi32>
    %swap3A_844 = arith.constant 3 : i32
    %swap3A_845 = arith.index_cast %swap3A_844 : i32 to index
    %swap3A_846 = arith.constant 64 : index
    %swap3A_847 = tpu.vector_load %arg12[%swap3A_845, %swap3A_846] {strides = array<i32>} : memref<4x128xi32, #tpu.memory_space<vmem>>, vector<16xi32>,
    tpu.vector_store %arg12[%swap3A_845, %swap3A_846], %shift_right_logical3A_843 {strides = array<i32>} : memref<4x128xi32, #tpu.memory_space<vmem>>, vector<16xi32>,
    %get3A_848 = arith.constant 3 : i32
    %get3A_849 = arith.index_cast %get3A_848 : i32 to index
    %get3A_850 = arith.constant 80 : index
    %get3A_851 = tpu.vector_load %arg9[%get3A_849, %get3A_850] {strides = array<i32>} : memref<4x128xi32, #tpu.memory_space<vmem>>, vector<16xi32>,
    %shift_right_logical3A_852 = arith.constant 1 : i32
    %shift_right_logical3A_853 = vector.broadcast %shift_right_logical3A_852 : i32 to vector<16xi32>
    %shift_right_logical3A_854 = arith.shrui %get3A_851, %shift_right_logical3A_853 : vector<16xi32>
    %swap3A_855 = arith.constant 3 : i32
    %swap3A_856 = arith.index_cast %swap3A_855 : i32 to index
    %swap3A_857 = arith.constant 80 : index
    %swap3A_858 = tpu.vector_load %arg11[%swap3A_856, %swap3A_857] {strides = array<i32>} : memref<4x128xi32, #tpu.memory_space<vmem>>, vector<16xi32>,
    tpu.vector_store %arg11[%swap3A_856, %swap3A_857], %shift_right_logical3A_854 {strides = array<i32>} : memref<4x128xi32, #tpu.memory_space<vmem>>, vector<16xi32>,
    %get3A_859 = arith.constant 3 : i32
    %get3A_860 = arith.index_cast %get3A_859 : i32 to index
    %get3A_861 = arith.constant 80 : index
    %get3A_862 = tpu.vector_load %arg10[%get3A_860, %get3A_861] {strides = array<i32>} : memref<4x128xi32, #tpu.memory_space<vmem>>, vector<16xi32>,
    %shift_right_logical3A_863 = arith.constant 1 : i32
    %shift_right_logical3A_864 = vector.broadcast %shift_right_logical3A_863 : i32 to vector<16xi32>
    %shift_right_logical3A_865 = arith.shrui %get3A_862, %shift_right_logical3A_864 : vector<16xi32>
    %swap3A_866 = arith.constant 3 : i32
    %swap3A_867 = arith.index_cast %swap3A_866 : i32 to index
    %swap3A_868 = arith.constant 80 : index
    %swap3A_869 = tpu.vector_load %arg12[%swap3A_867, %swap3A_868] {strides = array<i32>} : memref<4x128xi32, #tpu.memory_space<vmem>>, vector<16xi32>,
    tpu.vector_store %arg12[%swap3A_867, %swap3A_868], %shift_right_logical3A_865 {strides = array<i32>} : memref<4x128xi32, #tpu.memory_space<vmem>>, vector<16xi32>,
    %get3A_870 = arith.constant 3 : i32
    %get3A_871 = arith.index_cast %get3A_870 : i32 to index
    %get3A_872 = arith.constant 96 : index
    %get3A_873 = tpu.vector_load %arg9[%get3A_871, %get3A_872] {strides = array<i32>} : memref<4x128xi32, #tpu.memory_space<vmem>>, vector<16xi32>,
    %shift_right_logical3A_874 = arith.constant 1 : i32
    %shift_right_logical3A_875 = vector.broadcast %shift_right_logical3A_874 : i32 to vector<16xi32>
    %shift_right_logical3A_876 = arith.shrui %get3A_873, %shift_right_logical3A_875 : vector<16xi32>
    %swap3A_877 = arith.constant 3 : i32
    %swap3A_878 = arith.index_cast %swap3A_877 : i32 to index
    %swap3A_879 = arith.constant 96 : index
    %swap3A_880 = tpu.vector_load %arg11[%swap3A_878, %swap3A_879] {strides = array<i32>} : memref<4x128xi32, #tpu.memory_space<vmem>>, vector<16xi32>,
    tpu.vector_store %arg11[%swap3A_878, %swap3A_879], %shift_right_logical3A_876 {strides = array<i32>} : memref<4x128xi32, #tpu.memory_space<vmem>>, vector<16xi32>,
    %get3A_881 = arith.constant 3 : i32
    %get3A_882 = arith.index_cast %get3A_881 : i32 to index
    %get3A_883 = arith.constant 96 : index
    %get3A_884 = tpu.vector_load %arg10[%get3A_882, %get3A_883] {strides = array<i32>} : memref<4x128xi32, #tpu.memory_space<vmem>>, vector<16xi32>,
    %shift_right_logical3A_885 = arith.constant 1 : i32
    %shift_right_logical3A_886 = vector.broadcast %shift_right_logical3A_885 : i32 to vector<16xi32>
    %shift_right_logical3A_887 = arith.shrui %get3A_884, %shift_right_logical3A_886 : vector<16xi32>
    %swap3A_888 = arith.constant 3 : i32
    %swap3A_889 = arith.index_cast %swap3A_888 : i32 to index
    %swap3A_890 = arith.constant 96 : index
    %swap3A_891 = tpu.vector_load %arg12[%swap3A_889, %swap3A_890] {strides = array<i32>} : memref<4x128xi32, #tpu.memory_space<vmem>>, vector<16xi32>,
    tpu.vector_store %arg12[%swap3A_889, %swap3A_890], %shift_right_logical3A_887 {strides = array<i32>} : memref<4x128xi32, #tpu.memory_space<vmem>>, vector<16xi32>,
    %get3A_892 = arith.constant 3 : i32
    %get3A_893 = arith.index_cast %get3A_892 : i32 to index
    %get3A_894 = arith.constant 112 : index
    %get3A_895 = tpu.vector_load %arg9[%get3A_893, %get3A_894] {strides = array<i32>} : memref<4x128xi32, #tpu.memory_space<vmem>>, vector<16xi32>,
    %shift_right_logical3A_896 = arith.constant 1 : i32
    %shift_right_logical3A_897 = vector.broadcast %shift_right_logical3A_896 : i32 to vector<16xi32>
    %shift_right_logical3A_898 = arith.shrui %get3A_895, %shift_right_logical3A_897 : vector<16xi32>
    %swap3A_899 = arith.constant 3 : i32
    %swap3A_900 = arith.index_cast %swap3A_899 : i32 to index
    %swap3A_901 = arith.constant 112 : index
    %swap3A_902 = tpu.vector_load %arg11[%swap3A_900, %swap3A_901] {strides = array<i32>} : memref<4x128xi32, #tpu.memory_space<vmem>>, vector<16xi32>,
    tpu.vector_store %arg11[%swap3A_900, %swap3A_901], %shift_right_logical3A_898 {strides = array<i32>} : memref<4x128xi32, #tpu.memory_space<vmem>>, vector<16xi32>,
    %get3A_903 = arith.constant 3 : i32
    %get3A_904 = arith.index_cast %get3A_903 : i32 to index
    %get3A_905 = arith.constant 112 : index
    %get3A_906 = tpu.vector_load %arg10[%get3A_904, %get3A_905] {strides = array<i32>} : memref<4x128xi32, #tpu.memory_space<vmem>>, vector<16xi32>,
    %shift_right_logical3A_907 = arith.constant 1 : i32
    %shift_right_logical3A_908 = vector.broadcast %shift_right_logical3A_907 : i32 to vector<16xi32>
    %shift_right_logical3A_909 = arith.shrui %get3A_906, %shift_right_logical3A_908 : vector<16xi32>
    %swap3A_910 = arith.constant 3 : i32
    %swap3A_911 = arith.index_cast %swap3A_910 : i32 to index
    %swap3A_912 = arith.constant 112 : index
    %swap3A_913 = tpu.vector_load %arg12[%swap3A_911, %swap3A_912] {strides = array<i32>} : memref<4x128xi32, #tpu.memory_space<vmem>>, vector<16xi32>,
    tpu.vector_store %arg12[%swap3A_911, %swap3A_912], %shift_right_logical3A_909 {strides = array<i32>} : memref<4x128xi32, #tpu.memory_space<vmem>>, vector<16xi32>,
    %dma_start3A = arith.constant 0 : i32
    %dma_start3A_914 = arith.constant 0 : i32
    %dma_start3A_915 = arith.constant 0 : i32
    %dma_start3A_916 = arith.constant 0 : i32
    %dma_start3A_917 = arith.constant 0 : i32
    %dma_start3A_918 = tpu.memref_slice %arg13[%dma_start3A_915, %dma_start3A_916, %dma_start3A_917] : memref<2x128x128xf32, #tpu.memory_space<vmem>> -> memref<1x128x128xf32, #tpu.memory_space<vmem>>
    %dma_start3A_919 = tpu.memref_squeeze %dma_start3A_918 : memref<1x128x128xf32, #tpu.memory_space<vmem>> -> memref<128x128xf32, #tpu.memory_space<vmem>>
    %dma_start3A_920 = arith.constant 0 : i32
    %dma_start3A_921 = tpu.memref_slice %arg11[%dma_start3A_914, %dma_start3A_920] : memref<4x128xi32, #tpu.memory_space<vmem>> -> memref<1x128xi32, #tpu.memory_space<vmem>>
    %dma_start3A_922 = tpu.memref_squeeze %dma_start3A_921 : memref<1x128xi32, #tpu.memory_space<vmem>> -> memref<128xi32, #tpu.memory_space<vmem>>
    %dma_start3A_923 = arith.constant 0 : i32
    %dma_start3A_924 = arith.constant 0 : i32
    %dma_start3A_925 = tpu.memref_slice %arg4[%dma_start3A, %dma_start3A_923, %dma_start3A_924] : memref<6x50000x128xf32, #tpu.memory_space<hbm>> -> memref<1x50000x128xf32, #tpu.memory_space<hbm>>
    %dma_start3A_926 = tpu.memref_squeeze %dma_start3A_925 : memref<1x50000x128xf32, #tpu.memory_space<hbm>> -> memref<50000x128xf32, #tpu.memory_space<hbm>>
    %dma_start3A_927 = arith.constant 0 : i32
    %dma_start3A_928 = arith.constant 0 : i32
    %dma_start3A_929 = tpu.memref_slice %dma_start3A_926[%dma_start3A_927, %dma_start3A_928] : memref<50000x128xf32, #tpu.memory_space<hbm>> -> memref<50000x128xf32, #tpu.memory_space<hbm>>
    tpu.enqueue_indirect_dma source(%dma_start3A_929 : memref<50000x128xf32, #tpu.memory_space<hbm>>) target(%dma_start3A_919 : memref<128x128xf32, #tpu.memory_space<vmem>>) offsets(%dma_start3A_922 : memref<128xi32, #tpu.memory_space<vmem>>) semaphore(%arg18 : memref<!tpu.dma_semaphore, #tpu.memory_space<semaphore_mem>>)
    %dma_start3A_930 = arith.constant 0 : i32
    %dma_start3A_931 = arith.constant 0 : i32
    %dma_start3A_932 = arith.constant 0 : i32
    %dma_start3A_933 = arith.constant 0 : i32
    %dma_start3A_934 = arith.constant 0 : i32
    %dma_start3A_935 = tpu.memref_slice %arg14[%dma_start3A_932, %dma_start3A_933, %dma_start3A_934] : memref<2x128x128xf32, #tpu.memory_space<vmem>> -> memref<1x128x128xf32, #tpu.memory_space<vmem>>
    %dma_start3A_936 = tpu.memref_squeeze %dma_start3A_935 : memref<1x128x128xf32, #tpu.memory_space<vmem>> -> memref<128x128xf32, #tpu.memory_space<vmem>>
    %dma_start3A_937 = arith.constant 0 : i32
    %dma_start3A_938 = tpu.memref_slice %arg12[%dma_start3A_931, %dma_start3A_937] : memref<4x128xi32, #tpu.memory_space<vmem>> -> memref<1x128xi32, #tpu.memory_space<vmem>>
    %dma_start3A_939 = tpu.memref_squeeze %dma_start3A_938 : memref<1x128xi32, #tpu.memory_space<vmem>> -> memref<128xi32, #tpu.memory_space<vmem>>
    %dma_start3A_940 = arith.constant 0 : i32
    %dma_start3A_941 = arith.constant 0 : i32
    %dma_start3A_942 = tpu.memref_slice %arg5[%dma_start3A_930, %dma_start3A_940, %dma_start3A_941] : memref<6x50000x128xf32, #tpu.memory_space<hbm>> -> memref<1x50000x128xf32, #tpu.memory_space<hbm>>
    %dma_start3A_943 = tpu.memref_squeeze %dma_start3A_942 : memref<1x50000x128xf32, #tpu.memory_space<hbm>> -> memref<50000x128xf32, #tpu.memory_space<hbm>>
    %dma_start3A_944 = arith.constant 0 : i32
    %dma_start3A_945 = arith.constant 0 : i32
    %dma_start3A_946 = tpu.memref_slice %dma_start3A_943[%dma_start3A_944, %dma_start3A_945] : memref<50000x128xf32, #tpu.memory_space<hbm>> -> memref<50000x128xf32, #tpu.memory_space<hbm>>
    tpu.enqueue_indirect_dma source(%dma_start3A_946 : memref<50000x128xf32, #tpu.memory_space<hbm>>) target(%dma_start3A_936 : memref<128x128xf32, #tpu.memory_space<vmem>>) offsets(%dma_start3A_939 : memref<128xi32, #tpu.memory_space<vmem>>) semaphore(%arg18 : memref<!tpu.dma_semaphore, #tpu.memory_space<semaphore_mem>>)
    %scan3A = arith.constant 0 : i32
    %scan3A_947 = arith.constant 24 : i32
    %scan3A_948 = arith.addi %scan3A, %scan3A_947 : i32
    %scan3A_949 = arith.constant 1 : i32
    scf.for %scan3A_1399 = %scan3A to %scan3A_948 step %scan3A_949  : i32 {
      %shift_right_logical3A_1400 = arith.constant 2 : i32
      %shift_right_logical3A_1401 = arith.shrui %scan3A_1399, %shift_right_logical3A_1400 : i32
      %and3A = arith.constant 3 : i32
      %and3A_1402 = arith.andi %scan3A_1399, %and3A : i32
      %and3A_1403 = arith.constant 1 : i32
      %and3A_1404 = arith.andi %scan3A_1399, %and3A_1403 : i32
      %dma_wait3A = arith.constant 0 : i32
      %dma_wait3A_1405 = arith.constant 0 : i32
      %dma_wait3A_1406 = tpu.memref_slice %arg13[%and3A_1404, %dma_wait3A, %dma_wait3A_1405] : memref<2x128x128xf32, #tpu.memory_space<vmem>> -> memref<1x128x128xf32, #tpu.memory_space<vmem>>
      %dma_wait3A_1407 = tpu.memref_squeeze %dma_wait3A_1406 : memref<1x128x128xf32, #tpu.memory_space<vmem>> -> memref<128x128xf32, #tpu.memory_space<vmem>>
      %dma_wait3A_1408 = arith.constant 0 : i32
      %dma_wait3A_1409 = tpu.memref_slice %arg11[%and3A_1402, %dma_wait3A_1408] : memref<4x128xi32, #tpu.memory_space<vmem>> -> memref<1x128xi32, #tpu.memory_space<vmem>>
      %dma_wait3A_1410 = tpu.memref_squeeze %dma_wait3A_1409 : memref<1x128xi32, #tpu.memory_space<vmem>> -> memref<128xi32, #tpu.memory_space<vmem>>
      %dma_wait3A_1411 = arith.constant 0 : i32
      %dma_wait3A_1412 = arith.constant 0 : i32
      %dma_wait3A_1413 = tpu.memref_slice %arg4[%shift_right_logical3A_1401, %dma_wait3A_1411, %dma_wait3A_1412] : memref<6x50000x128xf32, #tpu.memory_space<hbm>> -> memref<1x50000x128xf32, #tpu.memory_space<hbm>>
      %dma_wait3A_1414 = tpu.memref_squeeze %dma_wait3A_1413 : memref<1x50000x128xf32, #tpu.memory_space<hbm>> -> memref<50000x128xf32, #tpu.memory_space<hbm>>
      %dma_wait3A_1415 = arith.constant 0 : i32
      %dma_wait3A_1416 = arith.constant 0 : i32
      %dma_wait3A_1417 = tpu.memref_slice %dma_wait3A_1414[%dma_wait3A_1415, %dma_wait3A_1416] : memref<50000x128xf32, #tpu.memory_space<hbm>> -> memref<50000x128xf32, #tpu.memory_space<hbm>>
      tpu.wait_indirect_dma semaphore(%arg18 : memref<!tpu.dma_semaphore, #tpu.memory_space<semaphore_mem>>) src(%dma_wait3A_1417 : memref<50000x128xf32, #tpu.memory_space<hbm>>) dst(%dma_wait3A_1407 : memref<128x128xf32, #tpu.memory_space<vmem>>)
      %dma_wait3A_1418 = arith.constant 0 : i32
      %dma_wait3A_1419 = arith.constant 0 : i32
      %dma_wait3A_1420 = tpu.memref_slice %arg14[%and3A_1404, %dma_wait3A_1418, %dma_wait3A_1419] : memref<2x128x128xf32, #tpu.memory_space<vmem>> -> memref<1x128x128xf32, #tpu.memory_space<vmem>>
      %dma_wait3A_1421 = tpu.memref_squeeze %dma_wait3A_1420 : memref<1x128x128xf32, #tpu.memory_space<vmem>> -> memref<128x128xf32, #tpu.memory_space<vmem>>
      %dma_wait3A_1422 = arith.constant 0 : i32
      %dma_wait3A_1423 = tpu.memref_slice %arg12[%and3A_1402, %dma_wait3A_1422] : memref<4x128xi32, #tpu.memory_space<vmem>> -> memref<1x128xi32, #tpu.memory_space<vmem>>
      %dma_wait3A_1424 = tpu.memref_squeeze %dma_wait3A_1423 : memref<1x128xi32, #tpu.memory_space<vmem>> -> memref<128xi32, #tpu.memory_space<vmem>>
      %dma_wait3A_1425 = arith.constant 0 : i32
      %dma_wait3A_1426 = arith.constant 0 : i32
      %dma_wait3A_1427 = tpu.memref_slice %arg5[%shift_right_logical3A_1401, %dma_wait3A_1425, %dma_wait3A_1426] : memref<6x50000x128xf32, #tpu.memory_space<hbm>> -> memref<1x50000x128xf32, #tpu.memory_space<hbm>>
      %dma_wait3A_1428 = tpu.memref_squeeze %dma_wait3A_1427 : memref<1x50000x128xf32, #tpu.memory_space<hbm>> -> memref<50000x128xf32, #tpu.memory_space<hbm>>
      %dma_wait3A_1429 = arith.constant 0 : i32
      %dma_wait3A_1430 = arith.constant 0 : i32
      %dma_wait3A_1431 = tpu.memref_slice %dma_wait3A_1428[%dma_wait3A_1429, %dma_wait3A_1430] : memref<50000x128xf32, #tpu.memory_space<hbm>> -> memref<50000x128xf32, #tpu.memory_space<hbm>>
      tpu.wait_indirect_dma semaphore(%arg18 : memref<!tpu.dma_semaphore, #tpu.memory_space<semaphore_mem>>) src(%dma_wait3A_1431 : memref<50000x128xf32, #tpu.memory_space<hbm>>) dst(%dma_wait3A_1421 : memref<128x128xf32, #tpu.memory_space<vmem>>)
      %lt3A = arith.constant 23 : i32
      %lt3A_1432 = arith.cmpi slt, %scan3A_1399, %lt3A : i32
      %convert_element_type3A = arith.extui %lt3A_1432 : i1 to i32
      %cond3A = arith.constant 0 : i32
      %cond3A_1433 = arith.cmpi ne, %convert_element_type3A, %cond3A : i32
      scf.if %cond3A_1433 {
        %add3A_1474 = arith.constant 1 : i32
        %add3A_1475 = arith.addi %scan3A_1399, %add3A_1474 : i32
        %shift_right_logical3A_1476 = arith.constant 2 : i32
        %shift_right_logical3A_1477 = arith.shrui %add3A_1475, %shift_right_logical3A_1476 : i32
        %and3A_1478 = arith.constant 3 : i32
        %and3A_1479 = arith.andi %add3A_1475, %and3A_1478 : i32
        %and3A_1480 = arith.constant 1 : i32
        %and3A_1481 = arith.andi %add3A_1475, %and3A_1480 : i32
        %dma_start3A_1482 = arith.constant 0 : i32
        %dma_start3A_1483 = arith.constant 0 : i32
        %dma_start3A_1484 = tpu.memref_slice %arg13[%and3A_1481, %dma_start3A_1482, %dma_start3A_1483] : memref<2x128x128xf32, #tpu.memory_space<vmem>> -> memref<1x128x128xf32, #tpu.memory_space<vmem>>
        %dma_start3A_1485 = tpu.memref_squeeze %dma_start3A_1484 : memref<1x128x128xf32, #tpu.memory_space<vmem>> -> memref<128x128xf32, #tpu.memory_space<vmem>>
        %dma_start3A_1486 = arith.constant 0 : i32
        %dma_start3A_1487 = tpu.memref_slice %arg11[%and3A_1479, %dma_start3A_1486] : memref<4x128xi32, #tpu.memory_space<vmem>> -> memref<1x128xi32, #tpu.memory_space<vmem>>
        %dma_start3A_1488 = tpu.memref_squeeze %dma_start3A_1487 : memref<1x128xi32, #tpu.memory_space<vmem>> -> memref<128xi32, #tpu.memory_space<vmem>>
        %dma_start3A_1489 = arith.constant 0 : i32
        %dma_start3A_1490 = arith.constant 0 : i32
        %dma_start3A_1491 = tpu.memref_slice %arg4[%shift_right_logical3A_1477, %dma_start3A_1489, %dma_start3A_1490] : memref<6x50000x128xf32, #tpu.memory_space<hbm>> -> memref<1x50000x128xf32, #tpu.memory_space<hbm>>
        %dma_start3A_1492 = tpu.memref_squeeze %dma_start3A_1491 : memref<1x50000x128xf32, #tpu.memory_space<hbm>> -> memref<50000x128xf32, #tpu.memory_space<hbm>>
        %dma_start3A_1493 = arith.constant 0 : i32
        %dma_start3A_1494 = arith.constant 0 : i32
        %dma_start3A_1495 = tpu.memref_slice %dma_start3A_1492[%dma_start3A_1493, %dma_start3A_1494] : memref<50000x128xf32, #tpu.memory_space<hbm>> -> memref<50000x128xf32, #tpu.memory_space<hbm>>
        tpu.enqueue_indirect_dma source(%dma_start3A_1495 : memref<50000x128xf32, #tpu.memory_space<hbm>>) target(%dma_start3A_1485 : memref<128x128xf32, #tpu.memory_space<vmem>>) offsets(%dma_start3A_1488 : memref<128xi32, #tpu.memory_space<vmem>>) semaphore(%arg18 : memref<!tpu.dma_semaphore, #tpu.memory_space<semaphore_mem>>)
        %dma_start3A_1496 = arith.constant 0 : i32
        %dma_start3A_1497 = arith.constant 0 : i32
        %dma_start3A_1498 = tpu.memref_slice %arg14[%and3A_1481, %dma_start3A_1496, %dma_start3A_1497] : memref<2x128x128xf32, #tpu.memory_space<vmem>> -> memref<1x128x128xf32, #tpu.memory_space<vmem>>
        %dma_start3A_1499 = tpu.memref_squeeze %dma_start3A_1498 : memref<1x128x128xf32, #tpu.memory_space<vmem>> -> memref<128x128xf32, #tpu.memory_space<vmem>>
        %dma_start3A_1500 = arith.constant 0 : i32
        %dma_start3A_1501 = tpu.memref_slice %arg12[%and3A_1479, %dma_start3A_1500] : memref<4x128xi32, #tpu.memory_space<vmem>> -> memref<1x128xi32, #tpu.memory_space<vmem>>
        %dma_start3A_1502 = tpu.memref_squeeze %dma_start3A_1501 : memref<1x128xi32, #tpu.memory_space<vmem>> -> memref<128xi32, #tpu.memory_space<vmem>>
        %dma_start3A_1503 = arith.constant 0 : i32
        %dma_start3A_1504 = arith.constant 0 : i32
        %dma_start3A_1505 = tpu.memref_slice %arg5[%shift_right_logical3A_1477, %dma_start3A_1503, %dma_start3A_1504] : memref<6x50000x128xf32, #tpu.memory_space<hbm>> -> memref<1x50000x128xf32, #tpu.memory_space<hbm>>
        %dma_start3A_1506 = tpu.memref_squeeze %dma_start3A_1505 : memref<1x50000x128xf32, #tpu.memory_space<hbm>> -> memref<50000x128xf32, #tpu.memory_space<hbm>>
        %dma_start3A_1507 = arith.constant 0 : i32
        %dma_start3A_1508 = arith.constant 0 : i32
        %dma_start3A_1509 = tpu.memref_slice %dma_start3A_1506[%dma_start3A_1507, %dma_start3A_1508] : memref<50000x128xf32, #tpu.memory_space<hbm>> -> memref<50000x128xf32, #tpu.memory_space<hbm>>
        tpu.enqueue_indirect_dma source(%dma_start3A_1509 : memref<50000x128xf32, #tpu.memory_space<hbm>>) target(%dma_start3A_1499 : memref<128x128xf32, #tpu.memory_space<vmem>>) offsets(%dma_start3A_1502 : memref<128xi32, #tpu.memory_space<vmem>>) semaphore(%arg18 : memref<!tpu.dma_semaphore, #tpu.memory_space<semaphore_mem>>)
      } else {
      }
      %mul3A_1434 = arith.constant 64 : i32
      %mul3A_1435 = arith.muli %shift_right_logical3A_1401, %mul3A_1434 : i32
      %add3A_1436 = arith.constant 0 : i32
      %add3A_1437 = arith.addi %mul3A_1435, %add3A_1436 : i32
      %get3A_1438 = arith.index_cast %add3A_1437 : i32 to index
      %get3A_1439 = tpu.vector_load %arg17[%get3A_1438] {strides = array<i32>} : memref<512xf32, #tpu.memory_space<vmem>>, vector<16xf32>,
      %mul3A_1440 = arith.constant 64 : i32
      %mul3A_1441 = arith.muli %shift_right_logical3A_1401, %mul3A_1440 : i32
      %add3A_1442 = arith.constant 16 : i32
      %add3A_1443 = arith.addi %mul3A_1441, %add3A_1442 : i32
      %get3A_1444 = arith.index_cast %add3A_1443 : i32 to index
      %get3A_1445 = tpu.vector_load %arg17[%get3A_1444] {strides = array<i32>} : memref<512xf32, #tpu.memory_space<vmem>>, vector<16xf32>,
      %mul3A_1446 = arith.constant 64 : i32
      %mul3A_1447 = arith.muli %shift_right_logical3A_1401, %mul3A_1446 : i32
      %add3A_1448 = arith.constant 32 : i32
      %add3A_1449 = arith.addi %mul3A_1447, %add3A_1448 : i32
      %get3A_1450 = arith.index_cast %add3A_1449 : i32 to index
      %get3A_1451 = tpu.vector_load %arg17[%get3A_1450] {strides = array<i32>} : memref<512xf32, #tpu.memory_space<vmem>>, vector<16xf32>,
      %mul3A_1452 = arith.constant 64 : i32
      %mul3A_1453 = arith.muli %shift_right_logical3A_1401, %mul3A_1452 : i32
      %add3A_1454 = arith.constant 48 : i32
      %add3A_1455 = arith.addi %mul3A_1453, %add3A_1454 : i32
      %get3A_1456 = arith.index_cast %add3A_1455 : i32 to index
      %get3A_1457 = tpu.vector_load %arg17[%get3A_1456] {strides = array<i32>} : memref<512xf32, #tpu.memory_space<vmem>>, vector<16xf32>,
      %get3A_1458 = arith.constant 384 : index
      %get3A_1459 = tpu.vector_load %arg17[%get3A_1458] {strides = array<i32>} : memref<512xf32, #tpu.memory_space<vmem>>, vector<16xf32>,
      %broadcast_in_dim3A_1460 = vector.broadcast %shift_right_logical3A_1401 : i32 to vector<16xi32>
      %lt3A_1461 = arith.constant 0 : i32
      %lt3A_1462 = vector.broadcast %lt3A_1461 : i32 to vector<16xi32>
      %lt3A_1463 = arith.cmpi slt, %broadcast_in_dim3A_1460, %lt3A_1462 : vector<16xi32>
      %add3A_1464 = arith.constant 16 : i32
      %add3A_1465 = vector.broadcast %add3A_1464 : i32 to vector<16xi32>
      %add3A_1466 = arith.addi %broadcast_in_dim3A_1460, %add3A_1465 : vector<16xi32>
      %select_n3A = arith.select %lt3A_1463, %add3A_1466, %broadcast_in_dim3A_1460 : vector<16xi1>, vector<16xi32>
      %broadcast_in_dim3A_1467 = vector.shape_cast %select_n3A : vector<16xi32> to vector<16x1xi32>
      %gather3A = vector.shape_cast %broadcast_in_dim3A_1467 : vector<16x1xi32> to vector<16xi32>
      %gather3A_1468 = tpu.dynamic_gather %get3A_1459[%gather3A] in [0] : vector<16xf32>, vector<16xi32> -> vector<16xf32>
      %scan3A_1469 = arith.constant 0 : i32
      %scan3A_1470 = arith.constant 8 : i32
      %scan3A_1471 = arith.addi %scan3A_1469, %scan3A_1470 : i32
      %scan3A_1472 = arith.constant 1 : i32
      scf.for %scan3A_1474 = %scan3A_1469 to %scan3A_1471 step %scan3A_1472  : i32 {
        %mul3A_1475 = arith.constant 16 : i32
        %mul3A_1476 = arith.muli %scan3A_1474, %mul3A_1475 : i32
        %get3A_1477 = arith.index_cast %and3A_1402 : i32 to index
        %get3A_1478 = arith.index_cast %mul3A_1476 : i32 to index
        %get3A_1479 = tpu.vector_load %arg9[%get3A_1477, %get3A_1478] {strides = array<i32>} : memref<4x128xi32, #tpu.memory_space<vmem>>, vector<16xi32>,
        %get3A_1480 = arith.index_cast %and3A_1402 : i32 to index
        %get3A_1481 = arith.index_cast %mul3A_1476 : i32 to index
        %get3A_1482 = tpu.vector_load %arg10[%get3A_1480, %get3A_1481] {strides = array<i32>} : memref<4x128xi32, #tpu.memory_space<vmem>>, vector<16xi32>,
        %mul3A_1483 = arith.constant 16 : i32
        %mul3A_1484 = arith.muli %scan3A_1474, %mul3A_1483 : i32
        %add3A_1485 = arith.constant 0 : i32
        %add3A_1486 = arith.addi %mul3A_1484, %add3A_1485 : i32
        %slice3A = vector.extract_strided_slice %get3A_1479 {offsets = [0], sizes = [1], strides = [1]} : vector<16xi32> to vector<1xi32>
        %squeeze3A = vector.extract %slice3A[0] : i32 from vector<1xi32>
        %and3A_1487 = arith.constant 1 : i32
        %and3A_1488 = arith.andi %squeeze3A, %and3A_1487 : i32
        %shift_left3A = arith.constant 6 : i32
        %shift_left3A_1489 = arith.shli %and3A_1488, %shift_left3A : i32
        %slice3A_1490 = vector.extract_strided_slice %get3A_1482 {offsets = [0], sizes = [1], strides = [1]} : vector<16xi32> to vector<1xi32>
        %squeeze3A_1491 = vector.extract %slice3A_1490[0] : i32 from vector<1xi32>
        %and3A_1492 = arith.constant 1 : i32
        %and3A_1493 = arith.andi %squeeze3A_1491, %and3A_1492 : i32
        %shift_left3A_1494 = arith.constant 6 : i32
        %shift_left3A_1495 = arith.shli %and3A_1493, %shift_left3A_1494 : i32
        %add3A_1496 = arith.constant 0 : i32
        %add3A_1497 = arith.addi %shift_left3A_1489, %add3A_1496 : i32
        %get3A_1498 = arith.index_cast %and3A_1404 : i32 to index
        %get3A_1499 = arith.index_cast %add3A_1486 : i32 to index
        %get3A_1500 = arith.index_cast %add3A_1497 : i32 to index
        %get3A_1501 = tpu.vector_load %arg13[%get3A_1498, %get3A_1499, %get3A_1500] {strides = array<i32>} : memref<2x128x128xf32, #tpu.memory_space<vmem>>, vector<16xf32>,
        %add3A_1502 = arith.constant 0 : i32
        %add3A_1503 = arith.addi %shift_left3A_1495, %add3A_1502 : i32
        %get3A_1504 = arith.index_cast %and3A_1404 : i32 to index
        %get3A_1505 = arith.index_cast %add3A_1486 : i32 to index
        %get3A_1506 = arith.index_cast %add3A_1503 : i32 to index
        %get3A_1507 = tpu.vector_load %arg14[%get3A_1504, %get3A_1505, %get3A_1506] {strides = array<i32>} : memref<2x128x128xf32, #tpu.memory_space<vmem>>, vector<16xf32>,
        %mul3A_1508 = arith.mulf %get3A_1501, %get3A_1507 : vector<16xf32>
        %mul3A_1509 = arith.mulf %get3A_1507, %get3A_1439 : vector<16xf32>
        %add3A_1510 = arith.constant 16 : i32
        %add3A_1511 = arith.addi %shift_left3A_1489, %add3A_1510 : i32
        %get3A_1512 = arith.index_cast %and3A_1404 : i32 to index
        %get3A_1513 = arith.index_cast %add3A_1486 : i32 to index
        %get3A_1514 = arith.index_cast %add3A_1511 : i32 to index
        %get3A_1515 = tpu.vector_load %arg13[%get3A_1512, %get3A_1513, %get3A_1514] {strides = array<i32>} : memref<2x128x128xf32, #tpu.memory_space<vmem>>, vector<16xf32>,
        %add3A_1516 = arith.constant 16 : i32
        %add3A_1517 = arith.addi %shift_left3A_1495, %add3A_1516 : i32
        %get3A_1518 = arith.index_cast %and3A_1404 : i32 to index
        %get3A_1519 = arith.index_cast %add3A_1486 : i32 to index
        %get3A_1520 = arith.index_cast %add3A_1517 : i32 to index
        %get3A_1521 = tpu.vector_load %arg14[%get3A_1518, %get3A_1519, %get3A_1520] {strides = array<i32>} : memref<2x128x128xf32, #tpu.memory_space<vmem>>, vector<16xf32>,
        %mul3A_1522 = arith.mulf %get3A_1515, %get3A_1521 : vector<16xf32>
        %add3A_1523 = arith.addf %mul3A_1508, %mul3A_1522 : vector<16xf32>
        %mul3A_1524 = arith.mulf %get3A_1521, %get3A_1445 : vector<16xf32>
        %add3A_1525 = arith.addf %mul3A_1509, %mul3A_1524 : vector<16xf32>
        %add3A_1526 = arith.constant 32 : i32
        %add3A_1527 = arith.addi %shift_left3A_1489, %add3A_1526 : i32
        %get3A_1528 = arith.index_cast %and3A_1404 : i32 to index
        %get3A_1529 = arith.index_cast %add3A_1486 : i32 to index
        %get3A_1530 = arith.index_cast %add3A_1527 : i32 to index
        %get3A_1531 = tpu.vector_load %arg13[%get3A_1528, %get3A_1529, %get3A_1530] {strides = array<i32>} : memref<2x128x128xf32, #tpu.memory_space<vmem>>, vector<16xf32>,
        %add3A_1532 = arith.constant 32 : i32
        %add3A_1533 = arith.addi %shift_left3A_1495, %add3A_1532 : i32
        %get3A_1534 = arith.index_cast %and3A_1404 : i32 to index
        %get3A_1535 = arith.index_cast %add3A_1486 : i32 to index
        %get3A_1536 = arith.index_cast %add3A_1533 : i32 to index
        %get3A_1537 = tpu.vector_load %arg14[%get3A_1534, %get3A_1535, %get3A_1536] {strides = array<i32>} : memref<2x128x128xf32, #tpu.memory_space<vmem>>, vector<16xf32>,
        %mul3A_1538 = arith.mulf %get3A_1531, %get3A_1537 : vector<16xf32>
        %add3A_1539 = arith.addf %add3A_1523, %mul3A_1538 : vector<16xf32>
        %mul3A_1540 = arith.mulf %get3A_1537, %get3A_1451 : vector<16xf32>
        %add3A_1541 = arith.addf %add3A_1525, %mul3A_1540 : vector<16xf32>
        %add3A_1542 = arith.constant 48 : i32
        %add3A_1543 = arith.addi %shift_left3A_1489, %add3A_1542 : i32
        %get3A_1544 = arith.index_cast %and3A_1404 : i32 to index
        %get3A_1545 = arith.index_cast %add3A_1486 : i32 to index
        %get3A_1546 = arith.index_cast %add3A_1543 : i32 to index
        %get3A_1547 = tpu.vector_load %arg13[%get3A_1544, %get3A_1545, %get3A_1546] {strides = array<i32>} : memref<2x128x128xf32, #tpu.memory_space<vmem>>, vector<16xf32>,
        %add3A_1548 = arith.constant 48 : i32
        %add3A_1549 = arith.addi %shift_left3A_1495, %add3A_1548 : i32
        %get3A_1550 = arith.index_cast %and3A_1404 : i32 to index
        %get3A_1551 = arith.index_cast %add3A_1486 : i32 to index
        %get3A_1552 = arith.index_cast %add3A_1549 : i32 to index
        %get3A_1553 = tpu.vector_load %arg14[%get3A_1550, %get3A_1551, %get3A_1552] {strides = array<i32>} : memref<2x128x128xf32, #tpu.memory_space<vmem>>, vector<16xf32>,
        %mul3A_1554 = arith.mulf %get3A_1547, %get3A_1553 : vector<16xf32>
        %add3A_1555 = arith.addf %add3A_1539, %mul3A_1554 : vector<16xf32>
        %mul3A_1556 = arith.mulf %get3A_1553, %get3A_1457 : vector<16xf32>
        %add3A_1557 = arith.addf %add3A_1541, %mul3A_1556 : vector<16xf32>
        %lt3A_1558 = arith.constant 0 : i32
        %lt3A_1559 = vector.broadcast %lt3A_1558 : i32 to vector<16xi32>
        %lt3A_1560 = arith.cmpi slt, %xor3A_155, %lt3A_1559 : vector<16xi32>
        %add3A_1561 = arith.constant 16 : i32
        %add3A_1562 = vector.broadcast %add3A_1561 : i32 to vector<16xi32>
        %add3A_1563 = arith.addi %xor3A_155, %add3A_1562 : vector<16xi32>
        %select_n3A_1564 = arith.select %lt3A_1560, %add3A_1563, %xor3A_155 : vector<16xi1>, vector<16xi32>
        %broadcast_in_dim3A_1565 = vector.shape_cast %select_n3A_1564 : vector<16xi32> to vector<16x1xi32>
        %gather3A_1566 = vector.shape_cast %broadcast_in_dim3A_1565 : vector<16x1xi32> to vector<16xi32>
        %gather3A_1567 = tpu.dynamic_gather %add3A_1555[%gather3A_1566] in [0] : vector<16xf32>, vector<16xi32> -> vector<16xf32>
        %add3A_1568 = arith.addf %add3A_1555, %gather3A_1567 : vector<16xf32>
        %lt3A_1569 = arith.constant 0 : i32
        %lt3A_1570 = vector.broadcast %lt3A_1569 : i32 to vector<16xi32>
        %lt3A_1571 = arith.cmpi slt, %xor3A_155, %lt3A_1570 : vector<16xi32>
        %add3A_1572 = arith.constant 16 : i32
        %add3A_1573 = vector.broadcast %add3A_1572 : i32 to vector<16xi32>
        %add3A_1574 = arith.addi %xor3A_155, %add3A_1573 : vector<16xi32>
        %select_n3A_1575 = arith.select %lt3A_1571, %add3A_1574, %xor3A_155 : vector<16xi1>, vector<16xi32>
        %broadcast_in_dim3A_1576 = vector.shape_cast %select_n3A_1575 : vector<16xi32> to vector<16x1xi32>
        %gather3A_1577 = vector.shape_cast %broadcast_in_dim3A_1576 : vector<16x1xi32> to vector<16xi32>
        %gather3A_1578 = tpu.dynamic_gather %add3A_1557[%gather3A_1577] in [0] : vector<16xf32>, vector<16xi32> -> vector<16xf32>
        %add3A_1579 = arith.addf %add3A_1557, %gather3A_1578 : vector<16xf32>
        %lt3A_1580 = arith.constant 0 : i32
        %lt3A_1581 = vector.broadcast %lt3A_1580 : i32 to vector<16xi32>
        %lt3A_1582 = arith.cmpi slt, %xor3A_158, %lt3A_1581 : vector<16xi32>
        %add3A_1583 = arith.constant 16 : i32
        %add3A_1584 = vector.broadcast %add3A_1583 : i32 to vector<16xi32>
        %add3A_1585 = arith.addi %xor3A_158, %add3A_1584 : vector<16xi32>
        %select_n3A_1586 = arith.select %lt3A_1582, %add3A_1585, %xor3A_158 : vector<16xi1>, vector<16xi32>
        %broadcast_in_dim3A_1587 = vector.shape_cast %select_n3A_1586 : vector<16xi32> to vector<16x1xi32>
        %gather3A_1588 = vector.shape_cast %broadcast_in_dim3A_1587 : vector<16x1xi32> to vector<16xi32>
        %gather3A_1589 = tpu.dynamic_gather %add3A_1568[%gather3A_1588] in [0] : vector<16xf32>, vector<16xi32> -> vector<16xf32>
        %add3A_1590 = arith.addf %add3A_1568, %gather3A_1589 : vector<16xf32>
        %lt3A_1591 = arith.constant 0 : i32
        %lt3A_1592 = vector.broadcast %lt3A_1591 : i32 to vector<16xi32>
        %lt3A_1593 = arith.cmpi slt, %xor3A_158, %lt3A_1592 : vector<16xi32>
        %add3A_1594 = arith.constant 16 : i32
        %add3A_1595 = vector.broadcast %add3A_1594 : i32 to vector<16xi32>
        %add3A_1596 = arith.addi %xor3A_158, %add3A_1595 : vector<16xi32>
        %select_n3A_1597 = arith.select %lt3A_1593, %add3A_1596, %xor3A_158 : vector<16xi1>, vector<16xi32>
        %broadcast_in_dim3A_1598 = vector.shape_cast %select_n3A_1597 : vector<16xi32> to vector<16x1xi32>
        %gather3A_1599 = vector.shape_cast %broadcast_in_dim3A_1598 : vector<16x1xi32> to vector<16xi32>
        %gather3A_1600 = tpu.dynamic_gather %add3A_1579[%gather3A_1599] in [0] : vector<16xf32>, vector<16xi32> -> vector<16xf32>
        %add3A_1601 = arith.addf %add3A_1579, %gather3A_1600 : vector<16xf32>
        %lt3A_1602 = arith.constant 0 : i32
        %lt3A_1603 = vector.broadcast %lt3A_1602 : i32 to vector<16xi32>
        %lt3A_1604 = arith.cmpi slt, %xor3A_161, %lt3A_1603 : vector<16xi32>
        %add3A_1605 = arith.constant 16 : i32
        %add3A_1606 = vector.broadcast %add3A_1605 : i32 to vector<16xi32>
        %add3A_1607 = arith.addi %xor3A_161, %add3A_1606 : vector<16xi32>
        %select_n3A_1608 = arith.select %lt3A_1604, %add3A_1607, %xor3A_161 : vector<16xi1>, vector<16xi32>
        %broadcast_in_dim3A_1609 = vector.shape_cast %select_n3A_1608 : vector<16xi32> to vector<16x1xi32>
        %gather3A_1610 = vector.shape_cast %broadcast_in_dim3A_1609 : vector<16x1xi32> to vector<16xi32>
        %gather3A_1611 = tpu.dynamic_gather %add3A_1590[%gather3A_1610] in [0] : vector<16xf32>, vector<16xi32> -> vector<16xf32>
        %add3A_1612 = arith.addf %add3A_1590, %gather3A_1611 : vector<16xf32>
        %lt3A_1613 = arith.constant 0 : i32
        %lt3A_1614 = vector.broadcast %lt3A_1613 : i32 to vector<16xi32>
        %lt3A_1615 = arith.cmpi slt, %xor3A_161, %lt3A_1614 : vector<16xi32>
        %add3A_1616 = arith.constant 16 : i32
        %add3A_1617 = vector.broadcast %add3A_1616 : i32 to vector<16xi32>
        %add3A_1618 = arith.addi %xor3A_161, %add3A_1617 : vector<16xi32>
        %select_n3A_1619 = arith.select %lt3A_1615, %add3A_1618, %xor3A_161 : vector<16xi1>, vector<16xi32>
        %broadcast_in_dim3A_1620 = vector.shape_cast %select_n3A_1619 : vector<16xi32> to vector<16x1xi32>
        %gather3A_1621 = vector.shape_cast %broadcast_in_dim3A_1620 : vector<16x1xi32> to vector<16xi32>
        %gather3A_1622 = tpu.dynamic_gather %add3A_1601[%gather3A_1621] in [0] : vector<16xf32>, vector<16xi32> -> vector<16xf32>
        %add3A_1623 = arith.addf %add3A_1601, %gather3A_1622 : vector<16xf32>
        %lt3A_1624 = arith.constant 0 : i32
        %lt3A_1625 = vector.broadcast %lt3A_1624 : i32 to vector<16xi32>
        %lt3A_1626 = arith.cmpi slt, %xor3A_164, %lt3A_1625 : vector<16xi32>
        %add3A_1627 = arith.constant 16 : i32
        %add3A_1628 = vector.broadcast %add3A_1627 : i32 to vector<16xi32>
        %add3A_1629 = arith.addi %xor3A_164, %add3A_1628 : vector<16xi32>
        %select_n3A_1630 = arith.select %lt3A_1626, %add3A_1629, %xor3A_164 : vector<16xi1>, vector<16xi32>
        %broadcast_in_dim3A_1631 = vector.shape_cast %select_n3A_1630 : vector<16xi32> to vector<16x1xi32>
        %gather3A_1632 = vector.shape_cast %broadcast_in_dim3A_1631 : vector<16x1xi32> to vector<16xi32>
        %gather3A_1633 = tpu.dynamic_gather %add3A_1612[%gather3A_1632] in [0] : vector<16xf32>, vector<16xi32> -> vector<16xf32>
        %add3A_1634 = arith.addf %add3A_1612, %gather3A_1633 : vector<16xf32>
        %lt3A_1635 = arith.constant 0 : i32
        %lt3A_1636 = vector.broadcast %lt3A_1635 : i32 to vector<16xi32>
        %lt3A_1637 = arith.cmpi slt, %xor3A_164, %lt3A_1636 : vector<16xi32>
        %add3A_1638 = arith.constant 16 : i32
        %add3A_1639 = vector.broadcast %add3A_1638 : i32 to vector<16xi32>
        %add3A_1640 = arith.addi %xor3A_164, %add3A_1639 : vector<16xi32>
        %select_n3A_1641 = arith.select %lt3A_1637, %add3A_1640, %xor3A_164 : vector<16xi1>, vector<16xi32>
        %broadcast_in_dim3A_1642 = vector.shape_cast %select_n3A_1641 : vector<16xi32> to vector<16x1xi32>
        %gather3A_1643 = vector.shape_cast %broadcast_in_dim3A_1642 : vector<16x1xi32> to vector<16xi32>
        %gather3A_1644 = tpu.dynamic_gather %add3A_1623[%gather3A_1643] in [0] : vector<16xf32>, vector<16xi32> -> vector<16xf32>
        %add3A_1645 = arith.addf %add3A_1623, %gather3A_1644 : vector<16xf32>
        %select_n3A_1646 = arith.select %eq3A_166, %add3A_1634, %broadcast_in_dim3A_26 : vector<16xi1>, vector<16xf32>
        %add3A_1647 = arith.addf %add3A_1645, %gather3A_1468 : vector<16xf32>
        %select_n3A_1648 = arith.select %eq3A_166, %add3A_1647, %gather3A_1468 : vector<16xi1>, vector<16xf32>
        %mul3A_1649 = arith.constant 16 : i32
        %mul3A_1650 = arith.muli %scan3A_1474, %mul3A_1649 : i32
        %add3A_1651 = arith.constant 1 : i32
        %add3A_1652 = arith.addi %mul3A_1650, %add3A_1651 : i32
        %slice3A_1653 = vector.extract_strided_slice %get3A_1479 {offsets = [1], sizes = [1], strides = [1]} : vector<16xi32> to vector<1xi32>
        %squeeze3A_1654 = vector.extract %slice3A_1653[0] : i32 from vector<1xi32>
        %and3A_1655 = arith.constant 1 : i32
        %and3A_1656 = arith.andi %squeeze3A_1654, %and3A_1655 : i32
        %shift_left3A_1657 = arith.constant 6 : i32
        %shift_left3A_1658 = arith.shli %and3A_1656, %shift_left3A_1657 : i32
        %slice3A_1659 = vector.extract_strided_slice %get3A_1482 {offsets = [1], sizes = [1], strides = [1]} : vector<16xi32> to vector<1xi32>
        %squeeze3A_1660 = vector.extract %slice3A_1659[0] : i32 from vector<1xi32>
        %and3A_1661 = arith.constant 1 : i32
        %and3A_1662 = arith.andi %squeeze3A_1660, %and3A_1661 : i32
        %shift_left3A_1663 = arith.constant 6 : i32
        %shift_left3A_1664 = arith.shli %and3A_1662, %shift_left3A_1663 : i32
        %add3A_1665 = arith.constant 0 : i32
        %add3A_1666 = arith.addi %shift_left3A_1658, %add3A_1665 : i32
        %get3A_1667 = arith.index_cast %and3A_1404 : i32 to index
        %get3A_1668 = arith.index_cast %add3A_1652 : i32 to index
        %get3A_1669 = arith.index_cast %add3A_1666 : i32 to index
        %get3A_1670 = tpu.vector_load %arg13[%get3A_1667, %get3A_1668, %get3A_1669] {strides = array<i32>} : memref<2x128x128xf32, #tpu.memory_space<vmem>>, vector<16xf32>,
        %add3A_1671 = arith.constant 0 : i32
        %add3A_1672 = arith.addi %shift_left3A_1664, %add3A_1671 : i32
        %get3A_1673 = arith.index_cast %and3A_1404 : i32 to index
        %get3A_1674 = arith.index_cast %add3A_1652 : i32 to index
        %get3A_1675 = arith.index_cast %add3A_1672 : i32 to index
        %get3A_1676 = tpu.vector_load %arg14[%get3A_1673, %get3A_1674, %get3A_1675] {strides = array<i32>} : memref<2x128x128xf32, #tpu.memory_space<vmem>>, vector<16xf32>,
        %mul3A_1677 = arith.mulf %get3A_1670, %get3A_1676 : vector<16xf32>
        %mul3A_1678 = arith.mulf %get3A_1676, %get3A_1439 : vector<16xf32>
        %add3A_1679 = arith.constant 16 : i32
        %add3A_1680 = arith.addi %shift_left3A_1658, %add3A_1679 : i32
        %get3A_1681 = arith.index_cast %and3A_1404 : i32 to index
        %get3A_1682 = arith.index_cast %add3A_1652 : i32 to index
        %get3A_1683 = arith.index_cast %add3A_1680 : i32 to index
        %get3A_1684 = tpu.vector_load %arg13[%get3A_1681, %get3A_1682, %get3A_1683] {strides = array<i32>} : memref<2x128x128xf32, #tpu.memory_space<vmem>>, vector<16xf32>,
        %add3A_1685 = arith.constant 16 : i32
        %add3A_1686 = arith.addi %shift_left3A_1664, %add3A_1685 : i32
        %get3A_1687 = arith.index_cast %and3A_1404 : i32 to index
        %get3A_1688 = arith.index_cast %add3A_1652 : i32 to index
        %get3A_1689 = arith.index_cast %add3A_1686 : i32 to index
        %get3A_1690 = tpu.vector_load %arg14[%get3A_1687, %get3A_1688, %get3A_1689] {strides = array<i32>} : memref<2x128x128xf32, #tpu.memory_space<vmem>>, vector<16xf32>,
        %mul3A_1691 = arith.mulf %get3A_1684, %get3A_1690 : vector<16xf32>
        %add3A_1692 = arith.addf %mul3A_1677, %mul3A_1691 : vector<16xf32>
        %mul3A_1693 = arith.mulf %get3A_1690, %get3A_1445 : vector<16xf32>
        %add3A_1694 = arith.addf %mul3A_1678, %mul3A_1693 : vector<16xf32>
        %add3A_1695 = arith.constant 32 : i32
        %add3A_1696 = arith.addi %shift_left3A_1658, %add3A_1695 : i32
        %get3A_1697 = arith.index_cast %and3A_1404 : i32 to index
        %get3A_1698 = arith.index_cast %add3A_1652 : i32 to index
        %get3A_1699 = arith.index_cast %add3A_1696 : i32 to index
        %get3A_1700 = tpu.vector_load %arg13[%get3A_1697, %get3A_1698, %get3A_1699] {strides = array<i32>} : memref<2x128x128xf32, #tpu.memory_space<vmem>>, vector<16xf32>,
        %add3A_1701 = arith.constant 32 : i32
        %add3A_1702 = arith.addi %shift_left3A_1664, %add3A_1701 : i32
        %get3A_1703 = arith.index_cast %and3A_1404 : i32 to index
        %get3A_1704 = arith.index_cast %add3A_1652 : i32 to index
        %get3A_1705 = arith.index_cast %add3A_1702 : i32 to index
        %get3A_1706 = tpu.vector_load %arg14[%get3A_1703, %get3A_1704, %get3A_1705] {strides = array<i32>} : memref<2x128x128xf32, #tpu.memory_space<vmem>>, vector<16xf32>,
        %mul3A_1707 = arith.mulf %get3A_1700, %get3A_1706 : vector<16xf32>
        %add3A_1708 = arith.addf %add3A_1692, %mul3A_1707 : vector<16xf32>
        %mul3A_1709 = arith.mulf %get3A_1706, %get3A_1451 : vector<16xf32>
        %add3A_1710 = arith.addf %add3A_1694, %mul3A_1709 : vector<16xf32>
        %add3A_1711 = arith.constant 48 : i32
        %add3A_1712 = arith.addi %shift_left3A_1658, %add3A_1711 : i32
        %get3A_1713 = arith.index_cast %and3A_1404 : i32 to index
        %get3A_1714 = arith.index_cast %add3A_1652 : i32 to index
        %get3A_1715 = arith.index_cast %add3A_1712 : i32 to index
        %get3A_1716 = tpu.vector_load %arg13[%get3A_1713, %get3A_1714, %get3A_1715] {strides = array<i32>} : memref<2x128x128xf32, #tpu.memory_space<vmem>>, vector<16xf32>,
        %add3A_1717 = arith.constant 48 : i32
        %add3A_1718 = arith.addi %shift_left3A_1664, %add3A_1717 : i32
        %get3A_1719 = arith.index_cast %and3A_1404 : i32 to index
        %get3A_1720 = arith.index_cast %add3A_1652 : i32 to index
        %get3A_1721 = arith.index_cast %add3A_1718 : i32 to index
        %get3A_1722 = tpu.vector_load %arg14[%get3A_1719, %get3A_1720, %get3A_1721] {strides = array<i32>} : memref<2x128x128xf32, #tpu.memory_space<vmem>>, vector<16xf32>,
        %mul3A_1723 = arith.mulf %get3A_1716, %get3A_1722 : vector<16xf32>
        %add3A_1724 = arith.addf %add3A_1708, %mul3A_1723 : vector<16xf32>
        %mul3A_1725 = arith.mulf %get3A_1722, %get3A_1457 : vector<16xf32>
        %add3A_1726 = arith.addf %add3A_1710, %mul3A_1725 : vector<16xf32>
        %lt3A_1727 = arith.constant 0 : i32
        %lt3A_1728 = vector.broadcast %lt3A_1727 : i32 to vector<16xi32>
        %lt3A_1729 = arith.cmpi slt, %xor3A_155, %lt3A_1728 : vector<16xi32>
        %add3A_1730 = arith.constant 16 : i32
        %add3A_1731 = vector.broadcast %add3A_1730 : i32 to vector<16xi32>
        %add3A_1732 = arith.addi %xor3A_155, %add3A_1731 : vector<16xi32>
        %select_n3A_1733 = arith.select %lt3A_1729, %add3A_1732, %xor3A_155 : vector<16xi1>, vector<16xi32>
        %broadcast_in_dim3A_1734 = vector.shape_cast %select_n3A_1733 : vector<16xi32> to vector<16x1xi32>
        %gather3A_1735 = vector.shape_cast %broadcast_in_dim3A_1734 : vector<16x1xi32> to vector<16xi32>
        %gather3A_1736 = tpu.dynamic_gather %add3A_1724[%gather3A_1735] in [0] : vector<16xf32>, vector<16xi32> -> vector<16xf32>
        %add3A_1737 = arith.addf %add3A_1724, %gather3A_1736 : vector<16xf32>
        %lt3A_1738 = arith.constant 0 : i32
        %lt3A_1739 = vector.broadcast %lt3A_1738 : i32 to vector<16xi32>
        %lt3A_1740 = arith.cmpi slt, %xor3A_155, %lt3A_1739 : vector<16xi32>
        %add3A_1741 = arith.constant 16 : i32
        %add3A_1742 = vector.broadcast %add3A_1741 : i32 to vector<16xi32>
        %add3A_1743 = arith.addi %xor3A_155, %add3A_1742 : vector<16xi32>
        %select_n3A_1744 = arith.select %lt3A_1740, %add3A_1743, %xor3A_155 : vector<16xi1>, vector<16xi32>
        %broadcast_in_dim3A_1745 = vector.shape_cast %select_n3A_1744 : vector<16xi32> to vector<16x1xi32>
        %gather3A_1746 = vector.shape_cast %broadcast_in_dim3A_1745 : vector<16x1xi32> to vector<16xi32>
        %gather3A_1747 = tpu.dynamic_gather %add3A_1726[%gather3A_1746] in [0] : vector<16xf32>, vector<16xi32> -> vector<16xf32>
        %add3A_1748 = arith.addf %add3A_1726, %gather3A_1747 : vector<16xf32>
        %lt3A_1749 = arith.constant 0 : i32
        %lt3A_1750 = vector.broadcast %lt3A_1749 : i32 to vector<16xi32>
        %lt3A_1751 = arith.cmpi slt, %xor3A_158, %lt3A_1750 : vector<16xi32>
        %add3A_1752 = arith.constant 16 : i32
        %add3A_1753 = vector.broadcast %add3A_1752 : i32 to vector<16xi32>
        %add3A_1754 = arith.addi %xor3A_158, %add3A_1753 : vector<16xi32>
        %select_n3A_1755 = arith.select %lt3A_1751, %add3A_1754, %xor3A_158 : vector<16xi1>, vector<16xi32>
        %broadcast_in_dim3A_1756 = vector.shape_cast %select_n3A_1755 : vector<16xi32> to vector<16x1xi32>
        %gather3A_1757 = vector.shape_cast %broadcast_in_dim3A_1756 : vector<16x1xi32> to vector<16xi32>
        %gather3A_1758 = tpu.dynamic_gather %add3A_1737[%gather3A_1757] in [0] : vector<16xf32>, vector<16xi32> -> vector<16xf32>
        %add3A_1759 = arith.addf %add3A_1737, %gather3A_1758 : vector<16xf32>
        %lt3A_1760 = arith.constant 0 : i32
        %lt3A_1761 = vector.broadcast %lt3A_1760 : i32 to vector<16xi32>
        %lt3A_1762 = arith.cmpi slt, %xor3A_158, %lt3A_1761 : vector<16xi32>
        %add3A_1763 = arith.constant 16 : i32
        %add3A_1764 = vector.broadcast %add3A_1763 : i32 to vector<16xi32>
        %add3A_1765 = arith.addi %xor3A_158, %add3A_1764 : vector<16xi32>
        %select_n3A_1766 = arith.select %lt3A_1762, %add3A_1765, %xor3A_158 : vector<16xi1>, vector<16xi32>
        %broadcast_in_dim3A_1767 = vector.shape_cast %select_n3A_1766 : vector<16xi32> to vector<16x1xi32>
        %gather3A_1768 = vector.shape_cast %broadcast_in_dim3A_1767 : vector<16x1xi32> to vector<16xi32>
        %gather3A_1769 = tpu.dynamic_gather %add3A_1748[%gather3A_1768] in [0] : vector<16xf32>, vector<16xi32> -> vector<16xf32>
        %add3A_1770 = arith.addf %add3A_1748, %gather3A_1769 : vector<16xf32>
        %lt3A_1771 = arith.constant 0 : i32
        %lt3A_1772 = vector.broadcast %lt3A_1771 : i32 to vector<16xi32>
        %lt3A_1773 = arith.cmpi slt, %xor3A_161, %lt3A_1772 : vector<16xi32>
        %add3A_1774 = arith.constant 16 : i32
        %add3A_1775 = vector.broadcast %add3A_1774 : i32 to vector<16xi32>
        %add3A_1776 = arith.addi %xor3A_161, %add3A_1775 : vector<16xi32>
        %select_n3A_1777 = arith.select %lt3A_1773, %add3A_1776, %xor3A_161 : vector<16xi1>, vector<16xi32>
        %broadcast_in_dim3A_1778 = vector.shape_cast %select_n3A_1777 : vector<16xi32> to vector<16x1xi32>
        %gather3A_1779 = vector.shape_cast %broadcast_in_dim3A_1778 : vector<16x1xi32> to vector<16xi32>
        %gather3A_1780 = tpu.dynamic_gather %add3A_1759[%gather3A_1779] in [0] : vector<16xf32>, vector<16xi32> -> vector<16xf32>
        %add3A_1781 = arith.addf %add3A_1759, %gather3A_1780 : vector<16xf32>
        %lt3A_1782 = arith.constant 0 : i32
        %lt3A_1783 = vector.broadcast %lt3A_1782 : i32 to vector<16xi32>
        %lt3A_1784 = arith.cmpi slt, %xor3A_161, %lt3A_1783 : vector<16xi32>
        %add3A_1785 = arith.constant 16 : i32
        %add3A_1786 = vector.broadcast %add3A_1785 : i32 to vector<16xi32>
        %add3A_1787 = arith.addi %xor3A_161, %add3A_1786 : vector<16xi32>
        %select_n3A_1788 = arith.select %lt3A_1784, %add3A_1787, %xor3A_161 : vector<16xi1>, vector<16xi32>
        %broadcast_in_dim3A_1789 = vector.shape_cast %select_n3A_1788 : vector<16xi32> to vector<16x1xi32>
        %gather3A_1790 = vector.shape_cast %broadcast_in_dim3A_1789 : vector<16x1xi32> to vector<16xi32>
        %gather3A_1791 = tpu.dynamic_gather %add3A_1770[%gather3A_1790] in [0] : vector<16xf32>, vector<16xi32> -> vector<16xf32>
        %add3A_1792 = arith.addf %add3A_1770, %gather3A_1791 : vector<16xf32>
        %lt3A_1793 = arith.constant 0 : i32
        %lt3A_1794 = vector.broadcast %lt3A_1793 : i32 to vector<16xi32>
        %lt3A_1795 = arith.cmpi slt, %xor3A_164, %lt3A_1794 : vector<16xi32>
        %add3A_1796 = arith.constant 16 : i32
        %add3A_1797 = vector.broadcast %add3A_1796 : i32 to vector<16xi32>
        %add3A_1798 = arith.addi %xor3A_164, %add3A_1797 : vector<16xi32>
        %select_n3A_1799 = arith.select %lt3A_1795, %add3A_1798, %xor3A_164 : vector<16xi1>, vector<16xi32>
        %broadcast_in_dim3A_1800 = vector.shape_cast %select_n3A_1799 : vector<16xi32> to vector<16x1xi32>
        %gather3A_1801 = vector.shape_cast %broadcast_in_dim3A_1800 : vector<16x1xi32> to vector<16xi32>
        %gather3A_1802 = tpu.dynamic_gather %add3A_1781[%gather3A_1801] in [0] : vector<16xf32>, vector<16xi32> -> vector<16xf32>
        %add3A_1803 = arith.addf %add3A_1781, %gather3A_1802 : vector<16xf32>
        %lt3A_1804 = arith.constant 0 : i32
        %lt3A_1805 = vector.broadcast %lt3A_1804 : i32 to vector<16xi32>
        %lt3A_1806 = arith.cmpi slt, %xor3A_164, %lt3A_1805 : vector<16xi32>
        %add3A_1807 = arith.constant 16 : i32
        %add3A_1808 = vector.broadcast %add3A_1807 : i32 to vector<16xi32>
        %add3A_1809 = arith.addi %xor3A_164, %add3A_1808 : vector<16xi32>
        %select_n3A_1810 = arith.select %lt3A_1806, %add3A_1809, %xor3A_164 : vector<16xi1>, vector<16xi32>
        %broadcast_in_dim3A_1811 = vector.shape_cast %select_n3A_1810 : vector<16xi32> to vector<16x1xi32>
        %gather3A_1812 = vector.shape_cast %broadcast_in_dim3A_1811 : vector<16x1xi32> to vector<16xi32>
        %gather3A_1813 = tpu.dynamic_gather %add3A_1792[%gather3A_1812] in [0] : vector<16xf32>, vector<16xi32> -> vector<16xf32>
        %add3A_1814 = arith.addf %add3A_1792, %gather3A_1813 : vector<16xf32>
        %select_n3A_1815 = arith.select %eq3A_169, %add3A_1803, %select_n3A_1646 : vector<16xi1>, vector<16xf32>
        %add3A_1816 = arith.addf %add3A_1814, %select_n3A_1648 : vector<16xf32>
        %select_n3A_1817 = arith.select %eq3A_169, %add3A_1816, %select_n3A_1648 : vector<16xi1>, vector<16xf32>
        %mul3A_1818 = arith.constant 16 : i32
        %mul3A_1819 = arith.muli %scan3A_1474, %mul3A_1818 : i32
        %add3A_1820 = arith.constant 2 : i32
        %add3A_1821 = arith.addi %mul3A_1819, %add3A_1820 : i32
        %slice3A_1822 = vector.extract_strided_slice %get3A_1479 {offsets = [2], sizes = [1], strides = [1]} : vector<16xi32> to vector<1xi32>
        %squeeze3A_1823 = vector.extract %slice3A_1822[0] : i32 from vector<1xi32>
        %and3A_1824 = arith.constant 1 : i32
        %and3A_1825 = arith.andi %squeeze3A_1823, %and3A_1824 : i32
        %shift_left3A_1826 = arith.constant 6 : i32
        %shift_left3A_1827 = arith.shli %and3A_1825, %shift_left3A_1826 : i32
        %slice3A_1828 = vector.extract_strided_slice %get3A_1482 {offsets = [2], sizes = [1], strides = [1]} : vector<16xi32> to vector<1xi32>
        %squeeze3A_1829 = vector.extract %slice3A_1828[0] : i32 from vector<1xi32>
        %and3A_1830 = arith.constant 1 : i32
        %and3A_1831 = arith.andi %squeeze3A_1829, %and3A_1830 : i32
        %shift_left3A_1832 = arith.constant 6 : i32
        %shift_left3A_1833 = arith.shli %and3A_1831, %shift_left3A_1832 : i32
        %add3A_1834 = arith.constant 0 : i32
        %add3A_1835 = arith.addi %shift_left3A_1827, %add3A_1834 : i32
        %get3A_1836 = arith.index_cast %and3A_1404 : i32 to index
        %get3A_1837 = arith.index_cast %add3A_1821 : i32 to index
        %get3A_1838 = arith.index_cast %add3A_1835 : i32 to index
        %get3A_1839 = tpu.vector_load %arg13[%get3A_1836, %get3A_1837, %get3A_1838] {strides = array<i32>} : memref<2x128x128xf32, #tpu.memory_space<vmem>>, vector<16xf32>,
        %add3A_1840 = arith.constant 0 : i32
        %add3A_1841 = arith.addi %shift_left3A_1833, %add3A_1840 : i32
        %get3A_1842 = arith.index_cast %and3A_1404 : i32 to index
        %get3A_1843 = arith.index_cast %add3A_1821 : i32 to index
        %get3A_1844 = arith.index_cast %add3A_1841 : i32 to index
        %get3A_1845 = tpu.vector_load %arg14[%get3A_1842, %get3A_1843, %get3A_1844] {strides = array<i32>} : memref<2x128x128xf32, #tpu.memory_space<vmem>>, vector<16xf32>,
        %mul3A_1846 = arith.mulf %get3A_1839, %get3A_1845 : vector<16xf32>
        %mul3A_1847 = arith.mulf %get3A_1845, %get3A_1439 : vector<16xf32>
        %add3A_1848 = arith.constant 16 : i32
        %add3A_1849 = arith.addi %shift_left3A_1827, %add3A_1848 : i32
        %get3A_1850 = arith.index_cast %and3A_1404 : i32 to index
        %get3A_1851 = arith.index_cast %add3A_1821 : i32 to index
        %get3A_1852 = arith.index_cast %add3A_1849 : i32 to index
        %get3A_1853 = tpu.vector_load %arg13[%get3A_1850, %get3A_1851, %get3A_1852] {strides = array<i32>} : memref<2x128x128xf32, #tpu.memory_space<vmem>>, vector<16xf32>,
        %add3A_1854 = arith.constant 16 : i32
        %add3A_1855 = arith.addi %shift_left3A_1833, %add3A_1854 : i32
        %get3A_1856 = arith.index_cast %and3A_1404 : i32 to index
        %get3A_1857 = arith.index_cast %add3A_1821 : i32 to index
        %get3A_1858 = arith.index_cast %add3A_1855 : i32 to index
        %get3A_1859 = tpu.vector_load %arg14[%get3A_1856, %get3A_1857, %get3A_1858] {strides = array<i32>} : memref<2x128x128xf32, #tpu.memory_space<vmem>>, vector<16xf32>,
        %mul3A_1860 = arith.mulf %get3A_1853, %get3A_1859 : vector<16xf32>
        %add3A_1861 = arith.addf %mul3A_1846, %mul3A_1860 : vector<16xf32>
        %mul3A_1862 = arith.mulf %get3A_1859, %get3A_1445 : vector<16xf32>
        %add3A_1863 = arith.addf %mul3A_1847, %mul3A_1862 : vector<16xf32>
        %add3A_1864 = arith.constant 32 : i32
        %add3A_1865 = arith.addi %shift_left3A_1827, %add3A_1864 : i32
        %get3A_1866 = arith.index_cast %and3A_1404 : i32 to index
        %get3A_1867 = arith.index_cast %add3A_1821 : i32 to index
        %get3A_1868 = arith.index_cast %add3A_1865 : i32 to index
        %get3A_1869 = tpu.vector_load %arg13[%get3A_1866, %get3A_1867, %get3A_1868] {strides = array<i32>} : memref<2x128x128xf32, #tpu.memory_space<vmem>>, vector<16xf32>,
        %add3A_1870 = arith.constant 32 : i32
        %add3A_1871 = arith.addi %shift_left3A_1833, %add3A_1870 : i32
        %get3A_1872 = arith.index_cast %and3A_1404 : i32 to index
        %get3A_1873 = arith.index_cast %add3A_1821 : i32 to index
        %get3A_1874 = arith.index_cast %add3A_1871 : i32 to index
        %get3A_1875 = tpu.vector_load %arg14[%get3A_1872, %get3A_1873, %get3A_1874] {strides = array<i32>} : memref<2x128x128xf32, #tpu.memory_space<vmem>>, vector<16xf32>,
        %mul3A_1876 = arith.mulf %get3A_1869, %get3A_1875 : vector<16xf32>
        %add3A_1877 = arith.addf %add3A_1861, %mul3A_1876 : vector<16xf32>
        %mul3A_1878 = arith.mulf %get3A_1875, %get3A_1451 : vector<16xf32>
        %add3A_1879 = arith.addf %add3A_1863, %mul3A_1878 : vector<16xf32>
        %add3A_1880 = arith.constant 48 : i32
        %add3A_1881 = arith.addi %shift_left3A_1827, %add3A_1880 : i32
        %get3A_1882 = arith.index_cast %and3A_1404 : i32 to index
        %get3A_1883 = arith.index_cast %add3A_1821 : i32 to index
        %get3A_1884 = arith.index_cast %add3A_1881 : i32 to index
        %get3A_1885 = tpu.vector_load %arg13[%get3A_1882, %get3A_1883, %get3A_1884] {strides = array<i32>} : memref<2x128x128xf32, #tpu.memory_space<vmem>>, vector<16xf32>,
        %add3A_1886 = arith.constant 48 : i32
        %add3A_1887 = arith.addi %shift_left3A_1833, %add3A_1886 : i32
        %get3A_1888 = arith.index_cast %and3A_1404 : i32 to index
        %get3A_1889 = arith.index_cast %add3A_1821 : i32 to index
        %get3A_1890 = arith.index_cast %add3A_1887 : i32 to index
        %get3A_1891 = tpu.vector_load %arg14[%get3A_1888, %get3A_1889, %get3A_1890] {strides = array<i32>} : memref<2x128x128xf32, #tpu.memory_space<vmem>>, vector<16xf32>,
        %mul3A_1892 = arith.mulf %get3A_1885, %get3A_1891 : vector<16xf32>
        %add3A_1893 = arith.addf %add3A_1877, %mul3A_1892 : vector<16xf32>
        %mul3A_1894 = arith.mulf %get3A_1891, %get3A_1457 : vector<16xf32>
        %add3A_1895 = arith.addf %add3A_1879, %mul3A_1894 : vector<16xf32>
        %lt3A_1896 = arith.constant 0 : i32
        %lt3A_1897 = vector.broadcast %lt3A_1896 : i32 to vector<16xi32>
        %lt3A_1898 = arith.cmpi slt, %xor3A_155, %lt3A_1897 : vector<16xi32>
        %add3A_1899 = arith.constant 16 : i32
        %add3A_1900 = vector.broadcast %add3A_1899 : i32 to vector<16xi32>
        %add3A_1901 = arith.addi %xor3A_155, %add3A_1900 : vector<16xi32>
        %select_n3A_1902 = arith.select %lt3A_1898, %add3A_1901, %xor3A_155 : vector<16xi1>, vector<16xi32>
        %broadcast_in_dim3A_1903 = vector.shape_cast %select_n3A_1902 : vector<16xi32> to vector<16x1xi32>
        %gather3A_1904 = vector.shape_cast %broadcast_in_dim3A_1903 : vector<16x1xi32> to vector<16xi32>
        %gather3A_1905 = tpu.dynamic_gather %add3A_1893[%gather3A_1904] in [0] : vector<16xf32>, vector<16xi32> -> vector<16xf32>
        %add3A_1906 = arith.addf %add3A_1893, %gather3A_1905 : vector<16xf32>
        %lt3A_1907 = arith.constant 0 : i32
        %lt3A_1908 = vector.broadcast %lt3A_1907 : i32 to vector<16xi32>
        %lt3A_1909 = arith.cmpi slt, %xor3A_155, %lt3A_1908 : vector<16xi32>
        %add3A_1910 = arith.constant 16 : i32
        %add3A_1911 = vector.broadcast %add3A_1910 : i32 to vector<16xi32>
        %add3A_1912 = arith.addi %xor3A_155, %add3A_1911 : vector<16xi32>
        %select_n3A_1913 = arith.select %lt3A_1909, %add3A_1912, %xor3A_155 : vector<16xi1>, vector<16xi32>
        %broadcast_in_dim3A_1914 = vector.shape_cast %select_n3A_1913 : vector<16xi32> to vector<16x1xi32>
        %gather3A_1915 = vector.shape_cast %broadcast_in_dim3A_1914 : vector<16x1xi32> to vector<16xi32>
        %gather3A_1916 = tpu.dynamic_gather %add3A_1895[%gather3A_1915] in [0] : vector<16xf32>, vector<16xi32> -> vector<16xf32>
        %add3A_1917 = arith.addf %add3A_1895, %gather3A_1916 : vector<16xf32>
        %lt3A_1918 = arith.constant 0 : i32
        %lt3A_1919 = vector.broadcast %lt3A_1918 : i32 to vector<16xi32>
        %lt3A_1920 = arith.cmpi slt, %xor3A_158, %lt3A_1919 : vector<16xi32>
        %add3A_1921 = arith.constant 16 : i32
        %add3A_1922 = vector.broadcast %add3A_1921 : i32 to vector<16xi32>
        %add3A_1923 = arith.addi %xor3A_158, %add3A_1922 : vector<16xi32>
        %select_n3A_1924 = arith.select %lt3A_1920, %add3A_1923, %xor3A_158 : vector<16xi1>, vector<16xi32>
        %broadcast_in_dim3A_1925 = vector.shape_cast %select_n3A_1924 : vector<16xi32> to vector<16x1xi32>
        %gather3A_1926 = vector.shape_cast %broadcast_in_dim3A_1925 : vector<16x1xi32> to vector<16xi32>
        %gather3A_1927 = tpu.dynamic_gather %add3A_1906[%gather3A_1926] in [0] : vector<16xf32>, vector<16xi32> -> vector<16xf32>
        %add3A_1928 = arith.addf %add3A_1906, %gather3A_1927 : vector<16xf32>
        %lt3A_1929 = arith.constant 0 : i32
        %lt3A_1930 = vector.broadcast %lt3A_1929 : i32 to vector<16xi32>
        %lt3A_1931 = arith.cmpi slt, %xor3A_158, %lt3A_1930 : vector<16xi32>
        %add3A_1932 = arith.constant 16 : i32
        %add3A_1933 = vector.broadcast %add3A_1932 : i32 to vector<16xi32>
        %add3A_1934 = arith.addi %xor3A_158, %add3A_1933 : vector<16xi32>
        %select_n3A_1935 = arith.select %lt3A_1931, %add3A_1934, %xor3A_158 : vector<16xi1>, vector<16xi32>
        %broadcast_in_dim3A_1936 = vector.shape_cast %select_n3A_1935 : vector<16xi32> to vector<16x1xi32>
        %gather3A_1937 = vector.shape_cast %broadcast_in_dim3A_1936 : vector<16x1xi32> to vector<16xi32>
        %gather3A_1938 = tpu.dynamic_gather %add3A_1917[%gather3A_1937] in [0] : vector<16xf32>, vector<16xi32> -> vector<16xf32>
        %add3A_1939 = arith.addf %add3A_1917, %gather3A_1938 : vector<16xf32>
        %lt3A_1940 = arith.constant 0 : i32
        %lt3A_1941 = vector.broadcast %lt3A_1940 : i32 to vector<16xi32>
        %lt3A_1942 = arith.cmpi slt, %xor3A_161, %lt3A_1941 : vector<16xi32>
        %add3A_1943 = arith.constant 16 : i32
        %add3A_1944 = vector.broadcast %add3A_1943 : i32 to vector<16xi32>
        %add3A_1945 = arith.addi %xor3A_161, %add3A_1944 : vector<16xi32>
        %select_n3A_1946 = arith.select %lt3A_1942, %add3A_1945, %xor3A_161 : vector<16xi1>, vector<16xi32>
        %broadcast_in_dim3A_1947 = vector.shape_cast %select_n3A_1946 : vector<16xi32> to vector<16x1xi32>
        %gather3A_1948 = vector.shape_cast %broadcast_in_dim3A_1947 : vector<16x1xi32> to vector<16xi32>
        %gather3A_1949 = tpu.dynamic_gather %add3A_1928[%gather3A_1948] in [0] : vector<16xf32>, vector<16xi32> -> vector<16xf32>
        %add3A_1950 = arith.addf %add3A_1928, %gather3A_1949 : vector<16xf32>
        %lt3A_1951 = arith.constant 0 : i32
        %lt3A_1952 = vector.broadcast %lt3A_1951 : i32 to vector<16xi32>
        %lt3A_1953 = arith.cmpi slt, %xor3A_161, %lt3A_1952 : vector<16xi32>
        %add3A_1954 = arith.constant 16 : i32
        %add3A_1955 = vector.broadcast %add3A_1954 : i32 to vector<16xi32>
        %add3A_1956 = arith.addi %xor3A_161, %add3A_1955 : vector<16xi32>
        %select_n3A_1957 = arith.select %lt3A_1953, %add3A_1956, %xor3A_161 : vector<16xi1>, vector<16xi32>
        %broadcast_in_dim3A_1958 = vector.shape_cast %select_n3A_1957 : vector<16xi32> to vector<16x1xi32>
        %gather3A_1959 = vector.shape_cast %broadcast_in_dim3A_1958 : vector<16x1xi32> to vector<16xi32>
        %gather3A_1960 = tpu.dynamic_gather %add3A_1939[%gather3A_1959] in [0] : vector<16xf32>, vector<16xi32> -> vector<16xf32>
        %add3A_1961 = arith.addf %add3A_1939, %gather3A_1960 : vector<16xf32>
        %lt3A_1962 = arith.constant 0 : i32
        %lt3A_1963 = vector.broadcast %lt3A_1962 : i32 to vector<16xi32>
        %lt3A_1964 = arith.cmpi slt, %xor3A_164, %lt3A_1963 : vector<16xi32>
        %add3A_1965 = arith.constant 16 : i32
        %add3A_1966 = vector.broadcast %add3A_1965 : i32 to vector<16xi32>
        %add3A_1967 = arith.addi %xor3A_164, %add3A_1966 : vector<16xi32>
        %select_n3A_1968 = arith.select %lt3A_1964, %add3A_1967, %xor3A_164 : vector<16xi1>, vector<16xi32>
        %broadcast_in_dim3A_1969 = vector.shape_cast %select_n3A_1968 : vector<16xi32> to vector<16x1xi32>
        %gather3A_1970 = vector.shape_cast %broadcast_in_dim3A_1969 : vector<16x1xi32> to vector<16xi32>
        %gather3A_1971 = tpu.dynamic_gather %add3A_1950[%gather3A_1970] in [0] : vector<16xf32>, vector<16xi32> -> vector<16xf32>
        %add3A_1972 = arith.addf %add3A_1950, %gather3A_1971 : vector<16xf32>
        %lt3A_1973 = arith.constant 0 : i32
        %lt3A_1974 = vector.broadcast %lt3A_1973 : i32 to vector<16xi32>
        %lt3A_1975 = arith.cmpi slt, %xor3A_164, %lt3A_1974 : vector<16xi32>
        %add3A_1976 = arith.constant 16 : i32
        %add3A_1977 = vector.broadcast %add3A_1976 : i32 to vector<16xi32>
        %add3A_1978 = arith.addi %xor3A_164, %add3A_1977 : vector<16xi32>
        %select_n3A_1979 = arith.select %lt3A_1975, %add3A_1978, %xor3A_164 : vector<16xi1>, vector<16xi32>
        %broadcast_in_dim3A_1980 = vector.shape_cast %select_n3A_1979 : vector<16xi32> to vector<16x1xi32>
        %gather3A_1981 = vector.shape_cast %broadcast_in_dim3A_1980 : vector<16x1xi32> to vector<16xi32>
        %gather3A_1982 = tpu.dynamic_gather %add3A_1961[%gather3A_1981] in [0] : vector<16xf32>, vector<16xi32> -> vector<16xf32>
        %add3A_1983 = arith.addf %add3A_1961, %gather3A_1982 : vector<16xf32>
        %select_n3A_1984 = arith.select %eq3A_172, %add3A_1972, %select_n3A_1815 : vector<16xi1>, vector<16xf32>
        %add3A_1985 = arith.addf %add3A_1983, %select_n3A_1817 : vector<16xf32>
        %select_n3A_1986 = arith.select %eq3A_172, %add3A_1985, %select_n3A_1817 : vector<16xi1>, vector<16xf32>
        %mul3A_1987 = arith.constant 16 : i32
        %mul3A_1988 = arith.muli %scan3A_1474, %mul3A_1987 : i32
        %add3A_1989 = arith.constant 3 : i32
        %add3A_1990 = arith.addi %mul3A_1988, %add3A_1989 : i32
        %slice3A_1991 = vector.extract_strided_slice %get3A_1479 {offsets = [3], sizes = [1], strides = [1]} : vector<16xi32> to vector<1xi32>
        %squeeze3A_1992 = vector.extract %slice3A_1991[0] : i32 from vector<1xi32>
        %and3A_1993 = arith.constant 1 : i32
        %and3A_1994 = arith.andi %squeeze3A_1992, %and3A_1993 : i32
        %shift_left3A_1995 = arith.constant 6 : i32
        %shift_left3A_1996 = arith.shli %and3A_1994, %shift_left3A_1995 : i32
        %slice3A_1997 = vector.extract_strided_slice %get3A_1482 {offsets = [3], sizes = [1], strides = [1]} : vector<16xi32> to vector<1xi32>
        %squeeze3A_1998 = vector.extract %slice3A_1997[0] : i32 from vector<1xi32>
        %and3A_1999 = arith.constant 1 : i32
        %and3A_2000 = arith.andi %squeeze3A_1998, %and3A_1999 : i32
        %shift_left3A_2001 = arith.constant 6 : i32
        %shift_left3A_2002 = arith.shli %and3A_2000, %shift_left3A_2001 : i32
        %add3A_2003 = arith.constant 0 : i32
        %add3A_2004 = arith.addi %shift_left3A_1996, %add3A_2003 : i32
        %get3A_2005 = arith.index_cast %and3A_1404 : i32 to index
        %get3A_2006 = arith.index_cast %add3A_1990 : i32 to index
        %get3A_2007 = arith.index_cast %add3A_2004 : i32 to index
        %get3A_2008 = tpu.vector_load %arg13[%get3A_2005, %get3A_2006, %get3A_2007] {strides = array<i32>} : memref<2x128x128xf32, #tpu.memory_space<vmem>>, vector<16xf32>,
        %add3A_2009 = arith.constant 0 : i32
        %add3A_2010 = arith.addi %shift_left3A_2002, %add3A_2009 : i32
        %get3A_2011 = arith.index_cast %and3A_1404 : i32 to index
        %get3A_2012 = arith.index_cast %add3A_1990 : i32 to index
        %get3A_2013 = arith.index_cast %add3A_2010 : i32 to index
        %get3A_2014 = tpu.vector_load %arg14[%get3A_2011, %get3A_2012, %get3A_2013] {strides = array<i32>} : memref<2x128x128xf32, #tpu.memory_space<vmem>>, vector<16xf32>,
        %mul3A_2015 = arith.mulf %get3A_2008, %get3A_2014 : vector<16xf32>
        %mul3A_2016 = arith.mulf %get3A_2014, %get3A_1439 : vector<16xf32>
        %add3A_2017 = arith.constant 16 : i32
        %add3A_2018 = arith.addi %shift_left3A_1996, %add3A_2017 : i32
        %get3A_2019 = arith.index_cast %and3A_1404 : i32 to index
        %get3A_2020 = arith.index_cast %add3A_1990 : i32 to index
        %get3A_2021 = arith.index_cast %add3A_2018 : i32 to index
        %get3A_2022 = tpu.vector_load %arg13[%get3A_2019, %get3A_2020, %get3A_2021] {strides = array<i32>} : memref<2x128x128xf32, #tpu.memory_space<vmem>>, vector<16xf32>,
        %add3A_2023 = arith.constant 16 : i32
        %add3A_2024 = arith.addi %shift_left3A_2002, %add3A_2023 : i32
        %get3A_2025 = arith.index_cast %and3A_1404 : i32 to index
        %get3A_2026 = arith.index_cast %add3A_1990 : i32 to index
        %get3A_2027 = arith.index_cast %add3A_2024 : i32 to index
        %get3A_2028 = tpu.vector_load %arg14[%get3A_2025, %get3A_2026, %get3A_2027] {strides = array<i32>} : memref<2x128x128xf32, #tpu.memory_space<vmem>>, vector<16xf32>,
        %mul3A_2029 = arith.mulf %get3A_2022, %get3A_2028 : vector<16xf32>
        %add3A_2030 = arith.addf %mul3A_2015, %mul3A_2029 : vector<16xf32>
        %mul3A_2031 = arith.mulf %get3A_2028, %get3A_1445 : vector<16xf32>
        %add3A_2032 = arith.addf %mul3A_2016, %mul3A_2031 : vector<16xf32>
        %add3A_2033 = arith.constant 32 : i32
        %add3A_2034 = arith.addi %shift_left3A_1996, %add3A_2033 : i32
        %get3A_2035 = arith.index_cast %and3A_1404 : i32 to index
        %get3A_2036 = arith.index_cast %add3A_1990 : i32 to index
        %get3A_2037 = arith.index_cast %add3A_2034 : i32 to index
        %get3A_2038 = tpu.vector_load %arg13[%get3A_2035, %get3A_2036, %get3A_2037] {strides = array<i32>} : memref<2x128x128xf32, #tpu.memory_space<vmem>>, vector<16xf32>,
        %add3A_2039 = arith.constant 32 : i32
        %add3A_2040 = arith.addi %shift_left3A_2002, %add3A_2039 : i32
        %get3A_2041 = arith.index_cast %and3A_1404 : i32 to index
        %get3A_2042 = arith.index_cast %add3A_1990 : i32 to index
        %get3A_2043 = arith.index_cast %add3A_2040 : i32 to index
        %get3A_2044 = tpu.vector_load %arg14[%get3A_2041, %get3A_2042, %get3A_2043] {strides = array<i32>} : memref<2x128x128xf32, #tpu.memory_space<vmem>>, vector<16xf32>,
        %mul3A_2045 = arith.mulf %get3A_2038, %get3A_2044 : vector<16xf32>
        %add3A_2046 = arith.addf %add3A_2030, %mul3A_2045 : vector<16xf32>
        %mul3A_2047 = arith.mulf %get3A_2044, %get3A_1451 : vector<16xf32>
        %add3A_2048 = arith.addf %add3A_2032, %mul3A_2047 : vector<16xf32>
        %add3A_2049 = arith.constant 48 : i32
        %add3A_2050 = arith.addi %shift_left3A_1996, %add3A_2049 : i32
        %get3A_2051 = arith.index_cast %and3A_1404 : i32 to index
        %get3A_2052 = arith.index_cast %add3A_1990 : i32 to index
        %get3A_2053 = arith.index_cast %add3A_2050 : i32 to index
        %get3A_2054 = tpu.vector_load %arg13[%get3A_2051, %get3A_2052, %get3A_2053] {strides = array<i32>} : memref<2x128x128xf32, #tpu.memory_space<vmem>>, vector<16xf32>,
        %add3A_2055 = arith.constant 48 : i32
        %add3A_2056 = arith.addi %shift_left3A_2002, %add3A_2055 : i32
        %get3A_2057 = arith.index_cast %and3A_1404 : i32 to index
        %get3A_2058 = arith.index_cast %add3A_1990 : i32 to index
        %get3A_2059 = arith.index_cast %add3A_2056 : i32 to index
        %get3A_2060 = tpu.vector_load %arg14[%get3A_2057, %get3A_2058, %get3A_2059] {strides = array<i32>} : memref<2x128x128xf32, #tpu.memory_space<vmem>>, vector<16xf32>,
        %mul3A_2061 = arith.mulf %get3A_2054, %get3A_2060 : vector<16xf32>
        %add3A_2062 = arith.addf %add3A_2046, %mul3A_2061 : vector<16xf32>
        %mul3A_2063 = arith.mulf %get3A_2060, %get3A_1457 : vector<16xf32>
        %add3A_2064 = arith.addf %add3A_2048, %mul3A_2063 : vector<16xf32>
        %lt3A_2065 = arith.constant 0 : i32
        %lt3A_2066 = vector.broadcast %lt3A_2065 : i32 to vector<16xi32>
        %lt3A_2067 = arith.cmpi slt, %xor3A_155, %lt3A_2066 : vector<16xi32>
        %add3A_2068 = arith.constant 16 : i32
        %add3A_2069 = vector.broadcast %add3A_2068 : i32 to vector<16xi32>
        %add3A_2070 = arith.addi %xor3A_155, %add3A_2069 : vector<16xi32>
        %select_n3A_2071 = arith.select %lt3A_2067, %add3A_2070, %xor3A_155 : vector<16xi1>, vector<16xi32>
        %broadcast_in_dim3A_2072 = vector.shape_cast %select_n3A_2071 : vector<16xi32> to vector<16x1xi32>
        %gather3A_2073 = vector.shape_cast %broadcast_in_dim3A_2072 : vector<16x1xi32> to vector<16xi32>
        %gather3A_2074 = tpu.dynamic_gather %add3A_2062[%gather3A_2073] in [0] : vector<16xf32>, vector<16xi32> -> vector<16xf32>
        %add3A_2075 = arith.addf %add3A_2062, %gather3A_2074 : vector<16xf32>
        %lt3A_2076 = arith.constant 0 : i32
        %lt3A_2077 = vector.broadcast %lt3A_2076 : i32 to vector<16xi32>
        %lt3A_2078 = arith.cmpi slt, %xor3A_155, %lt3A_2077 : vector<16xi32>
        %add3A_2079 = arith.constant 16 : i32
        %add3A_2080 = vector.broadcast %add3A_2079 : i32 to vector<16xi32>
        %add3A_2081 = arith.addi %xor3A_155, %add3A_2080 : vector<16xi32>
        %select_n3A_2082 = arith.select %lt3A_2078, %add3A_2081, %xor3A_155 : vector<16xi1>, vector<16xi32>
        %broadcast_in_dim3A_2083 = vector.shape_cast %select_n3A_2082 : vector<16xi32> to vector<16x1xi32>
        %gather3A_2084 = vector.shape_cast %broadcast_in_dim3A_2083 : vector<16x1xi32> to vector<16xi32>
        %gather3A_2085 = tpu.dynamic_gather %add3A_2064[%gather3A_2084] in [0] : vector<16xf32>, vector<16xi32> -> vector<16xf32>
        %add3A_2086 = arith.addf %add3A_2064, %gather3A_2085 : vector<16xf32>
        %lt3A_2087 = arith.constant 0 : i32
        %lt3A_2088 = vector.broadcast %lt3A_2087 : i32 to vector<16xi32>
        %lt3A_2089 = arith.cmpi slt, %xor3A_158, %lt3A_2088 : vector<16xi32>
        %add3A_2090 = arith.constant 16 : i32
        %add3A_2091 = vector.broadcast %add3A_2090 : i32 to vector<16xi32>
        %add3A_2092 = arith.addi %xor3A_158, %add3A_2091 : vector<16xi32>
        %select_n3A_2093 = arith.select %lt3A_2089, %add3A_2092, %xor3A_158 : vector<16xi1>, vector<16xi32>
        %broadcast_in_dim3A_2094 = vector.shape_cast %select_n3A_2093 : vector<16xi32> to vector<16x1xi32>
        %gather3A_2095 = vector.shape_cast %broadcast_in_dim3A_2094 : vector<16x1xi32> to vector<16xi32>
        %gather3A_2096 = tpu.dynamic_gather %add3A_2075[%gather3A_2095] in [0] : vector<16xf32>, vector<16xi32> -> vector<16xf32>
        %add3A_2097 = arith.addf %add3A_2075, %gather3A_2096 : vector<16xf32>
        %lt3A_2098 = arith.constant 0 : i32
        %lt3A_2099 = vector.broadcast %lt3A_2098 : i32 to vector<16xi32>
        %lt3A_2100 = arith.cmpi slt, %xor3A_158, %lt3A_2099 : vector<16xi32>
        %add3A_2101 = arith.constant 16 : i32
        %add3A_2102 = vector.broadcast %add3A_2101 : i32 to vector<16xi32>
        %add3A_2103 = arith.addi %xor3A_158, %add3A_2102 : vector<16xi32>
        %select_n3A_2104 = arith.select %lt3A_2100, %add3A_2103, %xor3A_158 : vector<16xi1>, vector<16xi32>
        %broadcast_in_dim3A_2105 = vector.shape_cast %select_n3A_2104 : vector<16xi32> to vector<16x1xi32>
        %gather3A_2106 = vector.shape_cast %broadcast_in_dim3A_2105 : vector<16x1xi32> to vector<16xi32>
        %gather3A_2107 = tpu.dynamic_gather %add3A_2086[%gather3A_2106] in [0] : vector<16xf32>, vector<16xi32> -> vector<16xf32>
        %add3A_2108 = arith.addf %add3A_2086, %gather3A_2107 : vector<16xf32>
        %lt3A_2109 = arith.constant 0 : i32
        %lt3A_2110 = vector.broadcast %lt3A_2109 : i32 to vector<16xi32>
        %lt3A_2111 = arith.cmpi slt, %xor3A_161, %lt3A_2110 : vector<16xi32>
        %add3A_2112 = arith.constant 16 : i32
        %add3A_2113 = vector.broadcast %add3A_2112 : i32 to vector<16xi32>
        %add3A_2114 = arith.addi %xor3A_161, %add3A_2113 : vector<16xi32>
        %select_n3A_2115 = arith.select %lt3A_2111, %add3A_2114, %xor3A_161 : vector<16xi1>, vector<16xi32>
        %broadcast_in_dim3A_2116 = vector.shape_cast %select_n3A_2115 : vector<16xi32> to vector<16x1xi32>
        %gather3A_2117 = vector.shape_cast %broadcast_in_dim3A_2116 : vector<16x1xi32> to vector<16xi32>
        %gather3A_2118 = tpu.dynamic_gather %add3A_2097[%gather3A_2117] in [0] : vector<16xf32>, vector<16xi32> -> vector<16xf32>
        %add3A_2119 = arith.addf %add3A_2097, %gather3A_2118 : vector<16xf32>
        %lt3A_2120 = arith.constant 0 : i32
        %lt3A_2121 = vector.broadcast %lt3A_2120 : i32 to vector<16xi32>
        %lt3A_2122 = arith.cmpi slt, %xor3A_161, %lt3A_2121 : vector<16xi32>
        %add3A_2123 = arith.constant 16 : i32
        %add3A_2124 = vector.broadcast %add3A_2123 : i32 to vector<16xi32>
        %add3A_2125 = arith.addi %xor3A_161, %add3A_2124 : vector<16xi32>
        %select_n3A_2126 = arith.select %lt3A_2122, %add3A_2125, %xor3A_161 : vector<16xi1>, vector<16xi32>
        %broadcast_in_dim3A_2127 = vector.shape_cast %select_n3A_2126 : vector<16xi32> to vector<16x1xi32>
        %gather3A_2128 = vector.shape_cast %broadcast_in_dim3A_2127 : vector<16x1xi32> to vector<16xi32>
        %gather3A_2129 = tpu.dynamic_gather %add3A_2108[%gather3A_2128] in [0] : vector<16xf32>, vector<16xi32> -> vector<16xf32>
        %add3A_2130 = arith.addf %add3A_2108, %gather3A_2129 : vector<16xf32>
        %lt3A_2131 = arith.constant 0 : i32
        %lt3A_2132 = vector.broadcast %lt3A_2131 : i32 to vector<16xi32>
        %lt3A_2133 = arith.cmpi slt, %xor3A_164, %lt3A_2132 : vector<16xi32>
        %add3A_2134 = arith.constant 16 : i32
        %add3A_2135 = vector.broadcast %add3A_2134 : i32 to vector<16xi32>
        %add3A_2136 = arith.addi %xor3A_164, %add3A_2135 : vector<16xi32>
        %select_n3A_2137 = arith.select %lt3A_2133, %add3A_2136, %xor3A_164 : vector<16xi1>, vector<16xi32>
        %broadcast_in_dim3A_2138 = vector.shape_cast %select_n3A_2137 : vector<16xi32> to vector<16x1xi32>
        %gather3A_2139 = vector.shape_cast %broadcast_in_dim3A_2138 : vector<16x1xi32> to vector<16xi32>
        %gather3A_2140 = tpu.dynamic_gather %add3A_2119[%gather3A_2139] in [0] : vector<16xf32>, vector<16xi32> -> vector<16xf32>
        %add3A_2141 = arith.addf %add3A_2119, %gather3A_2140 : vector<16xf32>
        %lt3A_2142 = arith.constant 0 : i32
        %lt3A_2143 = vector.broadcast %lt3A_2142 : i32 to vector<16xi32>
        %lt3A_2144 = arith.cmpi slt, %xor3A_164, %lt3A_2143 : vector<16xi32>
        %add3A_2145 = arith.constant 16 : i32
        %add3A_2146 = vector.broadcast %add3A_2145 : i32 to vector<16xi32>
        %add3A_2147 = arith.addi %xor3A_164, %add3A_2146 : vector<16xi32>
        %select_n3A_2148 = arith.select %lt3A_2144, %add3A_2147, %xor3A_164 : vector<16xi1>, vector<16xi32>
        %broadcast_in_dim3A_2149 = vector.shape_cast %select_n3A_2148 : vector<16xi32> to vector<16x1xi32>
        %gather3A_2150 = vector.shape_cast %broadcast_in_dim3A_2149 : vector<16x1xi32> to vector<16xi32>
        %gather3A_2151 = tpu.dynamic_gather %add3A_2130[%gather3A_2150] in [0] : vector<16xf32>, vector<16xi32> -> vector<16xf32>
        %add3A_2152 = arith.addf %add3A_2130, %gather3A_2151 : vector<16xf32>
        %select_n3A_2153 = arith.select %eq3A_175, %add3A_2141, %select_n3A_1984 : vector<16xi1>, vector<16xf32>
        %add3A_2154 = arith.addf %add3A_2152, %select_n3A_1986 : vector<16xf32>
        %select_n3A_2155 = arith.select %eq3A_175, %add3A_2154, %select_n3A_1986 : vector<16xi1>, vector<16xf32>
        %mul3A_2156 = arith.constant 16 : i32
        %mul3A_2157 = arith.muli %scan3A_1474, %mul3A_2156 : i32
        %add3A_2158 = arith.constant 4 : i32
        %add3A_2159 = arith.addi %mul3A_2157, %add3A_2158 : i32
        %slice3A_2160 = vector.extract_strided_slice %get3A_1479 {offsets = [4], sizes = [1], strides = [1]} : vector<16xi32> to vector<1xi32>
        %squeeze3A_2161 = vector.extract %slice3A_2160[0] : i32 from vector<1xi32>
        %and3A_2162 = arith.constant 1 : i32
        %and3A_2163 = arith.andi %squeeze3A_2161, %and3A_2162 : i32
        %shift_left3A_2164 = arith.constant 6 : i32
        %shift_left3A_2165 = arith.shli %and3A_2163, %shift_left3A_2164 : i32
        %slice3A_2166 = vector.extract_strided_slice %get3A_1482 {offsets = [4], sizes = [1], strides = [1]} : vector<16xi32> to vector<1xi32>
        %squeeze3A_2167 = vector.extract %slice3A_2166[0] : i32 from vector<1xi32>
        %and3A_2168 = arith.constant 1 : i32
        %and3A_2169 = arith.andi %squeeze3A_2167, %and3A_2168 : i32
        %shift_left3A_2170 = arith.constant 6 : i32
        %shift_left3A_2171 = arith.shli %and3A_2169, %shift_left3A_2170 : i32
        %add3A_2172 = arith.constant 0 : i32
        %add3A_2173 = arith.addi %shift_left3A_2165, %add3A_2172 : i32
        %get3A_2174 = arith.index_cast %and3A_1404 : i32 to index
        %get3A_2175 = arith.index_cast %add3A_2159 : i32 to index
        %get3A_2176 = arith.index_cast %add3A_2173 : i32 to index
        %get3A_2177 = tpu.vector_load %arg13[%get3A_2174, %get3A_2175, %get3A_2176] {strides = array<i32>} : memref<2x128x128xf32, #tpu.memory_space<vmem>>, vector<16xf32>,
        %add3A_2178 = arith.constant 0 : i32
        %add3A_2179 = arith.addi %shift_left3A_2171, %add3A_2178 : i32
        %get3A_2180 = arith.index_cast %and3A_1404 : i32 to index
        %get3A_2181 = arith.index_cast %add3A_2159 : i32 to index
        %get3A_2182 = arith.index_cast %add3A_2179 : i32 to index
        %get3A_2183 = tpu.vector_load %arg14[%get3A_2180, %get3A_2181, %get3A_2182] {strides = array<i32>} : memref<2x128x128xf32, #tpu.memory_space<vmem>>, vector<16xf32>,
        %mul3A_2184 = arith.mulf %get3A_2177, %get3A_2183 : vector<16xf32>
        %mul3A_2185 = arith.mulf %get3A_2183, %get3A_1439 : vector<16xf32>
        %add3A_2186 = arith.constant 16 : i32
        %add3A_2187 = arith.addi %shift_left3A_2165, %add3A_2186 : i32
        %get3A_2188 = arith.index_cast %and3A_1404 : i32 to index
        %get3A_2189 = arith.index_cast %add3A_2159 : i32 to index
        %get3A_2190 = arith.index_cast %add3A_2187 : i32 to index
        %get3A_2191 = tpu.vector_load %arg13[%get3A_2188, %get3A_2189, %get3A_2190] {strides = array<i32>} : memref<2x128x128xf32, #tpu.memory_space<vmem>>, vector<16xf32>,
        %add3A_2192 = arith.constant 16 : i32
        %add3A_2193 = arith.addi %shift_left3A_2171, %add3A_2192 : i32
        %get3A_2194 = arith.index_cast %and3A_1404 : i32 to index
        %get3A_2195 = arith.index_cast %add3A_2159 : i32 to index
        %get3A_2196 = arith.index_cast %add3A_2193 : i32 to index
        %get3A_2197 = tpu.vector_load %arg14[%get3A_2194, %get3A_2195, %get3A_2196] {strides = array<i32>} : memref<2x128x128xf32, #tpu.memory_space<vmem>>, vector<16xf32>,
        %mul3A_2198 = arith.mulf %get3A_2191, %get3A_2197 : vector<16xf32>
        %add3A_2199 = arith.addf %mul3A_2184, %mul3A_2198 : vector<16xf32>
        %mul3A_2200 = arith.mulf %get3A_2197, %get3A_1445 : vector<16xf32>
        %add3A_2201 = arith.addf %mul3A_2185, %mul3A_2200 : vector<16xf32>
        %add3A_2202 = arith.constant 32 : i32
        %add3A_2203 = arith.addi %shift_left3A_2165, %add3A_2202 : i32
        %get3A_2204 = arith.index_cast %and3A_1404 : i32 to index
        %get3A_2205 = arith.index_cast %add3A_2159 : i32 to index
        %get3A_2206 = arith.index_cast %add3A_2203 : i32 to index
        %get3A_2207 = tpu.vector_load %arg13[%get3A_2204, %get3A_2205, %get3A_2206] {strides = array<i32>} : memref<2x128x128xf32, #tpu.memory_space<vmem>>, vector<16xf32>,
        %add3A_2208 = arith.constant 32 : i32
        %add3A_2209 = arith.addi %shift_left3A_2171, %add3A_2208 : i32
        %get3A_2210 = arith.index_cast %and3A_1404 : i32 to index
        %get3A_2211 = arith.index_cast %add3A_2159 : i32 to index
        %get3A_2212 = arith.index_cast %add3A_2209 : i32 to index
        %get3A_2213 = tpu.vector_load %arg14[%get3A_2210, %get3A_2211, %get3A_2212] {strides = array<i32>} : memref<2x128x128xf32, #tpu.memory_space<vmem>>, vector<16xf32>,
        %mul3A_2214 = arith.mulf %get3A_2207, %get3A_2213 : vector<16xf32>
        %add3A_2215 = arith.addf %add3A_2199, %mul3A_2214 : vector<16xf32>
        %mul3A_2216 = arith.mulf %get3A_2213, %get3A_1451 : vector<16xf32>
        %add3A_2217 = arith.addf %add3A_2201, %mul3A_2216 : vector<16xf32>
        %add3A_2218 = arith.constant 48 : i32
        %add3A_2219 = arith.addi %shift_left3A_2165, %add3A_2218 : i32
        %get3A_2220 = arith.index_cast %and3A_1404 : i32 to index
        %get3A_2221 = arith.index_cast %add3A_2159 : i32 to index
        %get3A_2222 = arith.index_cast %add3A_2219 : i32 to index
        %get3A_2223 = tpu.vector_load %arg13[%get3A_2220, %get3A_2221, %get3A_2222] {strides = array<i32>} : memref<2x128x128xf32, #tpu.memory_space<vmem>>, vector<16xf32>,
        %add3A_2224 = arith.constant 48 : i32
        %add3A_2225 = arith.addi %shift_left3A_2171, %add3A_2224 : i32
        %get3A_2226 = arith.index_cast %and3A_1404 : i32 to index
        %get3A_2227 = arith.index_cast %add3A_2159 : i32 to index
        %get3A_2228 = arith.index_cast %add3A_2225 : i32 to index
        %get3A_2229 = tpu.vector_load %arg14[%get3A_2226, %get3A_2227, %get3A_2228] {strides = array<i32>} : memref<2x128x128xf32, #tpu.memory_space<vmem>>, vector<16xf32>,
        %mul3A_2230 = arith.mulf %get3A_2223, %get3A_2229 : vector<16xf32>
        %add3A_2231 = arith.addf %add3A_2215, %mul3A_2230 : vector<16xf32>
        %mul3A_2232 = arith.mulf %get3A_2229, %get3A_1457 : vector<16xf32>
        %add3A_2233 = arith.addf %add3A_2217, %mul3A_2232 : vector<16xf32>
        %lt3A_2234 = arith.constant 0 : i32
        %lt3A_2235 = vector.broadcast %lt3A_2234 : i32 to vector<16xi32>
        %lt3A_2236 = arith.cmpi slt, %xor3A_155, %lt3A_2235 : vector<16xi32>
        %add3A_2237 = arith.constant 16 : i32
        %add3A_2238 = vector.broadcast %add3A_2237 : i32 to vector<16xi32>
        %add3A_2239 = arith.addi %xor3A_155, %add3A_2238 : vector<16xi32>
        %select_n3A_2240 = arith.select %lt3A_2236, %add3A_2239, %xor3A_155 : vector<16xi1>, vector<16xi32>
        %broadcast_in_dim3A_2241 = vector.shape_cast %select_n3A_2240 : vector<16xi32> to vector<16x1xi32>
        %gather3A_2242 = vector.shape_cast %broadcast_in_dim3A_2241 : vector<16x1xi32> to vector<16xi32>
        %gather3A_2243 = tpu.dynamic_gather %add3A_2231[%gather3A_2242] in [0] : vector<16xf32>, vector<16xi32> -> vector<16xf32>
        %add3A_2244 = arith.addf %add3A_2231, %gather3A_2243 : vector<16xf32>
        %lt3A_2245 = arith.constant 0 : i32
        %lt3A_2246 = vector.broadcast %lt3A_2245 : i32 to vector<16xi32>
        %lt3A_2247 = arith.cmpi slt, %xor3A_155, %lt3A_2246 : vector<16xi32>
        %add3A_2248 = arith.constant 16 : i32
        %add3A_2249 = vector.broadcast %add3A_2248 : i32 to vector<16xi32>
        %add3A_2250 = arith.addi %xor3A_155, %add3A_2249 : vector<16xi32>
        %select_n3A_2251 = arith.select %lt3A_2247, %add3A_2250, %xor3A_155 : vector<16xi1>, vector<16xi32>
        %broadcast_in_dim3A_2252 = vector.shape_cast %select_n3A_2251 : vector<16xi32> to vector<16x1xi32>
        %gather3A_2253 = vector.shape_cast %broadcast_in_dim3A_2252 : vector<16x1xi32> to vector<16xi32>
        %gather3A_2254 = tpu.dynamic_gather %add3A_2233[%gather3A_2253] in [0] : vector<16xf32>, vector<16xi32> -> vector<16xf32>
        %add3A_2255 = arith.addf %add3A_2233, %gather3A_2254 : vector<16xf32>
        %lt3A_2256 = arith.constant 0 : i32
        %lt3A_2257 = vector.broadcast %lt3A_2256 : i32 to vector<16xi32>
        %lt3A_2258 = arith.cmpi slt, %xor3A_158, %lt3A_2257 : vector<16xi32>
        %add3A_2259 = arith.constant 16 : i32
        %add3A_2260 = vector.broadcast %add3A_2259 : i32 to vector<16xi32>
        %add3A_2261 = arith.addi %xor3A_158, %add3A_2260 : vector<16xi32>
        %select_n3A_2262 = arith.select %lt3A_2258, %add3A_2261, %xor3A_158 : vector<16xi1>, vector<16xi32>
        %broadcast_in_dim3A_2263 = vector.shape_cast %select_n3A_2262 : vector<16xi32> to vector<16x1xi32>
        %gather3A_2264 = vector.shape_cast %broadcast_in_dim3A_2263 : vector<16x1xi32> to vector<16xi32>
        %gather3A_2265 = tpu.dynamic_gather %add3A_2244[%gather3A_2264] in [0] : vector<16xf32>, vector<16xi32> -> vector<16xf32>
        %add3A_2266 = arith.addf %add3A_2244, %gather3A_2265 : vector<16xf32>
        %lt3A_2267 = arith.constant 0 : i32
        %lt3A_2268 = vector.broadcast %lt3A_2267 : i32 to vector<16xi32>
        %lt3A_2269 = arith.cmpi slt, %xor3A_158, %lt3A_2268 : vector<16xi32>
        %add3A_2270 = arith.constant 16 : i32
        %add3A_2271 = vector.broadcast %add3A_2270 : i32 to vector<16xi32>
        %add3A_2272 = arith.addi %xor3A_158, %add3A_2271 : vector<16xi32>
        %select_n3A_2273 = arith.select %lt3A_2269, %add3A_2272, %xor3A_158 : vector<16xi1>, vector<16xi32>
        %broadcast_in_dim3A_2274 = vector.shape_cast %select_n3A_2273 : vector<16xi32> to vector<16x1xi32>
        %gather3A_2275 = vector.shape_cast %broadcast_in_dim3A_2274 : vector<16x1xi32> to vector<16xi32>
        %gather3A_2276 = tpu.dynamic_gather %add3A_2255[%gather3A_2275] in [0] : vector<16xf32>, vector<16xi32> -> vector<16xf32>
        %add3A_2277 = arith.addf %add3A_2255, %gather3A_2276 : vector<16xf32>
        %lt3A_2278 = arith.constant 0 : i32
        %lt3A_2279 = vector.broadcast %lt3A_2278 : i32 to vector<16xi32>
        %lt3A_2280 = arith.cmpi slt, %xor3A_161, %lt3A_2279 : vector<16xi32>
        %add3A_2281 = arith.constant 16 : i32
        %add3A_2282 = vector.broadcast %add3A_2281 : i32 to vector<16xi32>
        %add3A_2283 = arith.addi %xor3A_161, %add3A_2282 : vector<16xi32>
        %select_n3A_2284 = arith.select %lt3A_2280, %add3A_2283, %xor3A_161 : vector<16xi1>, vector<16xi32>
        %broadcast_in_dim3A_2285 = vector.shape_cast %select_n3A_2284 : vector<16xi32> to vector<16x1xi32>
        %gather3A_2286 = vector.shape_cast %broadcast_in_dim3A_2285 : vector<16x1xi32> to vector<16xi32>
        %gather3A_2287 = tpu.dynamic_gather %add3A_2266[%gather3A_2286] in [0] : vector<16xf32>, vector<16xi32> -> vector<16xf32>
        %add3A_2288 = arith.addf %add3A_2266, %gather3A_2287 : vector<16xf32>
        %lt3A_2289 = arith.constant 0 : i32
        %lt3A_2290 = vector.broadcast %lt3A_2289 : i32 to vector<16xi32>
        %lt3A_2291 = arith.cmpi slt, %xor3A_161, %lt3A_2290 : vector<16xi32>
        %add3A_2292 = arith.constant 16 : i32
        %add3A_2293 = vector.broadcast %add3A_2292 : i32 to vector<16xi32>
        %add3A_2294 = arith.addi %xor3A_161, %add3A_2293 : vector<16xi32>
        %select_n3A_2295 = arith.select %lt3A_2291, %add3A_2294, %xor3A_161 : vector<16xi1>, vector<16xi32>
        %broadcast_in_dim3A_2296 = vector.shape_cast %select_n3A_2295 : vector<16xi32> to vector<16x1xi32>
        %gather3A_2297 = vector.shape_cast %broadcast_in_dim3A_2296 : vector<16x1xi32> to vector<16xi32>
        %gather3A_2298 = tpu.dynamic_gather %add3A_2277[%gather3A_2297] in [0] : vector<16xf32>, vector<16xi32> -> vector<16xf32>
        %add3A_2299 = arith.addf %add3A_2277, %gather3A_2298 : vector<16xf32>
        %lt3A_2300 = arith.constant 0 : i32
        %lt3A_2301 = vector.broadcast %lt3A_2300 : i32 to vector<16xi32>
        %lt3A_2302 = arith.cmpi slt, %xor3A_164, %lt3A_2301 : vector<16xi32>
        %add3A_2303 = arith.constant 16 : i32
        %add3A_2304 = vector.broadcast %add3A_2303 : i32 to vector<16xi32>
        %add3A_2305 = arith.addi %xor3A_164, %add3A_2304 : vector<16xi32>
        %select_n3A_2306 = arith.select %lt3A_2302, %add3A_2305, %xor3A_164 : vector<16xi1>, vector<16xi32>
        %broadcast_in_dim3A_2307 = vector.shape_cast %select_n3A_2306 : vector<16xi32> to vector<16x1xi32>
        %gather3A_2308 = vector.shape_cast %broadcast_in_dim3A_2307 : vector<16x1xi32> to vector<16xi32>
        %gather3A_2309 = tpu.dynamic_gather %add3A_2288[%gather3A_2308] in [0] : vector<16xf32>, vector<16xi32> -> vector<16xf32>
        %add3A_2310 = arith.addf %add3A_2288, %gather3A_2309 : vector<16xf32>
        %lt3A_2311 = arith.constant 0 : i32
        %lt3A_2312 = vector.broadcast %lt3A_2311 : i32 to vector<16xi32>
        %lt3A_2313 = arith.cmpi slt, %xor3A_164, %lt3A_2312 : vector<16xi32>
        %add3A_2314 = arith.constant 16 : i32
        %add3A_2315 = vector.broadcast %add3A_2314 : i32 to vector<16xi32>
        %add3A_2316 = arith.addi %xor3A_164, %add3A_2315 : vector<16xi32>
        %select_n3A_2317 = arith.select %lt3A_2313, %add3A_2316, %xor3A_164 : vector<16xi1>, vector<16xi32>
        %broadcast_in_dim3A_2318 = vector.shape_cast %select_n3A_2317 : vector<16xi32> to vector<16x1xi32>
        %gather3A_2319 = vector.shape_cast %broadcast_in_dim3A_2318 : vector<16x1xi32> to vector<16xi32>
        %gather3A_2320 = tpu.dynamic_gather %add3A_2299[%gather3A_2319] in [0] : vector<16xf32>, vector<16xi32> -> vector<16xf32>
        %add3A_2321 = arith.addf %add3A_2299, %gather3A_2320 : vector<16xf32>
        %select_n3A_2322 = arith.select %eq3A_178, %add3A_2310, %select_n3A_2153 : vector<16xi1>, vector<16xf32>
        %add3A_2323 = arith.addf %add3A_2321, %select_n3A_2155 : vector<16xf32>
        %select_n3A_2324 = arith.select %eq3A_178, %add3A_2323, %select_n3A_2155 : vector<16xi1>, vector<16xf32>
        %mul3A_2325 = arith.constant 16 : i32
        %mul3A_2326 = arith.muli %scan3A_1474, %mul3A_2325 : i32
        %add3A_2327 = arith.constant 5 : i32
        %add3A_2328 = arith.addi %mul3A_2326, %add3A_2327 : i32
        %slice3A_2329 = vector.extract_strided_slice %get3A_1479 {offsets = [5], sizes = [1], strides = [1]} : vector<16xi32> to vector<1xi32>
        %squeeze3A_2330 = vector.extract %slice3A_2329[0] : i32 from vector<1xi32>
        %and3A_2331 = arith.constant 1 : i32
        %and3A_2332 = arith.andi %squeeze3A_2330, %and3A_2331 : i32
        %shift_left3A_2333 = arith.constant 6 : i32
        %shift_left3A_2334 = arith.shli %and3A_2332, %shift_left3A_2333 : i32
        %slice3A_2335 = vector.extract_strided_slice %get3A_1482 {offsets = [5], sizes = [1], strides = [1]} : vector<16xi32> to vector<1xi32>
        %squeeze3A_2336 = vector.extract %slice3A_2335[0] : i32 from vector<1xi32>
        %and3A_2337 = arith.constant 1 : i32
        %and3A_2338 = arith.andi %squeeze3A_2336, %and3A_2337 : i32
        %shift_left3A_2339 = arith.constant 6 : i32
        %shift_left3A_2340 = arith.shli %and3A_2338, %shift_left3A_2339 : i32
        %add3A_2341 = arith.constant 0 : i32
        %add3A_2342 = arith.addi %shift_left3A_2334, %add3A_2341 : i32
        %get3A_2343 = arith.index_cast %and3A_1404 : i32 to index
        %get3A_2344 = arith.index_cast %add3A_2328 : i32 to index
        %get3A_2345 = arith.index_cast %add3A_2342 : i32 to index
        %get3A_2346 = tpu.vector_load %arg13[%get3A_2343, %get3A_2344, %get3A_2345] {strides = array<i32>} : memref<2x128x128xf32, #tpu.memory_space<vmem>>, vector<16xf32>,
        %add3A_2347 = arith.constant 0 : i32
        %add3A_2348 = arith.addi %shift_left3A_2340, %add3A_2347 : i32
        %get3A_2349 = arith.index_cast %and3A_1404 : i32 to index
        %get3A_2350 = arith.index_cast %add3A_2328 : i32 to index
        %get3A_2351 = arith.index_cast %add3A_2348 : i32 to index
        %get3A_2352 = tpu.vector_load %arg14[%get3A_2349, %get3A_2350, %get3A_2351] {strides = array<i32>} : memref<2x128x128xf32, #tpu.memory_space<vmem>>, vector<16xf32>,
        %mul3A_2353 = arith.mulf %get3A_2346, %get3A_2352 : vector<16xf32>
        %mul3A_2354 = arith.mulf %get3A_2352, %get3A_1439 : vector<16xf32>
        %add3A_2355 = arith.constant 16 : i32
        %add3A_2356 = arith.addi %shift_left3A_2334, %add3A_2355 : i32
        %get3A_2357 = arith.index_cast %and3A_1404 : i32 to index
        %get3A_2358 = arith.index_cast %add3A_2328 : i32 to index
        %get3A_2359 = arith.index_cast %add3A_2356 : i32 to index
        %get3A_2360 = tpu.vector_load %arg13[%get3A_2357, %get3A_2358, %get3A_2359] {strides = array<i32>} : memref<2x128x128xf32, #tpu.memory_space<vmem>>, vector<16xf32>,
        %add3A_2361 = arith.constant 16 : i32
        %add3A_2362 = arith.addi %shift_left3A_2340, %add3A_2361 : i32
        %get3A_2363 = arith.index_cast %and3A_1404 : i32 to index
        %get3A_2364 = arith.index_cast %add3A_2328 : i32 to index
        %get3A_2365 = arith.index_cast %add3A_2362 : i32 to index
        %get3A_2366 = tpu.vector_load %arg14[%get3A_2363, %get3A_2364, %get3A_2365] {strides = array<i32>} : memref<2x128x128xf32, #tpu.memory_space<vmem>>, vector<16xf32>,
        %mul3A_2367 = arith.mulf %get3A_2360, %get3A_2366 : vector<16xf32>
        %add3A_2368 = arith.addf %mul3A_2353, %mul3A_2367 : vector<16xf32>
        %mul3A_2369 = arith.mulf %get3A_2366, %get3A_1445 : vector<16xf32>
        %add3A_2370 = arith.addf %mul3A_2354, %mul3A_2369 : vector<16xf32>
        %add3A_2371 = arith.constant 32 : i32
        %add3A_2372 = arith.addi %shift_left3A_2334, %add3A_2371 : i32
        %get3A_2373 = arith.index_cast %and3A_1404 : i32 to index
        %get3A_2374 = arith.index_cast %add3A_2328 : i32 to index
        %get3A_2375 = arith.index_cast %add3A_2372 : i32 to index
        %get3A_2376 = tpu.vector_load %arg13[%get3A_2373, %get3A_2374, %get3A_2375] {strides = array<i32>} : memref<2x128x128xf32, #tpu.memory_space<vmem>>, vector<16xf32>,
        %add3A_2377 = arith.constant 32 : i32
        %add3A_2378 = arith.addi %shift_left3A_2340, %add3A_2377 : i32
        %get3A_2379 = arith.index_cast %and3A_1404 : i32 to index
        %get3A_2380 = arith.index_cast %add3A_2328 : i32 to index
        %get3A_2381 = arith.index_cast %add3A_2378 : i32 to index
        %get3A_2382 = tpu.vector_load %arg14[%get3A_2379, %get3A_2380, %get3A_2381] {strides = array<i32>} : memref<2x128x128xf32, #tpu.memory_space<vmem>>, vector<16xf32>,
        %mul3A_2383 = arith.mulf %get3A_2376, %get3A_2382 : vector<16xf32>
        %add3A_2384 = arith.addf %add3A_2368, %mul3A_2383 : vector<16xf32>
        %mul3A_2385 = arith.mulf %get3A_2382, %get3A_1451 : vector<16xf32>
        %add3A_2386 = arith.addf %add3A_2370, %mul3A_2385 : vector<16xf32>
        %add3A_2387 = arith.constant 48 : i32
        %add3A_2388 = arith.addi %shift_left3A_2334, %add3A_2387 : i32
        %get3A_2389 = arith.index_cast %and3A_1404 : i32 to index
        %get3A_2390 = arith.index_cast %add3A_2328 : i32 to index
        %get3A_2391 = arith.index_cast %add3A_2388 : i32 to index
        %get3A_2392 = tpu.vector_load %arg13[%get3A_2389, %get3A_2390, %get3A_2391] {strides = array<i32>} : memref<2x128x128xf32, #tpu.memory_space<vmem>>, vector<16xf32>,
        %add3A_2393 = arith.constant 48 : i32
        %add3A_2394 = arith.addi %shift_left3A_2340, %add3A_2393 : i32
        %get3A_2395 = arith.index_cast %and3A_1404 : i32 to index
        %get3A_2396 = arith.index_cast %add3A_2328 : i32 to index
        %get3A_2397 = arith.index_cast %add3A_2394 : i32 to index
        %get3A_2398 = tpu.vector_load %arg14[%get3A_2395, %get3A_2396, %get3A_2397] {strides = array<i32>} : memref<2x128x128xf32, #tpu.memory_space<vmem>>, vector<16xf32>,
        %mul3A_2399 = arith.mulf %get3A_2392, %get3A_2398 : vector<16xf32>
        %add3A_2400 = arith.addf %add3A_2384, %mul3A_2399 : vector<16xf32>
        %mul3A_2401 = arith.mulf %get3A_2398, %get3A_1457 : vector<16xf32>
        %add3A_2402 = arith.addf %add3A_2386, %mul3A_2401 : vector<16xf32>
        %lt3A_2403 = arith.constant 0 : i32
        %lt3A_2404 = vector.broadcast %lt3A_2403 : i32 to vector<16xi32>
        %lt3A_2405 = arith.cmpi slt, %xor3A_155, %lt3A_2404 : vector<16xi32>
        %add3A_2406 = arith.constant 16 : i32
        %add3A_2407 = vector.broadcast %add3A_2406 : i32 to vector<16xi32>
        %add3A_2408 = arith.addi %xor3A_155, %add3A_2407 : vector<16xi32>
        %select_n3A_2409 = arith.select %lt3A_2405, %add3A_2408, %xor3A_155 : vector<16xi1>, vector<16xi32>
        %broadcast_in_dim3A_2410 = vector.shape_cast %select_n3A_2409 : vector<16xi32> to vector<16x1xi32>
        %gather3A_2411 = vector.shape_cast %broadcast_in_dim3A_2410 : vector<16x1xi32> to vector<16xi32>
        %gather3A_2412 = tpu.dynamic_gather %add3A_2400[%gather3A_2411] in [0] : vector<16xf32>, vector<16xi32> -> vector<16xf32>
        %add3A_2413 = arith.addf %add3A_2400, %gather3A_2412 : vector<16xf32>
        %lt3A_2414 = arith.constant 0 : i32
        %lt3A_2415 = vector.broadcast %lt3A_2414 : i32 to vector<16xi32>
        %lt3A_2416 = arith.cmpi slt, %xor3A_155, %lt3A_2415 : vector<16xi32>
        %add3A_2417 = arith.constant 16 : i32
        %add3A_2418 = vector.broadcast %add3A_2417 : i32 to vector<16xi32>
        %add3A_2419 = arith.addi %xor3A_155, %add3A_2418 : vector<16xi32>
        %select_n3A_2420 = arith.select %lt3A_2416, %add3A_2419, %xor3A_155 : vector<16xi1>, vector<16xi32>
        %broadcast_in_dim3A_2421 = vector.shape_cast %select_n3A_2420 : vector<16xi32> to vector<16x1xi32>
        %gather3A_2422 = vector.shape_cast %broadcast_in_dim3A_2421 : vector<16x1xi32> to vector<16xi32>
        %gather3A_2423 = tpu.dynamic_gather %add3A_2402[%gather3A_2422] in [0] : vector<16xf32>, vector<16xi32> -> vector<16xf32>
        %add3A_2424 = arith.addf %add3A_2402, %gather3A_2423 : vector<16xf32>
        %lt3A_2425 = arith.constant 0 : i32
        %lt3A_2426 = vector.broadcast %lt3A_2425 : i32 to vector<16xi32>
        %lt3A_2427 = arith.cmpi slt, %xor3A_158, %lt3A_2426 : vector<16xi32>
        %add3A_2428 = arith.constant 16 : i32
        %add3A_2429 = vector.broadcast %add3A_2428 : i32 to vector<16xi32>
        %add3A_2430 = arith.addi %xor3A_158, %add3A_2429 : vector<16xi32>
        %select_n3A_2431 = arith.select %lt3A_2427, %add3A_2430, %xor3A_158 : vector<16xi1>, vector<16xi32>
        %broadcast_in_dim3A_2432 = vector.shape_cast %select_n3A_2431 : vector<16xi32> to vector<16x1xi32>
        %gather3A_2433 = vector.shape_cast %broadcast_in_dim3A_2432 : vector<16x1xi32> to vector<16xi32>
        %gather3A_2434 = tpu.dynamic_gather %add3A_2413[%gather3A_2433] in [0] : vector<16xf32>, vector<16xi32> -> vector<16xf32>
        %add3A_2435 = arith.addf %add3A_2413, %gather3A_2434 : vector<16xf32>
        %lt3A_2436 = arith.constant 0 : i32
        %lt3A_2437 = vector.broadcast %lt3A_2436 : i32 to vector<16xi32>
        %lt3A_2438 = arith.cmpi slt, %xor3A_158, %lt3A_2437 : vector<16xi32>
        %add3A_2439 = arith.constant 16 : i32
        %add3A_2440 = vector.broadcast %add3A_2439 : i32 to vector<16xi32>
        %add3A_2441 = arith.addi %xor3A_158, %add3A_2440 : vector<16xi32>
        %select_n3A_2442 = arith.select %lt3A_2438, %add3A_2441, %xor3A_158 : vector<16xi1>, vector<16xi32>
        %broadcast_in_dim3A_2443 = vector.shape_cast %select_n3A_2442 : vector<16xi32> to vector<16x1xi32>
        %gather3A_2444 = vector.shape_cast %broadcast_in_dim3A_2443 : vector<16x1xi32> to vector<16xi32>
        %gather3A_2445 = tpu.dynamic_gather %add3A_2424[%gather3A_2444] in [0] : vector<16xf32>, vector<16xi32> -> vector<16xf32>
        %add3A_2446 = arith.addf %add3A_2424, %gather3A_2445 : vector<16xf32>
        %lt3A_2447 = arith.constant 0 : i32
        %lt3A_2448 = vector.broadcast %lt3A_2447 : i32 to vector<16xi32>
        %lt3A_2449 = arith.cmpi slt, %xor3A_161, %lt3A_2448 : vector<16xi32>
        %add3A_2450 = arith.constant 16 : i32
        %add3A_2451 = vector.broadcast %add3A_2450 : i32 to vector<16xi32>
        %add3A_2452 = arith.addi %xor3A_161, %add3A_2451 : vector<16xi32>
        %select_n3A_2453 = arith.select %lt3A_2449, %add3A_2452, %xor3A_161 : vector<16xi1>, vector<16xi32>
        %broadcast_in_dim3A_2454 = vector.shape_cast %select_n3A_2453 : vector<16xi32> to vector<16x1xi32>
        %gather3A_2455 = vector.shape_cast %broadcast_in_dim3A_2454 : vector<16x1xi32> to vector<16xi32>
        %gather3A_2456 = tpu.dynamic_gather %add3A_2435[%gather3A_2455] in [0] : vector<16xf32>, vector<16xi32> -> vector<16xf32>
        %add3A_2457 = arith.addf %add3A_2435, %gather3A_2456 : vector<16xf32>
        %lt3A_2458 = arith.constant 0 : i32
        %lt3A_2459 = vector.broadcast %lt3A_2458 : i32 to vector<16xi32>
        %lt3A_2460 = arith.cmpi slt, %xor3A_161, %lt3A_2459 : vector<16xi32>
        %add3A_2461 = arith.constant 16 : i32
        %add3A_2462 = vector.broadcast %add3A_2461 : i32 to vector<16xi32>
        %add3A_2463 = arith.addi %xor3A_161, %add3A_2462 : vector<16xi32>
        %select_n3A_2464 = arith.select %lt3A_2460, %add3A_2463, %xor3A_161 : vector<16xi1>, vector<16xi32>
        %broadcast_in_dim3A_2465 = vector.shape_cast %select_n3A_2464 : vector<16xi32> to vector<16x1xi32>
        %gather3A_2466 = vector.shape_cast %broadcast_in_dim3A_2465 : vector<16x1xi32> to vector<16xi32>
        %gather3A_2467 = tpu.dynamic_gather %add3A_2446[%gather3A_2466] in [0] : vector<16xf32>, vector<16xi32> -> vector<16xf32>
        %add3A_2468 = arith.addf %add3A_2446, %gather3A_2467 : vector<16xf32>
        %lt3A_2469 = arith.constant 0 : i32
        %lt3A_2470 = vector.broadcast %lt3A_2469 : i32 to vector<16xi32>
        %lt3A_2471 = arith.cmpi slt, %xor3A_164, %lt3A_2470 : vector<16xi32>
        %add3A_2472 = arith.constant 16 : i32
        %add3A_2473 = vector.broadcast %add3A_2472 : i32 to vector<16xi32>
        %add3A_2474 = arith.addi %xor3A_164, %add3A_2473 : vector<16xi32>
        %select_n3A_2475 = arith.select %lt3A_2471, %add3A_2474, %xor3A_164 : vector<16xi1>, vector<16xi32>
        %broadcast_in_dim3A_2476 = vector.shape_cast %select_n3A_2475 : vector<16xi32> to vector<16x1xi32>
        %gather3A_2477 = vector.shape_cast %broadcast_in_dim3A_2476 : vector<16x1xi32> to vector<16xi32>
        %gather3A_2478 = tpu.dynamic_gather %add3A_2457[%gather3A_2477] in [0] : vector<16xf32>, vector<16xi32> -> vector<16xf32>
        %add3A_2479 = arith.addf %add3A_2457, %gather3A_2478 : vector<16xf32>
        %lt3A_2480 = arith.constant 0 : i32
        %lt3A_2481 = vector.broadcast %lt3A_2480 : i32 to vector<16xi32>
        %lt3A_2482 = arith.cmpi slt, %xor3A_164, %lt3A_2481 : vector<16xi32>
        %add3A_2483 = arith.constant 16 : i32
        %add3A_2484 = vector.broadcast %add3A_2483 : i32 to vector<16xi32>
        %add3A_2485 = arith.addi %xor3A_164, %add3A_2484 : vector<16xi32>
        %select_n3A_2486 = arith.select %lt3A_2482, %add3A_2485, %xor3A_164 : vector<16xi1>, vector<16xi32>
        %broadcast_in_dim3A_2487 = vector.shape_cast %select_n3A_2486 : vector<16xi32> to vector<16x1xi32>
        %gather3A_2488 = vector.shape_cast %broadcast_in_dim3A_2487 : vector<16x1xi32> to vector<16xi32>
        %gather3A_2489 = tpu.dynamic_gather %add3A_2468[%gather3A_2488] in [0] : vector<16xf32>, vector<16xi32> -> vector<16xf32>
        %add3A_2490 = arith.addf %add3A_2468, %gather3A_2489 : vector<16xf32>
        %select_n3A_2491 = arith.select %eq3A_181, %add3A_2479, %select_n3A_2322 : vector<16xi1>, vector<16xf32>
        %add3A_2492 = arith.addf %add3A_2490, %select_n3A_2324 : vector<16xf32>
        %select_n3A_2493 = arith.select %eq3A_181, %add3A_2492, %select_n3A_2324 : vector<16xi1>, vector<16xf32>
        %mul3A_2494 = arith.constant 16 : i32
        %mul3A_2495 = arith.muli %scan3A_1474, %mul3A_2494 : i32
        %add3A_2496 = arith.constant 6 : i32
        %add3A_2497 = arith.addi %mul3A_2495, %add3A_2496 : i32
        %slice3A_2498 = vector.extract_strided_slice %get3A_1479 {offsets = [6], sizes = [1], strides = [1]} : vector<16xi32> to vector<1xi32>
        %squeeze3A_2499 = vector.extract %slice3A_2498[0] : i32 from vector<1xi32>
        %and3A_2500 = arith.constant 1 : i32
        %and3A_2501 = arith.andi %squeeze3A_2499, %and3A_2500 : i32
        %shift_left3A_2502 = arith.constant 6 : i32
        %shift_left3A_2503 = arith.shli %and3A_2501, %shift_left3A_2502 : i32
        %slice3A_2504 = vector.extract_strided_slice %get3A_1482 {offsets = [6], sizes = [1], strides = [1]} : vector<16xi32> to vector<1xi32>
        %squeeze3A_2505 = vector.extract %slice3A_2504[0] : i32 from vector<1xi32>
        %and3A_2506 = arith.constant 1 : i32
        %and3A_2507 = arith.andi %squeeze3A_2505, %and3A_2506 : i32
        %shift_left3A_2508 = arith.constant 6 : i32
        %shift_left3A_2509 = arith.shli %and3A_2507, %shift_left3A_2508 : i32
        %add3A_2510 = arith.constant 0 : i32
        %add3A_2511 = arith.addi %shift_left3A_2503, %add3A_2510 : i32
        %get3A_2512 = arith.index_cast %and3A_1404 : i32 to index
        %get3A_2513 = arith.index_cast %add3A_2497 : i32 to index
        %get3A_2514 = arith.index_cast %add3A_2511 : i32 to index
        %get3A_2515 = tpu.vector_load %arg13[%get3A_2512, %get3A_2513, %get3A_2514] {strides = array<i32>} : memref<2x128x128xf32, #tpu.memory_space<vmem>>, vector<16xf32>,
        %add3A_2516 = arith.constant 0 : i32
        %add3A_2517 = arith.addi %shift_left3A_2509, %add3A_2516 : i32
        %get3A_2518 = arith.index_cast %and3A_1404 : i32 to index
        %get3A_2519 = arith.index_cast %add3A_2497 : i32 to index
        %get3A_2520 = arith.index_cast %add3A_2517 : i32 to index
        %get3A_2521 = tpu.vector_load %arg14[%get3A_2518, %get3A_2519, %get3A_2520] {strides = array<i32>} : memref<2x128x128xf32, #tpu.memory_space<vmem>>, vector<16xf32>,
        %mul3A_2522 = arith.mulf %get3A_2515, %get3A_2521 : vector<16xf32>
        %mul3A_2523 = arith.mulf %get3A_2521, %get3A_1439 : vector<16xf32>
        %add3A_2524 = arith.constant 16 : i32
        %add3A_2525 = arith.addi %shift_left3A_2503, %add3A_2524 : i32
        %get3A_2526 = arith.index_cast %and3A_1404 : i32 to index
        %get3A_2527 = arith.index_cast %add3A_2497 : i32 to index
        %get3A_2528 = arith.index_cast %add3A_2525 : i32 to index
        %get3A_2529 = tpu.vector_load %arg13[%get3A_2526, %get3A_2527, %get3A_2528] {strides = array<i32>} : memref<2x128x128xf32, #tpu.memory_space<vmem>>, vector<16xf32>,
        %add3A_2530 = arith.constant 16 : i32
        %add3A_2531 = arith.addi %shift_left3A_2509, %add3A_2530 : i32
        %get3A_2532 = arith.index_cast %and3A_1404 : i32 to index
        %get3A_2533 = arith.index_cast %add3A_2497 : i32 to index
        %get3A_2534 = arith.index_cast %add3A_2531 : i32 to index
        %get3A_2535 = tpu.vector_load %arg14[%get3A_2532, %get3A_2533, %get3A_2534] {strides = array<i32>} : memref<2x128x128xf32, #tpu.memory_space<vmem>>, vector<16xf32>,
        %mul3A_2536 = arith.mulf %get3A_2529, %get3A_2535 : vector<16xf32>
        %add3A_2537 = arith.addf %mul3A_2522, %mul3A_2536 : vector<16xf32>
        %mul3A_2538 = arith.mulf %get3A_2535, %get3A_1445 : vector<16xf32>
        %add3A_2539 = arith.addf %mul3A_2523, %mul3A_2538 : vector<16xf32>
        %add3A_2540 = arith.constant 32 : i32
        %add3A_2541 = arith.addi %shift_left3A_2503, %add3A_2540 : i32
        %get3A_2542 = arith.index_cast %and3A_1404 : i32 to index
        %get3A_2543 = arith.index_cast %add3A_2497 : i32 to index
        %get3A_2544 = arith.index_cast %add3A_2541 : i32 to index
        %get3A_2545 = tpu.vector_load %arg13[%get3A_2542, %get3A_2543, %get3A_2544] {strides = array<i32>} : memref<2x128x128xf32, #tpu.memory_space<vmem>>, vector<16xf32>,
        %add3A_2546 = arith.constant 32 : i32
        %add3A_2547 = arith.addi %shift_left3A_2509, %add3A_2546 : i32
        %get3A_2548 = arith.index_cast %and3A_1404 : i32 to index
        %get3A_2549 = arith.index_cast %add3A_2497 : i32 to index
        %get3A_2550 = arith.index_cast %add3A_2547 : i32 to index
        %get3A_2551 = tpu.vector_load %arg14[%get3A_2548, %get3A_2549, %get3A_2550] {strides = array<i32>} : memref<2x128x128xf32, #tpu.memory_space<vmem>>, vector<16xf32>,
        %mul3A_2552 = arith.mulf %get3A_2545, %get3A_2551 : vector<16xf32>
        %add3A_2553 = arith.addf %add3A_2537, %mul3A_2552 : vector<16xf32>
        %mul3A_2554 = arith.mulf %get3A_2551, %get3A_1451 : vector<16xf32>
        %add3A_2555 = arith.addf %add3A_2539, %mul3A_2554 : vector<16xf32>
        %add3A_2556 = arith.constant 48 : i32
        %add3A_2557 = arith.addi %shift_left3A_2503, %add3A_2556 : i32
        %get3A_2558 = arith.index_cast %and3A_1404 : i32 to index
        %get3A_2559 = arith.index_cast %add3A_2497 : i32 to index
        %get3A_2560 = arith.index_cast %add3A_2557 : i32 to index
        %get3A_2561 = tpu.vector_load %arg13[%get3A_2558, %get3A_2559, %get3A_2560] {strides = array<i32>} : memref<2x128x128xf32, #tpu.memory_space<vmem>>, vector<16xf32>,
        %add3A_2562 = arith.constant 48 : i32
        %add3A_2563 = arith.addi %shift_left3A_2509, %add3A_2562 : i32
        %get3A_2564 = arith.index_cast %and3A_1404 : i32 to index
        %get3A_2565 = arith.index_cast %add3A_2497 : i32 to index
        %get3A_2566 = arith.index_cast %add3A_2563 : i32 to index
        %get3A_2567 = tpu.vector_load %arg14[%get3A_2564, %get3A_2565, %get3A_2566] {strides = array<i32>} : memref<2x128x128xf32, #tpu.memory_space<vmem>>, vector<16xf32>,
        %mul3A_2568 = arith.mulf %get3A_2561, %get3A_2567 : vector<16xf32>
        %add3A_2569 = arith.addf %add3A_2553, %mul3A_2568 : vector<16xf32>
        %mul3A_2570 = arith.mulf %get3A_2567, %get3A_1457 : vector<16xf32>
        %add3A_2571 = arith.addf %add3A_2555, %mul3A_2570 : vector<16xf32>
        %lt3A_2572 = arith.constant 0 : i32
        %lt3A_2573 = vector.broadcast %lt3A_2572 : i32 to vector<16xi32>
        %lt3A_2574 = arith.cmpi slt, %xor3A_155, %lt3A_2573 : vector<16xi32>
        %add3A_2575 = arith.constant 16 : i32
        %add3A_2576 = vector.broadcast %add3A_2575 : i32 to vector<16xi32>
        %add3A_2577 = arith.addi %xor3A_155, %add3A_2576 : vector<16xi32>
        %select_n3A_2578 = arith.select %lt3A_2574, %add3A_2577, %xor3A_155 : vector<16xi1>, vector<16xi32>
        %broadcast_in_dim3A_2579 = vector.shape_cast %select_n3A_2578 : vector<16xi32> to vector<16x1xi32>
        %gather3A_2580 = vector.shape_cast %broadcast_in_dim3A_2579 : vector<16x1xi32> to vector<16xi32>
        %gather3A_2581 = tpu.dynamic_gather %add3A_2569[%gather3A_2580] in [0] : vector<16xf32>, vector<16xi32> -> vector<16xf32>
        %add3A_2582 = arith.addf %add3A_2569, %gather3A_2581 : vector<16xf32>
        %lt3A_2583 = arith.constant 0 : i32
        %lt3A_2584 = vector.broadcast %lt3A_2583 : i32 to vector<16xi32>
        %lt3A_2585 = arith.cmpi slt, %xor3A_155, %lt3A_2584 : vector<16xi32>
        %add3A_2586 = arith.constant 16 : i32
        %add3A_2587 = vector.broadcast %add3A_2586 : i32 to vector<16xi32>
        %add3A_2588 = arith.addi %xor3A_155, %add3A_2587 : vector<16xi32>
        %select_n3A_2589 = arith.select %lt3A_2585, %add3A_2588, %xor3A_155 : vector<16xi1>, vector<16xi32>
        %broadcast_in_dim3A_2590 = vector.shape_cast %select_n3A_2589 : vector<16xi32> to vector<16x1xi32>
        %gather3A_2591 = vector.shape_cast %broadcast_in_dim3A_2590 : vector<16x1xi32> to vector<16xi32>
        %gather3A_2592 = tpu.dynamic_gather %add3A_2571[%gather3A_2591] in [0] : vector<16xf32>, vector<16xi32> -> vector<16xf32>
        %add3A_2593 = arith.addf %add3A_2571, %gather3A_2592 : vector<16xf32>
        %lt3A_2594 = arith.constant 0 : i32
        %lt3A_2595 = vector.broadcast %lt3A_2594 : i32 to vector<16xi32>
        %lt3A_2596 = arith.cmpi slt, %xor3A_158, %lt3A_2595 : vector<16xi32>
        %add3A_2597 = arith.constant 16 : i32
        %add3A_2598 = vector.broadcast %add3A_2597 : i32 to vector<16xi32>
        %add3A_2599 = arith.addi %xor3A_158, %add3A_2598 : vector<16xi32>
        %select_n3A_2600 = arith.select %lt3A_2596, %add3A_2599, %xor3A_158 : vector<16xi1>, vector<16xi32>
        %broadcast_in_dim3A_2601 = vector.shape_cast %select_n3A_2600 : vector<16xi32> to vector<16x1xi32>
        %gather3A_2602 = vector.shape_cast %broadcast_in_dim3A_2601 : vector<16x1xi32> to vector<16xi32>
        %gather3A_2603 = tpu.dynamic_gather %add3A_2582[%gather3A_2602] in [0] : vector<16xf32>, vector<16xi32> -> vector<16xf32>
        %add3A_2604 = arith.addf %add3A_2582, %gather3A_2603 : vector<16xf32>
        %lt3A_2605 = arith.constant 0 : i32
        %lt3A_2606 = vector.broadcast %lt3A_2605 : i32 to vector<16xi32>
        %lt3A_2607 = arith.cmpi slt, %xor3A_158, %lt3A_2606 : vector<16xi32>
        %add3A_2608 = arith.constant 16 : i32
        %add3A_2609 = vector.broadcast %add3A_2608 : i32 to vector<16xi32>
        %add3A_2610 = arith.addi %xor3A_158, %add3A_2609 : vector<16xi32>
        %select_n3A_2611 = arith.select %lt3A_2607, %add3A_2610, %xor3A_158 : vector<16xi1>, vector<16xi32>
        %broadcast_in_dim3A_2612 = vector.shape_cast %select_n3A_2611 : vector<16xi32> to vector<16x1xi32>
        %gather3A_2613 = vector.shape_cast %broadcast_in_dim3A_2612 : vector<16x1xi32> to vector<16xi32>
        %gather3A_2614 = tpu.dynamic_gather %add3A_2593[%gather3A_2613] in [0] : vector<16xf32>, vector<16xi32> -> vector<16xf32>
        %add3A_2615 = arith.addf %add3A_2593, %gather3A_2614 : vector<16xf32>
        %lt3A_2616 = arith.constant 0 : i32
        %lt3A_2617 = vector.broadcast %lt3A_2616 : i32 to vector<16xi32>
        %lt3A_2618 = arith.cmpi slt, %xor3A_161, %lt3A_2617 : vector<16xi32>
        %add3A_2619 = arith.constant 16 : i32
        %add3A_2620 = vector.broadcast %add3A_2619 : i32 to vector<16xi32>
        %add3A_2621 = arith.addi %xor3A_161, %add3A_2620 : vector<16xi32>
        %select_n3A_2622 = arith.select %lt3A_2618, %add3A_2621, %xor3A_161 : vector<16xi1>, vector<16xi32>
        %broadcast_in_dim3A_2623 = vector.shape_cast %select_n3A_2622 : vector<16xi32> to vector<16x1xi32>
        %gather3A_2624 = vector.shape_cast %broadcast_in_dim3A_2623 : vector<16x1xi32> to vector<16xi32>
        %gather3A_2625 = tpu.dynamic_gather %add3A_2604[%gather3A_2624] in [0] : vector<16xf32>, vector<16xi32> -> vector<16xf32>
        %add3A_2626 = arith.addf %add3A_2604, %gather3A_2625 : vector<16xf32>
        %lt3A_2627 = arith.constant 0 : i32
        %lt3A_2628 = vector.broadcast %lt3A_2627 : i32 to vector<16xi32>
        %lt3A_2629 = arith.cmpi slt, %xor3A_161, %lt3A_2628 : vector<16xi32>
        %add3A_2630 = arith.constant 16 : i32
        %add3A_2631 = vector.broadcast %add3A_2630 : i32 to vector<16xi32>
        %add3A_2632 = arith.addi %xor3A_161, %add3A_2631 : vector<16xi32>
        %select_n3A_2633 = arith.select %lt3A_2629, %add3A_2632, %xor3A_161 : vector<16xi1>, vector<16xi32>
        %broadcast_in_dim3A_2634 = vector.shape_cast %select_n3A_2633 : vector<16xi32> to vector<16x1xi32>
        %gather3A_2635 = vector.shape_cast %broadcast_in_dim3A_2634 : vector<16x1xi32> to vector<16xi32>
        %gather3A_2636 = tpu.dynamic_gather %add3A_2615[%gather3A_2635] in [0] : vector<16xf32>, vector<16xi32> -> vector<16xf32>
        %add3A_2637 = arith.addf %add3A_2615, %gather3A_2636 : vector<16xf32>
        %lt3A_2638 = arith.constant 0 : i32
        %lt3A_2639 = vector.broadcast %lt3A_2638 : i32 to vector<16xi32>
        %lt3A_2640 = arith.cmpi slt, %xor3A_164, %lt3A_2639 : vector<16xi32>
        %add3A_2641 = arith.constant 16 : i32
        %add3A_2642 = vector.broadcast %add3A_2641 : i32 to vector<16xi32>
        %add3A_2643 = arith.addi %xor3A_164, %add3A_2642 : vector<16xi32>
        %select_n3A_2644 = arith.select %lt3A_2640, %add3A_2643, %xor3A_164 : vector<16xi1>, vector<16xi32>
        %broadcast_in_dim3A_2645 = vector.shape_cast %select_n3A_2644 : vector<16xi32> to vector<16x1xi32>
        %gather3A_2646 = vector.shape_cast %broadcast_in_dim3A_2645 : vector<16x1xi32> to vector<16xi32>
        %gather3A_2647 = tpu.dynamic_gather %add3A_2626[%gather3A_2646] in [0] : vector<16xf32>, vector<16xi32> -> vector<16xf32>
        %add3A_2648 = arith.addf %add3A_2626, %gather3A_2647 : vector<16xf32>
        %lt3A_2649 = arith.constant 0 : i32
        %lt3A_2650 = vector.broadcast %lt3A_2649 : i32 to vector<16xi32>
        %lt3A_2651 = arith.cmpi slt, %xor3A_164, %lt3A_2650 : vector<16xi32>
        %add3A_2652 = arith.constant 16 : i32
        %add3A_2653 = vector.broadcast %add3A_2652 : i32 to vector<16xi32>
        %add3A_2654 = arith.addi %xor3A_164, %add3A_2653 : vector<16xi32>
        %select_n3A_2655 = arith.select %lt3A_2651, %add3A_2654, %xor3A_164 : vector<16xi1>, vector<16xi32>
        %broadcast_in_dim3A_2656 = vector.shape_cast %select_n3A_2655 : vector<16xi32> to vector<16x1xi32>
        %gather3A_2657 = vector.shape_cast %broadcast_in_dim3A_2656 : vector<16x1xi32> to vector<16xi32>
        %gather3A_2658 = tpu.dynamic_gather %add3A_2637[%gather3A_2657] in [0] : vector<16xf32>, vector<16xi32> -> vector<16xf32>
        %add3A_2659 = arith.addf %add3A_2637, %gather3A_2658 : vector<16xf32>
        %select_n3A_2660 = arith.select %eq3A_184, %add3A_2648, %select_n3A_2491 : vector<16xi1>, vector<16xf32>
        %add3A_2661 = arith.addf %add3A_2659, %select_n3A_2493 : vector<16xf32>
        %select_n3A_2662 = arith.select %eq3A_184, %add3A_2661, %select_n3A_2493 : vector<16xi1>, vector<16xf32>
        %mul3A_2663 = arith.constant 16 : i32
        %mul3A_2664 = arith.muli %scan3A_1474, %mul3A_2663 : i32
        %add3A_2665 = arith.constant 7 : i32
        %add3A_2666 = arith.addi %mul3A_2664, %add3A_2665 : i32
        %slice3A_2667 = vector.extract_strided_slice %get3A_1479 {offsets = [7], sizes = [1], strides = [1]} : vector<16xi32> to vector<1xi32>
        %squeeze3A_2668 = vector.extract %slice3A_2667[0] : i32 from vector<1xi32>
        %and3A_2669 = arith.constant 1 : i32
        %and3A_2670 = arith.andi %squeeze3A_2668, %and3A_2669 : i32
        %shift_left3A_2671 = arith.constant 6 : i32
        %shift_left3A_2672 = arith.shli %and3A_2670, %shift_left3A_2671 : i32
        %slice3A_2673 = vector.extract_strided_slice %get3A_1482 {offsets = [7], sizes = [1], strides = [1]} : vector<16xi32> to vector<1xi32>
        %squeeze3A_2674 = vector.extract %slice3A_2673[0] : i32 from vector<1xi32>
        %and3A_2675 = arith.constant 1 : i32
        %and3A_2676 = arith.andi %squeeze3A_2674, %and3A_2675 : i32
        %shift_left3A_2677 = arith.constant 6 : i32
        %shift_left3A_2678 = arith.shli %and3A_2676, %shift_left3A_2677 : i32
        %add3A_2679 = arith.constant 0 : i32
        %add3A_2680 = arith.addi %shift_left3A_2672, %add3A_2679 : i32
        %get3A_2681 = arith.index_cast %and3A_1404 : i32 to index
        %get3A_2682 = arith.index_cast %add3A_2666 : i32 to index
        %get3A_2683 = arith.index_cast %add3A_2680 : i32 to index
        %get3A_2684 = tpu.vector_load %arg13[%get3A_2681, %get3A_2682, %get3A_2683] {strides = array<i32>} : memref<2x128x128xf32, #tpu.memory_space<vmem>>, vector<16xf32>,
        %add3A_2685 = arith.constant 0 : i32
        %add3A_2686 = arith.addi %shift_left3A_2678, %add3A_2685 : i32
        %get3A_2687 = arith.index_cast %and3A_1404 : i32 to index
        %get3A_2688 = arith.index_cast %add3A_2666 : i32 to index
        %get3A_2689 = arith.index_cast %add3A_2686 : i32 to index
        %get3A_2690 = tpu.vector_load %arg14[%get3A_2687, %get3A_2688, %get3A_2689] {strides = array<i32>} : memref<2x128x128xf32, #tpu.memory_space<vmem>>, vector<16xf32>,
        %mul3A_2691 = arith.mulf %get3A_2684, %get3A_2690 : vector<16xf32>
        %mul3A_2692 = arith.mulf %get3A_2690, %get3A_1439 : vector<16xf32>
        %add3A_2693 = arith.constant 16 : i32
        %add3A_2694 = arith.addi %shift_left3A_2672, %add3A_2693 : i32
        %get3A_2695 = arith.index_cast %and3A_1404 : i32 to index
        %get3A_2696 = arith.index_cast %add3A_2666 : i32 to index
        %get3A_2697 = arith.index_cast %add3A_2694 : i32 to index
        %get3A_2698 = tpu.vector_load %arg13[%get3A_2695, %get3A_2696, %get3A_2697] {strides = array<i32>} : memref<2x128x128xf32, #tpu.memory_space<vmem>>, vector<16xf32>,
        %add3A_2699 = arith.constant 16 : i32
        %add3A_2700 = arith.addi %shift_left3A_2678, %add3A_2699 : i32
        %get3A_2701 = arith.index_cast %and3A_1404 : i32 to index
        %get3A_2702 = arith.index_cast %add3A_2666 : i32 to index
        %get3A_2703 = arith.index_cast %add3A_2700 : i32 to index
        %get3A_2704 = tpu.vector_load %arg14[%get3A_2701, %get3A_2702, %get3A_2703] {strides = array<i32>} : memref<2x128x128xf32, #tpu.memory_space<vmem>>, vector<16xf32>,
        %mul3A_2705 = arith.mulf %get3A_2698, %get3A_2704 : vector<16xf32>
        %add3A_2706 = arith.addf %mul3A_2691, %mul3A_2705 : vector<16xf32>
        %mul3A_2707 = arith.mulf %get3A_2704, %get3A_1445 : vector<16xf32>
        %add3A_2708 = arith.addf %mul3A_2692, %mul3A_2707 : vector<16xf32>
        %add3A_2709 = arith.constant 32 : i32
        %add3A_2710 = arith.addi %shift_left3A_2672, %add3A_2709 : i32
        %get3A_2711 = arith.index_cast %and3A_1404 : i32 to index
        %get3A_2712 = arith.index_cast %add3A_2666 : i32 to index
        %get3A_2713 = arith.index_cast %add3A_2710 : i32 to index
        %get3A_2714 = tpu.vector_load %arg13[%get3A_2711, %get3A_2712, %get3A_2713] {strides = array<i32>} : memref<2x128x128xf32, #tpu.memory_space<vmem>>, vector<16xf32>,
        %add3A_2715 = arith.constant 32 : i32
        %add3A_2716 = arith.addi %shift_left3A_2678, %add3A_2715 : i32
        %get3A_2717 = arith.index_cast %and3A_1404 : i32 to index
        %get3A_2718 = arith.index_cast %add3A_2666 : i32 to index
        %get3A_2719 = arith.index_cast %add3A_2716 : i32 to index
        %get3A_2720 = tpu.vector_load %arg14[%get3A_2717, %get3A_2718, %get3A_2719] {strides = array<i32>} : memref<2x128x128xf32, #tpu.memory_space<vmem>>, vector<16xf32>,
        %mul3A_2721 = arith.mulf %get3A_2714, %get3A_2720 : vector<16xf32>
        %add3A_2722 = arith.addf %add3A_2706, %mul3A_2721 : vector<16xf32>
        %mul3A_2723 = arith.mulf %get3A_2720, %get3A_1451 : vector<16xf32>
        %add3A_2724 = arith.addf %add3A_2708, %mul3A_2723 : vector<16xf32>
        %add3A_2725 = arith.constant 48 : i32
        %add3A_2726 = arith.addi %shift_left3A_2672, %add3A_2725 : i32
        %get3A_2727 = arith.index_cast %and3A_1404 : i32 to index
        %get3A_2728 = arith.index_cast %add3A_2666 : i32 to index
        %get3A_2729 = arith.index_cast %add3A_2726 : i32 to index
        %get3A_2730 = tpu.vector_load %arg13[%get3A_2727, %get3A_2728, %get3A_2729] {strides = array<i32>} : memref<2x128x128xf32, #tpu.memory_space<vmem>>, vector<16xf32>,
        %add3A_2731 = arith.constant 48 : i32
        %add3A_2732 = arith.addi %shift_left3A_2678, %add3A_2731 : i32
        %get3A_2733 = arith.index_cast %and3A_1404 : i32 to index
        %get3A_2734 = arith.index_cast %add3A_2666 : i32 to index
        %get3A_2735 = arith.index_cast %add3A_2732 : i32 to index
        %get3A_2736 = tpu.vector_load %arg14[%get3A_2733, %get3A_2734, %get3A_2735] {strides = array<i32>} : memref<2x128x128xf32, #tpu.memory_space<vmem>>, vector<16xf32>,
        %mul3A_2737 = arith.mulf %get3A_2730, %get3A_2736 : vector<16xf32>
        %add3A_2738 = arith.addf %add3A_2722, %mul3A_2737 : vector<16xf32>
        %mul3A_2739 = arith.mulf %get3A_2736, %get3A_1457 : vector<16xf32>
        %add3A_2740 = arith.addf %add3A_2724, %mul3A_2739 : vector<16xf32>
        %lt3A_2741 = arith.constant 0 : i32
        %lt3A_2742 = vector.broadcast %lt3A_2741 : i32 to vector<16xi32>
        %lt3A_2743 = arith.cmpi slt, %xor3A_155, %lt3A_2742 : vector<16xi32>
        %add3A_2744 = arith.constant 16 : i32
        %add3A_2745 = vector.broadcast %add3A_2744 : i32 to vector<16xi32>
        %add3A_2746 = arith.addi %xor3A_155, %add3A_2745 : vector<16xi32>
        %select_n3A_2747 = arith.select %lt3A_2743, %add3A_2746, %xor3A_155 : vector<16xi1>, vector<16xi32>
        %broadcast_in_dim3A_2748 = vector.shape_cast %select_n3A_2747 : vector<16xi32> to vector<16x1xi32>
        %gather3A_2749 = vector.shape_cast %broadcast_in_dim3A_2748 : vector<16x1xi32> to vector<16xi32>
        %gather3A_2750 = tpu.dynamic_gather %add3A_2738[%gather3A_2749] in [0] : vector<16xf32>, vector<16xi32> -> vector<16xf32>
        %add3A_2751 = arith.addf %add3A_2738, %gather3A_2750 : vector<16xf32>
        %lt3A_2752 = arith.constant 0 : i32
        %lt3A_2753 = vector.broadcast %lt3A_2752 : i32 to vector<16xi32>
        %lt3A_2754 = arith.cmpi slt, %xor3A_155, %lt3A_2753 : vector<16xi32>
        %add3A_2755 = arith.constant 16 : i32
        %add3A_2756 = vector.broadcast %add3A_2755 : i32 to vector<16xi32>
        %add3A_2757 = arith.addi %xor3A_155, %add3A_2756 : vector<16xi32>
        %select_n3A_2758 = arith.select %lt3A_2754, %add3A_2757, %xor3A_155 : vector<16xi1>, vector<16xi32>
        %broadcast_in_dim3A_2759 = vector.shape_cast %select_n3A_2758 : vector<16xi32> to vector<16x1xi32>
        %gather3A_2760 = vector.shape_cast %broadcast_in_dim3A_2759 : vector<16x1xi32> to vector<16xi32>
        %gather3A_2761 = tpu.dynamic_gather %add3A_2740[%gather3A_2760] in [0] : vector<16xf32>, vector<16xi32> -> vector<16xf32>
        %add3A_2762 = arith.addf %add3A_2740, %gather3A_2761 : vector<16xf32>
        %lt3A_2763 = arith.constant 0 : i32
        %lt3A_2764 = vector.broadcast %lt3A_2763 : i32 to vector<16xi32>
        %lt3A_2765 = arith.cmpi slt, %xor3A_158, %lt3A_2764 : vector<16xi32>
        %add3A_2766 = arith.constant 16 : i32
        %add3A_2767 = vector.broadcast %add3A_2766 : i32 to vector<16xi32>
        %add3A_2768 = arith.addi %xor3A_158, %add3A_2767 : vector<16xi32>
        %select_n3A_2769 = arith.select %lt3A_2765, %add3A_2768, %xor3A_158 : vector<16xi1>, vector<16xi32>
        %broadcast_in_dim3A_2770 = vector.shape_cast %select_n3A_2769 : vector<16xi32> to vector<16x1xi32>
        %gather3A_2771 = vector.shape_cast %broadcast_in_dim3A_2770 : vector<16x1xi32> to vector<16xi32>
        %gather3A_2772 = tpu.dynamic_gather %add3A_2751[%gather3A_2771] in [0] : vector<16xf32>, vector<16xi32> -> vector<16xf32>
        %add3A_2773 = arith.addf %add3A_2751, %gather3A_2772 : vector<16xf32>
        %lt3A_2774 = arith.constant 0 : i32
        %lt3A_2775 = vector.broadcast %lt3A_2774 : i32 to vector<16xi32>
        %lt3A_2776 = arith.cmpi slt, %xor3A_158, %lt3A_2775 : vector<16xi32>
        %add3A_2777 = arith.constant 16 : i32
        %add3A_2778 = vector.broadcast %add3A_2777 : i32 to vector<16xi32>
        %add3A_2779 = arith.addi %xor3A_158, %add3A_2778 : vector<16xi32>
        %select_n3A_2780 = arith.select %lt3A_2776, %add3A_2779, %xor3A_158 : vector<16xi1>, vector<16xi32>
        %broadcast_in_dim3A_2781 = vector.shape_cast %select_n3A_2780 : vector<16xi32> to vector<16x1xi32>
        %gather3A_2782 = vector.shape_cast %broadcast_in_dim3A_2781 : vector<16x1xi32> to vector<16xi32>
        %gather3A_2783 = tpu.dynamic_gather %add3A_2762[%gather3A_2782] in [0] : vector<16xf32>, vector<16xi32> -> vector<16xf32>
        %add3A_2784 = arith.addf %add3A_2762, %gather3A_2783 : vector<16xf32>
        %lt3A_2785 = arith.constant 0 : i32
        %lt3A_2786 = vector.broadcast %lt3A_2785 : i32 to vector<16xi32>
        %lt3A_2787 = arith.cmpi slt, %xor3A_161, %lt3A_2786 : vector<16xi32>
        %add3A_2788 = arith.constant 16 : i32
        %add3A_2789 = vector.broadcast %add3A_2788 : i32 to vector<16xi32>
        %add3A_2790 = arith.addi %xor3A_161, %add3A_2789 : vector<16xi32>
        %select_n3A_2791 = arith.select %lt3A_2787, %add3A_2790, %xor3A_161 : vector<16xi1>, vector<16xi32>
        %broadcast_in_dim3A_2792 = vector.shape_cast %select_n3A_2791 : vector<16xi32> to vector<16x1xi32>
        %gather3A_2793 = vector.shape_cast %broadcast_in_dim3A_2792 : vector<16x1xi32> to vector<16xi32>
        %gather3A_2794 = tpu.dynamic_gather %add3A_2773[%gather3A_2793] in [0] : vector<16xf32>, vector<16xi32> -> vector<16xf32>
        %add3A_2795 = arith.addf %add3A_2773, %gather3A_2794 : vector<16xf32>
        %lt3A_2796 = arith.constant 0 : i32
        %lt3A_2797 = vector.broadcast %lt3A_2796 : i32 to vector<16xi32>
        %lt3A_2798 = arith.cmpi slt, %xor3A_161, %lt3A_2797 : vector<16xi32>
        %add3A_2799 = arith.constant 16 : i32
        %add3A_2800 = vector.broadcast %add3A_2799 : i32 to vector<16xi32>
        %add3A_2801 = arith.addi %xor3A_161, %add3A_2800 : vector<16xi32>
        %select_n3A_2802 = arith.select %lt3A_2798, %add3A_2801, %xor3A_161 : vector<16xi1>, vector<16xi32>
        %broadcast_in_dim3A_2803 = vector.shape_cast %select_n3A_2802 : vector<16xi32> to vector<16x1xi32>
        %gather3A_2804 = vector.shape_cast %broadcast_in_dim3A_2803 : vector<16x1xi32> to vector<16xi32>
        %gather3A_2805 = tpu.dynamic_gather %add3A_2784[%gather3A_2804] in [0] : vector<16xf32>, vector<16xi32> -> vector<16xf32>
        %add3A_2806 = arith.addf %add3A_2784, %gather3A_2805 : vector<16xf32>
        %lt3A_2807 = arith.constant 0 : i32
        %lt3A_2808 = vector.broadcast %lt3A_2807 : i32 to vector<16xi32>
        %lt3A_2809 = arith.cmpi slt, %xor3A_164, %lt3A_2808 : vector<16xi32>
        %add3A_2810 = arith.constant 16 : i32
        %add3A_2811 = vector.broadcast %add3A_2810 : i32 to vector<16xi32>
        %add3A_2812 = arith.addi %xor3A_164, %add3A_2811 : vector<16xi32>
        %select_n3A_2813 = arith.select %lt3A_2809, %add3A_2812, %xor3A_164 : vector<16xi1>, vector<16xi32>
        %broadcast_in_dim3A_2814 = vector.shape_cast %select_n3A_2813 : vector<16xi32> to vector<16x1xi32>
        %gather3A_2815 = vector.shape_cast %broadcast_in_dim3A_2814 : vector<16x1xi32> to vector<16xi32>
        %gather3A_2816 = tpu.dynamic_gather %add3A_2795[%gather3A_2815] in [0] : vector<16xf32>, vector<16xi32> -> vector<16xf32>
        %add3A_2817 = arith.addf %add3A_2795, %gather3A_2816 : vector<16xf32>
        %lt3A_2818 = arith.constant 0 : i32
        %lt3A_2819 = vector.broadcast %lt3A_2818 : i32 to vector<16xi32>
        %lt3A_2820 = arith.cmpi slt, %xor3A_164, %lt3A_2819 : vector<16xi32>
        %add3A_2821 = arith.constant 16 : i32
        %add3A_2822 = vector.broadcast %add3A_2821 : i32 to vector<16xi32>
        %add3A_2823 = arith.addi %xor3A_164, %add3A_2822 : vector<16xi32>
        %select_n3A_2824 = arith.select %lt3A_2820, %add3A_2823, %xor3A_164 : vector<16xi1>, vector<16xi32>
        %broadcast_in_dim3A_2825 = vector.shape_cast %select_n3A_2824 : vector<16xi32> to vector<16x1xi32>
        %gather3A_2826 = vector.shape_cast %broadcast_in_dim3A_2825 : vector<16x1xi32> to vector<16xi32>
        %gather3A_2827 = tpu.dynamic_gather %add3A_2806[%gather3A_2826] in [0] : vector<16xf32>, vector<16xi32> -> vector<16xf32>
        %add3A_2828 = arith.addf %add3A_2806, %gather3A_2827 : vector<16xf32>
        %select_n3A_2829 = arith.select %eq3A_187, %add3A_2817, %select_n3A_2660 : vector<16xi1>, vector<16xf32>
        %add3A_2830 = arith.addf %add3A_2828, %select_n3A_2662 : vector<16xf32>
        %select_n3A_2831 = arith.select %eq3A_187, %add3A_2830, %select_n3A_2662 : vector<16xi1>, vector<16xf32>
        %mul3A_2832 = arith.constant 16 : i32
        %mul3A_2833 = arith.muli %scan3A_1474, %mul3A_2832 : i32
        %add3A_2834 = arith.constant 8 : i32
        %add3A_2835 = arith.addi %mul3A_2833, %add3A_2834 : i32
        %slice3A_2836 = vector.extract_strided_slice %get3A_1479 {offsets = [8], sizes = [1], strides = [1]} : vector<16xi32> to vector<1xi32>
        %squeeze3A_2837 = vector.extract %slice3A_2836[0] : i32 from vector<1xi32>
        %and3A_2838 = arith.constant 1 : i32
        %and3A_2839 = arith.andi %squeeze3A_2837, %and3A_2838 : i32
        %shift_left3A_2840 = arith.constant 6 : i32
        %shift_left3A_2841 = arith.shli %and3A_2839, %shift_left3A_2840 : i32
        %slice3A_2842 = vector.extract_strided_slice %get3A_1482 {offsets = [8], sizes = [1], strides = [1]} : vector<16xi32> to vector<1xi32>
        %squeeze3A_2843 = vector.extract %slice3A_2842[0] : i32 from vector<1xi32>
        %and3A_2844 = arith.constant 1 : i32
        %and3A_2845 = arith.andi %squeeze3A_2843, %and3A_2844 : i32
        %shift_left3A_2846 = arith.constant 6 : i32
        %shift_left3A_2847 = arith.shli %and3A_2845, %shift_left3A_2846 : i32
        %add3A_2848 = arith.constant 0 : i32
        %add3A_2849 = arith.addi %shift_left3A_2841, %add3A_2848 : i32
        %get3A_2850 = arith.index_cast %and3A_1404 : i32 to index
        %get3A_2851 = arith.index_cast %add3A_2835 : i32 to index
        %get3A_2852 = arith.index_cast %add3A_2849 : i32 to index
        %get3A_2853 = tpu.vector_load %arg13[%get3A_2850, %get3A_2851, %get3A_2852] {strides = array<i32>} : memref<2x128x128xf32, #tpu.memory_space<vmem>>, vector<16xf32>,
        %add3A_2854 = arith.constant 0 : i32
        %add3A_2855 = arith.addi %shift_left3A_2847, %add3A_2854 : i32
        %get3A_2856 = arith.index_cast %and3A_1404 : i32 to index
        %get3A_2857 = arith.index_cast %add3A_2835 : i32 to index
        %get3A_2858 = arith.index_cast %add3A_2855 : i32 to index
        %get3A_2859 = tpu.vector_load %arg14[%get3A_2856, %get3A_2857, %get3A_2858] {strides = array<i32>} : memref<2x128x128xf32, #tpu.memory_space<vmem>>, vector<16xf32>,
        %mul3A_2860 = arith.mulf %get3A_2853, %get3A_2859 : vector<16xf32>
        %mul3A_2861 = arith.mulf %get3A_2859, %get3A_1439 : vector<16xf32>
        %add3A_2862 = arith.constant 16 : i32
        %add3A_2863 = arith.addi %shift_left3A_2841, %add3A_2862 : i32
        %get3A_2864 = arith.index_cast %and3A_1404 : i32 to index
        %get3A_2865 = arith.index_cast %add3A_2835 : i32 to index
        %get3A_2866 = arith.index_cast %add3A_2863 : i32 to index
        %get3A_2867 = tpu.vector_load %arg13[%get3A_2864, %get3A_2865, %get3A_2866] {strides = array<i32>} : memref<2x128x128xf32, #tpu.memory_space<vmem>>, vector<16xf32>,
        %add3A_2868 = arith.constant 16 : i32
        %add3A_2869 = arith.addi %shift_left3A_2847, %add3A_2868 : i32
        %get3A_2870 = arith.index_cast %and3A_1404 : i32 to index
        %get3A_2871 = arith.index_cast %add3A_2835 : i32 to index
        %get3A_2872 = arith.index_cast %add3A_2869 : i32 to index
        %get3A_2873 = tpu.vector_load %arg14[%get3A_2870, %get3A_2871, %get3A_2872] {strides = array<i32>} : memref<2x128x128xf32, #tpu.memory_space<vmem>>, vector<16xf32>,
        %mul3A_2874 = arith.mulf %get3A_2867, %get3A_2873 : vector<16xf32>
        %add3A_2875 = arith.addf %mul3A_2860, %mul3A_2874 : vector<16xf32>
        %mul3A_2876 = arith.mulf %get3A_2873, %get3A_1445 : vector<16xf32>
        %add3A_2877 = arith.addf %mul3A_2861, %mul3A_2876 : vector<16xf32>
        %add3A_2878 = arith.constant 32 : i32
        %add3A_2879 = arith.addi %shift_left3A_2841, %add3A_2878 : i32
        %get3A_2880 = arith.index_cast %and3A_1404 : i32 to index
        %get3A_2881 = arith.index_cast %add3A_2835 : i32 to index
        %get3A_2882 = arith.index_cast %add3A_2879 : i32 to index
        %get3A_2883 = tpu.vector_load %arg13[%get3A_2880, %get3A_2881, %get3A_2882] {strides = array<i32>} : memref<2x128x128xf32, #tpu.memory_space<vmem>>, vector<16xf32>,
        %add3A_2884 = arith.constant 32 : i32
        %add3A_2885 = arith.addi %shift_left3A_2847, %add3A_2884 : i32
        %get3A_2886 = arith.index_cast %and3A_1404 : i32 to index
        %get3A_2887 = arith.index_cast %add3A_2835 : i32 to index
        %get3A_2888 = arith.index_cast %add3A_2885 : i32 to index
        %get3A_2889 = tpu.vector_load %arg14[%get3A_2886, %get3A_2887, %get3A_2888] {strides = array<i32>} : memref<2x128x128xf32, #tpu.memory_space<vmem>>, vector<16xf32>,
        %mul3A_2890 = arith.mulf %get3A_2883, %get3A_2889 : vector<16xf32>
        %add3A_2891 = arith.addf %add3A_2875, %mul3A_2890 : vector<16xf32>
        %mul3A_2892 = arith.mulf %get3A_2889, %get3A_1451 : vector<16xf32>
        %add3A_2893 = arith.addf %add3A_2877, %mul3A_2892 : vector<16xf32>
        %add3A_2894 = arith.constant 48 : i32
        %add3A_2895 = arith.addi %shift_left3A_2841, %add3A_2894 : i32
        %get3A_2896 = arith.index_cast %and3A_1404 : i32 to index
        %get3A_2897 = arith.index_cast %add3A_2835 : i32 to index
        %get3A_2898 = arith.index_cast %add3A_2895 : i32 to index
        %get3A_2899 = tpu.vector_load %arg13[%get3A_2896, %get3A_2897, %get3A_2898] {strides = array<i32>} : memref<2x128x128xf32, #tpu.memory_space<vmem>>, vector<16xf32>,
        %add3A_2900 = arith.constant 48 : i32
        %add3A_2901 = arith.addi %shift_left3A_2847, %add3A_2900 : i32
        %get3A_2902 = arith.index_cast %and3A_1404 : i32 to index
        %get3A_2903 = arith.index_cast %add3A_2835 : i32 to index
        %get3A_2904 = arith.index_cast %add3A_2901 : i32 to index
        %get3A_2905 = tpu.vector_load %arg14[%get3A_2902, %get3A_2903, %get3A_2904] {strides = array<i32>} : memref<2x128x128xf32, #tpu.memory_space<vmem>>, vector<16xf32>,
        %mul3A_2906 = arith.mulf %get3A_2899, %get3A_2905 : vector<16xf32>
        %add3A_2907 = arith.addf %add3A_2891, %mul3A_2906 : vector<16xf32>
        %mul3A_2908 = arith.mulf %get3A_2905, %get3A_1457 : vector<16xf32>
        %add3A_2909 = arith.addf %add3A_2893, %mul3A_2908 : vector<16xf32>
        %lt3A_2910 = arith.constant 0 : i32
        %lt3A_2911 = vector.broadcast %lt3A_2910 : i32 to vector<16xi32>
        %lt3A_2912 = arith.cmpi slt, %xor3A_155, %lt3A_2911 : vector<16xi32>
        %add3A_2913 = arith.constant 16 : i32
        %add3A_2914 = vector.broadcast %add3A_2913 : i32 to vector<16xi32>
        %add3A_2915 = arith.addi %xor3A_155, %add3A_2914 : vector<16xi32>
        %select_n3A_2916 = arith.select %lt3A_2912, %add3A_2915, %xor3A_155 : vector<16xi1>, vector<16xi32>
        %broadcast_in_dim3A_2917 = vector.shape_cast %select_n3A_2916 : vector<16xi32> to vector<16x1xi32>
        %gather3A_2918 = vector.shape_cast %broadcast_in_dim3A_2917 : vector<16x1xi32> to vector<16xi32>
        %gather3A_2919 = tpu.dynamic_gather %add3A_2907[%gather3A_2918] in [0] : vector<16xf32>, vector<16xi32> -> vector<16xf32>
        %add3A_2920 = arith.addf %add3A_2907, %gather3A_2919 : vector<16xf32>
        %lt3A_2921 = arith.constant 0 : i32
        %lt3A_2922 = vector.broadcast %lt3A_2921 : i32 to vector<16xi32>
        %lt3A_2923 = arith.cmpi slt, %xor3A_155, %lt3A_2922 : vector<16xi32>
        %add3A_2924 = arith.constant 16 : i32
        %add3A_2925 = vector.broadcast %add3A_2924 : i32 to vector<16xi32>
        %add3A_2926 = arith.addi %xor3A_155, %add3A_2925 : vector<16xi32>
        %select_n3A_2927 = arith.select %lt3A_2923, %add3A_2926, %xor3A_155 : vector<16xi1>, vector<16xi32>
        %broadcast_in_dim3A_2928 = vector.shape_cast %select_n3A_2927 : vector<16xi32> to vector<16x1xi32>
        %gather3A_2929 = vector.shape_cast %broadcast_in_dim3A_2928 : vector<16x1xi32> to vector<16xi32>
        %gather3A_2930 = tpu.dynamic_gather %add3A_2909[%gather3A_2929] in [0] : vector<16xf32>, vector<16xi32> -> vector<16xf32>
        %add3A_2931 = arith.addf %add3A_2909, %gather3A_2930 : vector<16xf32>
        %lt3A_2932 = arith.constant 0 : i32
        %lt3A_2933 = vector.broadcast %lt3A_2932 : i32 to vector<16xi32>
        %lt3A_2934 = arith.cmpi slt, %xor3A_158, %lt3A_2933 : vector<16xi32>
        %add3A_2935 = arith.constant 16 : i32
        %add3A_2936 = vector.broadcast %add3A_2935 : i32 to vector<16xi32>
        %add3A_2937 = arith.addi %xor3A_158, %add3A_2936 : vector<16xi32>
        %select_n3A_2938 = arith.select %lt3A_2934, %add3A_2937, %xor3A_158 : vector<16xi1>, vector<16xi32>
        %broadcast_in_dim3A_2939 = vector.shape_cast %select_n3A_2938 : vector<16xi32> to vector<16x1xi32>
        %gather3A_2940 = vector.shape_cast %broadcast_in_dim3A_2939 : vector<16x1xi32> to vector<16xi32>
        %gather3A_2941 = tpu.dynamic_gather %add3A_2920[%gather3A_2940] in [0] : vector<16xf32>, vector<16xi32> -> vector<16xf32>
        %add3A_2942 = arith.addf %add3A_2920, %gather3A_2941 : vector<16xf32>
        %lt3A_2943 = arith.constant 0 : i32
        %lt3A_2944 = vector.broadcast %lt3A_2943 : i32 to vector<16xi32>
        %lt3A_2945 = arith.cmpi slt, %xor3A_158, %lt3A_2944 : vector<16xi32>
        %add3A_2946 = arith.constant 16 : i32
        %add3A_2947 = vector.broadcast %add3A_2946 : i32 to vector<16xi32>
        %add3A_2948 = arith.addi %xor3A_158, %add3A_2947 : vector<16xi32>
        %select_n3A_2949 = arith.select %lt3A_2945, %add3A_2948, %xor3A_158 : vector<16xi1>, vector<16xi32>
        %broadcast_in_dim3A_2950 = vector.shape_cast %select_n3A_2949 : vector<16xi32> to vector<16x1xi32>
        %gather3A_2951 = vector.shape_cast %broadcast_in_dim3A_2950 : vector<16x1xi32> to vector<16xi32>
        %gather3A_2952 = tpu.dynamic_gather %add3A_2931[%gather3A_2951] in [0] : vector<16xf32>, vector<16xi32> -> vector<16xf32>
        %add3A_2953 = arith.addf %add3A_2931, %gather3A_2952 : vector<16xf32>
        %lt3A_2954 = arith.constant 0 : i32
        %lt3A_2955 = vector.broadcast %lt3A_2954 : i32 to vector<16xi32>
        %lt3A_2956 = arith.cmpi slt, %xor3A_161, %lt3A_2955 : vector<16xi32>
        %add3A_2957 = arith.constant 16 : i32
        %add3A_2958 = vector.broadcast %add3A_2957 : i32 to vector<16xi32>
        %add3A_2959 = arith.addi %xor3A_161, %add3A_2958 : vector<16xi32>
        %select_n3A_2960 = arith.select %lt3A_2956, %add3A_2959, %xor3A_161 : vector<16xi1>, vector<16xi32>
        %broadcast_in_dim3A_2961 = vector.shape_cast %select_n3A_2960 : vector<16xi32> to vector<16x1xi32>
        %gather3A_2962 = vector.shape_cast %broadcast_in_dim3A_2961 : vector<16x1xi32> to vector<16xi32>
        %gather3A_2963 = tpu.dynamic_gather %add3A_2942[%gather3A_2962] in [0] : vector<16xf32>, vector<16xi32> -> vector<16xf32>
        %add3A_2964 = arith.addf %add3A_2942, %gather3A_2963 : vector<16xf32>
        %lt3A_2965 = arith.constant 0 : i32
        %lt3A_2966 = vector.broadcast %lt3A_2965 : i32 to vector<16xi32>
        %lt3A_2967 = arith.cmpi slt, %xor3A_161, %lt3A_2966 : vector<16xi32>
        %add3A_2968 = arith.constant 16 : i32
        %add3A_2969 = vector.broadcast %add3A_2968 : i32 to vector<16xi32>
        %add3A_2970 = arith.addi %xor3A_161, %add3A_2969 : vector<16xi32>
        %select_n3A_2971 = arith.select %lt3A_2967, %add3A_2970, %xor3A_161 : vector<16xi1>, vector<16xi32>
        %broadcast_in_dim3A_2972 = vector.shape_cast %select_n3A_2971 : vector<16xi32> to vector<16x1xi32>
        %gather3A_2973 = vector.shape_cast %broadcast_in_dim3A_2972 : vector<16x1xi32> to vector<16xi32>
        %gather3A_2974 = tpu.dynamic_gather %add3A_2953[%gather3A_2973] in [0] : vector<16xf32>, vector<16xi32> -> vector<16xf32>
        %add3A_2975 = arith.addf %add3A_2953, %gather3A_2974 : vector<16xf32>
        %lt3A_2976 = arith.constant 0 : i32
        %lt3A_2977 = vector.broadcast %lt3A_2976 : i32 to vector<16xi32>
        %lt3A_2978 = arith.cmpi slt, %xor3A_164, %lt3A_2977 : vector<16xi32>
        %add3A_2979 = arith.constant 16 : i32
        %add3A_2980 = vector.broadcast %add3A_2979 : i32 to vector<16xi32>
        %add3A_2981 = arith.addi %xor3A_164, %add3A_2980 : vector<16xi32>
        %select_n3A_2982 = arith.select %lt3A_2978, %add3A_2981, %xor3A_164 : vector<16xi1>, vector<16xi32>
        %broadcast_in_dim3A_2983 = vector.shape_cast %select_n3A_2982 : vector<16xi32> to vector<16x1xi32>
        %gather3A_2984 = vector.shape_cast %broadcast_in_dim3A_2983 : vector<16x1xi32> to vector<16xi32>
        %gather3A_2985 = tpu.dynamic_gather %add3A_2964[%gather3A_2984] in [0] : vector<16xf32>, vector<16xi32> -> vector<16xf32>
        %add3A_2986 = arith.addf %add3A_2964, %gather3A_2985 : vector<16xf32>
        %lt3A_2987 = arith.constant 0 : i32
        %lt3A_2988 = vector.broadcast %lt3A_2987 : i32 to vector<16xi32>
        %lt3A_2989 = arith.cmpi slt, %xor3A_164, %lt3A_2988 : vector<16xi32>
        %add3A_2990 = arith.constant 16 : i32
        %add3A_2991 = vector.broadcast %add3A_2990 : i32 to vector<16xi32>
        %add3A_2992 = arith.addi %xor3A_164, %add3A_2991 : vector<16xi32>
        %select_n3A_2993 = arith.select %lt3A_2989, %add3A_2992, %xor3A_164 : vector<16xi1>, vector<16xi32>
        %broadcast_in_dim3A_2994 = vector.shape_cast %select_n3A_2993 : vector<16xi32> to vector<16x1xi32>
        %gather3A_2995 = vector.shape_cast %broadcast_in_dim3A_2994 : vector<16x1xi32> to vector<16xi32>
        %gather3A_2996 = tpu.dynamic_gather %add3A_2975[%gather3A_2995] in [0] : vector<16xf32>, vector<16xi32> -> vector<16xf32>
        %add3A_2997 = arith.addf %add3A_2975, %gather3A_2996 : vector<16xf32>
        %select_n3A_2998 = arith.select %eq3A_190, %add3A_2986, %select_n3A_2829 : vector<16xi1>, vector<16xf32>
        %add3A_2999 = arith.addf %add3A_2997, %select_n3A_2831 : vector<16xf32>
        %select_n3A_3000 = arith.select %eq3A_190, %add3A_2999, %select_n3A_2831 : vector<16xi1>, vector<16xf32>
        %mul3A_3001 = arith.constant 16 : i32
        %mul3A_3002 = arith.muli %scan3A_1474, %mul3A_3001 : i32
        %add3A_3003 = arith.constant 9 : i32
        %add3A_3004 = arith.addi %mul3A_3002, %add3A_3003 : i32
        %slice3A_3005 = vector.extract_strided_slice %get3A_1479 {offsets = [9], sizes = [1], strides = [1]} : vector<16xi32> to vector<1xi32>
        %squeeze3A_3006 = vector.extract %slice3A_3005[0] : i32 from vector<1xi32>
        %and3A_3007 = arith.constant 1 : i32
        %and3A_3008 = arith.andi %squeeze3A_3006, %and3A_3007 : i32
        %shift_left3A_3009 = arith.constant 6 : i32
        %shift_left3A_3010 = arith.shli %and3A_3008, %shift_left3A_3009 : i32
        %slice3A_3011 = vector.extract_strided_slice %get3A_1482 {offsets = [9], sizes = [1], strides = [1]} : vector<16xi32> to vector<1xi32>
        %squeeze3A_3012 = vector.extract %slice3A_3011[0] : i32 from vector<1xi32>
        %and3A_3013 = arith.constant 1 : i32
        %and3A_3014 = arith.andi %squeeze3A_3012, %and3A_3013 : i32
        %shift_left3A_3015 = arith.constant 6 : i32
        %shift_left3A_3016 = arith.shli %and3A_3014, %shift_left3A_3015 : i32
        %add3A_3017 = arith.constant 0 : i32
        %add3A_3018 = arith.addi %shift_left3A_3010, %add3A_3017 : i32
        %get3A_3019 = arith.index_cast %and3A_1404 : i32 to index
        %get3A_3020 = arith.index_cast %add3A_3004 : i32 to index
        %get3A_3021 = arith.index_cast %add3A_3018 : i32 to index
        %get3A_3022 = tpu.vector_load %arg13[%get3A_3019, %get3A_3020, %get3A_3021] {strides = array<i32>} : memref<2x128x128xf32, #tpu.memory_space<vmem>>, vector<16xf32>,
        %add3A_3023 = arith.constant 0 : i32
        %add3A_3024 = arith.addi %shift_left3A_3016, %add3A_3023 : i32
        %get3A_3025 = arith.index_cast %and3A_1404 : i32 to index
        %get3A_3026 = arith.index_cast %add3A_3004 : i32 to index
        %get3A_3027 = arith.index_cast %add3A_3024 : i32 to index
        %get3A_3028 = tpu.vector_load %arg14[%get3A_3025, %get3A_3026, %get3A_3027] {strides = array<i32>} : memref<2x128x128xf32, #tpu.memory_space<vmem>>, vector<16xf32>,
        %mul3A_3029 = arith.mulf %get3A_3022, %get3A_3028 : vector<16xf32>
        %mul3A_3030 = arith.mulf %get3A_3028, %get3A_1439 : vector<16xf32>
        %add3A_3031 = arith.constant 16 : i32
        %add3A_3032 = arith.addi %shift_left3A_3010, %add3A_3031 : i32
        %get3A_3033 = arith.index_cast %and3A_1404 : i32 to index
        %get3A_3034 = arith.index_cast %add3A_3004 : i32 to index
        %get3A_3035 = arith.index_cast %add3A_3032 : i32 to index
        %get3A_3036 = tpu.vector_load %arg13[%get3A_3033, %get3A_3034, %get3A_3035] {strides = array<i32>} : memref<2x128x128xf32, #tpu.memory_space<vmem>>, vector<16xf32>,
        %add3A_3037 = arith.constant 16 : i32
        %add3A_3038 = arith.addi %shift_left3A_3016, %add3A_3037 : i32
        %get3A_3039 = arith.index_cast %and3A_1404 : i32 to index
        %get3A_3040 = arith.index_cast %add3A_3004 : i32 to index
        %get3A_3041 = arith.index_cast %add3A_3038 : i32 to index
        %get3A_3042 = tpu.vector_load %arg14[%get3A_3039, %get3A_3040, %get3A_3041] {strides = array<i32>} : memref<2x128x128xf32, #tpu.memory_space<vmem>>, vector<16xf32>,
        %mul3A_3043 = arith.mulf %get3A_3036, %get3A_3042 : vector<16xf32>
        %add3A_3044 = arith.addf %mul3A_3029, %mul3A_3043 : vector<16xf32>
        %mul3A_3045 = arith.mulf %get3A_3042, %get3A_1445 : vector<16xf32>
        %add3A_3046 = arith.addf %mul3A_3030, %mul3A_3045 : vector<16xf32>
        %add3A_3047 = arith.constant 32 : i32
        %add3A_3048 = arith.addi %shift_left3A_3010, %add3A_3047 : i32
        %get3A_3049 = arith.index_cast %and3A_1404 : i32 to index
        %get3A_3050 = arith.index_cast %add3A_3004 : i32 to index
        %get3A_3051 = arith.index_cast %add3A_3048 : i32 to index
        %get3A_3052 = tpu.vector_load %arg13[%get3A_3049, %get3A_3050, %get3A_3051] {strides = array<i32>} : memref<2x128x128xf32, #tpu.memory_space<vmem>>, vector<16xf32>,
        %add3A_3053 = arith.constant 32 : i32
        %add3A_3054 = arith.addi %shift_left3A_3016, %add3A_3053 : i32
        %get3A_3055 = arith.index_cast %and3A_1404 : i32 to index
        %get3A_3056 = arith.index_cast %add3A_3004 : i32 to index
        %get3A_3057 = arith.index_cast %add3A_3054 : i32 to index
        %get3A_3058 = tpu.vector_load %arg14[%get3A_3055, %get3A_3056, %get3A_3057] {strides = array<i32>} : memref<2x128x128xf32, #tpu.memory_space<vmem>>, vector<16xf32>,
        %mul3A_3059 = arith.mulf %get3A_3052, %get3A_3058 : vector<16xf32>
        %add3A_3060 = arith.addf %add3A_3044, %mul3A_3059 : vector<16xf32>
        %mul3A_3061 = arith.mulf %get3A_3058, %get3A_1451 : vector<16xf32>
        %add3A_3062 = arith.addf %add3A_3046, %mul3A_3061 : vector<16xf32>
        %add3A_3063 = arith.constant 48 : i32
        %add3A_3064 = arith.addi %shift_left3A_3010, %add3A_3063 : i32
        %get3A_3065 = arith.index_cast %and3A_1404 : i32 to index
        %get3A_3066 = arith.index_cast %add3A_3004 : i32 to index
        %get3A_3067 = arith.index_cast %add3A_3064 : i32 to index
        %get3A_3068 = tpu.vector_load %arg13[%get3A_3065, %get3A_3066, %get3A_3067] {strides = array<i32>} : memref<2x128x128xf32, #tpu.memory_space<vmem>>, vector<16xf32>,
        %add3A_3069 = arith.constant 48 : i32
        %add3A_3070 = arith.addi %shift_left3A_3016, %add3A_3069 : i32
        %get3A_3071 = arith.index_cast %and3A_1404 : i32 to index
        %get3A_3072 = arith.index_cast %add3A_3004 : i32 to index
        %get3A_3073 = arith.index_cast %add3A_3070 : i32 to index
        %get3A_3074 = tpu.vector_load %arg14[%get3A_3071, %get3A_3072, %get3A_3073] {strides = array<i32>} : memref<2x128x128xf32, #tpu.memory_space<vmem>>, vector<16xf32>,
        %mul3A_3075 = arith.mulf %get3A_3068, %get3A_3074 : vector<16xf32>
        %add3A_3076 = arith.addf %add3A_3060, %mul3A_3075 : vector<16xf32>
        %mul3A_3077 = arith.mulf %get3A_3074, %get3A_1457 : vector<16xf32>
        %add3A_3078 = arith.addf %add3A_3062, %mul3A_3077 : vector<16xf32>
        %lt3A_3079 = arith.constant 0 : i32
        %lt3A_3080 = vector.broadcast %lt3A_3079 : i32 to vector<16xi32>
        %lt3A_3081 = arith.cmpi slt, %xor3A_155, %lt3A_3080 : vector<16xi32>
        %add3A_3082 = arith.constant 16 : i32
        %add3A_3083 = vector.broadcast %add3A_3082 : i32 to vector<16xi32>
        %add3A_3084 = arith.addi %xor3A_155, %add3A_3083 : vector<16xi32>
        %select_n3A_3085 = arith.select %lt3A_3081, %add3A_3084, %xor3A_155 : vector<16xi1>, vector<16xi32>
        %broadcast_in_dim3A_3086 = vector.shape_cast %select_n3A_3085 : vector<16xi32> to vector<16x1xi32>
        %gather3A_3087 = vector.shape_cast %broadcast_in_dim3A_3086 : vector<16x1xi32> to vector<16xi32>
        %gather3A_3088 = tpu.dynamic_gather %add3A_3076[%gather3A_3087] in [0] : vector<16xf32>, vector<16xi32> -> vector<16xf32>
        %add3A_3089 = arith.addf %add3A_3076, %gather3A_3088 : vector<16xf32>
        %lt3A_3090 = arith.constant 0 : i32
        %lt3A_3091 = vector.broadcast %lt3A_3090 : i32 to vector<16xi32>
        %lt3A_3092 = arith.cmpi slt, %xor3A_155, %lt3A_3091 : vector<16xi32>
        %add3A_3093 = arith.constant 16 : i32
        %add3A_3094 = vector.broadcast %add3A_3093 : i32 to vector<16xi32>
        %add3A_3095 = arith.addi %xor3A_155, %add3A_3094 : vector<16xi32>
        %select_n3A_3096 = arith.select %lt3A_3092, %add3A_3095, %xor3A_155 : vector<16xi1>, vector<16xi32>
        %broadcast_in_dim3A_3097 = vector.shape_cast %select_n3A_3096 : vector<16xi32> to vector<16x1xi32>
        %gather3A_3098 = vector.shape_cast %broadcast_in_dim3A_3097 : vector<16x1xi32> to vector<16xi32>
        %gather3A_3099 = tpu.dynamic_gather %add3A_3078[%gather3A_3098] in [0] : vector<16xf32>, vector<16xi32> -> vector<16xf32>
        %add3A_3100 = arith.addf %add3A_3078, %gather3A_3099 : vector<16xf32>
        %lt3A_3101 = arith.constant 0 : i32
        %lt3A_3102 = vector.broadcast %lt3A_3101 : i32 to vector<16xi32>
        %lt3A_3103 = arith.cmpi slt, %xor3A_158, %lt3A_3102 : vector<16xi32>
        %add3A_3104 = arith.constant 16 : i32
        %add3A_3105 = vector.broadcast %add3A_3104 : i32 to vector<16xi32>
        %add3A_3106 = arith.addi %xor3A_158, %add3A_3105 : vector<16xi32>
        %select_n3A_3107 = arith.select %lt3A_3103, %add3A_3106, %xor3A_158 : vector<16xi1>, vector<16xi32>
        %broadcast_in_dim3A_3108 = vector.shape_cast %select_n3A_3107 : vector<16xi32> to vector<16x1xi32>
        %gather3A_3109 = vector.shape_cast %broadcast_in_dim3A_3108 : vector<16x1xi32> to vector<16xi32>
        %gather3A_3110 = tpu.dynamic_gather %add3A_3089[%gather3A_3109] in [0] : vector<16xf32>, vector<16xi32> -> vector<16xf32>
        %add3A_3111 = arith.addf %add3A_3089, %gather3A_3110 : vector<16xf32>
        %lt3A_3112 = arith.constant 0 : i32
        %lt3A_3113 = vector.broadcast %lt3A_3112 : i32 to vector<16xi32>
        %lt3A_3114 = arith.cmpi slt, %xor3A_158, %lt3A_3113 : vector<16xi32>
        %add3A_3115 = arith.constant 16 : i32
        %add3A_3116 = vector.broadcast %add3A_3115 : i32 to vector<16xi32>
        %add3A_3117 = arith.addi %xor3A_158, %add3A_3116 : vector<16xi32>
        %select_n3A_3118 = arith.select %lt3A_3114, %add3A_3117, %xor3A_158 : vector<16xi1>, vector<16xi32>
        %broadcast_in_dim3A_3119 = vector.shape_cast %select_n3A_3118 : vector<16xi32> to vector<16x1xi32>
        %gather3A_3120 = vector.shape_cast %broadcast_in_dim3A_3119 : vector<16x1xi32> to vector<16xi32>
        %gather3A_3121 = tpu.dynamic_gather %add3A_3100[%gather3A_3120] in [0] : vector<16xf32>, vector<16xi32> -> vector<16xf32>
        %add3A_3122 = arith.addf %add3A_3100, %gather3A_3121 : vector<16xf32>
        %lt3A_3123 = arith.constant 0 : i32
        %lt3A_3124 = vector.broadcast %lt3A_3123 : i32 to vector<16xi32>
        %lt3A_3125 = arith.cmpi slt, %xor3A_161, %lt3A_3124 : vector<16xi32>
        %add3A_3126 = arith.constant 16 : i32
        %add3A_3127 = vector.broadcast %add3A_3126 : i32 to vector<16xi32>
        %add3A_3128 = arith.addi %xor3A_161, %add3A_3127 : vector<16xi32>
        %select_n3A_3129 = arith.select %lt3A_3125, %add3A_3128, %xor3A_161 : vector<16xi1>, vector<16xi32>
        %broadcast_in_dim3A_3130 = vector.shape_cast %select_n3A_3129 : vector<16xi32> to vector<16x1xi32>
        %gather3A_3131 = vector.shape_cast %broadcast_in_dim3A_3130 : vector<16x1xi32> to vector<16xi32>
        %gather3A_3132 = tpu.dynamic_gather %add3A_3111[%gather3A_3131] in [0] : vector<16xf32>, vector<16xi32> -> vector<16xf32>
        %add3A_3133 = arith.addf %add3A_3111, %gather3A_3132 : vector<16xf32>
        %lt3A_3134 = arith.constant 0 : i32
        %lt3A_3135 = vector.broadcast %lt3A_3134 : i32 to vector<16xi32>
        %lt3A_3136 = arith.cmpi slt, %xor3A_161, %lt3A_3135 : vector<16xi32>
        %add3A_3137 = arith.constant 16 : i32
        %add3A_3138 = vector.broadcast %add3A_3137 : i32 to vector<16xi32>
        %add3A_3139 = arith.addi %xor3A_161, %add3A_3138 : vector<16xi32>
        %select_n3A_3140 = arith.select %lt3A_3136, %add3A_3139, %xor3A_161 : vector<16xi1>, vector<16xi32>
        %broadcast_in_dim3A_3141 = vector.shape_cast %select_n3A_3140 : vector<16xi32> to vector<16x1xi32>
        %gather3A_3142 = vector.shape_cast %broadcast_in_dim3A_3141 : vector<16x1xi32> to vector<16xi32>
        %gather3A_3143 = tpu.dynamic_gather %add3A_3122[%gather3A_3142] in [0] : vector<16xf32>, vector<16xi32> -> vector<16xf32>
        %add3A_3144 = arith.addf %add3A_3122, %gather3A_3143 : vector<16xf32>
        %lt3A_3145 = arith.constant 0 : i32
        %lt3A_3146 = vector.broadcast %lt3A_3145 : i32 to vector<16xi32>
        %lt3A_3147 = arith.cmpi slt, %xor3A_164, %lt3A_3146 : vector<16xi32>
        %add3A_3148 = arith.constant 16 : i32
        %add3A_3149 = vector.broadcast %add3A_3148 : i32 to vector<16xi32>
        %add3A_3150 = arith.addi %xor3A_164, %add3A_3149 : vector<16xi32>
        %select_n3A_3151 = arith.select %lt3A_3147, %add3A_3150, %xor3A_164 : vector<16xi1>, vector<16xi32>
        %broadcast_in_dim3A_3152 = vector.shape_cast %select_n3A_3151 : vector<16xi32> to vector<16x1xi32>
        %gather3A_3153 = vector.shape_cast %broadcast_in_dim3A_3152 : vector<16x1xi32> to vector<16xi32>
        %gather3A_3154 = tpu.dynamic_gather %add3A_3133[%gather3A_3153] in [0] : vector<16xf32>, vector<16xi32> -> vector<16xf32>
        %add3A_3155 = arith.addf %add3A_3133, %gather3A_3154 : vector<16xf32>
        %lt3A_3156 = arith.constant 0 : i32
        %lt3A_3157 = vector.broadcast %lt3A_3156 : i32 to vector<16xi32>
        %lt3A_3158 = arith.cmpi slt, %xor3A_164, %lt3A_3157 : vector<16xi32>
        %add3A_3159 = arith.constant 16 : i32
        %add3A_3160 = vector.broadcast %add3A_3159 : i32 to vector<16xi32>
        %add3A_3161 = arith.addi %xor3A_164, %add3A_3160 : vector<16xi32>
        %select_n3A_3162 = arith.select %lt3A_3158, %add3A_3161, %xor3A_164 : vector<16xi1>, vector<16xi32>
        %broadcast_in_dim3A_3163 = vector.shape_cast %select_n3A_3162 : vector<16xi32> to vector<16x1xi32>
        %gather3A_3164 = vector.shape_cast %broadcast_in_dim3A_3163 : vector<16x1xi32> to vector<16xi32>
        %gather3A_3165 = tpu.dynamic_gather %add3A_3144[%gather3A_3164] in [0] : vector<16xf32>, vector<16xi32> -> vector<16xf32>
        %add3A_3166 = arith.addf %add3A_3144, %gather3A_3165 : vector<16xf32>
        %select_n3A_3167 = arith.select %eq3A_193, %add3A_3155, %select_n3A_2998 : vector<16xi1>, vector<16xf32>
        %add3A_3168 = arith.addf %add3A_3166, %select_n3A_3000 : vector<16xf32>
        %select_n3A_3169 = arith.select %eq3A_193, %add3A_3168, %select_n3A_3000 : vector<16xi1>, vector<16xf32>
        %mul3A_3170 = arith.constant 16 : i32
        %mul3A_3171 = arith.muli %scan3A_1474, %mul3A_3170 : i32
        %add3A_3172 = arith.constant 10 : i32
        %add3A_3173 = arith.addi %mul3A_3171, %add3A_3172 : i32
        %slice3A_3174 = vector.extract_strided_slice %get3A_1479 {offsets = [10], sizes = [1], strides = [1]} : vector<16xi32> to vector<1xi32>
        %squeeze3A_3175 = vector.extract %slice3A_3174[0] : i32 from vector<1xi32>
        %and3A_3176 = arith.constant 1 : i32
        %and3A_3177 = arith.andi %squeeze3A_3175, %and3A_3176 : i32
        %shift_left3A_3178 = arith.constant 6 : i32
        %shift_left3A_3179 = arith.shli %and3A_3177, %shift_left3A_3178 : i32
        %slice3A_3180 = vector.extract_strided_slice %get3A_1482 {offsets = [10], sizes = [1], strides = [1]} : vector<16xi32> to vector<1xi32>
        %squeeze3A_3181 = vector.extract %slice3A_3180[0] : i32 from vector<1xi32>
        %and3A_3182 = arith.constant 1 : i32
        %and3A_3183 = arith.andi %squeeze3A_3181, %and3A_3182 : i32
        %shift_left3A_3184 = arith.constant 6 : i32
        %shift_left3A_3185 = arith.shli %and3A_3183, %shift_left3A_3184 : i32
        %add3A_3186 = arith.constant 0 : i32
        %add3A_3187 = arith.addi %shift_left3A_3179, %add3A_3186 : i32
        %get3A_3188 = arith.index_cast %and3A_1404 : i32 to index
        %get3A_3189 = arith.index_cast %add3A_3173 : i32 to index
        %get3A_3190 = arith.index_cast %add3A_3187 : i32 to index
        %get3A_3191 = tpu.vector_load %arg13[%get3A_3188, %get3A_3189, %get3A_3190] {strides = array<i32>} : memref<2x128x128xf32, #tpu.memory_space<vmem>>, vector<16xf32>,
        %add3A_3192 = arith.constant 0 : i32
        %add3A_3193 = arith.addi %shift_left3A_3185, %add3A_3192 : i32
        %get3A_3194 = arith.index_cast %and3A_1404 : i32 to index
        %get3A_3195 = arith.index_cast %add3A_3173 : i32 to index
        %get3A_3196 = arith.index_cast %add3A_3193 : i32 to index
        %get3A_3197 = tpu.vector_load %arg14[%get3A_3194, %get3A_3195, %get3A_3196] {strides = array<i32>} : memref<2x128x128xf32, #tpu.memory_space<vmem>>, vector<16xf32>,
        %mul3A_3198 = arith.mulf %get3A_3191, %get3A_3197 : vector<16xf32>
        %mul3A_3199 = arith.mulf %get3A_3197, %get3A_1439 : vector<16xf32>
        %add3A_3200 = arith.constant 16 : i32
        %add3A_3201 = arith.addi %shift_left3A_3179, %add3A_3200 : i32
        %get3A_3202 = arith.index_cast %and3A_1404 : i32 to index
        %get3A_3203 = arith.index_cast %add3A_3173 : i32 to index
        %get3A_3204 = arith.index_cast %add3A_3201 : i32 to index
        %get3A_3205 = tpu.vector_load %arg13[%get3A_3202, %get3A_3203, %get3A_3204] {strides = array<i32>} : memref<2x128x128xf32, #tpu.memory_space<vmem>>, vector<16xf32>,
        %add3A_3206 = arith.constant 16 : i32
        %add3A_3207 = arith.addi %shift_left3A_3185, %add3A_3206 : i32
        %get3A_3208 = arith.index_cast %and3A_1404 : i32 to index
        %get3A_3209 = arith.index_cast %add3A_3173 : i32 to index
        %get3A_3210 = arith.index_cast %add3A_3207 : i32 to index
        %get3A_3211 = tpu.vector_load %arg14[%get3A_3208, %get3A_3209, %get3A_3210] {strides = array<i32>} : memref<2x128x128xf32, #tpu.memory_space<vmem>>, vector<16xf32>,
        %mul3A_3212 = arith.mulf %get3A_3205, %get3A_3211 : vector<16xf32>
        %add3A_3213 = arith.addf %mul3A_3198, %mul3A_3212 : vector<16xf32>
        %mul3A_3214 = arith.mulf %get3A_3211, %get3A_1445 : vector<16xf32>
        %add3A_3215 = arith.addf %mul3A_3199, %mul3A_3214 : vector<16xf32>
        %add3A_3216 = arith.constant 32 : i32
        %add3A_3217 = arith.addi %shift_left3A_3179, %add3A_3216 : i32
        %get3A_3218 = arith.index_cast %and3A_1404 : i32 to index
        %get3A_3219 = arith.index_cast %add3A_3173 : i32 to index
        %get3A_3220 = arith.index_cast %add3A_3217 : i32 to index
        %get3A_3221 = tpu.vector_load %arg13[%get3A_3218, %get3A_3219, %get3A_3220] {strides = array<i32>} : memref<2x128x128xf32, #tpu.memory_space<vmem>>, vector<16xf32>,
        %add3A_3222 = arith.constant 32 : i32
        %add3A_3223 = arith.addi %shift_left3A_3185, %add3A_3222 : i32
        %get3A_3224 = arith.index_cast %and3A_1404 : i32 to index
        %get3A_3225 = arith.index_cast %add3A_3173 : i32 to index
        %get3A_3226 = arith.index_cast %add3A_3223 : i32 to index
        %get3A_3227 = tpu.vector_load %arg14[%get3A_3224, %get3A_3225, %get3A_3226] {strides = array<i32>} : memref<2x128x128xf32, #tpu.memory_space<vmem>>, vector<16xf32>,
        %mul3A_3228 = arith.mulf %get3A_3221, %get3A_3227 : vector<16xf32>
        %add3A_3229 = arith.addf %add3A_3213, %mul3A_3228 : vector<16xf32>
        %mul3A_3230 = arith.mulf %get3A_3227, %get3A_1451 : vector<16xf32>
        %add3A_3231 = arith.addf %add3A_3215, %mul3A_3230 : vector<16xf32>
        %add3A_3232 = arith.constant 48 : i32
        %add3A_3233 = arith.addi %shift_left3A_3179, %add3A_3232 : i32
        %get3A_3234 = arith.index_cast %and3A_1404 : i32 to index
        %get3A_3235 = arith.index_cast %add3A_3173 : i32 to index
        %get3A_3236 = arith.index_cast %add3A_3233 : i32 to index
        %get3A_3237 = tpu.vector_load %arg13[%get3A_3234, %get3A_3235, %get3A_3236] {strides = array<i32>} : memref<2x128x128xf32, #tpu.memory_space<vmem>>, vector<16xf32>,
        %add3A_3238 = arith.constant 48 : i32
        %add3A_3239 = arith.addi %shift_left3A_3185, %add3A_3238 : i32
        %get3A_3240 = arith.index_cast %and3A_1404 : i32 to index
        %get3A_3241 = arith.index_cast %add3A_3173 : i32 to index
        %get3A_3242 = arith.index_cast %add3A_3239 : i32 to index
        %get3A_3243 = tpu.vector_load %arg14[%get3A_3240, %get3A_3241, %get3A_3242] {strides = array<i32>} : memref<2x128x128xf32, #tpu.memory_space<vmem>>, vector<16xf32>,
        %mul3A_3244 = arith.mulf %get3A_3237, %get3A_3243 : vector<16xf32>
        %add3A_3245 = arith.addf %add3A_3229, %mul3A_3244 : vector<16xf32>
        %mul3A_3246 = arith.mulf %get3A_3243, %get3A_1457 : vector<16xf32>
        %add3A_3247 = arith.addf %add3A_3231, %mul3A_3246 : vector<16xf32>
        %lt3A_3248 = arith.constant 0 : i32
        %lt3A_3249 = vector.broadcast %lt3A_3248 : i32 to vector<16xi32>
        %lt3A_3250 = arith.cmpi slt, %xor3A_155, %lt3A_3249 : vector<16xi32>
        %add3A_3251 = arith.constant 16 : i32
        %add3A_3252 = vector.broadcast %add3A_3251 : i32 to vector<16xi32>
        %add3A_3253 = arith.addi %xor3A_155, %add3A_3252 : vector<16xi32>
        %select_n3A_3254 = arith.select %lt3A_3250, %add3A_3253, %xor3A_155 : vector<16xi1>, vector<16xi32>
        %broadcast_in_dim3A_3255 = vector.shape_cast %select_n3A_3254 : vector<16xi32> to vector<16x1xi32>
        %gather3A_3256 = vector.shape_cast %broadcast_in_dim3A_3255 : vector<16x1xi32> to vector<16xi32>
        %gather3A_3257 = tpu.dynamic_gather %add3A_3245[%gather3A_3256] in [0] : vector<16xf32>, vector<16xi32> -> vector<16xf32>
        %add3A_3258 = arith.addf %add3A_3245, %gather3A_3257 : vector<16xf32>
        %lt3A_3259 = arith.constant 0 : i32
        %lt3A_3260 = vector.broadcast %lt3A_3259 : i32 to vector<16xi32>
        %lt3A_3261 = arith.cmpi slt, %xor3A_155, %lt3A_3260 : vector<16xi32>
        %add3A_3262 = arith.constant 16 : i32
        %add3A_3263 = vector.broadcast %add3A_3262 : i32 to vector<16xi32>
        %add3A_3264 = arith.addi %xor3A_155, %add3A_3263 : vector<16xi32>
        %select_n3A_3265 = arith.select %lt3A_3261, %add3A_3264, %xor3A_155 : vector<16xi1>, vector<16xi32>
        %broadcast_in_dim3A_3266 = vector.shape_cast %select_n3A_3265 : vector<16xi32> to vector<16x1xi32>
        %gather3A_3267 = vector.shape_cast %broadcast_in_dim3A_3266 : vector<16x1xi32> to vector<16xi32>
        %gather3A_3268 = tpu.dynamic_gather %add3A_3247[%gather3A_3267] in [0] : vector<16xf32>, vector<16xi32> -> vector<16xf32>
        %add3A_3269 = arith.addf %add3A_3247, %gather3A_3268 : vector<16xf32>
        %lt3A_3270 = arith.constant 0 : i32
        %lt3A_3271 = vector.broadcast %lt3A_3270 : i32 to vector<16xi32>
        %lt3A_3272 = arith.cmpi slt, %xor3A_158, %lt3A_3271 : vector<16xi32>
        %add3A_3273 = arith.constant 16 : i32
        %add3A_3274 = vector.broadcast %add3A_3273 : i32 to vector<16xi32>
        %add3A_3275 = arith.addi %xor3A_158, %add3A_3274 : vector<16xi32>
        %select_n3A_3276 = arith.select %lt3A_3272, %add3A_3275, %xor3A_158 : vector<16xi1>, vector<16xi32>
        %broadcast_in_dim3A_3277 = vector.shape_cast %select_n3A_3276 : vector<16xi32> to vector<16x1xi32>
        %gather3A_3278 = vector.shape_cast %broadcast_in_dim3A_3277 : vector<16x1xi32> to vector<16xi32>
        %gather3A_3279 = tpu.dynamic_gather %add3A_3258[%gather3A_3278] in [0] : vector<16xf32>, vector<16xi32> -> vector<16xf32>
        %add3A_3280 = arith.addf %add3A_3258, %gather3A_3279 : vector<16xf32>
        %lt3A_3281 = arith.constant 0 : i32
        %lt3A_3282 = vector.broadcast %lt3A_3281 : i32 to vector<16xi32>
        %lt3A_3283 = arith.cmpi slt, %xor3A_158, %lt3A_3282 : vector<16xi32>
        %add3A_3284 = arith.constant 16 : i32
        %add3A_3285 = vector.broadcast %add3A_3284 : i32 to vector<16xi32>
        %add3A_3286 = arith.addi %xor3A_158, %add3A_3285 : vector<16xi32>
        %select_n3A_3287 = arith.select %lt3A_3283, %add3A_3286, %xor3A_158 : vector<16xi1>, vector<16xi32>
        %broadcast_in_dim3A_3288 = vector.shape_cast %select_n3A_3287 : vector<16xi32> to vector<16x1xi32>
        %gather3A_3289 = vector.shape_cast %broadcast_in_dim3A_3288 : vector<16x1xi32> to vector<16xi32>
        %gather3A_3290 = tpu.dynamic_gather %add3A_3269[%gather3A_3289] in [0] : vector<16xf32>, vector<16xi32> -> vector<16xf32>
        %add3A_3291 = arith.addf %add3A_3269, %gather3A_3290 : vector<16xf32>
        %lt3A_3292 = arith.constant 0 : i32
        %lt3A_3293 = vector.broadcast %lt3A_3292 : i32 to vector<16xi32>
        %lt3A_3294 = arith.cmpi slt, %xor3A_161, %lt3A_3293 : vector<16xi32>
        %add3A_3295 = arith.constant 16 : i32
        %add3A_3296 = vector.broadcast %add3A_3295 : i32 to vector<16xi32>
        %add3A_3297 = arith.addi %xor3A_161, %add3A_3296 : vector<16xi32>
        %select_n3A_3298 = arith.select %lt3A_3294, %add3A_3297, %xor3A_161 : vector<16xi1>, vector<16xi32>
        %broadcast_in_dim3A_3299 = vector.shape_cast %select_n3A_3298 : vector<16xi32> to vector<16x1xi32>
        %gather3A_3300 = vector.shape_cast %broadcast_in_dim3A_3299 : vector<16x1xi32> to vector<16xi32>
        %gather3A_3301 = tpu.dynamic_gather %add3A_3280[%gather3A_3300] in [0] : vector<16xf32>, vector<16xi32> -> vector<16xf32>
        %add3A_3302 = arith.addf %add3A_3280, %gather3A_3301 : vector<16xf32>
        %lt3A_3303 = arith.constant 0 : i32
        %lt3A_3304 = vector.broadcast %lt3A_3303 : i32 to vector<16xi32>
        %lt3A_3305 = arith.cmpi slt, %xor3A_161, %lt3A_3304 : vector<16xi32>
        %add3A_3306 = arith.constant 16 : i32
        %add3A_3307 = vector.broadcast %add3A_3306 : i32 to vector<16xi32>
        %add3A_3308 = arith.addi %xor3A_161, %add3A_3307 : vector<16xi32>
        %select_n3A_3309 = arith.select %lt3A_3305, %add3A_3308, %xor3A_161 : vector<16xi1>, vector<16xi32>
        %broadcast_in_dim3A_3310 = vector.shape_cast %select_n3A_3309 : vector<16xi32> to vector<16x1xi32>
        %gather3A_3311 = vector.shape_cast %broadcast_in_dim3A_3310 : vector<16x1xi32> to vector<16xi32>
        %gather3A_3312 = tpu.dynamic_gather %add3A_3291[%gather3A_3311] in [0] : vector<16xf32>, vector<16xi32> -> vector<16xf32>
        %add3A_3313 = arith.addf %add3A_3291, %gather3A_3312 : vector<16xf32>
        %lt3A_3314 = arith.constant 0 : i32
        %lt3A_3315 = vector.broadcast %lt3A_3314 : i32 to vector<16xi32>
        %lt3A_3316 = arith.cmpi slt, %xor3A_164, %lt3A_3315 : vector<16xi32>
        %add3A_3317 = arith.constant 16 : i32
        %add3A_3318 = vector.broadcast %add3A_3317 : i32 to vector<16xi32>
        %add3A_3319 = arith.addi %xor3A_164, %add3A_3318 : vector<16xi32>
        %select_n3A_3320 = arith.select %lt3A_3316, %add3A_3319, %xor3A_164 : vector<16xi1>, vector<16xi32>
        %broadcast_in_dim3A_3321 = vector.shape_cast %select_n3A_3320 : vector<16xi32> to vector<16x1xi32>
        %gather3A_3322 = vector.shape_cast %broadcast_in_dim3A_3321 : vector<16x1xi32> to vector<16xi32>
        %gather3A_3323 = tpu.dynamic_gather %add3A_3302[%gather3A_3322] in [0] : vector<16xf32>, vector<16xi32> -> vector<16xf32>
        %add3A_3324 = arith.addf %add3A_3302, %gather3A_3323 : vector<16xf32>
        %lt3A_3325 = arith.constant 0 : i32
        %lt3A_3326 = vector.broadcast %lt3A_3325 : i32 to vector<16xi32>
        %lt3A_3327 = arith.cmpi slt, %xor3A_164, %lt3A_3326 : vector<16xi32>
        %add3A_3328 = arith.constant 16 : i32
        %add3A_3329 = vector.broadcast %add3A_3328 : i32 to vector<16xi32>
        %add3A_3330 = arith.addi %xor3A_164, %add3A_3329 : vector<16xi32>
        %select_n3A_3331 = arith.select %lt3A_3327, %add3A_3330, %xor3A_164 : vector<16xi1>, vector<16xi32>
        %broadcast_in_dim3A_3332 = vector.shape_cast %select_n3A_3331 : vector<16xi32> to vector<16x1xi32>
        %gather3A_3333 = vector.shape_cast %broadcast_in_dim3A_3332 : vector<16x1xi32> to vector<16xi32>
        %gather3A_3334 = tpu.dynamic_gather %add3A_3313[%gather3A_3333] in [0] : vector<16xf32>, vector<16xi32> -> vector<16xf32>
        %add3A_3335 = arith.addf %add3A_3313, %gather3A_3334 : vector<16xf32>
        %select_n3A_3336 = arith.select %eq3A_196, %add3A_3324, %select_n3A_3167 : vector<16xi1>, vector<16xf32>
        %add3A_3337 = arith.addf %add3A_3335, %select_n3A_3169 : vector<16xf32>
        %select_n3A_3338 = arith.select %eq3A_196, %add3A_3337, %select_n3A_3169 : vector<16xi1>, vector<16xf32>
        %mul3A_3339 = arith.constant 16 : i32
        %mul3A_3340 = arith.muli %scan3A_1474, %mul3A_3339 : i32
        %add3A_3341 = arith.constant 11 : i32
        %add3A_3342 = arith.addi %mul3A_3340, %add3A_3341 : i32
        %slice3A_3343 = vector.extract_strided_slice %get3A_1479 {offsets = [11], sizes = [1], strides = [1]} : vector<16xi32> to vector<1xi32>
        %squeeze3A_3344 = vector.extract %slice3A_3343[0] : i32 from vector<1xi32>
        %and3A_3345 = arith.constant 1 : i32
        %and3A_3346 = arith.andi %squeeze3A_3344, %and3A_3345 : i32
        %shift_left3A_3347 = arith.constant 6 : i32
        %shift_left3A_3348 = arith.shli %and3A_3346, %shift_left3A_3347 : i32
        %slice3A_3349 = vector.extract_strided_slice %get3A_1482 {offsets = [11], sizes = [1], strides = [1]} : vector<16xi32> to vector<1xi32>
        %squeeze3A_3350 = vector.extract %slice3A_3349[0] : i32 from vector<1xi32>
        %and3A_3351 = arith.constant 1 : i32
        %and3A_3352 = arith.andi %squeeze3A_3350, %and3A_3351 : i32
        %shift_left3A_3353 = arith.constant 6 : i32
        %shift_left3A_3354 = arith.shli %and3A_3352, %shift_left3A_3353 : i32
        %add3A_3355 = arith.constant 0 : i32
        %add3A_3356 = arith.addi %shift_left3A_3348, %add3A_3355 : i32
        %get3A_3357 = arith.index_cast %and3A_1404 : i32 to index
        %get3A_3358 = arith.index_cast %add3A_3342 : i32 to index
        %get3A_3359 = arith.index_cast %add3A_3356 : i32 to index
        %get3A_3360 = tpu.vector_load %arg13[%get3A_3357, %get3A_3358, %get3A_3359] {strides = array<i32>} : memref<2x128x128xf32, #tpu.memory_space<vmem>>, vector<16xf32>,
        %add3A_3361 = arith.constant 0 : i32
        %add3A_3362 = arith.addi %shift_left3A_3354, %add3A_3361 : i32
        %get3A_3363 = arith.index_cast %and3A_1404 : i32 to index
        %get3A_3364 = arith.index_cast %add3A_3342 : i32 to index
        %get3A_3365 = arith.index_cast %add3A_3362 : i32 to index
        %get3A_3366 = tpu.vector_load %arg14[%get3A_3363, %get3A_3364, %get3A_3365] {strides = array<i32>} : memref<2x128x128xf32, #tpu.memory_space<vmem>>, vector<16xf32>,
        %mul3A_3367 = arith.mulf %get3A_3360, %get3A_3366 : vector<16xf32>
        %mul3A_3368 = arith.mulf %get3A_3366, %get3A_1439 : vector<16xf32>
        %add3A_3369 = arith.constant 16 : i32
        %add3A_3370 = arith.addi %shift_left3A_3348, %add3A_3369 : i32
        %get3A_3371 = arith.index_cast %and3A_1404 : i32 to index
        %get3A_3372 = arith.index_cast %add3A_3342 : i32 to index
        %get3A_3373 = arith.index_cast %add3A_3370 : i32 to index
        %get3A_3374 = tpu.vector_load %arg13[%get3A_3371, %get3A_3372, %get3A_3373] {strides = array<i32>} : memref<2x128x128xf32, #tpu.memory_space<vmem>>, vector<16xf32>,
        %add3A_3375 = arith.constant 16 : i32
        %add3A_3376 = arith.addi %shift_left3A_3354, %add3A_3375 : i32
        %get3A_3377 = arith.index_cast %and3A_1404 : i32 to index
        %get3A_3378 = arith.index_cast %add3A_3342 : i32 to index
        %get3A_3379 = arith.index_cast %add3A_3376 : i32 to index
        %get3A_3380 = tpu.vector_load %arg14[%get3A_3377, %get3A_3378, %get3A_3379] {strides = array<i32>} : memref<2x128x128xf32, #tpu.memory_space<vmem>>, vector<16xf32>,
        %mul3A_3381 = arith.mulf %get3A_3374, %get3A_3380 : vector<16xf32>
        %add3A_3382 = arith.addf %mul3A_3367, %mul3A_3381 : vector<16xf32>
        %mul3A_3383 = arith.mulf %get3A_3380, %get3A_1445 : vector<16xf32>
        %add3A_3384 = arith.addf %mul3A_3368, %mul3A_3383 : vector<16xf32>
        %add3A_3385 = arith.constant 32 : i32
        %add3A_3386 = arith.addi %shift_left3A_3348, %add3A_3385 : i32
        %get3A_3387 = arith.index_cast %and3A_1404 : i32 to index
        %get3A_3388 = arith.index_cast %add3A_3342 : i32 to index
        %get3A_3389 = arith.index_cast %add3A_3386 : i32 to index
        %get3A_3390 = tpu.vector_load %arg13[%get3A_3387, %get3A_3388, %get3A_3389] {strides = array<i32>} : memref<2x128x128xf32, #tpu.memory_space<vmem>>, vector<16xf32>,
        %add3A_3391 = arith.constant 32 : i32
        %add3A_3392 = arith.addi %shift_left3A_3354, %add3A_3391 : i32
        %get3A_3393 = arith.index_cast %and3A_1404 : i32 to index
        %get3A_3394 = arith.index_cast %add3A_3342 : i32 to index
        %get3A_3395 = arith.index_cast %add3A_3392 : i32 to index
        %get3A_3396 = tpu.vector_load %arg14[%get3A_3393, %get3A_3394, %get3A_3395] {strides = array<i32>} : memref<2x128x128xf32, #tpu.memory_space<vmem>>, vector<16xf32>,
        %mul3A_3397 = arith.mulf %get3A_3390, %get3A_3396 : vector<16xf32>
        %add3A_3398 = arith.addf %add3A_3382, %mul3A_3397 : vector<16xf32>
        %mul3A_3399 = arith.mulf %get3A_3396, %get3A_1451 : vector<16xf32>
        %add3A_3400 = arith.addf %add3A_3384, %mul3A_3399 : vector<16xf32>
        %add3A_3401 = arith.constant 48 : i32
        %add3A_3402 = arith.addi %shift_left3A_3348, %add3A_3401 : i32
        %get3A_3403 = arith.index_cast %and3A_1404 : i32 to index
        %get3A_3404 = arith.index_cast %add3A_3342 : i32 to index
        %get3A_3405 = arith.index_cast %add3A_3402 : i32 to index
        %get3A_3406 = tpu.vector_load %arg13[%get3A_3403, %get3A_3404, %get3A_3405] {strides = array<i32>} : memref<2x128x128xf32, #tpu.memory_space<vmem>>, vector<16xf32>,
        %add3A_3407 = arith.constant 48 : i32
        %add3A_3408 = arith.addi %shift_left3A_3354, %add3A_3407 : i32
        %get3A_3409 = arith.index_cast %and3A_1404 : i32 to index
        %get3A_3410 = arith.index_cast %add3A_3342 : i32 to index
        %get3A_3411 = arith.index_cast %add3A_3408 : i32 to index
        %get3A_3412 = tpu.vector_load %arg14[%get3A_3409, %get3A_3410, %get3A_3411] {strides = array<i32>} : memref<2x128x128xf32, #tpu.memory_space<vmem>>, vector<16xf32>,
        %mul3A_3413 = arith.mulf %get3A_3406, %get3A_3412 : vector<16xf32>
        %add3A_3414 = arith.addf %add3A_3398, %mul3A_3413 : vector<16xf32>
        %mul3A_3415 = arith.mulf %get3A_3412, %get3A_1457 : vector<16xf32>
        %add3A_3416 = arith.addf %add3A_3400, %mul3A_3415 : vector<16xf32>
        %lt3A_3417 = arith.constant 0 : i32
        %lt3A_3418 = vector.broadcast %lt3A_3417 : i32 to vector<16xi32>
        %lt3A_3419 = arith.cmpi slt, %xor3A_155, %lt3A_3418 : vector<16xi32>
        %add3A_3420 = arith.constant 16 : i32
        %add3A_3421 = vector.broadcast %add3A_3420 : i32 to vector<16xi32>
        %add3A_3422 = arith.addi %xor3A_155, %add3A_3421 : vector<16xi32>
        %select_n3A_3423 = arith.select %lt3A_3419, %add3A_3422, %xor3A_155 : vector<16xi1>, vector<16xi32>
        %broadcast_in_dim3A_3424 = vector.shape_cast %select_n3A_3423 : vector<16xi32> to vector<16x1xi32>
        %gather3A_3425 = vector.shape_cast %broadcast_in_dim3A_3424 : vector<16x1xi32> to vector<16xi32>
        %gather3A_3426 = tpu.dynamic_gather %add3A_3414[%gather3A_3425] in [0] : vector<16xf32>, vector<16xi32> -> vector<16xf32>
        %add3A_3427 = arith.addf %add3A_3414, %gather3A_3426 : vector<16xf32>
        %lt3A_3428 = arith.constant 0 : i32
        %lt3A_3429 = vector.broadcast %lt3A_3428 : i32 to vector<16xi32>
        %lt3A_3430 = arith.cmpi slt, %xor3A_155, %lt3A_3429 : vector<16xi32>
        %add3A_3431 = arith.constant 16 : i32
        %add3A_3432 = vector.broadcast %add3A_3431 : i32 to vector<16xi32>
        %add3A_3433 = arith.addi %xor3A_155, %add3A_3432 : vector<16xi32>
        %select_n3A_3434 = arith.select %lt3A_3430, %add3A_3433, %xor3A_155 : vector<16xi1>, vector<16xi32>
        %broadcast_in_dim3A_3435 = vector.shape_cast %select_n3A_3434 : vector<16xi32> to vector<16x1xi32>
        %gather3A_3436 = vector.shape_cast %broadcast_in_dim3A_3435 : vector<16x1xi32> to vector<16xi32>
        %gather3A_3437 = tpu.dynamic_gather %add3A_3416[%gather3A_3436] in [0] : vector<16xf32>, vector<16xi32> -> vector<16xf32>
        %add3A_3438 = arith.addf %add3A_3416, %gather3A_3437 : vector<16xf32>
        %lt3A_3439 = arith.constant 0 : i32
        %lt3A_3440 = vector.broadcast %lt3A_3439 : i32 to vector<16xi32>
        %lt3A_3441 = arith.cmpi slt, %xor3A_158, %lt3A_3440 : vector<16xi32>
        %add3A_3442 = arith.constant 16 : i32
        %add3A_3443 = vector.broadcast %add3A_3442 : i32 to vector<16xi32>
        %add3A_3444 = arith.addi %xor3A_158, %add3A_3443 : vector<16xi32>
        %select_n3A_3445 = arith.select %lt3A_3441, %add3A_3444, %xor3A_158 : vector<16xi1>, vector<16xi32>
        %broadcast_in_dim3A_3446 = vector.shape_cast %select_n3A_3445 : vector<16xi32> to vector<16x1xi32>
        %gather3A_3447 = vector.shape_cast %broadcast_in_dim3A_3446 : vector<16x1xi32> to vector<16xi32>
        %gather3A_3448 = tpu.dynamic_gather %add3A_3427[%gather3A_3447] in [0] : vector<16xf32>, vector<16xi32> -> vector<16xf32>
        %add3A_3449 = arith.addf %add3A_3427, %gather3A_3448 : vector<16xf32>
        %lt3A_3450 = arith.constant 0 : i32
        %lt3A_3451 = vector.broadcast %lt3A_3450 : i32 to vector<16xi32>
        %lt3A_3452 = arith.cmpi slt, %xor3A_158, %lt3A_3451 : vector<16xi32>
        %add3A_3453 = arith.constant 16 : i32
        %add3A_3454 = vector.broadcast %add3A_3453 : i32 to vector<16xi32>
        %add3A_3455 = arith.addi %xor3A_158, %add3A_3454 : vector<16xi32>
        %select_n3A_3456 = arith.select %lt3A_3452, %add3A_3455, %xor3A_158 : vector<16xi1>, vector<16xi32>
        %broadcast_in_dim3A_3457 = vector.shape_cast %select_n3A_3456 : vector<16xi32> to vector<16x1xi32>
        %gather3A_3458 = vector.shape_cast %broadcast_in_dim3A_3457 : vector<16x1xi32> to vector<16xi32>
        %gather3A_3459 = tpu.dynamic_gather %add3A_3438[%gather3A_3458] in [0] : vector<16xf32>, vector<16xi32> -> vector<16xf32>
        %add3A_3460 = arith.addf %add3A_3438, %gather3A_3459 : vector<16xf32>
        %lt3A_3461 = arith.constant 0 : i32
        %lt3A_3462 = vector.broadcast %lt3A_3461 : i32 to vector<16xi32>
        %lt3A_3463 = arith.cmpi slt, %xor3A_161, %lt3A_3462 : vector<16xi32>
        %add3A_3464 = arith.constant 16 : i32
        %add3A_3465 = vector.broadcast %add3A_3464 : i32 to vector<16xi32>
        %add3A_3466 = arith.addi %xor3A_161, %add3A_3465 : vector<16xi32>
        %select_n3A_3467 = arith.select %lt3A_3463, %add3A_3466, %xor3A_161 : vector<16xi1>, vector<16xi32>
        %broadcast_in_dim3A_3468 = vector.shape_cast %select_n3A_3467 : vector<16xi32> to vector<16x1xi32>
        %gather3A_3469 = vector.shape_cast %broadcast_in_dim3A_3468 : vector<16x1xi32> to vector<16xi32>
        %gather3A_3470 = tpu.dynamic_gather %add3A_3449[%gather3A_3469] in [0] : vector<16xf32>, vector<16xi32> -> vector<16xf32>
        %add3A_3471 = arith.addf %add3A_3449, %gather3A_3470 : vector<16xf32>
        %lt3A_3472 = arith.constant 0 : i32
        %lt3A_3473 = vector.broadcast %lt3A_3472 : i32 to vector<16xi32>
        %lt3A_3474 = arith.cmpi slt, %xor3A_161, %lt3A_3473 : vector<16xi32>
        %add3A_3475 = arith.constant 16 : i32
        %add3A_3476 = vector.broadcast %add3A_3475 : i32 to vector<16xi32>
        %add3A_3477 = arith.addi %xor3A_161, %add3A_3476 : vector<16xi32>
        %select_n3A_3478 = arith.select %lt3A_3474, %add3A_3477, %xor3A_161 : vector<16xi1>, vector<16xi32>
        %broadcast_in_dim3A_3479 = vector.shape_cast %select_n3A_3478 : vector<16xi32> to vector<16x1xi32>
        %gather3A_3480 = vector.shape_cast %broadcast_in_dim3A_3479 : vector<16x1xi32> to vector<16xi32>
        %gather3A_3481 = tpu.dynamic_gather %add3A_3460[%gather3A_3480] in [0] : vector<16xf32>, vector<16xi32> -> vector<16xf32>
        %add3A_3482 = arith.addf %add3A_3460, %gather3A_3481 : vector<16xf32>
        %lt3A_3483 = arith.constant 0 : i32
        %lt3A_3484 = vector.broadcast %lt3A_3483 : i32 to vector<16xi32>
        %lt3A_3485 = arith.cmpi slt, %xor3A_164, %lt3A_3484 : vector<16xi32>
        %add3A_3486 = arith.constant 16 : i32
        %add3A_3487 = vector.broadcast %add3A_3486 : i32 to vector<16xi32>
        %add3A_3488 = arith.addi %xor3A_164, %add3A_3487 : vector<16xi32>
        %select_n3A_3489 = arith.select %lt3A_3485, %add3A_3488, %xor3A_164 : vector<16xi1>, vector<16xi32>
        %broadcast_in_dim3A_3490 = vector.shape_cast %select_n3A_3489 : vector<16xi32> to vector<16x1xi32>
        %gather3A_3491 = vector.shape_cast %broadcast_in_dim3A_3490 : vector<16x1xi32> to vector<16xi32>
        %gather3A_3492 = tpu.dynamic_gather %add3A_3471[%gather3A_3491] in [0] : vector<16xf32>, vector<16xi32> -> vector<16xf32>
        %add3A_3493 = arith.addf %add3A_3471, %gather3A_3492 : vector<16xf32>
        %lt3A_3494 = arith.constant 0 : i32
        %lt3A_3495 = vector.broadcast %lt3A_3494 : i32 to vector<16xi32>
        %lt3A_3496 = arith.cmpi slt, %xor3A_164, %lt3A_3495 : vector<16xi32>
        %add3A_3497 = arith.constant 16 : i32
        %add3A_3498 = vector.broadcast %add3A_3497 : i32 to vector<16xi32>
        %add3A_3499 = arith.addi %xor3A_164, %add3A_3498 : vector<16xi32>
        %select_n3A_3500 = arith.select %lt3A_3496, %add3A_3499, %xor3A_164 : vector<16xi1>, vector<16xi32>
        %broadcast_in_dim3A_3501 = vector.shape_cast %select_n3A_3500 : vector<16xi32> to vector<16x1xi32>
        %gather3A_3502 = vector.shape_cast %broadcast_in_dim3A_3501 : vector<16x1xi32> to vector<16xi32>
        %gather3A_3503 = tpu.dynamic_gather %add3A_3482[%gather3A_3502] in [0] : vector<16xf32>, vector<16xi32> -> vector<16xf32>
        %add3A_3504 = arith.addf %add3A_3482, %gather3A_3503 : vector<16xf32>
        %select_n3A_3505 = arith.select %eq3A_199, %add3A_3493, %select_n3A_3336 : vector<16xi1>, vector<16xf32>
        %add3A_3506 = arith.addf %add3A_3504, %select_n3A_3338 : vector<16xf32>
        %select_n3A_3507 = arith.select %eq3A_199, %add3A_3506, %select_n3A_3338 : vector<16xi1>, vector<16xf32>
        %mul3A_3508 = arith.constant 16 : i32
        %mul3A_3509 = arith.muli %scan3A_1474, %mul3A_3508 : i32
        %add3A_3510 = arith.constant 12 : i32
        %add3A_3511 = arith.addi %mul3A_3509, %add3A_3510 : i32
        %slice3A_3512 = vector.extract_strided_slice %get3A_1479 {offsets = [12], sizes = [1], strides = [1]} : vector<16xi32> to vector<1xi32>
        %squeeze3A_3513 = vector.extract %slice3A_3512[0] : i32 from vector<1xi32>
        %and3A_3514 = arith.constant 1 : i32
        %and3A_3515 = arith.andi %squeeze3A_3513, %and3A_3514 : i32
        %shift_left3A_3516 = arith.constant 6 : i32
        %shift_left3A_3517 = arith.shli %and3A_3515, %shift_left3A_3516 : i32
        %slice3A_3518 = vector.extract_strided_slice %get3A_1482 {offsets = [12], sizes = [1], strides = [1]} : vector<16xi32> to vector<1xi32>
        %squeeze3A_3519 = vector.extract %slice3A_3518[0] : i32 from vector<1xi32>
        %and3A_3520 = arith.constant 1 : i32
        %and3A_3521 = arith.andi %squeeze3A_3519, %and3A_3520 : i32
        %shift_left3A_3522 = arith.constant 6 : i32
        %shift_left3A_3523 = arith.shli %and3A_3521, %shift_left3A_3522 : i32
        %add3A_3524 = arith.constant 0 : i32
        %add3A_3525 = arith.addi %shift_left3A_3517, %add3A_3524 : i32
        %get3A_3526 = arith.index_cast %and3A_1404 : i32 to index
        %get3A_3527 = arith.index_cast %add3A_3511 : i32 to index
        %get3A_3528 = arith.index_cast %add3A_3525 : i32 to index
        %get3A_3529 = tpu.vector_load %arg13[%get3A_3526, %get3A_3527, %get3A_3528] {strides = array<i32>} : memref<2x128x128xf32, #tpu.memory_space<vmem>>, vector<16xf32>,
        %add3A_3530 = arith.constant 0 : i32
        %add3A_3531 = arith.addi %shift_left3A_3523, %add3A_3530 : i32
        %get3A_3532 = arith.index_cast %and3A_1404 : i32 to index
        %get3A_3533 = arith.index_cast %add3A_3511 : i32 to index
        %get3A_3534 = arith.index_cast %add3A_3531 : i32 to index
        %get3A_3535 = tpu.vector_load %arg14[%get3A_3532, %get3A_3533, %get3A_3534] {strides = array<i32>} : memref<2x128x128xf32, #tpu.memory_space<vmem>>, vector<16xf32>,
        %mul3A_3536 = arith.mulf %get3A_3529, %get3A_3535 : vector<16xf32>
        %mul3A_3537 = arith.mulf %get3A_3535, %get3A_1439 : vector<16xf32>
        %add3A_3538 = arith.constant 16 : i32
        %add3A_3539 = arith.addi %shift_left3A_3517, %add3A_3538 : i32
        %get3A_3540 = arith.index_cast %and3A_1404 : i32 to index
        %get3A_3541 = arith.index_cast %add3A_3511 : i32 to index
        %get3A_3542 = arith.index_cast %add3A_3539 : i32 to index
        %get3A_3543 = tpu.vector_load %arg13[%get3A_3540, %get3A_3541, %get3A_3542] {strides = array<i32>} : memref<2x128x128xf32, #tpu.memory_space<vmem>>, vector<16xf32>,
        %add3A_3544 = arith.constant 16 : i32
        %add3A_3545 = arith.addi %shift_left3A_3523, %add3A_3544 : i32
        %get3A_3546 = arith.index_cast %and3A_1404 : i32 to index
        %get3A_3547 = arith.index_cast %add3A_3511 : i32 to index
        %get3A_3548 = arith.index_cast %add3A_3545 : i32 to index
        %get3A_3549 = tpu.vector_load %arg14[%get3A_3546, %get3A_3547, %get3A_3548] {strides = array<i32>} : memref<2x128x128xf32, #tpu.memory_space<vmem>>, vector<16xf32>,
        %mul3A_3550 = arith.mulf %get3A_3543, %get3A_3549 : vector<16xf32>
        %add3A_3551 = arith.addf %mul3A_3536, %mul3A_3550 : vector<16xf32>
        %mul3A_3552 = arith.mulf %get3A_3549, %get3A_1445 : vector<16xf32>
        %add3A_3553 = arith.addf %mul3A_3537, %mul3A_3552 : vector<16xf32>
        %add3A_3554 = arith.constant 32 : i32
        %add3A_3555 = arith.addi %shift_left3A_3517, %add3A_3554 : i32
        %get3A_3556 = arith.index_cast %and3A_1404 : i32 to index
        %get3A_3557 = arith.index_cast %add3A_3511 : i32 to index
        %get3A_3558 = arith.index_cast %add3A_3555 : i32 to index
        %get3A_3559 = tpu.vector_load %arg13[%get3A_3556, %get3A_3557, %get3A_3558] {strides = array<i32>} : memref<2x128x128xf32, #tpu.memory_space<vmem>>, vector<16xf32>,
        %add3A_3560 = arith.constant 32 : i32
        %add3A_3561 = arith.addi %shift_left3A_3523, %add3A_3560 : i32
        %get3A_3562 = arith.index_cast %and3A_1404 : i32 to index
        %get3A_3563 = arith.index_cast %add3A_3511 : i32 to index
        %get3A_3564 = arith.index_cast %add3A_3561 : i32 to index
        %get3A_3565 = tpu.vector_load %arg14[%get3A_3562, %get3A_3563, %get3A_3564] {strides = array<i32>} : memref<2x128x128xf32, #tpu.memory_space<vmem>>, vector<16xf32>,
        %mul3A_3566 = arith.mulf %get3A_3559, %get3A_3565 : vector<16xf32>
        %add3A_3567 = arith.addf %add3A_3551, %mul3A_3566 : vector<16xf32>
        %mul3A_3568 = arith.mulf %get3A_3565, %get3A_1451 : vector<16xf32>
        %add3A_3569 = arith.addf %add3A_3553, %mul3A_3568 : vector<16xf32>
        %add3A_3570 = arith.constant 48 : i32
        %add3A_3571 = arith.addi %shift_left3A_3517, %add3A_3570 : i32
        %get3A_3572 = arith.index_cast %and3A_1404 : i32 to index
        %get3A_3573 = arith.index_cast %add3A_3511 : i32 to index
        %get3A_3574 = arith.index_cast %add3A_3571 : i32 to index
        %get3A_3575 = tpu.vector_load %arg13[%get3A_3572, %get3A_3573, %get3A_3574] {strides = array<i32>} : memref<2x128x128xf32, #tpu.memory_space<vmem>>, vector<16xf32>,
        %add3A_3576 = arith.constant 48 : i32
        %add3A_3577 = arith.addi %shift_left3A_3523, %add3A_3576 : i32
        %get3A_3578 = arith.index_cast %and3A_1404 : i32 to index
        %get3A_3579 = arith.index_cast %add3A_3511 : i32 to index
        %get3A_3580 = arith.index_cast %add3A_3577 : i32 to index
        %get3A_3581 = tpu.vector_load %arg14[%get3A_3578, %get3A_3579, %get3A_3580] {strides = array<i32>} : memref<2x128x128xf32, #tpu.memory_space<vmem>>, vector<16xf32>,
        %mul3A_3582 = arith.mulf %get3A_3575, %get3A_3581 : vector<16xf32>
        %add3A_3583 = arith.addf %add3A_3567, %mul3A_3582 : vector<16xf32>
        %mul3A_3584 = arith.mulf %get3A_3581, %get3A_1457 : vector<16xf32>
        %add3A_3585 = arith.addf %add3A_3569, %mul3A_3584 : vector<16xf32>
        %lt3A_3586 = arith.constant 0 : i32
        %lt3A_3587 = vector.broadcast %lt3A_3586 : i32 to vector<16xi32>
        %lt3A_3588 = arith.cmpi slt, %xor3A_155, %lt3A_3587 : vector<16xi32>
        %add3A_3589 = arith.constant 16 : i32
        %add3A_3590 = vector.broadcast %add3A_3589 : i32 to vector<16xi32>
        %add3A_3591 = arith.addi %xor3A_155, %add3A_3590 : vector<16xi32>
        %select_n3A_3592 = arith.select %lt3A_3588, %add3A_3591, %xor3A_155 : vector<16xi1>, vector<16xi32>
        %broadcast_in_dim3A_3593 = vector.shape_cast %select_n3A_3592 : vector<16xi32> to vector<16x1xi32>
        %gather3A_3594 = vector.shape_cast %broadcast_in_dim3A_3593 : vector<16x1xi32> to vector<16xi32>
        %gather3A_3595 = tpu.dynamic_gather %add3A_3583[%gather3A_3594] in [0] : vector<16xf32>, vector<16xi32> -> vector<16xf32>
        %add3A_3596 = arith.addf %add3A_3583, %gather3A_3595 : vector<16xf32>
        %lt3A_3597 = arith.constant 0 : i32
        %lt3A_3598 = vector.broadcast %lt3A_3597 : i32 to vector<16xi32>
        %lt3A_3599 = arith.cmpi slt, %xor3A_155, %lt3A_3598 : vector<16xi32>
        %add3A_3600 = arith.constant 16 : i32
        %add3A_3601 = vector.broadcast %add3A_3600 : i32 to vector<16xi32>
        %add3A_3602 = arith.addi %xor3A_155, %add3A_3601 : vector<16xi32>
        %select_n3A_3603 = arith.select %lt3A_3599, %add3A_3602, %xor3A_155 : vector<16xi1>, vector<16xi32>
        %broadcast_in_dim3A_3604 = vector.shape_cast %select_n3A_3603 : vector<16xi32> to vector<16x1xi32>
        %gather3A_3605 = vector.shape_cast %broadcast_in_dim3A_3604 : vector<16x1xi32> to vector<16xi32>
        %gather3A_3606 = tpu.dynamic_gather %add3A_3585[%gather3A_3605] in [0] : vector<16xf32>, vector<16xi32> -> vector<16xf32>
        %add3A_3607 = arith.addf %add3A_3585, %gather3A_3606 : vector<16xf32>
        %lt3A_3608 = arith.constant 0 : i32
        %lt3A_3609 = vector.broadcast %lt3A_3608 : i32 to vector<16xi32>
        %lt3A_3610 = arith.cmpi slt, %xor3A_158, %lt3A_3609 : vector<16xi32>
        %add3A_3611 = arith.constant 16 : i32
        %add3A_3612 = vector.broadcast %add3A_3611 : i32 to vector<16xi32>
        %add3A_3613 = arith.addi %xor3A_158, %add3A_3612 : vector<16xi32>
        %select_n3A_3614 = arith.select %lt3A_3610, %add3A_3613, %xor3A_158 : vector<16xi1>, vector<16xi32>
        %broadcast_in_dim3A_3615 = vector.shape_cast %select_n3A_3614 : vector<16xi32> to vector<16x1xi32>
        %gather3A_3616 = vector.shape_cast %broadcast_in_dim3A_3615 : vector<16x1xi32> to vector<16xi32>
        %gather3A_3617 = tpu.dynamic_gather %add3A_3596[%gather3A_3616] in [0] : vector<16xf32>, vector<16xi32> -> vector<16xf32>
        %add3A_3618 = arith.addf %add3A_3596, %gather3A_3617 : vector<16xf32>
        %lt3A_3619 = arith.constant 0 : i32
        %lt3A_3620 = vector.broadcast %lt3A_3619 : i32 to vector<16xi32>
        %lt3A_3621 = arith.cmpi slt, %xor3A_158, %lt3A_3620 : vector<16xi32>
        %add3A_3622 = arith.constant 16 : i32
        %add3A_3623 = vector.broadcast %add3A_3622 : i32 to vector<16xi32>
        %add3A_3624 = arith.addi %xor3A_158, %add3A_3623 : vector<16xi32>
        %select_n3A_3625 = arith.select %lt3A_3621, %add3A_3624, %xor3A_158 : vector<16xi1>, vector<16xi32>
        %broadcast_in_dim3A_3626 = vector.shape_cast %select_n3A_3625 : vector<16xi32> to vector<16x1xi32>
        %gather3A_3627 = vector.shape_cast %broadcast_in_dim3A_3626 : vector<16x1xi32> to vector<16xi32>
        %gather3A_3628 = tpu.dynamic_gather %add3A_3607[%gather3A_3627] in [0] : vector<16xf32>, vector<16xi32> -> vector<16xf32>
        %add3A_3629 = arith.addf %add3A_3607, %gather3A_3628 : vector<16xf32>
        %lt3A_3630 = arith.constant 0 : i32
        %lt3A_3631 = vector.broadcast %lt3A_3630 : i32 to vector<16xi32>
        %lt3A_3632 = arith.cmpi slt, %xor3A_161, %lt3A_3631 : vector<16xi32>
        %add3A_3633 = arith.constant 16 : i32
        %add3A_3634 = vector.broadcast %add3A_3633 : i32 to vector<16xi32>
        %add3A_3635 = arith.addi %xor3A_161, %add3A_3634 : vector<16xi32>
        %select_n3A_3636 = arith.select %lt3A_3632, %add3A_3635, %xor3A_161 : vector<16xi1>, vector<16xi32>
        %broadcast_in_dim3A_3637 = vector.shape_cast %select_n3A_3636 : vector<16xi32> to vector<16x1xi32>
        %gather3A_3638 = vector.shape_cast %broadcast_in_dim3A_3637 : vector<16x1xi32> to vector<16xi32>
        %gather3A_3639 = tpu.dynamic_gather %add3A_3618[%gather3A_3638] in [0] : vector<16xf32>, vector<16xi32> -> vector<16xf32>
        %add3A_3640 = arith.addf %add3A_3618, %gather3A_3639 : vector<16xf32>
        %lt3A_3641 = arith.constant 0 : i32
        %lt3A_3642 = vector.broadcast %lt3A_3641 : i32 to vector<16xi32>
        %lt3A_3643 = arith.cmpi slt, %xor3A_161, %lt3A_3642 : vector<16xi32>
        %add3A_3644 = arith.constant 16 : i32
        %add3A_3645 = vector.broadcast %add3A_3644 : i32 to vector<16xi32>
        %add3A_3646 = arith.addi %xor3A_161, %add3A_3645 : vector<16xi32>
        %select_n3A_3647 = arith.select %lt3A_3643, %add3A_3646, %xor3A_161 : vector<16xi1>, vector<16xi32>
        %broadcast_in_dim3A_3648 = vector.shape_cast %select_n3A_3647 : vector<16xi32> to vector<16x1xi32>
        %gather3A_3649 = vector.shape_cast %broadcast_in_dim3A_3648 : vector<16x1xi32> to vector<16xi32>
        %gather3A_3650 = tpu.dynamic_gather %add3A_3629[%gather3A_3649] in [0] : vector<16xf32>, vector<16xi32> -> vector<16xf32>
        %add3A_3651 = arith.addf %add3A_3629, %gather3A_3650 : vector<16xf32>
        %lt3A_3652 = arith.constant 0 : i32
        %lt3A_3653 = vector.broadcast %lt3A_3652 : i32 to vector<16xi32>
        %lt3A_3654 = arith.cmpi slt, %xor3A_164, %lt3A_3653 : vector<16xi32>
        %add3A_3655 = arith.constant 16 : i32
        %add3A_3656 = vector.broadcast %add3A_3655 : i32 to vector<16xi32>
        %add3A_3657 = arith.addi %xor3A_164, %add3A_3656 : vector<16xi32>
        %select_n3A_3658 = arith.select %lt3A_3654, %add3A_3657, %xor3A_164 : vector<16xi1>, vector<16xi32>
        %broadcast_in_dim3A_3659 = vector.shape_cast %select_n3A_3658 : vector<16xi32> to vector<16x1xi32>
        %gather3A_3660 = vector.shape_cast %broadcast_in_dim3A_3659 : vector<16x1xi32> to vector<16xi32>
        %gather3A_3661 = tpu.dynamic_gather %add3A_3640[%gather3A_3660] in [0] : vector<16xf32>, vector<16xi32> -> vector<16xf32>
        %add3A_3662 = arith.addf %add3A_3640, %gather3A_3661 : vector<16xf32>
        %lt3A_3663 = arith.constant 0 : i32
        %lt3A_3664 = vector.broadcast %lt3A_3663 : i32 to vector<16xi32>
        %lt3A_3665 = arith.cmpi slt, %xor3A_164, %lt3A_3664 : vector<16xi32>
        %add3A_3666 = arith.constant 16 : i32
        %add3A_3667 = vector.broadcast %add3A_3666 : i32 to vector<16xi32>
        %add3A_3668 = arith.addi %xor3A_164, %add3A_3667 : vector<16xi32>
        %select_n3A_3669 = arith.select %lt3A_3665, %add3A_3668, %xor3A_164 : vector<16xi1>, vector<16xi32>
        %broadcast_in_dim3A_3670 = vector.shape_cast %select_n3A_3669 : vector<16xi32> to vector<16x1xi32>
        %gather3A_3671 = vector.shape_cast %broadcast_in_dim3A_3670 : vector<16x1xi32> to vector<16xi32>
        %gather3A_3672 = tpu.dynamic_gather %add3A_3651[%gather3A_3671] in [0] : vector<16xf32>, vector<16xi32> -> vector<16xf32>
        %add3A_3673 = arith.addf %add3A_3651, %gather3A_3672 : vector<16xf32>
        %select_n3A_3674 = arith.select %eq3A_202, %add3A_3662, %select_n3A_3505 : vector<16xi1>, vector<16xf32>
        %add3A_3675 = arith.addf %add3A_3673, %select_n3A_3507 : vector<16xf32>
        %select_n3A_3676 = arith.select %eq3A_202, %add3A_3675, %select_n3A_3507 : vector<16xi1>, vector<16xf32>
        %mul3A_3677 = arith.constant 16 : i32
        %mul3A_3678 = arith.muli %scan3A_1474, %mul3A_3677 : i32
        %add3A_3679 = arith.constant 13 : i32
        %add3A_3680 = arith.addi %mul3A_3678, %add3A_3679 : i32
        %slice3A_3681 = vector.extract_strided_slice %get3A_1479 {offsets = [13], sizes = [1], strides = [1]} : vector<16xi32> to vector<1xi32>
        %squeeze3A_3682 = vector.extract %slice3A_3681[0] : i32 from vector<1xi32>
        %and3A_3683 = arith.constant 1 : i32
        %and3A_3684 = arith.andi %squeeze3A_3682, %and3A_3683 : i32
        %shift_left3A_3685 = arith.constant 6 : i32
        %shift_left3A_3686 = arith.shli %and3A_3684, %shift_left3A_3685 : i32
        %slice3A_3687 = vector.extract_strided_slice %get3A_1482 {offsets = [13], sizes = [1], strides = [1]} : vector<16xi32> to vector<1xi32>
        %squeeze3A_3688 = vector.extract %slice3A_3687[0] : i32 from vector<1xi32>
        %and3A_3689 = arith.constant 1 : i32
        %and3A_3690 = arith.andi %squeeze3A_3688, %and3A_3689 : i32
        %shift_left3A_3691 = arith.constant 6 : i32
        %shift_left3A_3692 = arith.shli %and3A_3690, %shift_left3A_3691 : i32
        %add3A_3693 = arith.constant 0 : i32
        %add3A_3694 = arith.addi %shift_left3A_3686, %add3A_3693 : i32
        %get3A_3695 = arith.index_cast %and3A_1404 : i32 to index
        %get3A_3696 = arith.index_cast %add3A_3680 : i32 to index
        %get3A_3697 = arith.index_cast %add3A_3694 : i32 to index
        %get3A_3698 = tpu.vector_load %arg13[%get3A_3695, %get3A_3696, %get3A_3697] {strides = array<i32>} : memref<2x128x128xf32, #tpu.memory_space<vmem>>, vector<16xf32>,
        %add3A_3699 = arith.constant 0 : i32
        %add3A_3700 = arith.addi %shift_left3A_3692, %add3A_3699 : i32
        %get3A_3701 = arith.index_cast %and3A_1404 : i32 to index
        %get3A_3702 = arith.index_cast %add3A_3680 : i32 to index
        %get3A_3703 = arith.index_cast %add3A_3700 : i32 to index
        %get3A_3704 = tpu.vector_load %arg14[%get3A_3701, %get3A_3702, %get3A_3703] {strides = array<i32>} : memref<2x128x128xf32, #tpu.memory_space<vmem>>, vector<16xf32>,
        %mul3A_3705 = arith.mulf %get3A_3698, %get3A_3704 : vector<16xf32>
        %mul3A_3706 = arith.mulf %get3A_3704, %get3A_1439 : vector<16xf32>
        %add3A_3707 = arith.constant 16 : i32
        %add3A_3708 = arith.addi %shift_left3A_3686, %add3A_3707 : i32
        %get3A_3709 = arith.index_cast %and3A_1404 : i32 to index
        %get3A_3710 = arith.index_cast %add3A_3680 : i32 to index
        %get3A_3711 = arith.index_cast %add3A_3708 : i32 to index
        %get3A_3712 = tpu.vector_load %arg13[%get3A_3709, %get3A_3710, %get3A_3711] {strides = array<i32>} : memref<2x128x128xf32, #tpu.memory_space<vmem>>, vector<16xf32>,
        %add3A_3713 = arith.constant 16 : i32
        %add3A_3714 = arith.addi %shift_left3A_3692, %add3A_3713 : i32
        %get3A_3715 = arith.index_cast %and3A_1404 : i32 to index
        %get3A_3716 = arith.index_cast %add3A_3680 : i32 to index
        %get3A_3717 = arith.index_cast %add3A_3714 : i32 to index
        %get3A_3718 = tpu.vector_load %arg14[%get3A_3715, %get3A_3716, %get3A_3717] {strides = array<i32>} : memref<2x128x128xf32, #tpu.memory_space<vmem>>, vector<16xf32>,
        %mul3A_3719 = arith.mulf %get3A_3712, %get3A_3718 : vector<16xf32>
        %add3A_3720 = arith.addf %mul3A_3705, %mul3A_3719 : vector<16xf32>
        %mul3A_3721 = arith.mulf %get3A_3718, %get3A_1445 : vector<16xf32>
        %add3A_3722 = arith.addf %mul3A_3706, %mul3A_3721 : vector<16xf32>
        %add3A_3723 = arith.constant 32 : i32
        %add3A_3724 = arith.addi %shift_left3A_3686, %add3A_3723 : i32
        %get3A_3725 = arith.index_cast %and3A_1404 : i32 to index
        %get3A_3726 = arith.index_cast %add3A_3680 : i32 to index
        %get3A_3727 = arith.index_cast %add3A_3724 : i32 to index
        %get3A_3728 = tpu.vector_load %arg13[%get3A_3725, %get3A_3726, %get3A_3727] {strides = array<i32>} : memref<2x128x128xf32, #tpu.memory_space<vmem>>, vector<16xf32>,
        %add3A_3729 = arith.constant 32 : i32
        %add3A_3730 = arith.addi %shift_left3A_3692, %add3A_3729 : i32
        %get3A_3731 = arith.index_cast %and3A_1404 : i32 to index
        %get3A_3732 = arith.index_cast %add3A_3680 : i32 to index
        %get3A_3733 = arith.index_cast %add3A_3730 : i32 to index
        %get3A_3734 = tpu.vector_load %arg14[%get3A_3731, %get3A_3732, %get3A_3733] {strides = array<i32>} : memref<2x128x128xf32, #tpu.memory_space<vmem>>, vector<16xf32>,
        %mul3A_3735 = arith.mulf %get3A_3728, %get3A_3734 : vector<16xf32>
        %add3A_3736 = arith.addf %add3A_3720, %mul3A_3735 : vector<16xf32>
        %mul3A_3737 = arith.mulf %get3A_3734, %get3A_1451 : vector<16xf32>
        %add3A_3738 = arith.addf %add3A_3722, %mul3A_3737 : vector<16xf32>
        %add3A_3739 = arith.constant 48 : i32
        %add3A_3740 = arith.addi %shift_left3A_3686, %add3A_3739 : i32
        %get3A_3741 = arith.index_cast %and3A_1404 : i32 to index
        %get3A_3742 = arith.index_cast %add3A_3680 : i32 to index
        %get3A_3743 = arith.index_cast %add3A_3740 : i32 to index
        %get3A_3744 = tpu.vector_load %arg13[%get3A_3741, %get3A_3742, %get3A_3743] {strides = array<i32>} : memref<2x128x128xf32, #tpu.memory_space<vmem>>, vector<16xf32>,
        %add3A_3745 = arith.constant 48 : i32
        %add3A_3746 = arith.addi %shift_left3A_3692, %add3A_3745 : i32
        %get3A_3747 = arith.index_cast %and3A_1404 : i32 to index
        %get3A_3748 = arith.index_cast %add3A_3680 : i32 to index
        %get3A_3749 = arith.index_cast %add3A_3746 : i32 to index
        %get3A_3750 = tpu.vector_load %arg14[%get3A_3747, %get3A_3748, %get3A_3749] {strides = array<i32>} : memref<2x128x128xf32, #tpu.memory_space<vmem>>, vector<16xf32>,
        %mul3A_3751 = arith.mulf %get3A_3744, %get3A_3750 : vector<16xf32>
        %add3A_3752 = arith.addf %add3A_3736, %mul3A_3751 : vector<16xf32>
        %mul3A_3753 = arith.mulf %get3A_3750, %get3A_1457 : vector<16xf32>
        %add3A_3754 = arith.addf %add3A_3738, %mul3A_3753 : vector<16xf32>
        %lt3A_3755 = arith.constant 0 : i32
        %lt3A_3756 = vector.broadcast %lt3A_3755 : i32 to vector<16xi32>
        %lt3A_3757 = arith.cmpi slt, %xor3A_155, %lt3A_3756 : vector<16xi32>
        %add3A_3758 = arith.constant 16 : i32
        %add3A_3759 = vector.broadcast %add3A_3758 : i32 to vector<16xi32>
        %add3A_3760 = arith.addi %xor3A_155, %add3A_3759 : vector<16xi32>
        %select_n3A_3761 = arith.select %lt3A_3757, %add3A_3760, %xor3A_155 : vector<16xi1>, vector<16xi32>
        %broadcast_in_dim3A_3762 = vector.shape_cast %select_n3A_3761 : vector<16xi32> to vector<16x1xi32>
        %gather3A_3763 = vector.shape_cast %broadcast_in_dim3A_3762 : vector<16x1xi32> to vector<16xi32>
        %gather3A_3764 = tpu.dynamic_gather %add3A_3752[%gather3A_3763] in [0] : vector<16xf32>, vector<16xi32> -> vector<16xf32>
        %add3A_3765 = arith.addf %add3A_3752, %gather3A_3764 : vector<16xf32>
        %lt3A_3766 = arith.constant 0 : i32
        %lt3A_3767 = vector.broadcast %lt3A_3766 : i32 to vector<16xi32>
        %lt3A_3768 = arith.cmpi slt, %xor3A_155, %lt3A_3767 : vector<16xi32>
        %add3A_3769 = arith.constant 16 : i32
        %add3A_3770 = vector.broadcast %add3A_3769 : i32 to vector<16xi32>
        %add3A_3771 = arith.addi %xor3A_155, %add3A_3770 : vector<16xi32>
        %select_n3A_3772 = arith.select %lt3A_3768, %add3A_3771, %xor3A_155 : vector<16xi1>, vector<16xi32>
        %broadcast_in_dim3A_3773 = vector.shape_cast %select_n3A_3772 : vector<16xi32> to vector<16x1xi32>
        %gather3A_3774 = vector.shape_cast %broadcast_in_dim3A_3773 : vector<16x1xi32> to vector<16xi32>
        %gather3A_3775 = tpu.dynamic_gather %add3A_3754[%gather3A_3774] in [0] : vector<16xf32>, vector<16xi32> -> vector<16xf32>
        %add3A_3776 = arith.addf %add3A_3754, %gather3A_3775 : vector<16xf32>
        %lt3A_3777 = arith.constant 0 : i32
        %lt3A_3778 = vector.broadcast %lt3A_3777 : i32 to vector<16xi32>
        %lt3A_3779 = arith.cmpi slt, %xor3A_158, %lt3A_3778 : vector<16xi32>
        %add3A_3780 = arith.constant 16 : i32
        %add3A_3781 = vector.broadcast %add3A_3780 : i32 to vector<16xi32>
        %add3A_3782 = arith.addi %xor3A_158, %add3A_3781 : vector<16xi32>
        %select_n3A_3783 = arith.select %lt3A_3779, %add3A_3782, %xor3A_158 : vector<16xi1>, vector<16xi32>
        %broadcast_in_dim3A_3784 = vector.shape_cast %select_n3A_3783 : vector<16xi32> to vector<16x1xi32>
        %gather3A_3785 = vector.shape_cast %broadcast_in_dim3A_3784 : vector<16x1xi32> to vector<16xi32>
        %gather3A_3786 = tpu.dynamic_gather %add3A_3765[%gather3A_3785] in [0] : vector<16xf32>, vector<16xi32> -> vector<16xf32>
        %add3A_3787 = arith.addf %add3A_3765, %gather3A_3786 : vector<16xf32>
        %lt3A_3788 = arith.constant 0 : i32
        %lt3A_3789 = vector.broadcast %lt3A_3788 : i32 to vector<16xi32>
        %lt3A_3790 = arith.cmpi slt, %xor3A_158, %lt3A_3789 : vector<16xi32>
        %add3A_3791 = arith.constant 16 : i32
        %add3A_3792 = vector.broadcast %add3A_3791 : i32 to vector<16xi32>
        %add3A_3793 = arith.addi %xor3A_158, %add3A_3792 : vector<16xi32>
        %select_n3A_3794 = arith.select %lt3A_3790, %add3A_3793, %xor3A_158 : vector<16xi1>, vector<16xi32>
        %broadcast_in_dim3A_3795 = vector.shape_cast %select_n3A_3794 : vector<16xi32> to vector<16x1xi32>
        %gather3A_3796 = vector.shape_cast %broadcast_in_dim3A_3795 : vector<16x1xi32> to vector<16xi32>
        %gather3A_3797 = tpu.dynamic_gather %add3A_3776[%gather3A_3796] in [0] : vector<16xf32>, vector<16xi32> -> vector<16xf32>
        %add3A_3798 = arith.addf %add3A_3776, %gather3A_3797 : vector<16xf32>
        %lt3A_3799 = arith.constant 0 : i32
        %lt3A_3800 = vector.broadcast %lt3A_3799 : i32 to vector<16xi32>
        %lt3A_3801 = arith.cmpi slt, %xor3A_161, %lt3A_3800 : vector<16xi32>
        %add3A_3802 = arith.constant 16 : i32
        %add3A_3803 = vector.broadcast %add3A_3802 : i32 to vector<16xi32>
        %add3A_3804 = arith.addi %xor3A_161, %add3A_3803 : vector<16xi32>
        %select_n3A_3805 = arith.select %lt3A_3801, %add3A_3804, %xor3A_161 : vector<16xi1>, vector<16xi32>
        %broadcast_in_dim3A_3806 = vector.shape_cast %select_n3A_3805 : vector<16xi32> to vector<16x1xi32>
        %gather3A_3807 = vector.shape_cast %broadcast_in_dim3A_3806 : vector<16x1xi32> to vector<16xi32>
        %gather3A_3808 = tpu.dynamic_gather %add3A_3787[%gather3A_3807] in [0] : vector<16xf32>, vector<16xi32> -> vector<16xf32>
        %add3A_3809 = arith.addf %add3A_3787, %gather3A_3808 : vector<16xf32>
        %lt3A_3810 = arith.constant 0 : i32
        %lt3A_3811 = vector.broadcast %lt3A_3810 : i32 to vector<16xi32>
        %lt3A_3812 = arith.cmpi slt, %xor3A_161, %lt3A_3811 : vector<16xi32>
        %add3A_3813 = arith.constant 16 : i32
        %add3A_3814 = vector.broadcast %add3A_3813 : i32 to vector<16xi32>
        %add3A_3815 = arith.addi %xor3A_161, %add3A_3814 : vector<16xi32>
        %select_n3A_3816 = arith.select %lt3A_3812, %add3A_3815, %xor3A_161 : vector<16xi1>, vector<16xi32>
        %broadcast_in_dim3A_3817 = vector.shape_cast %select_n3A_3816 : vector<16xi32> to vector<16x1xi32>
        %gather3A_3818 = vector.shape_cast %broadcast_in_dim3A_3817 : vector<16x1xi32> to vector<16xi32>
        %gather3A_3819 = tpu.dynamic_gather %add3A_3798[%gather3A_3818] in [0] : vector<16xf32>, vector<16xi32> -> vector<16xf32>
        %add3A_3820 = arith.addf %add3A_3798, %gather3A_3819 : vector<16xf32>
        %lt3A_3821 = arith.constant 0 : i32
        %lt3A_3822 = vector.broadcast %lt3A_3821 : i32 to vector<16xi32>
        %lt3A_3823 = arith.cmpi slt, %xor3A_164, %lt3A_3822 : vector<16xi32>
        %add3A_3824 = arith.constant 16 : i32
        %add3A_3825 = vector.broadcast %add3A_3824 : i32 to vector<16xi32>
        %add3A_3826 = arith.addi %xor3A_164, %add3A_3825 : vector<16xi32>
        %select_n3A_3827 = arith.select %lt3A_3823, %add3A_3826, %xor3A_164 : vector<16xi1>, vector<16xi32>
        %broadcast_in_dim3A_3828 = vector.shape_cast %select_n3A_3827 : vector<16xi32> to vector<16x1xi32>
        %gather3A_3829 = vector.shape_cast %broadcast_in_dim3A_3828 : vector<16x1xi32> to vector<16xi32>
        %gather3A_3830 = tpu.dynamic_gather %add3A_3809[%gather3A_3829] in [0] : vector<16xf32>, vector<16xi32> -> vector<16xf32>
        %add3A_3831 = arith.addf %add3A_3809, %gather3A_3830 : vector<16xf32>
        %lt3A_3832 = arith.constant 0 : i32
        %lt3A_3833 = vector.broadcast %lt3A_3832 : i32 to vector<16xi32>
        %lt3A_3834 = arith.cmpi slt, %xor3A_164, %lt3A_3833 : vector<16xi32>
        %add3A_3835 = arith.constant 16 : i32
        %add3A_3836 = vector.broadcast %add3A_3835 : i32 to vector<16xi32>
        %add3A_3837 = arith.addi %xor3A_164, %add3A_3836 : vector<16xi32>
        %select_n3A_3838 = arith.select %lt3A_3834, %add3A_3837, %xor3A_164 : vector<16xi1>, vector<16xi32>
        %broadcast_in_dim3A_3839 = vector.shape_cast %select_n3A_3838 : vector<16xi32> to vector<16x1xi32>
        %gather3A_3840 = vector.shape_cast %broadcast_in_dim3A_3839 : vector<16x1xi32> to vector<16xi32>
        %gather3A_3841 = tpu.dynamic_gather %add3A_3820[%gather3A_3840] in [0] : vector<16xf32>, vector<16xi32> -> vector<16xf32>
        %add3A_3842 = arith.addf %add3A_3820, %gather3A_3841 : vector<16xf32>
        %select_n3A_3843 = arith.select %eq3A_205, %add3A_3831, %select_n3A_3674 : vector<16xi1>, vector<16xf32>
        %add3A_3844 = arith.addf %add3A_3842, %select_n3A_3676 : vector<16xf32>
        %select_n3A_3845 = arith.select %eq3A_205, %add3A_3844, %select_n3A_3676 : vector<16xi1>, vector<16xf32>
        %mul3A_3846 = arith.constant 16 : i32
        %mul3A_3847 = arith.muli %scan3A_1474, %mul3A_3846 : i32
        %add3A_3848 = arith.constant 14 : i32
        %add3A_3849 = arith.addi %mul3A_3847, %add3A_3848 : i32
        %slice3A_3850 = vector.extract_strided_slice %get3A_1479 {offsets = [14], sizes = [1], strides = [1]} : vector<16xi32> to vector<1xi32>
        %squeeze3A_3851 = vector.extract %slice3A_3850[0] : i32 from vector<1xi32>
        %and3A_3852 = arith.constant 1 : i32
        %and3A_3853 = arith.andi %squeeze3A_3851, %and3A_3852 : i32
        %shift_left3A_3854 = arith.constant 6 : i32
        %shift_left3A_3855 = arith.shli %and3A_3853, %shift_left3A_3854 : i32
        %slice3A_3856 = vector.extract_strided_slice %get3A_1482 {offsets = [14], sizes = [1], strides = [1]} : vector<16xi32> to vector<1xi32>
        %squeeze3A_3857 = vector.extract %slice3A_3856[0] : i32 from vector<1xi32>
        %and3A_3858 = arith.constant 1 : i32
        %and3A_3859 = arith.andi %squeeze3A_3857, %and3A_3858 : i32
        %shift_left3A_3860 = arith.constant 6 : i32
        %shift_left3A_3861 = arith.shli %and3A_3859, %shift_left3A_3860 : i32
        %add3A_3862 = arith.constant 0 : i32
        %add3A_3863 = arith.addi %shift_left3A_3855, %add3A_3862 : i32
        %get3A_3864 = arith.index_cast %and3A_1404 : i32 to index
        %get3A_3865 = arith.index_cast %add3A_3849 : i32 to index
        %get3A_3866 = arith.index_cast %add3A_3863 : i32 to index
        %get3A_3867 = tpu.vector_load %arg13[%get3A_3864, %get3A_3865, %get3A_3866] {strides = array<i32>} : memref<2x128x128xf32, #tpu.memory_space<vmem>>, vector<16xf32>,
        %add3A_3868 = arith.constant 0 : i32
        %add3A_3869 = arith.addi %shift_left3A_3861, %add3A_3868 : i32
        %get3A_3870 = arith.index_cast %and3A_1404 : i32 to index
        %get3A_3871 = arith.index_cast %add3A_3849 : i32 to index
        %get3A_3872 = arith.index_cast %add3A_3869 : i32 to index
        %get3A_3873 = tpu.vector_load %arg14[%get3A_3870, %get3A_3871, %get3A_3872] {strides = array<i32>} : memref<2x128x128xf32, #tpu.memory_space<vmem>>, vector<16xf32>,
        %mul3A_3874 = arith.mulf %get3A_3867, %get3A_3873 : vector<16xf32>
        %mul3A_3875 = arith.mulf %get3A_3873, %get3A_1439 : vector<16xf32>
        %add3A_3876 = arith.constant 16 : i32
        %add3A_3877 = arith.addi %shift_left3A_3855, %add3A_3876 : i32
        %get3A_3878 = arith.index_cast %and3A_1404 : i32 to index
        %get3A_3879 = arith.index_cast %add3A_3849 : i32 to index
        %get3A_3880 = arith.index_cast %add3A_3877 : i32 to index
        %get3A_3881 = tpu.vector_load %arg13[%get3A_3878, %get3A_3879, %get3A_3880] {strides = array<i32>} : memref<2x128x128xf32, #tpu.memory_space<vmem>>, vector<16xf32>,
        %add3A_3882 = arith.constant 16 : i32
        %add3A_3883 = arith.addi %shift_left3A_3861, %add3A_3882 : i32
        %get3A_3884 = arith.index_cast %and3A_1404 : i32 to index
        %get3A_3885 = arith.index_cast %add3A_3849 : i32 to index
        %get3A_3886 = arith.index_cast %add3A_3883 : i32 to index
        %get3A_3887 = tpu.vector_load %arg14[%get3A_3884, %get3A_3885, %get3A_3886] {strides = array<i32>} : memref<2x128x128xf32, #tpu.memory_space<vmem>>, vector<16xf32>,
        %mul3A_3888 = arith.mulf %get3A_3881, %get3A_3887 : vector<16xf32>
        %add3A_3889 = arith.addf %mul3A_3874, %mul3A_3888 : vector<16xf32>
        %mul3A_3890 = arith.mulf %get3A_3887, %get3A_1445 : vector<16xf32>
        %add3A_3891 = arith.addf %mul3A_3875, %mul3A_3890 : vector<16xf32>
        %add3A_3892 = arith.constant 32 : i32
        %add3A_3893 = arith.addi %shift_left3A_3855, %add3A_3892 : i32
        %get3A_3894 = arith.index_cast %and3A_1404 : i32 to index
        %get3A_3895 = arith.index_cast %add3A_3849 : i32 to index
        %get3A_3896 = arith.index_cast %add3A_3893 : i32 to index
        %get3A_3897 = tpu.vector_load %arg13[%get3A_3894, %get3A_3895, %get3A_3896] {strides = array<i32>} : memref<2x128x128xf32, #tpu.memory_space<vmem>>, vector<16xf32>,
        %add3A_3898 = arith.constant 32 : i32
        %add3A_3899 = arith.addi %shift_left3A_3861, %add3A_3898 : i32
        %get3A_3900 = arith.index_cast %and3A_1404 : i32 to index
        %get3A_3901 = arith.index_cast %add3A_3849 : i32 to index
        %get3A_3902 = arith.index_cast %add3A_3899 : i32 to index
        %get3A_3903 = tpu.vector_load %arg14[%get3A_3900, %get3A_3901, %get3A_3902] {strides = array<i32>} : memref<2x128x128xf32, #tpu.memory_space<vmem>>, vector<16xf32>,
        %mul3A_3904 = arith.mulf %get3A_3897, %get3A_3903 : vector<16xf32>
        %add3A_3905 = arith.addf %add3A_3889, %mul3A_3904 : vector<16xf32>
        %mul3A_3906 = arith.mulf %get3A_3903, %get3A_1451 : vector<16xf32>
        %add3A_3907 = arith.addf %add3A_3891, %mul3A_3906 : vector<16xf32>
        %add3A_3908 = arith.constant 48 : i32
        %add3A_3909 = arith.addi %shift_left3A_3855, %add3A_3908 : i32
        %get3A_3910 = arith.index_cast %and3A_1404 : i32 to index
        %get3A_3911 = arith.index_cast %add3A_3849 : i32 to index
        %get3A_3912 = arith.index_cast %add3A_3909 : i32 to index
        %get3A_3913 = tpu.vector_load %arg13[%get3A_3910, %get3A_3911, %get3A_3912] {strides = array<i32>} : memref<2x128x128xf32, #tpu.memory_space<vmem>>, vector<16xf32>,
        %add3A_3914 = arith.constant 48 : i32
        %add3A_3915 = arith.addi %shift_left3A_3861, %add3A_3914 : i32
        %get3A_3916 = arith.index_cast %and3A_1404 : i32 to index
        %get3A_3917 = arith.index_cast %add3A_3849 : i32 to index
        %get3A_3918 = arith.index_cast %add3A_3915 : i32 to index
        %get3A_3919 = tpu.vector_load %arg14[%get3A_3916, %get3A_3917, %get3A_3918] {strides = array<i32>} : memref<2x128x128xf32, #tpu.memory_space<vmem>>, vector<16xf32>,
        %mul3A_3920 = arith.mulf %get3A_3913, %get3A_3919 : vector<16xf32>
        %add3A_3921 = arith.addf %add3A_3905, %mul3A_3920 : vector<16xf32>
        %mul3A_3922 = arith.mulf %get3A_3919, %get3A_1457 : vector<16xf32>
        %add3A_3923 = arith.addf %add3A_3907, %mul3A_3922 : vector<16xf32>
        %lt3A_3924 = arith.constant 0 : i32
        %lt3A_3925 = vector.broadcast %lt3A_3924 : i32 to vector<16xi32>
        %lt3A_3926 = arith.cmpi slt, %xor3A_155, %lt3A_3925 : vector<16xi32>
        %add3A_3927 = arith.constant 16 : i32
        %add3A_3928 = vector.broadcast %add3A_3927 : i32 to vector<16xi32>
        %add3A_3929 = arith.addi %xor3A_155, %add3A_3928 : vector<16xi32>
        %select_n3A_3930 = arith.select %lt3A_3926, %add3A_3929, %xor3A_155 : vector<16xi1>, vector<16xi32>
        %broadcast_in_dim3A_3931 = vector.shape_cast %select_n3A_3930 : vector<16xi32> to vector<16x1xi32>
        %gather3A_3932 = vector.shape_cast %broadcast_in_dim3A_3931 : vector<16x1xi32> to vector<16xi32>
        %gather3A_3933 = tpu.dynamic_gather %add3A_3921[%gather3A_3932] in [0] : vector<16xf32>, vector<16xi32> -> vector<16xf32>
        %add3A_3934 = arith.addf %add3A_3921, %gather3A_3933 : vector<16xf32>
        %lt3A_3935 = arith.constant 0 : i32
        %lt3A_3936 = vector.broadcast %lt3A_3935 : i32 to vector<16xi32>
        %lt3A_3937 = arith.cmpi slt, %xor3A_155, %lt3A_3936 : vector<16xi32>
        %add3A_3938 = arith.constant 16 : i32
        %add3A_3939 = vector.broadcast %add3A_3938 : i32 to vector<16xi32>
        %add3A_3940 = arith.addi %xor3A_155, %add3A_3939 : vector<16xi32>
        %select_n3A_3941 = arith.select %lt3A_3937, %add3A_3940, %xor3A_155 : vector<16xi1>, vector<16xi32>
        %broadcast_in_dim3A_3942 = vector.shape_cast %select_n3A_3941 : vector<16xi32> to vector<16x1xi32>
        %gather3A_3943 = vector.shape_cast %broadcast_in_dim3A_3942 : vector<16x1xi32> to vector<16xi32>
        %gather3A_3944 = tpu.dynamic_gather %add3A_3923[%gather3A_3943] in [0] : vector<16xf32>, vector<16xi32> -> vector<16xf32>
        %add3A_3945 = arith.addf %add3A_3923, %gather3A_3944 : vector<16xf32>
        %lt3A_3946 = arith.constant 0 : i32
        %lt3A_3947 = vector.broadcast %lt3A_3946 : i32 to vector<16xi32>
        %lt3A_3948 = arith.cmpi slt, %xor3A_158, %lt3A_3947 : vector<16xi32>
        %add3A_3949 = arith.constant 16 : i32
        %add3A_3950 = vector.broadcast %add3A_3949 : i32 to vector<16xi32>
        %add3A_3951 = arith.addi %xor3A_158, %add3A_3950 : vector<16xi32>
        %select_n3A_3952 = arith.select %lt3A_3948, %add3A_3951, %xor3A_158 : vector<16xi1>, vector<16xi32>
        %broadcast_in_dim3A_3953 = vector.shape_cast %select_n3A_3952 : vector<16xi32> to vector<16x1xi32>
        %gather3A_3954 = vector.shape_cast %broadcast_in_dim3A_3953 : vector<16x1xi32> to vector<16xi32>
        %gather3A_3955 = tpu.dynamic_gather %add3A_3934[%gather3A_3954] in [0] : vector<16xf32>, vector<16xi32> -> vector<16xf32>
        %add3A_3956 = arith.addf %add3A_3934, %gather3A_3955 : vector<16xf32>
        %lt3A_3957 = arith.constant 0 : i32
        %lt3A_3958 = vector.broadcast %lt3A_3957 : i32 to vector<16xi32>
        %lt3A_3959 = arith.cmpi slt, %xor3A_158, %lt3A_3958 : vector<16xi32>
        %add3A_3960 = arith.constant 16 : i32
        %add3A_3961 = vector.broadcast %add3A_3960 : i32 to vector<16xi32>
        %add3A_3962 = arith.addi %xor3A_158, %add3A_3961 : vector<16xi32>
        %select_n3A_3963 = arith.select %lt3A_3959, %add3A_3962, %xor3A_158 : vector<16xi1>, vector<16xi32>
        %broadcast_in_dim3A_3964 = vector.shape_cast %select_n3A_3963 : vector<16xi32> to vector<16x1xi32>
        %gather3A_3965 = vector.shape_cast %broadcast_in_dim3A_3964 : vector<16x1xi32> to vector<16xi32>
        %gather3A_3966 = tpu.dynamic_gather %add3A_3945[%gather3A_3965] in [0] : vector<16xf32>, vector<16xi32> -> vector<16xf32>
        %add3A_3967 = arith.addf %add3A_3945, %gather3A_3966 : vector<16xf32>
        %lt3A_3968 = arith.constant 0 : i32
        %lt3A_3969 = vector.broadcast %lt3A_3968 : i32 to vector<16xi32>
        %lt3A_3970 = arith.cmpi slt, %xor3A_161, %lt3A_3969 : vector<16xi32>
        %add3A_3971 = arith.constant 16 : i32
        %add3A_3972 = vector.broadcast %add3A_3971 : i32 to vector<16xi32>
        %add3A_3973 = arith.addi %xor3A_161, %add3A_3972 : vector<16xi32>
        %select_n3A_3974 = arith.select %lt3A_3970, %add3A_3973, %xor3A_161 : vector<16xi1>, vector<16xi32>
        %broadcast_in_dim3A_3975 = vector.shape_cast %select_n3A_3974 : vector<16xi32> to vector<16x1xi32>
        %gather3A_3976 = vector.shape_cast %broadcast_in_dim3A_3975 : vector<16x1xi32> to vector<16xi32>
        %gather3A_3977 = tpu.dynamic_gather %add3A_3956[%gather3A_3976] in [0] : vector<16xf32>, vector<16xi32> -> vector<16xf32>
        %add3A_3978 = arith.addf %add3A_3956, %gather3A_3977 : vector<16xf32>
        %lt3A_3979 = arith.constant 0 : i32
        %lt3A_3980 = vector.broadcast %lt3A_3979 : i32 to vector<16xi32>
        %lt3A_3981 = arith.cmpi slt, %xor3A_161, %lt3A_3980 : vector<16xi32>
        %add3A_3982 = arith.constant 16 : i32
        %add3A_3983 = vector.broadcast %add3A_3982 : i32 to vector<16xi32>
        %add3A_3984 = arith.addi %xor3A_161, %add3A_3983 : vector<16xi32>
        %select_n3A_3985 = arith.select %lt3A_3981, %add3A_3984, %xor3A_161 : vector<16xi1>, vector<16xi32>
        %broadcast_in_dim3A_3986 = vector.shape_cast %select_n3A_3985 : vector<16xi32> to vector<16x1xi32>
        %gather3A_3987 = vector.shape_cast %broadcast_in_dim3A_3986 : vector<16x1xi32> to vector<16xi32>
        %gather3A_3988 = tpu.dynamic_gather %add3A_3967[%gather3A_3987] in [0] : vector<16xf32>, vector<16xi32> -> vector<16xf32>
        %add3A_3989 = arith.addf %add3A_3967, %gather3A_3988 : vector<16xf32>
        %lt3A_3990 = arith.constant 0 : i32
        %lt3A_3991 = vector.broadcast %lt3A_3990 : i32 to vector<16xi32>
        %lt3A_3992 = arith.cmpi slt, %xor3A_164, %lt3A_3991 : vector<16xi32>
        %add3A_3993 = arith.constant 16 : i32
        %add3A_3994 = vector.broadcast %add3A_3993 : i32 to vector<16xi32>
        %add3A_3995 = arith.addi %xor3A_164, %add3A_3994 : vector<16xi32>
        %select_n3A_3996 = arith.select %lt3A_3992, %add3A_3995, %xor3A_164 : vector<16xi1>, vector<16xi32>
        %broadcast_in_dim3A_3997 = vector.shape_cast %select_n3A_3996 : vector<16xi32> to vector<16x1xi32>
        %gather3A_3998 = vector.shape_cast %broadcast_in_dim3A_3997 : vector<16x1xi32> to vector<16xi32>
        %gather3A_3999 = tpu.dynamic_gather %add3A_3978[%gather3A_3998] in [0] : vector<16xf32>, vector<16xi32> -> vector<16xf32>
        %add3A_4000 = arith.addf %add3A_3978, %gather3A_3999 : vector<16xf32>
        %lt3A_4001 = arith.constant 0 : i32
        %lt3A_4002 = vector.broadcast %lt3A_4001 : i32 to vector<16xi32>
        %lt3A_4003 = arith.cmpi slt, %xor3A_164, %lt3A_4002 : vector<16xi32>
        %add3A_4004 = arith.constant 16 : i32
        %add3A_4005 = vector.broadcast %add3A_4004 : i32 to vector<16xi32>
        %add3A_4006 = arith.addi %xor3A_164, %add3A_4005 : vector<16xi32>
        %select_n3A_4007 = arith.select %lt3A_4003, %add3A_4006, %xor3A_164 : vector<16xi1>, vector<16xi32>
        %broadcast_in_dim3A_4008 = vector.shape_cast %select_n3A_4007 : vector<16xi32> to vector<16x1xi32>
        %gather3A_4009 = vector.shape_cast %broadcast_in_dim3A_4008 : vector<16x1xi32> to vector<16xi32>
        %gather3A_4010 = tpu.dynamic_gather %add3A_3989[%gather3A_4009] in [0] : vector<16xf32>, vector<16xi32> -> vector<16xf32>
        %add3A_4011 = arith.addf %add3A_3989, %gather3A_4010 : vector<16xf32>
        %select_n3A_4012 = arith.select %eq3A_208, %add3A_4000, %select_n3A_3843 : vector<16xi1>, vector<16xf32>
        %add3A_4013 = arith.addf %add3A_4011, %select_n3A_3845 : vector<16xf32>
        %select_n3A_4014 = arith.select %eq3A_208, %add3A_4013, %select_n3A_3845 : vector<16xi1>, vector<16xf32>
        %mul3A_4015 = arith.constant 16 : i32
        %mul3A_4016 = arith.muli %scan3A_1474, %mul3A_4015 : i32
        %add3A_4017 = arith.constant 15 : i32
        %add3A_4018 = arith.addi %mul3A_4016, %add3A_4017 : i32
        %slice3A_4019 = vector.extract_strided_slice %get3A_1479 {offsets = [15], sizes = [1], strides = [1]} : vector<16xi32> to vector<1xi32>
        %squeeze3A_4020 = vector.extract %slice3A_4019[0] : i32 from vector<1xi32>
        %and3A_4021 = arith.constant 1 : i32
        %and3A_4022 = arith.andi %squeeze3A_4020, %and3A_4021 : i32
        %shift_left3A_4023 = arith.constant 6 : i32
        %shift_left3A_4024 = arith.shli %and3A_4022, %shift_left3A_4023 : i32
        %slice3A_4025 = vector.extract_strided_slice %get3A_1482 {offsets = [15], sizes = [1], strides = [1]} : vector<16xi32> to vector<1xi32>
        %squeeze3A_4026 = vector.extract %slice3A_4025[0] : i32 from vector<1xi32>
        %and3A_4027 = arith.constant 1 : i32
        %and3A_4028 = arith.andi %squeeze3A_4026, %and3A_4027 : i32
        %shift_left3A_4029 = arith.constant 6 : i32
        %shift_left3A_4030 = arith.shli %and3A_4028, %shift_left3A_4029 : i32
        %add3A_4031 = arith.constant 0 : i32
        %add3A_4032 = arith.addi %shift_left3A_4024, %add3A_4031 : i32
        %get3A_4033 = arith.index_cast %and3A_1404 : i32 to index
        %get3A_4034 = arith.index_cast %add3A_4018 : i32 to index
        %get3A_4035 = arith.index_cast %add3A_4032 : i32 to index
        %get3A_4036 = tpu.vector_load %arg13[%get3A_4033, %get3A_4034, %get3A_4035] {strides = array<i32>} : memref<2x128x128xf32, #tpu.memory_space<vmem>>, vector<16xf32>,
        %add3A_4037 = arith.constant 0 : i32
        %add3A_4038 = arith.addi %shift_left3A_4030, %add3A_4037 : i32
        %get3A_4039 = arith.index_cast %and3A_1404 : i32 to index
        %get3A_4040 = arith.index_cast %add3A_4018 : i32 to index
        %get3A_4041 = arith.index_cast %add3A_4038 : i32 to index
        %get3A_4042 = tpu.vector_load %arg14[%get3A_4039, %get3A_4040, %get3A_4041] {strides = array<i32>} : memref<2x128x128xf32, #tpu.memory_space<vmem>>, vector<16xf32>,
        %mul3A_4043 = arith.mulf %get3A_4036, %get3A_4042 : vector<16xf32>
        %mul3A_4044 = arith.mulf %get3A_4042, %get3A_1439 : vector<16xf32>
        %add3A_4045 = arith.constant 16 : i32
        %add3A_4046 = arith.addi %shift_left3A_4024, %add3A_4045 : i32
        %get3A_4047 = arith.index_cast %and3A_1404 : i32 to index
        %get3A_4048 = arith.index_cast %add3A_4018 : i32 to index
        %get3A_4049 = arith.index_cast %add3A_4046 : i32 to index
        %get3A_4050 = tpu.vector_load %arg13[%get3A_4047, %get3A_4048, %get3A_4049] {strides = array<i32>} : memref<2x128x128xf32, #tpu.memory_space<vmem>>, vector<16xf32>,
        %add3A_4051 = arith.constant 16 : i32
        %add3A_4052 = arith.addi %shift_left3A_4030, %add3A_4051 : i32
        %get3A_4053 = arith.index_cast %and3A_1404 : i32 to index
        %get3A_4054 = arith.index_cast %add3A_4018 : i32 to index
        %get3A_4055 = arith.index_cast %add3A_4052 : i32 to index
        %get3A_4056 = tpu.vector_load %arg14[%get3A_4053, %get3A_4054, %get3A_4055] {strides = array<i32>} : memref<2x128x128xf32, #tpu.memory_space<vmem>>, vector<16xf32>,
        %mul3A_4057 = arith.mulf %get3A_4050, %get3A_4056 : vector<16xf32>
        %add3A_4058 = arith.addf %mul3A_4043, %mul3A_4057 : vector<16xf32>
        %mul3A_4059 = arith.mulf %get3A_4056, %get3A_1445 : vector<16xf32>
        %add3A_4060 = arith.addf %mul3A_4044, %mul3A_4059 : vector<16xf32>
        %add3A_4061 = arith.constant 32 : i32
        %add3A_4062 = arith.addi %shift_left3A_4024, %add3A_4061 : i32
        %get3A_4063 = arith.index_cast %and3A_1404 : i32 to index
        %get3A_4064 = arith.index_cast %add3A_4018 : i32 to index
        %get3A_4065 = arith.index_cast %add3A_4062 : i32 to index
        %get3A_4066 = tpu.vector_load %arg13[%get3A_4063, %get3A_4064, %get3A_4065] {strides = array<i32>} : memref<2x128x128xf32, #tpu.memory_space<vmem>>, vector<16xf32>,
        %add3A_4067 = arith.constant 32 : i32
        %add3A_4068 = arith.addi %shift_left3A_4030, %add3A_4067 : i32
        %get3A_4069 = arith.index_cast %and3A_1404 : i32 to index
        %get3A_4070 = arith.index_cast %add3A_4018 : i32 to index
        %get3A_4071 = arith.index_cast %add3A_4068 : i32 to index
        %get3A_4072 = tpu.vector_load %arg14[%get3A_4069, %get3A_4070, %get3A_4071] {strides = array<i32>} : memref<2x128x128xf32, #tpu.memory_space<vmem>>, vector<16xf32>,
        %mul3A_4073 = arith.mulf %get3A_4066, %get3A_4072 : vector<16xf32>
        %add3A_4074 = arith.addf %add3A_4058, %mul3A_4073 : vector<16xf32>
        %mul3A_4075 = arith.mulf %get3A_4072, %get3A_1451 : vector<16xf32>
        %add3A_4076 = arith.addf %add3A_4060, %mul3A_4075 : vector<16xf32>
        %add3A_4077 = arith.constant 48 : i32
        %add3A_4078 = arith.addi %shift_left3A_4024, %add3A_4077 : i32
        %get3A_4079 = arith.index_cast %and3A_1404 : i32 to index
        %get3A_4080 = arith.index_cast %add3A_4018 : i32 to index
        %get3A_4081 = arith.index_cast %add3A_4078 : i32 to index
        %get3A_4082 = tpu.vector_load %arg13[%get3A_4079, %get3A_4080, %get3A_4081] {strides = array<i32>} : memref<2x128x128xf32, #tpu.memory_space<vmem>>, vector<16xf32>,
        %add3A_4083 = arith.constant 48 : i32
        %add3A_4084 = arith.addi %shift_left3A_4030, %add3A_4083 : i32
        %get3A_4085 = arith.index_cast %and3A_1404 : i32 to index
        %get3A_4086 = arith.index_cast %add3A_4018 : i32 to index
        %get3A_4087 = arith.index_cast %add3A_4084 : i32 to index
        %get3A_4088 = tpu.vector_load %arg14[%get3A_4085, %get3A_4086, %get3A_4087] {strides = array<i32>} : memref<2x128x128xf32, #tpu.memory_space<vmem>>, vector<16xf32>,
        %mul3A_4089 = arith.mulf %get3A_4082, %get3A_4088 : vector<16xf32>
        %add3A_4090 = arith.addf %add3A_4074, %mul3A_4089 : vector<16xf32>
        %mul3A_4091 = arith.mulf %get3A_4088, %get3A_1457 : vector<16xf32>
        %add3A_4092 = arith.addf %add3A_4076, %mul3A_4091 : vector<16xf32>
        %lt3A_4093 = arith.constant 0 : i32
        %lt3A_4094 = vector.broadcast %lt3A_4093 : i32 to vector<16xi32>
        %lt3A_4095 = arith.cmpi slt, %xor3A_155, %lt3A_4094 : vector<16xi32>
        %add3A_4096 = arith.constant 16 : i32
        %add3A_4097 = vector.broadcast %add3A_4096 : i32 to vector<16xi32>
        %add3A_4098 = arith.addi %xor3A_155, %add3A_4097 : vector<16xi32>
        %select_n3A_4099 = arith.select %lt3A_4095, %add3A_4098, %xor3A_155 : vector<16xi1>, vector<16xi32>
        %broadcast_in_dim3A_4100 = vector.shape_cast %select_n3A_4099 : vector<16xi32> to vector<16x1xi32>
        %gather3A_4101 = vector.shape_cast %broadcast_in_dim3A_4100 : vector<16x1xi32> to vector<16xi32>
        %gather3A_4102 = tpu.dynamic_gather %add3A_4090[%gather3A_4101] in [0] : vector<16xf32>, vector<16xi32> -> vector<16xf32>
        %add3A_4103 = arith.addf %add3A_4090, %gather3A_4102 : vector<16xf32>
        %lt3A_4104 = arith.constant 0 : i32
        %lt3A_4105 = vector.broadcast %lt3A_4104 : i32 to vector<16xi32>
        %lt3A_4106 = arith.cmpi slt, %xor3A_155, %lt3A_4105 : vector<16xi32>
        %add3A_4107 = arith.constant 16 : i32
        %add3A_4108 = vector.broadcast %add3A_4107 : i32 to vector<16xi32>
        %add3A_4109 = arith.addi %xor3A_155, %add3A_4108 : vector<16xi32>
        %select_n3A_4110 = arith.select %lt3A_4106, %add3A_4109, %xor3A_155 : vector<16xi1>, vector<16xi32>
        %broadcast_in_dim3A_4111 = vector.shape_cast %select_n3A_4110 : vector<16xi32> to vector<16x1xi32>
        %gather3A_4112 = vector.shape_cast %broadcast_in_dim3A_4111 : vector<16x1xi32> to vector<16xi32>
        %gather3A_4113 = tpu.dynamic_gather %add3A_4092[%gather3A_4112] in [0] : vector<16xf32>, vector<16xi32> -> vector<16xf32>
        %add3A_4114 = arith.addf %add3A_4092, %gather3A_4113 : vector<16xf32>
        %lt3A_4115 = arith.constant 0 : i32
        %lt3A_4116 = vector.broadcast %lt3A_4115 : i32 to vector<16xi32>
        %lt3A_4117 = arith.cmpi slt, %xor3A_158, %lt3A_4116 : vector<16xi32>
        %add3A_4118 = arith.constant 16 : i32
        %add3A_4119 = vector.broadcast %add3A_4118 : i32 to vector<16xi32>
        %add3A_4120 = arith.addi %xor3A_158, %add3A_4119 : vector<16xi32>
        %select_n3A_4121 = arith.select %lt3A_4117, %add3A_4120, %xor3A_158 : vector<16xi1>, vector<16xi32>
        %broadcast_in_dim3A_4122 = vector.shape_cast %select_n3A_4121 : vector<16xi32> to vector<16x1xi32>
        %gather3A_4123 = vector.shape_cast %broadcast_in_dim3A_4122 : vector<16x1xi32> to vector<16xi32>
        %gather3A_4124 = tpu.dynamic_gather %add3A_4103[%gather3A_4123] in [0] : vector<16xf32>, vector<16xi32> -> vector<16xf32>
        %add3A_4125 = arith.addf %add3A_4103, %gather3A_4124 : vector<16xf32>
        %lt3A_4126 = arith.constant 0 : i32
        %lt3A_4127 = vector.broadcast %lt3A_4126 : i32 to vector<16xi32>
        %lt3A_4128 = arith.cmpi slt, %xor3A_158, %lt3A_4127 : vector<16xi32>
        %add3A_4129 = arith.constant 16 : i32
        %add3A_4130 = vector.broadcast %add3A_4129 : i32 to vector<16xi32>
        %add3A_4131 = arith.addi %xor3A_158, %add3A_4130 : vector<16xi32>
        %select_n3A_4132 = arith.select %lt3A_4128, %add3A_4131, %xor3A_158 : vector<16xi1>, vector<16xi32>
        %broadcast_in_dim3A_4133 = vector.shape_cast %select_n3A_4132 : vector<16xi32> to vector<16x1xi32>
        %gather3A_4134 = vector.shape_cast %broadcast_in_dim3A_4133 : vector<16x1xi32> to vector<16xi32>
        %gather3A_4135 = tpu.dynamic_gather %add3A_4114[%gather3A_4134] in [0] : vector<16xf32>, vector<16xi32> -> vector<16xf32>
        %add3A_4136 = arith.addf %add3A_4114, %gather3A_4135 : vector<16xf32>
        %lt3A_4137 = arith.constant 0 : i32
        %lt3A_4138 = vector.broadcast %lt3A_4137 : i32 to vector<16xi32>
        %lt3A_4139 = arith.cmpi slt, %xor3A_161, %lt3A_4138 : vector<16xi32>
        %add3A_4140 = arith.constant 16 : i32
        %add3A_4141 = vector.broadcast %add3A_4140 : i32 to vector<16xi32>
        %add3A_4142 = arith.addi %xor3A_161, %add3A_4141 : vector<16xi32>
        %select_n3A_4143 = arith.select %lt3A_4139, %add3A_4142, %xor3A_161 : vector<16xi1>, vector<16xi32>
        %broadcast_in_dim3A_4144 = vector.shape_cast %select_n3A_4143 : vector<16xi32> to vector<16x1xi32>
        %gather3A_4145 = vector.shape_cast %broadcast_in_dim3A_4144 : vector<16x1xi32> to vector<16xi32>
        %gather3A_4146 = tpu.dynamic_gather %add3A_4125[%gather3A_4145] in [0] : vector<16xf32>, vector<16xi32> -> vector<16xf32>
        %add3A_4147 = arith.addf %add3A_4125, %gather3A_4146 : vector<16xf32>
        %lt3A_4148 = arith.constant 0 : i32
        %lt3A_4149 = vector.broadcast %lt3A_4148 : i32 to vector<16xi32>
        %lt3A_4150 = arith.cmpi slt, %xor3A_161, %lt3A_4149 : vector<16xi32>
        %add3A_4151 = arith.constant 16 : i32
        %add3A_4152 = vector.broadcast %add3A_4151 : i32 to vector<16xi32>
        %add3A_4153 = arith.addi %xor3A_161, %add3A_4152 : vector<16xi32>
        %select_n3A_4154 = arith.select %lt3A_4150, %add3A_4153, %xor3A_161 : vector<16xi1>, vector<16xi32>
        %broadcast_in_dim3A_4155 = vector.shape_cast %select_n3A_4154 : vector<16xi32> to vector<16x1xi32>
        %gather3A_4156 = vector.shape_cast %broadcast_in_dim3A_4155 : vector<16x1xi32> to vector<16xi32>
        %gather3A_4157 = tpu.dynamic_gather %add3A_4136[%gather3A_4156] in [0] : vector<16xf32>, vector<16xi32> -> vector<16xf32>
        %add3A_4158 = arith.addf %add3A_4136, %gather3A_4157 : vector<16xf32>
        %lt3A_4159 = arith.constant 0 : i32
        %lt3A_4160 = vector.broadcast %lt3A_4159 : i32 to vector<16xi32>
        %lt3A_4161 = arith.cmpi slt, %xor3A_164, %lt3A_4160 : vector<16xi32>
        %add3A_4162 = arith.constant 16 : i32
        %add3A_4163 = vector.broadcast %add3A_4162 : i32 to vector<16xi32>
        %add3A_4164 = arith.addi %xor3A_164, %add3A_4163 : vector<16xi32>
        %select_n3A_4165 = arith.select %lt3A_4161, %add3A_4164, %xor3A_164 : vector<16xi1>, vector<16xi32>
        %broadcast_in_dim3A_4166 = vector.shape_cast %select_n3A_4165 : vector<16xi32> to vector<16x1xi32>
        %gather3A_4167 = vector.shape_cast %broadcast_in_dim3A_4166 : vector<16x1xi32> to vector<16xi32>
        %gather3A_4168 = tpu.dynamic_gather %add3A_4147[%gather3A_4167] in [0] : vector<16xf32>, vector<16xi32> -> vector<16xf32>
        %add3A_4169 = arith.addf %add3A_4147, %gather3A_4168 : vector<16xf32>
        %lt3A_4170 = arith.constant 0 : i32
        %lt3A_4171 = vector.broadcast %lt3A_4170 : i32 to vector<16xi32>
        %lt3A_4172 = arith.cmpi slt, %xor3A_164, %lt3A_4171 : vector<16xi32>
        %add3A_4173 = arith.constant 16 : i32
        %add3A_4174 = vector.broadcast %add3A_4173 : i32 to vector<16xi32>
        %add3A_4175 = arith.addi %xor3A_164, %add3A_4174 : vector<16xi32>
        %select_n3A_4176 = arith.select %lt3A_4172, %add3A_4175, %xor3A_164 : vector<16xi1>, vector<16xi32>
        %broadcast_in_dim3A_4177 = vector.shape_cast %select_n3A_4176 : vector<16xi32> to vector<16x1xi32>
        %gather3A_4178 = vector.shape_cast %broadcast_in_dim3A_4177 : vector<16x1xi32> to vector<16xi32>
        %gather3A_4179 = tpu.dynamic_gather %add3A_4158[%gather3A_4178] in [0] : vector<16xf32>, vector<16xi32> -> vector<16xf32>
        %add3A_4180 = arith.addf %add3A_4158, %gather3A_4179 : vector<16xf32>
        %select_n3A_4181 = arith.select %eq3A_211, %add3A_4169, %select_n3A_4012 : vector<16xi1>, vector<16xf32>
        %add3A_4182 = arith.addf %add3A_4180, %select_n3A_4014 : vector<16xf32>
        %select_n3A_4183 = arith.select %eq3A_211, %add3A_4182, %select_n3A_4014 : vector<16xi1>, vector<16xf32>
        %neg3A = arith.constant 0.000000e+00 : f32
        %neg3A_4184 = vector.broadcast %neg3A : f32 to vector<16xf32>
        %neg3A_4185 = arith.subf %neg3A_4184, %select_n3A_4183 : vector<16xf32>
        %exp3A = math.exp %neg3A_4185 : vector<16xf32>
        %add3A_4186 = arith.constant 1.000000e+00 : f32
        %add3A_4187 = vector.broadcast %add3A_4186 : f32 to vector<16xf32>
        %add3A_4188 = arith.addf %add3A_4187, %exp3A : vector<16xf32>
        %div3A = arith.constant 1.000000e+00 : f32
        %div3A_4189 = vector.broadcast %div3A : f32 to vector<16xf32>
        %div3A_4190 = arith.divf %div3A_4189, %add3A_4188 : vector<16xf32>
        %mul3A_4191 = arith.constant 128 : i32
        %mul3A_4192 = arith.muli %and3A_1402, %mul3A_4191 : i32
        %mul3A_4193 = arith.constant 16 : i32
        %mul3A_4194 = arith.muli %scan3A_1474, %mul3A_4193 : i32
        %add3A_4195 = arith.addi %mul3A_4192, %mul3A_4194 : i32
        %get3A_4196 = arith.index_cast %add3A_4195 : i32 to index
        %get3A_4197 = tpu.vector_load %arg15[%get3A_4196] {strides = array<i32>} : memref<512xf32, #tpu.memory_space<vmem>>, vector<16xf32>,
        %add3A_4198 = arith.addf %get3A_4197, %select_n3A_4181 : vector<16xf32>
        %swap3A_4199 = arith.index_cast %add3A_4195 : i32 to index
        %swap3A_4200 = tpu.vector_load %arg15[%swap3A_4199] {strides = array<i32>} : memref<512xf32, #tpu.memory_space<vmem>>, vector<16xf32>,
        tpu.vector_store %arg15[%swap3A_4199], %add3A_4198 {strides = array<i32>} : memref<512xf32, #tpu.memory_space<vmem>>, vector<16xf32>,
        %get3A_4201 = arith.index_cast %add3A_4195 : i32 to index
        %get3A_4202 = tpu.vector_load %arg16[%get3A_4201] {strides = array<i32>} : memref<512xf32, #tpu.memory_space<vmem>>, vector<16xf32>,
        %add3A_4203 = arith.addf %get3A_4202, %div3A_4190 : vector<16xf32>
        %swap3A_4204 = arith.index_cast %add3A_4195 : i32 to index
        %swap3A_4205 = tpu.vector_load %arg16[%swap3A_4204] {strides = array<i32>} : memref<512xf32, #tpu.memory_space<vmem>>, vector<16xf32>,
        tpu.vector_store %arg16[%swap3A_4204], %add3A_4203 {strides = array<i32>} : memref<512xf32, #tpu.memory_space<vmem>>, vector<16xf32>,
      }
      %scan3A_1473 = arith.constant 8 : i32
    }
    %scan3A_950 = arith.constant 24 : i32
    %get3A_951 = arith.constant 0 : index
    %get3A_952 = tpu.vector_load %arg15[%get3A_951] {strides = array<i32>} : memref<512xf32, #tpu.memory_space<vmem>>, vector<16xf32>,
    %mul3A_953 = arith.constant 0.166666672 : f32
    %mul3A_954 = vector.broadcast %mul3A_953 : f32 to vector<16xf32>
    %mul3A_955 = arith.mulf %get3A_952, %mul3A_954 : vector<16xf32>
    %swap3A_956 = arith.constant 0 : index
    %swap3A_957 = tpu.vector_load %arg15[%swap3A_956] {strides = array<i32>} : memref<512xf32, #tpu.memory_space<vmem>>, vector<16xf32>,
    tpu.vector_store %arg15[%swap3A_956], %mul3A_955 {strides = array<i32>} : memref<512xf32, #tpu.memory_space<vmem>>, vector<16xf32>,
    %get3A_958 = arith.constant 0 : index
    %get3A_959 = tpu.vector_load %arg16[%get3A_958] {strides = array<i32>} : memref<512xf32, #tpu.memory_space<vmem>>, vector<16xf32>,
    %mul3A_960 = arith.constant 0.166666672 : f32
    %mul3A_961 = vector.broadcast %mul3A_960 : f32 to vector<16xf32>
    %mul3A_962 = arith.mulf %get3A_959, %mul3A_961 : vector<16xf32>
    %swap3A_963 = arith.constant 0 : index
    %swap3A_964 = tpu.vector_load %arg16[%swap3A_963] {strides = array<i32>} : memref<512xf32, #tpu.memory_space<vmem>>, vector<16xf32>,
    tpu.vector_store %arg16[%swap3A_963], %mul3A_962 {strides = array<i32>} : memref<512xf32, #tpu.memory_space<vmem>>, vector<16xf32>,
    %get3A_965 = arith.constant 16 : index
    %get3A_966 = tpu.vector_load %arg15[%get3A_965] {strides = array<i32>} : memref<512xf32, #tpu.memory_space<vmem>>, vector<16xf32>,
    %mul3A_967 = arith.constant 0.166666672 : f32
    %mul3A_968 = vector.broadcast %mul3A_967 : f32 to vector<16xf32>
    %mul3A_969 = arith.mulf %get3A_966, %mul3A_968 : vector<16xf32>
    %swap3A_970 = arith.constant 16 : index
    %swap3A_971 = tpu.vector_load %arg15[%swap3A_970] {strides = array<i32>} : memref<512xf32, #tpu.memory_space<vmem>>, vector<16xf32>,
    tpu.vector_store %arg15[%swap3A_970], %mul3A_969 {strides = array<i32>} : memref<512xf32, #tpu.memory_space<vmem>>, vector<16xf32>,
    %get3A_972 = arith.constant 16 : index
    %get3A_973 = tpu.vector_load %arg16[%get3A_972] {strides = array<i32>} : memref<512xf32, #tpu.memory_space<vmem>>, vector<16xf32>,
    %mul3A_974 = arith.constant 0.166666672 : f32
    %mul3A_975 = vector.broadcast %mul3A_974 : f32 to vector<16xf32>
    %mul3A_976 = arith.mulf %get3A_973, %mul3A_975 : vector<16xf32>
    %swap3A_977 = arith.constant 16 : index
    %swap3A_978 = tpu.vector_load %arg16[%swap3A_977] {strides = array<i32>} : memref<512xf32, #tpu.memory_space<vmem>>, vector<16xf32>,
    tpu.vector_store %arg16[%swap3A_977], %mul3A_976 {strides = array<i32>} : memref<512xf32, #tpu.memory_space<vmem>>, vector<16xf32>,
    %get3A_979 = arith.constant 32 : index
    %get3A_980 = tpu.vector_load %arg15[%get3A_979] {strides = array<i32>} : memref<512xf32, #tpu.memory_space<vmem>>, vector<16xf32>,
    %mul3A_981 = arith.constant 0.166666672 : f32
    %mul3A_982 = vector.broadcast %mul3A_981 : f32 to vector<16xf32>
    %mul3A_983 = arith.mulf %get3A_980, %mul3A_982 : vector<16xf32>
    %swap3A_984 = arith.constant 32 : index
    %swap3A_985 = tpu.vector_load %arg15[%swap3A_984] {strides = array<i32>} : memref<512xf32, #tpu.memory_space<vmem>>, vector<16xf32>,
    tpu.vector_store %arg15[%swap3A_984], %mul3A_983 {strides = array<i32>} : memref<512xf32, #tpu.memory_space<vmem>>, vector<16xf32>,
    %get3A_986 = arith.constant 32 : index
    %get3A_987 = tpu.vector_load %arg16[%get3A_986] {strides = array<i32>} : memref<512xf32, #tpu.memory_space<vmem>>, vector<16xf32>,
    %mul3A_988 = arith.constant 0.166666672 : f32
    %mul3A_989 = vector.broadcast %mul3A_988 : f32 to vector<16xf32>
    %mul3A_990 = arith.mulf %get3A_987, %mul3A_989 : vector<16xf32>
    %swap3A_991 = arith.constant 32 : index
    %swap3A_992 = tpu.vector_load %arg16[%swap3A_991] {strides = array<i32>} : memref<512xf32, #tpu.memory_space<vmem>>, vector<16xf32>,
    tpu.vector_store %arg16[%swap3A_991], %mul3A_990 {strides = array<i32>} : memref<512xf32, #tpu.memory_space<vmem>>, vector<16xf32>,
    %get3A_993 = arith.constant 48 : index
    %get3A_994 = tpu.vector_load %arg15[%get3A_993] {strides = array<i32>} : memref<512xf32, #tpu.memory_space<vmem>>, vector<16xf32>,
    %mul3A_995 = arith.constant 0.166666672 : f32
    %mul3A_996 = vector.broadcast %mul3A_995 : f32 to vector<16xf32>
    %mul3A_997 = arith.mulf %get3A_994, %mul3A_996 : vector<16xf32>
    %swap3A_998 = arith.constant 48 : index
    %swap3A_999 = tpu.vector_load %arg15[%swap3A_998] {strides = array<i32>} : memref<512xf32, #tpu.memory_space<vmem>>, vector<16xf32>,
    tpu.vector_store %arg15[%swap3A_998], %mul3A_997 {strides = array<i32>} : memref<512xf32, #tpu.memory_space<vmem>>, vector<16xf32>,
    %get3A_1000 = arith.constant 48 : index
    %get3A_1001 = tpu.vector_load %arg16[%get3A_1000] {strides = array<i32>} : memref<512xf32, #tpu.memory_space<vmem>>, vector<16xf32>,
    %mul3A_1002 = arith.constant 0.166666672 : f32
    %mul3A_1003 = vector.broadcast %mul3A_1002 : f32 to vector<16xf32>
    %mul3A_1004 = arith.mulf %get3A_1001, %mul3A_1003 : vector<16xf32>
    %swap3A_1005 = arith.constant 48 : index
    %swap3A_1006 = tpu.vector_load %arg16[%swap3A_1005] {strides = array<i32>} : memref<512xf32, #tpu.memory_space<vmem>>, vector<16xf32>,
    tpu.vector_store %arg16[%swap3A_1005], %mul3A_1004 {strides = array<i32>} : memref<512xf32, #tpu.memory_space<vmem>>, vector<16xf32>,
    %get3A_1007 = arith.constant 64 : index
    %get3A_1008 = tpu.vector_load %arg15[%get3A_1007] {strides = array<i32>} : memref<512xf32, #tpu.memory_space<vmem>>, vector<16xf32>,
    %mul3A_1009 = arith.constant 0.166666672 : f32
    %mul3A_1010 = vector.broadcast %mul3A_1009 : f32 to vector<16xf32>
    %mul3A_1011 = arith.mulf %get3A_1008, %mul3A_1010 : vector<16xf32>
    %swap3A_1012 = arith.constant 64 : index
    %swap3A_1013 = tpu.vector_load %arg15[%swap3A_1012] {strides = array<i32>} : memref<512xf32, #tpu.memory_space<vmem>>, vector<16xf32>,
    tpu.vector_store %arg15[%swap3A_1012], %mul3A_1011 {strides = array<i32>} : memref<512xf32, #tpu.memory_space<vmem>>, vector<16xf32>,
    %get3A_1014 = arith.constant 64 : index
    %get3A_1015 = tpu.vector_load %arg16[%get3A_1014] {strides = array<i32>} : memref<512xf32, #tpu.memory_space<vmem>>, vector<16xf32>,
    %mul3A_1016 = arith.constant 0.166666672 : f32
    %mul3A_1017 = vector.broadcast %mul3A_1016 : f32 to vector<16xf32>
    %mul3A_1018 = arith.mulf %get3A_1015, %mul3A_1017 : vector<16xf32>
    %swap3A_1019 = arith.constant 64 : index
    %swap3A_1020 = tpu.vector_load %arg16[%swap3A_1019] {strides = array<i32>} : memref<512xf32, #tpu.memory_space<vmem>>, vector<16xf32>,
    tpu.vector_store %arg16[%swap3A_1019], %mul3A_1018 {strides = array<i32>} : memref<512xf32, #tpu.memory_space<vmem>>, vector<16xf32>,
    %get3A_1021 = arith.constant 80 : index
    %get3A_1022 = tpu.vector_load %arg15[%get3A_1021] {strides = array<i32>} : memref<512xf32, #tpu.memory_space<vmem>>, vector<16xf32>,
    %mul3A_1023 = arith.constant 0.166666672 : f32
    %mul3A_1024 = vector.broadcast %mul3A_1023 : f32 to vector<16xf32>
    %mul3A_1025 = arith.mulf %get3A_1022, %mul3A_1024 : vector<16xf32>
    %swap3A_1026 = arith.constant 80 : index
    %swap3A_1027 = tpu.vector_load %arg15[%swap3A_1026] {strides = array<i32>} : memref<512xf32, #tpu.memory_space<vmem>>, vector<16xf32>,
    tpu.vector_store %arg15[%swap3A_1026], %mul3A_1025 {strides = array<i32>} : memref<512xf32, #tpu.memory_space<vmem>>, vector<16xf32>,
    %get3A_1028 = arith.constant 80 : index
    %get3A_1029 = tpu.vector_load %arg16[%get3A_1028] {strides = array<i32>} : memref<512xf32, #tpu.memory_space<vmem>>, vector<16xf32>,
    %mul3A_1030 = arith.constant 0.166666672 : f32
    %mul3A_1031 = vector.broadcast %mul3A_1030 : f32 to vector<16xf32>
    %mul3A_1032 = arith.mulf %get3A_1029, %mul3A_1031 : vector<16xf32>
    %swap3A_1033 = arith.constant 80 : index
    %swap3A_1034 = tpu.vector_load %arg16[%swap3A_1033] {strides = array<i32>} : memref<512xf32, #tpu.memory_space<vmem>>, vector<16xf32>,
    tpu.vector_store %arg16[%swap3A_1033], %mul3A_1032 {strides = array<i32>} : memref<512xf32, #tpu.memory_space<vmem>>, vector<16xf32>,
    %get3A_1035 = arith.constant 96 : index
    %get3A_1036 = tpu.vector_load %arg15[%get3A_1035] {strides = array<i32>} : memref<512xf32, #tpu.memory_space<vmem>>, vector<16xf32>,
    %mul3A_1037 = arith.constant 0.166666672 : f32
    %mul3A_1038 = vector.broadcast %mul3A_1037 : f32 to vector<16xf32>
    %mul3A_1039 = arith.mulf %get3A_1036, %mul3A_1038 : vector<16xf32>
    %swap3A_1040 = arith.constant 96 : index
    %swap3A_1041 = tpu.vector_load %arg15[%swap3A_1040] {strides = array<i32>} : memref<512xf32, #tpu.memory_space<vmem>>, vector<16xf32>,
    tpu.vector_store %arg15[%swap3A_1040], %mul3A_1039 {strides = array<i32>} : memref<512xf32, #tpu.memory_space<vmem>>, vector<16xf32>,
    %get3A_1042 = arith.constant 96 : index
    %get3A_1043 = tpu.vector_load %arg16[%get3A_1042] {strides = array<i32>} : memref<512xf32, #tpu.memory_space<vmem>>, vector<16xf32>,
    %mul3A_1044 = arith.constant 0.166666672 : f32
    %mul3A_1045 = vector.broadcast %mul3A_1044 : f32 to vector<16xf32>
    %mul3A_1046 = arith.mulf %get3A_1043, %mul3A_1045 : vector<16xf32>
    %swap3A_1047 = arith.constant 96 : index
    %swap3A_1048 = tpu.vector_load %arg16[%swap3A_1047] {strides = array<i32>} : memref<512xf32, #tpu.memory_space<vmem>>, vector<16xf32>,
    tpu.vector_store %arg16[%swap3A_1047], %mul3A_1046 {strides = array<i32>} : memref<512xf32, #tpu.memory_space<vmem>>, vector<16xf32>,
    %get3A_1049 = arith.constant 112 : index
    %get3A_1050 = tpu.vector_load %arg15[%get3A_1049] {strides = array<i32>} : memref<512xf32, #tpu.memory_space<vmem>>, vector<16xf32>,
    %mul3A_1051 = arith.constant 0.166666672 : f32
    %mul3A_1052 = vector.broadcast %mul3A_1051 : f32 to vector<16xf32>
    %mul3A_1053 = arith.mulf %get3A_1050, %mul3A_1052 : vector<16xf32>
    %swap3A_1054 = arith.constant 112 : index
    %swap3A_1055 = tpu.vector_load %arg15[%swap3A_1054] {strides = array<i32>} : memref<512xf32, #tpu.memory_space<vmem>>, vector<16xf32>,
    tpu.vector_store %arg15[%swap3A_1054], %mul3A_1053 {strides = array<i32>} : memref<512xf32, #tpu.memory_space<vmem>>, vector<16xf32>,
    %get3A_1056 = arith.constant 112 : index
    %get3A_1057 = tpu.vector_load %arg16[%get3A_1056] {strides = array<i32>} : memref<512xf32, #tpu.memory_space<vmem>>, vector<16xf32>,
    %mul3A_1058 = arith.constant 0.166666672 : f32
    %mul3A_1059 = vector.broadcast %mul3A_1058 : f32 to vector<16xf32>
    %mul3A_1060 = arith.mulf %get3A_1057, %mul3A_1059 : vector<16xf32>
    %swap3A_1061 = arith.constant 112 : index
    %swap3A_1062 = tpu.vector_load %arg16[%swap3A_1061] {strides = array<i32>} : memref<512xf32, #tpu.memory_space<vmem>>, vector<16xf32>,
    tpu.vector_store %arg16[%swap3A_1061], %mul3A_1060 {strides = array<i32>} : memref<512xf32, #tpu.memory_space<vmem>>, vector<16xf32>,
    %get3A_1063 = arith.constant 128 : index
    %get3A_1064 = tpu.vector_load %arg15[%get3A_1063] {strides = array<i32>} : memref<512xf32, #tpu.memory_space<vmem>>, vector<16xf32>,
    %mul3A_1065 = arith.constant 0.166666672 : f32
    %mul3A_1066 = vector.broadcast %mul3A_1065 : f32 to vector<16xf32>
    %mul3A_1067 = arith.mulf %get3A_1064, %mul3A_1066 : vector<16xf32>
    %swap3A_1068 = arith.constant 128 : index
    %swap3A_1069 = tpu.vector_load %arg15[%swap3A_1068] {strides = array<i32>} : memref<512xf32, #tpu.memory_space<vmem>>, vector<16xf32>,
    tpu.vector_store %arg15[%swap3A_1068], %mul3A_1067 {strides = array<i32>} : memref<512xf32, #tpu.memory_space<vmem>>, vector<16xf32>,
    %get3A_1070 = arith.constant 128 : index
    %get3A_1071 = tpu.vector_load %arg16[%get3A_1070] {strides = array<i32>} : memref<512xf32, #tpu.memory_space<vmem>>, vector<16xf32>,
    %mul3A_1072 = arith.constant 0.166666672 : f32
    %mul3A_1073 = vector.broadcast %mul3A_1072 : f32 to vector<16xf32>
    %mul3A_1074 = arith.mulf %get3A_1071, %mul3A_1073 : vector<16xf32>
    %swap3A_1075 = arith.constant 128 : index
    %swap3A_1076 = tpu.vector_load %arg16[%swap3A_1075] {strides = array<i32>} : memref<512xf32, #tpu.memory_space<vmem>>, vector<16xf32>,
    tpu.vector_store %arg16[%swap3A_1075], %mul3A_1074 {strides = array<i32>} : memref<512xf32, #tpu.memory_space<vmem>>, vector<16xf32>,
    %get3A_1077 = arith.constant 144 : index
    %get3A_1078 = tpu.vector_load %arg15[%get3A_1077] {strides = array<i32>} : memref<512xf32, #tpu.memory_space<vmem>>, vector<16xf32>,
    %mul3A_1079 = arith.constant 0.166666672 : f32
    %mul3A_1080 = vector.broadcast %mul3A_1079 : f32 to vector<16xf32>
    %mul3A_1081 = arith.mulf %get3A_1078, %mul3A_1080 : vector<16xf32>
    %swap3A_1082 = arith.constant 144 : index
    %swap3A_1083 = tpu.vector_load %arg15[%swap3A_1082] {strides = array<i32>} : memref<512xf32, #tpu.memory_space<vmem>>, vector<16xf32>,
    tpu.vector_store %arg15[%swap3A_1082], %mul3A_1081 {strides = array<i32>} : memref<512xf32, #tpu.memory_space<vmem>>, vector<16xf32>,
    %get3A_1084 = arith.constant 144 : index
    %get3A_1085 = tpu.vector_load %arg16[%get3A_1084] {strides = array<i32>} : memref<512xf32, #tpu.memory_space<vmem>>, vector<16xf32>,
    %mul3A_1086 = arith.constant 0.166666672 : f32
    %mul3A_1087 = vector.broadcast %mul3A_1086 : f32 to vector<16xf32>
    %mul3A_1088 = arith.mulf %get3A_1085, %mul3A_1087 : vector<16xf32>
    %swap3A_1089 = arith.constant 144 : index
    %swap3A_1090 = tpu.vector_load %arg16[%swap3A_1089] {strides = array<i32>} : memref<512xf32, #tpu.memory_space<vmem>>, vector<16xf32>,
    tpu.vector_store %arg16[%swap3A_1089], %mul3A_1088 {strides = array<i32>} : memref<512xf32, #tpu.memory_space<vmem>>, vector<16xf32>,
    %get3A_1091 = arith.constant 160 : index
    %get3A_1092 = tpu.vector_load %arg15[%get3A_1091] {strides = array<i32>} : memref<512xf32, #tpu.memory_space<vmem>>, vector<16xf32>,
    %mul3A_1093 = arith.constant 0.166666672 : f32
    %mul3A_1094 = vector.broadcast %mul3A_1093 : f32 to vector<16xf32>
    %mul3A_1095 = arith.mulf %get3A_1092, %mul3A_1094 : vector<16xf32>
    %swap3A_1096 = arith.constant 160 : index
    %swap3A_1097 = tpu.vector_load %arg15[%swap3A_1096] {strides = array<i32>} : memref<512xf32, #tpu.memory_space<vmem>>, vector<16xf32>,
    tpu.vector_store %arg15[%swap3A_1096], %mul3A_1095 {strides = array<i32>} : memref<512xf32, #tpu.memory_space<vmem>>, vector<16xf32>,
    %get3A_1098 = arith.constant 160 : index
    %get3A_1099 = tpu.vector_load %arg16[%get3A_1098] {strides = array<i32>} : memref<512xf32, #tpu.memory_space<vmem>>, vector<16xf32>,
    %mul3A_1100 = arith.constant 0.166666672 : f32
    %mul3A_1101 = vector.broadcast %mul3A_1100 : f32 to vector<16xf32>
    %mul3A_1102 = arith.mulf %get3A_1099, %mul3A_1101 : vector<16xf32>
    %swap3A_1103 = arith.constant 160 : index
    %swap3A_1104 = tpu.vector_load %arg16[%swap3A_1103] {strides = array<i32>} : memref<512xf32, #tpu.memory_space<vmem>>, vector<16xf32>,
    tpu.vector_store %arg16[%swap3A_1103], %mul3A_1102 {strides = array<i32>} : memref<512xf32, #tpu.memory_space<vmem>>, vector<16xf32>,
    %get3A_1105 = arith.constant 176 : index
    %get3A_1106 = tpu.vector_load %arg15[%get3A_1105] {strides = array<i32>} : memref<512xf32, #tpu.memory_space<vmem>>, vector<16xf32>,
    %mul3A_1107 = arith.constant 0.166666672 : f32
    %mul3A_1108 = vector.broadcast %mul3A_1107 : f32 to vector<16xf32>
    %mul3A_1109 = arith.mulf %get3A_1106, %mul3A_1108 : vector<16xf32>
    %swap3A_1110 = arith.constant 176 : index
    %swap3A_1111 = tpu.vector_load %arg15[%swap3A_1110] {strides = array<i32>} : memref<512xf32, #tpu.memory_space<vmem>>, vector<16xf32>,
    tpu.vector_store %arg15[%swap3A_1110], %mul3A_1109 {strides = array<i32>} : memref<512xf32, #tpu.memory_space<vmem>>, vector<16xf32>,
    %get3A_1112 = arith.constant 176 : index
    %get3A_1113 = tpu.vector_load %arg16[%get3A_1112] {strides = array<i32>} : memref<512xf32, #tpu.memory_space<vmem>>, vector<16xf32>,
    %mul3A_1114 = arith.constant 0.166666672 : f32
    %mul3A_1115 = vector.broadcast %mul3A_1114 : f32 to vector<16xf32>
    %mul3A_1116 = arith.mulf %get3A_1113, %mul3A_1115 : vector<16xf32>
    %swap3A_1117 = arith.constant 176 : index
    %swap3A_1118 = tpu.vector_load %arg16[%swap3A_1117] {strides = array<i32>} : memref<512xf32, #tpu.memory_space<vmem>>, vector<16xf32>,
    tpu.vector_store %arg16[%swap3A_1117], %mul3A_1116 {strides = array<i32>} : memref<512xf32, #tpu.memory_space<vmem>>, vector<16xf32>,
    %get3A_1119 = arith.constant 192 : index
    %get3A_1120 = tpu.vector_load %arg15[%get3A_1119] {strides = array<i32>} : memref<512xf32, #tpu.memory_space<vmem>>, vector<16xf32>,
    %mul3A_1121 = arith.constant 0.166666672 : f32
    %mul3A_1122 = vector.broadcast %mul3A_1121 : f32 to vector<16xf32>
    %mul3A_1123 = arith.mulf %get3A_1120, %mul3A_1122 : vector<16xf32>
    %swap3A_1124 = arith.constant 192 : index
    %swap3A_1125 = tpu.vector_load %arg15[%swap3A_1124] {strides = array<i32>} : memref<512xf32, #tpu.memory_space<vmem>>, vector<16xf32>,
    tpu.vector_store %arg15[%swap3A_1124], %mul3A_1123 {strides = array<i32>} : memref<512xf32, #tpu.memory_space<vmem>>, vector<16xf32>,
    %get3A_1126 = arith.constant 192 : index
    %get3A_1127 = tpu.vector_load %arg16[%get3A_1126] {strides = array<i32>} : memref<512xf32, #tpu.memory_space<vmem>>, vector<16xf32>,
    %mul3A_1128 = arith.constant 0.166666672 : f32
    %mul3A_1129 = vector.broadcast %mul3A_1128 : f32 to vector<16xf32>
    %mul3A_1130 = arith.mulf %get3A_1127, %mul3A_1129 : vector<16xf32>
    %swap3A_1131 = arith.constant 192 : index
    %swap3A_1132 = tpu.vector_load %arg16[%swap3A_1131] {strides = array<i32>} : memref<512xf32, #tpu.memory_space<vmem>>, vector<16xf32>,
    tpu.vector_store %arg16[%swap3A_1131], %mul3A_1130 {strides = array<i32>} : memref<512xf32, #tpu.memory_space<vmem>>, vector<16xf32>,
    %get3A_1133 = arith.constant 208 : index
    %get3A_1134 = tpu.vector_load %arg15[%get3A_1133] {strides = array<i32>} : memref<512xf32, #tpu.memory_space<vmem>>, vector<16xf32>,
    %mul3A_1135 = arith.constant 0.166666672 : f32
    %mul3A_1136 = vector.broadcast %mul3A_1135 : f32 to vector<16xf32>
    %mul3A_1137 = arith.mulf %get3A_1134, %mul3A_1136 : vector<16xf32>
    %swap3A_1138 = arith.constant 208 : index
    %swap3A_1139 = tpu.vector_load %arg15[%swap3A_1138] {strides = array<i32>} : memref<512xf32, #tpu.memory_space<vmem>>, vector<16xf32>,
    tpu.vector_store %arg15[%swap3A_1138], %mul3A_1137 {strides = array<i32>} : memref<512xf32, #tpu.memory_space<vmem>>, vector<16xf32>,
    %get3A_1140 = arith.constant 208 : index
    %get3A_1141 = tpu.vector_load %arg16[%get3A_1140] {strides = array<i32>} : memref<512xf32, #tpu.memory_space<vmem>>, vector<16xf32>,
    %mul3A_1142 = arith.constant 0.166666672 : f32
    %mul3A_1143 = vector.broadcast %mul3A_1142 : f32 to vector<16xf32>
    %mul3A_1144 = arith.mulf %get3A_1141, %mul3A_1143 : vector<16xf32>
    %swap3A_1145 = arith.constant 208 : index
    %swap3A_1146 = tpu.vector_load %arg16[%swap3A_1145] {strides = array<i32>} : memref<512xf32, #tpu.memory_space<vmem>>, vector<16xf32>,
    tpu.vector_store %arg16[%swap3A_1145], %mul3A_1144 {strides = array<i32>} : memref<512xf32, #tpu.memory_space<vmem>>, vector<16xf32>,
    %get3A_1147 = arith.constant 224 : index
    %get3A_1148 = tpu.vector_load %arg15[%get3A_1147] {strides = array<i32>} : memref<512xf32, #tpu.memory_space<vmem>>, vector<16xf32>,
    %mul3A_1149 = arith.constant 0.166666672 : f32
    %mul3A_1150 = vector.broadcast %mul3A_1149 : f32 to vector<16xf32>
    %mul3A_1151 = arith.mulf %get3A_1148, %mul3A_1150 : vector<16xf32>
    %swap3A_1152 = arith.constant 224 : index
    %swap3A_1153 = tpu.vector_load %arg15[%swap3A_1152] {strides = array<i32>} : memref<512xf32, #tpu.memory_space<vmem>>, vector<16xf32>,
    tpu.vector_store %arg15[%swap3A_1152], %mul3A_1151 {strides = array<i32>} : memref<512xf32, #tpu.memory_space<vmem>>, vector<16xf32>,
    %get3A_1154 = arith.constant 224 : index
    %get3A_1155 = tpu.vector_load %arg16[%get3A_1154] {strides = array<i32>} : memref<512xf32, #tpu.memory_space<vmem>>, vector<16xf32>,
    %mul3A_1156 = arith.constant 0.166666672 : f32
    %mul3A_1157 = vector.broadcast %mul3A_1156 : f32 to vector<16xf32>
    %mul3A_1158 = arith.mulf %get3A_1155, %mul3A_1157 : vector<16xf32>
    %swap3A_1159 = arith.constant 224 : index
    %swap3A_1160 = tpu.vector_load %arg16[%swap3A_1159] {strides = array<i32>} : memref<512xf32, #tpu.memory_space<vmem>>, vector<16xf32>,
    tpu.vector_store %arg16[%swap3A_1159], %mul3A_1158 {strides = array<i32>} : memref<512xf32, #tpu.memory_space<vmem>>, vector<16xf32>,
    %get3A_1161 = arith.constant 240 : index
    %get3A_1162 = tpu.vector_load %arg15[%get3A_1161] {strides = array<i32>} : memref<512xf32, #tpu.memory_space<vmem>>, vector<16xf32>,
    %mul3A_1163 = arith.constant 0.166666672 : f32
    %mul3A_1164 = vector.broadcast %mul3A_1163 : f32 to vector<16xf32>
    %mul3A_1165 = arith.mulf %get3A_1162, %mul3A_1164 : vector<16xf32>
    %swap3A_1166 = arith.constant 240 : index
    %swap3A_1167 = tpu.vector_load %arg15[%swap3A_1166] {strides = array<i32>} : memref<512xf32, #tpu.memory_space<vmem>>, vector<16xf32>,
    tpu.vector_store %arg15[%swap3A_1166], %mul3A_1165 {strides = array<i32>} : memref<512xf32, #tpu.memory_space<vmem>>, vector<16xf32>,
    %get3A_1168 = arith.constant 240 : index
    %get3A_1169 = tpu.vector_load %arg16[%get3A_1168] {strides = array<i32>} : memref<512xf32, #tpu.memory_space<vmem>>, vector<16xf32>,
    %mul3A_1170 = arith.constant 0.166666672 : f32
    %mul3A_1171 = vector.broadcast %mul3A_1170 : f32 to vector<16xf32>
    %mul3A_1172 = arith.mulf %get3A_1169, %mul3A_1171 : vector<16xf32>
    %swap3A_1173 = arith.constant 240 : index
    %swap3A_1174 = tpu.vector_load %arg16[%swap3A_1173] {strides = array<i32>} : memref<512xf32, #tpu.memory_space<vmem>>, vector<16xf32>,
    tpu.vector_store %arg16[%swap3A_1173], %mul3A_1172 {strides = array<i32>} : memref<512xf32, #tpu.memory_space<vmem>>, vector<16xf32>,
    %get3A_1175 = arith.constant 256 : index
    %get3A_1176 = tpu.vector_load %arg15[%get3A_1175] {strides = array<i32>} : memref<512xf32, #tpu.memory_space<vmem>>, vector<16xf32>,
    %mul3A_1177 = arith.constant 0.166666672 : f32
    %mul3A_1178 = vector.broadcast %mul3A_1177 : f32 to vector<16xf32>
    %mul3A_1179 = arith.mulf %get3A_1176, %mul3A_1178 : vector<16xf32>
    %swap3A_1180 = arith.constant 256 : index
    %swap3A_1181 = tpu.vector_load %arg15[%swap3A_1180] {strides = array<i32>} : memref<512xf32, #tpu.memory_space<vmem>>, vector<16xf32>,
    tpu.vector_store %arg15[%swap3A_1180], %mul3A_1179 {strides = array<i32>} : memref<512xf32, #tpu.memory_space<vmem>>, vector<16xf32>,
    %get3A_1182 = arith.constant 256 : index
    %get3A_1183 = tpu.vector_load %arg16[%get3A_1182] {strides = array<i32>} : memref<512xf32, #tpu.memory_space<vmem>>, vector<16xf32>,
    %mul3A_1184 = arith.constant 0.166666672 : f32
    %mul3A_1185 = vector.broadcast %mul3A_1184 : f32 to vector<16xf32>
    %mul3A_1186 = arith.mulf %get3A_1183, %mul3A_1185 : vector<16xf32>
    %swap3A_1187 = arith.constant 256 : index
    %swap3A_1188 = tpu.vector_load %arg16[%swap3A_1187] {strides = array<i32>} : memref<512xf32, #tpu.memory_space<vmem>>, vector<16xf32>,
    tpu.vector_store %arg16[%swap3A_1187], %mul3A_1186 {strides = array<i32>} : memref<512xf32, #tpu.memory_space<vmem>>, vector<16xf32>,
    %get3A_1189 = arith.constant 272 : index
    %get3A_1190 = tpu.vector_load %arg15[%get3A_1189] {strides = array<i32>} : memref<512xf32, #tpu.memory_space<vmem>>, vector<16xf32>,
    %mul3A_1191 = arith.constant 0.166666672 : f32
    %mul3A_1192 = vector.broadcast %mul3A_1191 : f32 to vector<16xf32>
    %mul3A_1193 = arith.mulf %get3A_1190, %mul3A_1192 : vector<16xf32>
    %swap3A_1194 = arith.constant 272 : index
    %swap3A_1195 = tpu.vector_load %arg15[%swap3A_1194] {strides = array<i32>} : memref<512xf32, #tpu.memory_space<vmem>>, vector<16xf32>,
    tpu.vector_store %arg15[%swap3A_1194], %mul3A_1193 {strides = array<i32>} : memref<512xf32, #tpu.memory_space<vmem>>, vector<16xf32>,
    %get3A_1196 = arith.constant 272 : index
    %get3A_1197 = tpu.vector_load %arg16[%get3A_1196] {strides = array<i32>} : memref<512xf32, #tpu.memory_space<vmem>>, vector<16xf32>,
    %mul3A_1198 = arith.constant 0.166666672 : f32
    %mul3A_1199 = vector.broadcast %mul3A_1198 : f32 to vector<16xf32>
    %mul3A_1200 = arith.mulf %get3A_1197, %mul3A_1199 : vector<16xf32>
    %swap3A_1201 = arith.constant 272 : index
    %swap3A_1202 = tpu.vector_load %arg16[%swap3A_1201] {strides = array<i32>} : memref<512xf32, #tpu.memory_space<vmem>>, vector<16xf32>,
    tpu.vector_store %arg16[%swap3A_1201], %mul3A_1200 {strides = array<i32>} : memref<512xf32, #tpu.memory_space<vmem>>, vector<16xf32>,
    %get3A_1203 = arith.constant 288 : index
    %get3A_1204 = tpu.vector_load %arg15[%get3A_1203] {strides = array<i32>} : memref<512xf32, #tpu.memory_space<vmem>>, vector<16xf32>,
    %mul3A_1205 = arith.constant 0.166666672 : f32
    %mul3A_1206 = vector.broadcast %mul3A_1205 : f32 to vector<16xf32>
    %mul3A_1207 = arith.mulf %get3A_1204, %mul3A_1206 : vector<16xf32>
    %swap3A_1208 = arith.constant 288 : index
    %swap3A_1209 = tpu.vector_load %arg15[%swap3A_1208] {strides = array<i32>} : memref<512xf32, #tpu.memory_space<vmem>>, vector<16xf32>,
    tpu.vector_store %arg15[%swap3A_1208], %mul3A_1207 {strides = array<i32>} : memref<512xf32, #tpu.memory_space<vmem>>, vector<16xf32>,
    %get3A_1210 = arith.constant 288 : index
    %get3A_1211 = tpu.vector_load %arg16[%get3A_1210] {strides = array<i32>} : memref<512xf32, #tpu.memory_space<vmem>>, vector<16xf32>,
    %mul3A_1212 = arith.constant 0.166666672 : f32
    %mul3A_1213 = vector.broadcast %mul3A_1212 : f32 to vector<16xf32>
    %mul3A_1214 = arith.mulf %get3A_1211, %mul3A_1213 : vector<16xf32>
    %swap3A_1215 = arith.constant 288 : index
    %swap3A_1216 = tpu.vector_load %arg16[%swap3A_1215] {strides = array<i32>} : memref<512xf32, #tpu.memory_space<vmem>>, vector<16xf32>,
    tpu.vector_store %arg16[%swap3A_1215], %mul3A_1214 {strides = array<i32>} : memref<512xf32, #tpu.memory_space<vmem>>, vector<16xf32>,
    %get3A_1217 = arith.constant 304 : index
    %get3A_1218 = tpu.vector_load %arg15[%get3A_1217] {strides = array<i32>} : memref<512xf32, #tpu.memory_space<vmem>>, vector<16xf32>,
    %mul3A_1219 = arith.constant 0.166666672 : f32
    %mul3A_1220 = vector.broadcast %mul3A_1219 : f32 to vector<16xf32>
    %mul3A_1221 = arith.mulf %get3A_1218, %mul3A_1220 : vector<16xf32>
    %swap3A_1222 = arith.constant 304 : index
    %swap3A_1223 = tpu.vector_load %arg15[%swap3A_1222] {strides = array<i32>} : memref<512xf32, #tpu.memory_space<vmem>>, vector<16xf32>,
    tpu.vector_store %arg15[%swap3A_1222], %mul3A_1221 {strides = array<i32>} : memref<512xf32, #tpu.memory_space<vmem>>, vector<16xf32>,
    %get3A_1224 = arith.constant 304 : index
    %get3A_1225 = tpu.vector_load %arg16[%get3A_1224] {strides = array<i32>} : memref<512xf32, #tpu.memory_space<vmem>>, vector<16xf32>,
    %mul3A_1226 = arith.constant 0.166666672 : f32
    %mul3A_1227 = vector.broadcast %mul3A_1226 : f32 to vector<16xf32>
    %mul3A_1228 = arith.mulf %get3A_1225, %mul3A_1227 : vector<16xf32>
    %swap3A_1229 = arith.constant 304 : index
    %swap3A_1230 = tpu.vector_load %arg16[%swap3A_1229] {strides = array<i32>} : memref<512xf32, #tpu.memory_space<vmem>>, vector<16xf32>,
    tpu.vector_store %arg16[%swap3A_1229], %mul3A_1228 {strides = array<i32>} : memref<512xf32, #tpu.memory_space<vmem>>, vector<16xf32>,
    %get3A_1231 = arith.constant 320 : index
    %get3A_1232 = tpu.vector_load %arg15[%get3A_1231] {strides = array<i32>} : memref<512xf32, #tpu.memory_space<vmem>>, vector<16xf32>,
    %mul3A_1233 = arith.constant 0.166666672 : f32
    %mul3A_1234 = vector.broadcast %mul3A_1233 : f32 to vector<16xf32>
    %mul3A_1235 = arith.mulf %get3A_1232, %mul3A_1234 : vector<16xf32>
    %swap3A_1236 = arith.constant 320 : index
    %swap3A_1237 = tpu.vector_load %arg15[%swap3A_1236] {strides = array<i32>} : memref<512xf32, #tpu.memory_space<vmem>>, vector<16xf32>,
    tpu.vector_store %arg15[%swap3A_1236], %mul3A_1235 {strides = array<i32>} : memref<512xf32, #tpu.memory_space<vmem>>, vector<16xf32>,
    %get3A_1238 = arith.constant 320 : index
    %get3A_1239 = tpu.vector_load %arg16[%get3A_1238] {strides = array<i32>} : memref<512xf32, #tpu.memory_space<vmem>>, vector<16xf32>,
    %mul3A_1240 = arith.constant 0.166666672 : f32
    %mul3A_1241 = vector.broadcast %mul3A_1240 : f32 to vector<16xf32>
    %mul3A_1242 = arith.mulf %get3A_1239, %mul3A_1241 : vector<16xf32>
    %swap3A_1243 = arith.constant 320 : index
    %swap3A_1244 = tpu.vector_load %arg16[%swap3A_1243] {strides = array<i32>} : memref<512xf32, #tpu.memory_space<vmem>>, vector<16xf32>,
    tpu.vector_store %arg16[%swap3A_1243], %mul3A_1242 {strides = array<i32>} : memref<512xf32, #tpu.memory_space<vmem>>, vector<16xf32>,
    %get3A_1245 = arith.constant 336 : index
    %get3A_1246 = tpu.vector_load %arg15[%get3A_1245] {strides = array<i32>} : memref<512xf32, #tpu.memory_space<vmem>>, vector<16xf32>,
    %mul3A_1247 = arith.constant 0.166666672 : f32
    %mul3A_1248 = vector.broadcast %mul3A_1247 : f32 to vector<16xf32>
    %mul3A_1249 = arith.mulf %get3A_1246, %mul3A_1248 : vector<16xf32>
    %swap3A_1250 = arith.constant 336 : index
    %swap3A_1251 = tpu.vector_load %arg15[%swap3A_1250] {strides = array<i32>} : memref<512xf32, #tpu.memory_space<vmem>>, vector<16xf32>,
    tpu.vector_store %arg15[%swap3A_1250], %mul3A_1249 {strides = array<i32>} : memref<512xf32, #tpu.memory_space<vmem>>, vector<16xf32>,
    %get3A_1252 = arith.constant 336 : index
    %get3A_1253 = tpu.vector_load %arg16[%get3A_1252] {strides = array<i32>} : memref<512xf32, #tpu.memory_space<vmem>>, vector<16xf32>,
    %mul3A_1254 = arith.constant 0.166666672 : f32
    %mul3A_1255 = vector.broadcast %mul3A_1254 : f32 to vector<16xf32>
    %mul3A_1256 = arith.mulf %get3A_1253, %mul3A_1255 : vector<16xf32>
    %swap3A_1257 = arith.constant 336 : index
    %swap3A_1258 = tpu.vector_load %arg16[%swap3A_1257] {strides = array<i32>} : memref<512xf32, #tpu.memory_space<vmem>>, vector<16xf32>,
    tpu.vector_store %arg16[%swap3A_1257], %mul3A_1256 {strides = array<i32>} : memref<512xf32, #tpu.memory_space<vmem>>, vector<16xf32>,
    %get3A_1259 = arith.constant 352 : index
    %get3A_1260 = tpu.vector_load %arg15[%get3A_1259] {strides = array<i32>} : memref<512xf32, #tpu.memory_space<vmem>>, vector<16xf32>,
    %mul3A_1261 = arith.constant 0.166666672 : f32
    %mul3A_1262 = vector.broadcast %mul3A_1261 : f32 to vector<16xf32>
    %mul3A_1263 = arith.mulf %get3A_1260, %mul3A_1262 : vector<16xf32>
    %swap3A_1264 = arith.constant 352 : index
    %swap3A_1265 = tpu.vector_load %arg15[%swap3A_1264] {strides = array<i32>} : memref<512xf32, #tpu.memory_space<vmem>>, vector<16xf32>,
    tpu.vector_store %arg15[%swap3A_1264], %mul3A_1263 {strides = array<i32>} : memref<512xf32, #tpu.memory_space<vmem>>, vector<16xf32>,
    %get3A_1266 = arith.constant 352 : index
    %get3A_1267 = tpu.vector_load %arg16[%get3A_1266] {strides = array<i32>} : memref<512xf32, #tpu.memory_space<vmem>>, vector<16xf32>,
    %mul3A_1268 = arith.constant 0.166666672 : f32
    %mul3A_1269 = vector.broadcast %mul3A_1268 : f32 to vector<16xf32>
    %mul3A_1270 = arith.mulf %get3A_1267, %mul3A_1269 : vector<16xf32>
    %swap3A_1271 = arith.constant 352 : index
    %swap3A_1272 = tpu.vector_load %arg16[%swap3A_1271] {strides = array<i32>} : memref<512xf32, #tpu.memory_space<vmem>>, vector<16xf32>,
    tpu.vector_store %arg16[%swap3A_1271], %mul3A_1270 {strides = array<i32>} : memref<512xf32, #tpu.memory_space<vmem>>, vector<16xf32>,
    %get3A_1273 = arith.constant 368 : index
    %get3A_1274 = tpu.vector_load %arg15[%get3A_1273] {strides = array<i32>} : memref<512xf32, #tpu.memory_space<vmem>>, vector<16xf32>,
    %mul3A_1275 = arith.constant 0.166666672 : f32
    %mul3A_1276 = vector.broadcast %mul3A_1275 : f32 to vector<16xf32>
    %mul3A_1277 = arith.mulf %get3A_1274, %mul3A_1276 : vector<16xf32>
    %swap3A_1278 = arith.constant 368 : index
    %swap3A_1279 = tpu.vector_load %arg15[%swap3A_1278] {strides = array<i32>} : memref<512xf32, #tpu.memory_space<vmem>>, vector<16xf32>,
    tpu.vector_store %arg15[%swap3A_1278], %mul3A_1277 {strides = array<i32>} : memref<512xf32, #tpu.memory_space<vmem>>, vector<16xf32>,
    %get3A_1280 = arith.constant 368 : index
    %get3A_1281 = tpu.vector_load %arg16[%get3A_1280] {strides = array<i32>} : memref<512xf32, #tpu.memory_space<vmem>>, vector<16xf32>,
    %mul3A_1282 = arith.constant 0.166666672 : f32
    %mul3A_1283 = vector.broadcast %mul3A_1282 : f32 to vector<16xf32>
    %mul3A_1284 = arith.mulf %get3A_1281, %mul3A_1283 : vector<16xf32>
    %swap3A_1285 = arith.constant 368 : index
    %swap3A_1286 = tpu.vector_load %arg16[%swap3A_1285] {strides = array<i32>} : memref<512xf32, #tpu.memory_space<vmem>>, vector<16xf32>,
    tpu.vector_store %arg16[%swap3A_1285], %mul3A_1284 {strides = array<i32>} : memref<512xf32, #tpu.memory_space<vmem>>, vector<16xf32>,
    %get3A_1287 = arith.constant 384 : index
    %get3A_1288 = tpu.vector_load %arg15[%get3A_1287] {strides = array<i32>} : memref<512xf32, #tpu.memory_space<vmem>>, vector<16xf32>,
    %mul3A_1289 = arith.constant 0.166666672 : f32
    %mul3A_1290 = vector.broadcast %mul3A_1289 : f32 to vector<16xf32>
    %mul3A_1291 = arith.mulf %get3A_1288, %mul3A_1290 : vector<16xf32>
    %swap3A_1292 = arith.constant 384 : index
    %swap3A_1293 = tpu.vector_load %arg15[%swap3A_1292] {strides = array<i32>} : memref<512xf32, #tpu.memory_space<vmem>>, vector<16xf32>,
    tpu.vector_store %arg15[%swap3A_1292], %mul3A_1291 {strides = array<i32>} : memref<512xf32, #tpu.memory_space<vmem>>, vector<16xf32>,
    %get3A_1294 = arith.constant 384 : index
    %get3A_1295 = tpu.vector_load %arg16[%get3A_1294] {strides = array<i32>} : memref<512xf32, #tpu.memory_space<vmem>>, vector<16xf32>,
    %mul3A_1296 = arith.constant 0.166666672 : f32
    %mul3A_1297 = vector.broadcast %mul3A_1296 : f32 to vector<16xf32>
    %mul3A_1298 = arith.mulf %get3A_1295, %mul3A_1297 : vector<16xf32>
    %swap3A_1299 = arith.constant 384 : index
    %swap3A_1300 = tpu.vector_load %arg16[%swap3A_1299] {strides = array<i32>} : memref<512xf32, #tpu.memory_space<vmem>>, vector<16xf32>,
    tpu.vector_store %arg16[%swap3A_1299], %mul3A_1298 {strides = array<i32>} : memref<512xf32, #tpu.memory_space<vmem>>, vector<16xf32>,
    %get3A_1301 = arith.constant 400 : index
    %get3A_1302 = tpu.vector_load %arg15[%get3A_1301] {strides = array<i32>} : memref<512xf32, #tpu.memory_space<vmem>>, vector<16xf32>,
    %mul3A_1303 = arith.constant 0.166666672 : f32
    %mul3A_1304 = vector.broadcast %mul3A_1303 : f32 to vector<16xf32>
    %mul3A_1305 = arith.mulf %get3A_1302, %mul3A_1304 : vector<16xf32>
    %swap3A_1306 = arith.constant 400 : index
    %swap3A_1307 = tpu.vector_load %arg15[%swap3A_1306] {strides = array<i32>} : memref<512xf32, #tpu.memory_space<vmem>>, vector<16xf32>,
    tpu.vector_store %arg15[%swap3A_1306], %mul3A_1305 {strides = array<i32>} : memref<512xf32, #tpu.memory_space<vmem>>, vector<16xf32>,
    %get3A_1308 = arith.constant 400 : index
    %get3A_1309 = tpu.vector_load %arg16[%get3A_1308] {strides = array<i32>} : memref<512xf32, #tpu.memory_space<vmem>>, vector<16xf32>,
    %mul3A_1310 = arith.constant 0.166666672 : f32
    %mul3A_1311 = vector.broadcast %mul3A_1310 : f32 to vector<16xf32>
    %mul3A_1312 = arith.mulf %get3A_1309, %mul3A_1311 : vector<16xf32>
    %swap3A_1313 = arith.constant 400 : index
    %swap3A_1314 = tpu.vector_load %arg16[%swap3A_1313] {strides = array<i32>} : memref<512xf32, #tpu.memory_space<vmem>>, vector<16xf32>,
    tpu.vector_store %arg16[%swap3A_1313], %mul3A_1312 {strides = array<i32>} : memref<512xf32, #tpu.memory_space<vmem>>, vector<16xf32>,
    %get3A_1315 = arith.constant 416 : index
    %get3A_1316 = tpu.vector_load %arg15[%get3A_1315] {strides = array<i32>} : memref<512xf32, #tpu.memory_space<vmem>>, vector<16xf32>,
    %mul3A_1317 = arith.constant 0.166666672 : f32
    %mul3A_1318 = vector.broadcast %mul3A_1317 : f32 to vector<16xf32>
    %mul3A_1319 = arith.mulf %get3A_1316, %mul3A_1318 : vector<16xf32>
    %swap3A_1320 = arith.constant 416 : index
    %swap3A_1321 = tpu.vector_load %arg15[%swap3A_1320] {strides = array<i32>} : memref<512xf32, #tpu.memory_space<vmem>>, vector<16xf32>,
    tpu.vector_store %arg15[%swap3A_1320], %mul3A_1319 {strides = array<i32>} : memref<512xf32, #tpu.memory_space<vmem>>, vector<16xf32>,
    %get3A_1322 = arith.constant 416 : index
    %get3A_1323 = tpu.vector_load %arg16[%get3A_1322] {strides = array<i32>} : memref<512xf32, #tpu.memory_space<vmem>>, vector<16xf32>,
    %mul3A_1324 = arith.constant 0.166666672 : f32
    %mul3A_1325 = vector.broadcast %mul3A_1324 : f32 to vector<16xf32>
    %mul3A_1326 = arith.mulf %get3A_1323, %mul3A_1325 : vector<16xf32>
    %swap3A_1327 = arith.constant 416 : index
    %swap3A_1328 = tpu.vector_load %arg16[%swap3A_1327] {strides = array<i32>} : memref<512xf32, #tpu.memory_space<vmem>>, vector<16xf32>,
    tpu.vector_store %arg16[%swap3A_1327], %mul3A_1326 {strides = array<i32>} : memref<512xf32, #tpu.memory_space<vmem>>, vector<16xf32>,
    %get3A_1329 = arith.constant 432 : index
    %get3A_1330 = tpu.vector_load %arg15[%get3A_1329] {strides = array<i32>} : memref<512xf32, #tpu.memory_space<vmem>>, vector<16xf32>,
    %mul3A_1331 = arith.constant 0.166666672 : f32
    %mul3A_1332 = vector.broadcast %mul3A_1331 : f32 to vector<16xf32>
    %mul3A_1333 = arith.mulf %get3A_1330, %mul3A_1332 : vector<16xf32>
    %swap3A_1334 = arith.constant 432 : index
    %swap3A_1335 = tpu.vector_load %arg15[%swap3A_1334] {strides = array<i32>} : memref<512xf32, #tpu.memory_space<vmem>>, vector<16xf32>,
    tpu.vector_store %arg15[%swap3A_1334], %mul3A_1333 {strides = array<i32>} : memref<512xf32, #tpu.memory_space<vmem>>, vector<16xf32>,
    %get3A_1336 = arith.constant 432 : index
    %get3A_1337 = tpu.vector_load %arg16[%get3A_1336] {strides = array<i32>} : memref<512xf32, #tpu.memory_space<vmem>>, vector<16xf32>,
    %mul3A_1338 = arith.constant 0.166666672 : f32
    %mul3A_1339 = vector.broadcast %mul3A_1338 : f32 to vector<16xf32>
    %mul3A_1340 = arith.mulf %get3A_1337, %mul3A_1339 : vector<16xf32>
    %swap3A_1341 = arith.constant 432 : index
    %swap3A_1342 = tpu.vector_load %arg16[%swap3A_1341] {strides = array<i32>} : memref<512xf32, #tpu.memory_space<vmem>>, vector<16xf32>,
    tpu.vector_store %arg16[%swap3A_1341], %mul3A_1340 {strides = array<i32>} : memref<512xf32, #tpu.memory_space<vmem>>, vector<16xf32>,
    %get3A_1343 = arith.constant 448 : index
    %get3A_1344 = tpu.vector_load %arg15[%get3A_1343] {strides = array<i32>} : memref<512xf32, #tpu.memory_space<vmem>>, vector<16xf32>,
    %mul3A_1345 = arith.constant 0.166666672 : f32
    %mul3A_1346 = vector.broadcast %mul3A_1345 : f32 to vector<16xf32>
    %mul3A_1347 = arith.mulf %get3A_1344, %mul3A_1346 : vector<16xf32>
    %swap3A_1348 = arith.constant 448 : index
    %swap3A_1349 = tpu.vector_load %arg15[%swap3A_1348] {strides = array<i32>} : memref<512xf32, #tpu.memory_space<vmem>>, vector<16xf32>,
    tpu.vector_store %arg15[%swap3A_1348], %mul3A_1347 {strides = array<i32>} : memref<512xf32, #tpu.memory_space<vmem>>, vector<16xf32>,
    %get3A_1350 = arith.constant 448 : index
    %get3A_1351 = tpu.vector_load %arg16[%get3A_1350] {strides = array<i32>} : memref<512xf32, #tpu.memory_space<vmem>>, vector<16xf32>,
    %mul3A_1352 = arith.constant 0.166666672 : f32
    %mul3A_1353 = vector.broadcast %mul3A_1352 : f32 to vector<16xf32>
    %mul3A_1354 = arith.mulf %get3A_1351, %mul3A_1353 : vector<16xf32>
    %swap3A_1355 = arith.constant 448 : index
    %swap3A_1356 = tpu.vector_load %arg16[%swap3A_1355] {strides = array<i32>} : memref<512xf32, #tpu.memory_space<vmem>>, vector<16xf32>,
    tpu.vector_store %arg16[%swap3A_1355], %mul3A_1354 {strides = array<i32>} : memref<512xf32, #tpu.memory_space<vmem>>, vector<16xf32>,
    %get3A_1357 = arith.constant 464 : index
    %get3A_1358 = tpu.vector_load %arg15[%get3A_1357] {strides = array<i32>} : memref<512xf32, #tpu.memory_space<vmem>>, vector<16xf32>,
    %mul3A_1359 = arith.constant 0.166666672 : f32
    %mul3A_1360 = vector.broadcast %mul3A_1359 : f32 to vector<16xf32>
    %mul3A_1361 = arith.mulf %get3A_1358, %mul3A_1360 : vector<16xf32>
    %swap3A_1362 = arith.constant 464 : index
    %swap3A_1363 = tpu.vector_load %arg15[%swap3A_1362] {strides = array<i32>} : memref<512xf32, #tpu.memory_space<vmem>>, vector<16xf32>,
    tpu.vector_store %arg15[%swap3A_1362], %mul3A_1361 {strides = array<i32>} : memref<512xf32, #tpu.memory_space<vmem>>, vector<16xf32>,
    %get3A_1364 = arith.constant 464 : index
    %get3A_1365 = tpu.vector_load %arg16[%get3A_1364] {strides = array<i32>} : memref<512xf32, #tpu.memory_space<vmem>>, vector<16xf32>,
    %mul3A_1366 = arith.constant 0.166666672 : f32
    %mul3A_1367 = vector.broadcast %mul3A_1366 : f32 to vector<16xf32>
    %mul3A_1368 = arith.mulf %get3A_1365, %mul3A_1367 : vector<16xf32>
    %swap3A_1369 = arith.constant 464 : index
    %swap3A_1370 = tpu.vector_load %arg16[%swap3A_1369] {strides = array<i32>} : memref<512xf32, #tpu.memory_space<vmem>>, vector<16xf32>,
    tpu.vector_store %arg16[%swap3A_1369], %mul3A_1368 {strides = array<i32>} : memref<512xf32, #tpu.memory_space<vmem>>, vector<16xf32>,
    %get3A_1371 = arith.constant 480 : index
    %get3A_1372 = tpu.vector_load %arg15[%get3A_1371] {strides = array<i32>} : memref<512xf32, #tpu.memory_space<vmem>>, vector<16xf32>,
    %mul3A_1373 = arith.constant 0.166666672 : f32
    %mul3A_1374 = vector.broadcast %mul3A_1373 : f32 to vector<16xf32>
    %mul3A_1375 = arith.mulf %get3A_1372, %mul3A_1374 : vector<16xf32>
    %swap3A_1376 = arith.constant 480 : index
    %swap3A_1377 = tpu.vector_load %arg15[%swap3A_1376] {strides = array<i32>} : memref<512xf32, #tpu.memory_space<vmem>>, vector<16xf32>,
    tpu.vector_store %arg15[%swap3A_1376], %mul3A_1375 {strides = array<i32>} : memref<512xf32, #tpu.memory_space<vmem>>, vector<16xf32>,
    %get3A_1378 = arith.constant 480 : index
    %get3A_1379 = tpu.vector_load %arg16[%get3A_1378] {strides = array<i32>} : memref<512xf32, #tpu.memory_space<vmem>>, vector<16xf32>,
    %mul3A_1380 = arith.constant 0.166666672 : f32
    %mul3A_1381 = vector.broadcast %mul3A_1380 : f32 to vector<16xf32>
    %mul3A_1382 = arith.mulf %get3A_1379, %mul3A_1381 : vector<16xf32>
    %swap3A_1383 = arith.constant 480 : index
    %swap3A_1384 = tpu.vector_load %arg16[%swap3A_1383] {strides = array<i32>} : memref<512xf32, #tpu.memory_space<vmem>>, vector<16xf32>,
    tpu.vector_store %arg16[%swap3A_1383], %mul3A_1382 {strides = array<i32>} : memref<512xf32, #tpu.memory_space<vmem>>, vector<16xf32>,
    %get3A_1385 = arith.constant 496 : index
    %get3A_1386 = tpu.vector_load %arg15[%get3A_1385] {strides = array<i32>} : memref<512xf32, #tpu.memory_space<vmem>>, vector<16xf32>,
    %mul3A_1387 = arith.constant 0.166666672 : f32
    %mul3A_1388 = vector.broadcast %mul3A_1387 : f32 to vector<16xf32>
    %mul3A_1389 = arith.mulf %get3A_1386, %mul3A_1388 : vector<16xf32>
    %swap3A_1390 = arith.constant 496 : index
    %swap3A_1391 = tpu.vector_load %arg15[%swap3A_1390] {strides = array<i32>} : memref<512xf32, #tpu.memory_space<vmem>>, vector<16xf32>,
    tpu.vector_store %arg15[%swap3A_1390], %mul3A_1389 {strides = array<i32>} : memref<512xf32, #tpu.memory_space<vmem>>, vector<16xf32>,
    %get3A_1392 = arith.constant 496 : index
    %get3A_1393 = tpu.vector_load %arg16[%get3A_1392] {strides = array<i32>} : memref<512xf32, #tpu.memory_space<vmem>>, vector<16xf32>,
    %mul3A_1394 = arith.constant 0.166666672 : f32
    %mul3A_1395 = vector.broadcast %mul3A_1394 : f32 to vector<16xf32>
    %mul3A_1396 = arith.mulf %get3A_1393, %mul3A_1395 : vector<16xf32>
    %swap3A_1397 = arith.constant 496 : index
    %swap3A_1398 = tpu.vector_load %arg16[%swap3A_1397] {strides = array<i32>} : memref<512xf32, #tpu.memory_space<vmem>>, vector<16xf32>,
    tpu.vector_store %arg16[%swap3A_1397], %mul3A_1396 {strides = array<i32>} : memref<512xf32, #tpu.memory_space<vmem>>, vector<16xf32>,
    "tpu.region"() ({
      %run_scoped3A_1399 = tpu.sem_alloc : memref<!tpu.dma_semaphore, #tpu.memory_space<semaphore_mem>>
      %dma_start3A_1400 = tpu.memref_slice %arg7[%mul3A_2] : memref<16384xf32, #tpu.memory_space<hbm>> -> memref<512xf32, #tpu.memory_space<hbm>>
      %dma_start3A_1401 = tpu.memref_slice %arg7[%mul3A_2] : memref<16384xf32, #tpu.memory_space<hbm>> -> memref<512xf32, #tpu.memory_space<hbm>>
      tpu.enqueue_dma source(%arg15 : memref<512xf32, #tpu.memory_space<vmem>>) target(%dma_start3A_1401 : memref<512xf32, #tpu.memory_space<hbm>>) target_semaphore(%run_scoped3A_1399 : memref<!tpu.dma_semaphore, #tpu.memory_space<semaphore_mem>>)
      %dma_wait3A = tpu.memref_slice %arg7[%mul3A_2] : memref<16384xf32, #tpu.memory_space<hbm>> -> memref<512xf32, #tpu.memory_space<hbm>>
      %dma_wait3A_1402 = tpu.memref_slice %arg7[%mul3A_2] : memref<16384xf32, #tpu.memory_space<hbm>> -> memref<512xf32, #tpu.memory_space<hbm>>
      tpu.wait_dma2 semaphore(%run_scoped3A_1399 : memref<!tpu.dma_semaphore, #tpu.memory_space<semaphore_mem>>) src(%arg15 : memref<512xf32, #tpu.memory_space<vmem>>) dst(%dma_wait3A_1402 : memref<512xf32, #tpu.memory_space<hbm>>)
      tpu.yield
    }) : () -> ()
    "tpu.region"() ({
      %run_scoped3A_1399 = tpu.sem_alloc : memref<!tpu.dma_semaphore, #tpu.memory_space<semaphore_mem>>
      %dma_start3A_1400 = tpu.memref_slice %arg8[%mul3A_2] : memref<16384xf32, #tpu.memory_space<hbm>> -> memref<512xf32, #tpu.memory_space<hbm>>
      %dma_start3A_1401 = tpu.memref_slice %arg8[%mul3A_2] : memref<16384xf32, #tpu.memory_space<hbm>> -> memref<512xf32, #tpu.memory_space<hbm>>
      tpu.enqueue_dma source(%arg16 : memref<512xf32, #tpu.memory_space<vmem>>) target(%dma_start3A_1401 : memref<512xf32, #tpu.memory_space<hbm>>) target_semaphore(%run_scoped3A_1399 : memref<!tpu.dma_semaphore, #tpu.memory_space<semaphore_mem>>)
      %dma_wait3A = tpu.memref_slice %arg8[%mul3A_2] : memref<16384xf32, #tpu.memory_space<hbm>> -> memref<512xf32, #tpu.memory_space<hbm>>
      %dma_wait3A_1402 = tpu.memref_slice %arg8[%mul3A_2] : memref<16384xf32, #tpu.memory_space<hbm>> -> memref<512xf32, #tpu.memory_space<hbm>>
      tpu.wait_dma2 semaphore(%run_scoped3A_1399 : memref<!tpu.dma_semaphore, #tpu.memory_space<semaphore_mem>>) src(%arg16 : memref<512xf32, #tpu.memory_space<vmem>>) dst(%dma_wait3A_1402 : memref<512xf32, #tpu.memory_space<hbm>>)
      tpu.yield
    }) : () -> ()
    return
  }
}

</mosaic_0001>

<sc_bundles>
// kernel: _run.3.cloned.1.call-start
scs
__scs_entry_jumppad:
0x0: {  	(pc) =	sbr.rel $0x88, $3  }
0x1: {  	(tag) =	ssettag $0x0;
	lr =	simm.s32 $0x1  }
0x2: {  	[smem:$0x3F9C] =	sst lr;
	_ =	strace $0xD0000000  }
0x3: {  	_ = 	snop  }
0x4: {  	_ = 	snop  }
0x5: {  	_ = 	snop  }
0x6: {  	_ = 	snop  }
0x7: {  	_ = 	snop  }
__scs_overlays_trampoline_lowered:
0x8: {  	[smem:$0x3FAB] =	sst s0  }
0x9: {  	[smem:$0x3FAC] =	sst s1  }
0xa: {  	[smem:$0x3FAD] =	sst s2  }
0xb: {  	[smem:$0x3FAE] =	sst s3  }
0xc: {  	[smem:$0x3FAF] =	sst s4  }
0xd: {  	[smem:$0x3FB0] =	sst s5  }
0xe: {  	[smem:$0x3FB1] =	sst s6  }
0xf: {  	[smem:$0x3FB2] =	sst s7  }
0x10: {  	[smem:$0x3FB3] =	sst s8  }
0x11: {  	[smem:$0x3FB4] =	sst s9;
	s0 =	simm.s32 @!p0 $0x0  }
0x12: {  	s1 =	sld [smem:$0x3F9A];
	s0 =	simm.s32 @p0 $0x1  }
0x13: {  	[smem:$0x3FB5] =	sst s0;
	s0 =	simm.s32 @!p1 $0x0  }
0x14: {  	s2 =	sld [smem:$0x3F99];
	s0 =	simm.s32 @p1 $0x1  }
0x15: {  	[smem:$0x3FB6] =	sst s0;
	s0 =	simm.s32 @!p2 $0x0  }
0x16: {  	s3 =	sld [smem:$0x3FDB];
	s0 =	simm.s32 @p2 $0x1  }
0x17: {  	s4 =	simm.s32 $0x1BF5;
	[smem:$0x3FB8] =	sst s0  }
0x18: {  	s0 =	sld [smem:$0x3F9B];
	_ =	swait.ge [sflag:s4], $0x0  }
0x19: {  	s7 =	sld [smem:$0x3F9C]  }
0x1a: {  	s8 =	sadd.s32 $0xFFFFE003, lr  }
0x1b: {  	s9 =	sadd.s32 $0xFFFFFEF7, lr;
	s5 =	simm.s32 $0xFFFFFFFF;
	p2 =	slt.u32 s8, $0xFFFFF086  }
0x1c: {  	p1 =	slt.u32 s9, $0xF7A;
	s5 =	simm.s32 @!p2 $0x0  }
0x1d: {  	s5 =	simm.s32 @p1 $0x1;
	p0 =	seq.s32 s7, s2  }
0x1e: {  	s7 =	smul.u32 @!p0 $0xF7A, s2;
	p2 =	seq.s32 @!p0 s5, $0x0  }
0x1f: {  	s9 =	smul.u32 $0xF7A, s1;
	s8 =	simm.s32 @!p0 $0x1BF5;
	p2 =	por !p2, p0  }
0x20: {  	[sflag:s8] =	ssyncset.s32 @!p0 $0xFFFFF086;
	s6 =	sadd.s32 @!p0 s3, s7;
	s7 =	simm.s32 @!p0 $0x108  }
0x21: {  	s3 =	sadd.s32 s3, s9;
	s6 =	sadd.s32 @!p0 $0x88, s6;
	s7 =	simm.s32 @p2 $0x1082  }
0x22: {  	[simem:s7], [sflag:s8] =	dma.local @!p0 [hbm:s6], $0xF7A  }
0x23: {  	s9 =	sor.u32 $0xD0000000, s2;
	s6 =	simm.s32 $0x108;
	_ =	swait.ge @!p0 [sflag:s8], $0x0  }
0x24: {  	s3 =	sadd.s32 $0x88, s3;
	s6 =	simm.s32 @!p1 $0x1082;
	[sflag:s4] =	ssyncset.s32 $0xFFFFF086  }
0x25: {  	[simem:s6], [sflag:s4] =	dma.local [hbm:s3], $0xF7A  }
0x26: {  	[smem:$0x3F9C] =	sst s1;
	(tag) =	ssettag s2;
	_ =	strace s9  }
0x27: {  	s1 =	sld [smem:$0x3FAC]  }
0x28: {  	s2 =	sld [smem:$0x3FAD]  }
0x29: {  	s4 =	sld [smem:$0x3FAF]  }
0x2a: {  	p0 =	seq.s32 s5, $0x0;
	s5 =	sld [smem:$0x3FB0]  }
0x2b: {  	s6 =	sld [smem:$0x3FB1]  }
0x2c: {  	s7 =	sld [smem:$0x3FB2]  }
0x2d: {  	s3 =	simm.s32 $0x108;
	s8 =	sld [smem:$0x3FB3]  }
0x2e: {  	s3 =	simm.s32 @!p0 $0x1082;
	s9 =	sld [smem:$0x3FB4]  }
0x2f: {  	lr =	sadd.s32 s0, s3;
	s0 =	sld [smem:$0x3FAB]  }
0x30: {  	s3 =	sld [smem:$0x3FAE]  }
0x31: {  	[smem:$0x3FB7] =	sst s10  }
0x32: {  	s10 =	sld [smem:$0x3FB5];
	_ =	sdelay $0x3  }
0x33: {  	p0 =	seq.s32 s10, $0x1;
	s10 =	sld [smem:$0x3FB7];
	_ =	sdelay $0x3  }
0x34: {  	[smem:$0x3FB7] =	sst s10  }
0x35: {  	s10 =	sld [smem:$0x3FB6];
	_ =	sdelay $0x3  }
0x36: {  	p1 =	seq.s32 s10, $0x1;
	s10 =	sld [smem:$0x3FB7];
	_ =	sdelay $0x3  }
0x37: {  	[smem:$0x3FB7] =	sst s10  }
0x38: {  	s10 =	sld [smem:$0x3FB8]  }
0x39: {  	_ = 	snop;
	(pc) =	sbr.ind lr, $3  }
0x3a: {  	_ = 	snop  }
0x3b: {  	_ = 	snop  }
0x3c: {  	p2 =	seq.s32 s10, $0x1;
	s10 =	sld [smem:$0x3FB7]  }
0x3d: {  	_ =	shalt  }
0x3e: {  	_ =	shalt  }
0x3f: {  	_ =	shalt  }
0x40: {  	_ =	shalt  }
0x41: {  	_ =	shalt  }
0x42: {  	_ =	shalt  }
0x43: {  	_ =	shalt  }
0x44: {  	_ =	shalt  }
0x45: {  	_ =	shalt  }
0x46: {  	_ =	shalt  }
0x47: {  	_ =	shalt  }
0x48: {  	_ =	shalt  }
0x49: {  	_ =	shalt  }
0x4a: {  	_ =	shalt  }
0x4b: {  	_ =	shalt  }
0x4c: {  	_ =	shalt  }
0x4d: {  	_ =	shalt  }
0x4e: {  	_ =	shalt  }
0x4f: {  	_ =	shalt  }
0x50: {  	_ =	shalt  }
0x51: {  	_ =	shalt  }
0x52: {  	_ =	shalt  }
0x53: {  	_ =	shalt  }
0x54: {  	_ =	shalt  }
0x55: {  	_ =	shalt  }
0x56: {  	_ =	shalt  }
0x57: {  	_ =	shalt  }
0x58: {  	_ =	shalt  }
0x59: {  	_ =	shalt  }
0x5a: {  	_ =	shalt  }
0x5b: {  	_ =	shalt  }
0x5c: {  	_ =	shalt  }
0x5d: {  	_ =	shalt  }
0x5e: {  	_ =	shalt  }
0x5f: {  	_ =	shalt  }
0x60: {  	_ =	shalt  }
0x61: {  	_ =	shalt  }
0x62: {  	_ =	shalt  }
0x63: {  	_ =	shalt  }
0x64: {  	_ =	shalt  }
0x65: {  	_ =	shalt  }
0x66: {  	_ =	shalt  }
0x67: {  	_ =	shalt  }
0x68: {  	_ =	shalt  }
0x69: {  	_ =	shalt  }
0x6a: {  	_ =	shalt  }
0x6b: {  	_ =	shalt  }
0x6c: {  	_ =	shalt  }
0x6d: {  	_ =	shalt  }
0x6e: {  	_ =	shalt  }
0x6f: {  	_ =	shalt  }
0x70: {  	_ =	shalt  }
0x71: {  	_ =	shalt  }
0x72: {  	_ =	shalt  }
0x73: {  	_ =	shalt  }
0x74: {  	_ =	shalt  }
0x75: {  	_ =	shalt  }
0x76: {  	_ =	shalt  }
0x77: {  	_ =	shalt  }
0x78: {  	_ =	shalt  }
0x79: {  	_ =	shalt  }
0x7a: {  	_ =	shalt  }
0x7b: {  	_ =	shalt  }
0x7c: {  	_ =	shalt  }
0x7d: {  	_ =	shalt  }
0x7e: {  	_ =	shalt  }
0x7f: {  	_ =	shalt  }
0x80: {  	_ =	shalt  }
0x81: {  	_ =	shalt  }
0x82: {  	_ =	shalt  }
0x83: {  	_ =	shalt  }
0x84: {  	_ =	shalt  }
0x85: {  	_ =	shalt  }
0x86: {  	_ =	shalt  }
0x87: {  	_ =	shalt  }
.Lfunc_end0:
.L_simem_size_0:
called_computation_lowered:
.L_overlay_start_0:
0x88: {  	s2 =	sld [smem:$0x3FD9]  }
0x89: {  	s3 =	sld [smem:$0x3FFE];
	_ =	sdelay $0x1  }
0x8a: {  	s1 =	srdreg.scid  }
0x8b: {  	s0 =	sand.u32 $0x1, s1  }
0x8c: {  	s15 =	sshll.u32 s0, $0xA;
	s2 =	sadd.s32 s3, s2  }
0x8d: {  	s2 =	sadd.s32 s2, s15  }
0x8e: {  	[smem:$0x3FC3] =	sst s2  }
0x8f: {  	_ = 	snop  }
0x90: {  	s2 =	sld [smem:$0x3FC9]  }
0x91: {  	s16 =	sld [smem:$0x3FC8]  }
0x92: {  	s4 =	sld [smem:$0x3FD0]  }
0x93: {  	s5 =	sld [smem:$0x3FC7]  }
0x94: {  	s6 =	sld [smem:$0x3FC6]  }
0x95: {  	s8 =	simm.s32 $0xA;
	s9 =	simm.s32 $0x10;
	s7 =	sld [smem:$0x3FC5]  }
0x96: {  	[smem:s9], [sflag:s8] =	dma.local [hbm:s4], $0x1  }
0x97: {  	_ =	swait.eq [sflag:s8], $0x1  }
0x98: {  	[sflag:s8] =	ssyncset.done $0x0  }
0x99: {  	s17 =	sld [smem:$0x10];
	[sflag:s8] =	ssyncadd.s32 $0xFFFFFFFF  }
0x9a: {  	s18 =	sld [smem:$0x11];
	(tm) =	ssettm $0x1  }
0x9b: {  	s19 =	sld [smem:$0x3FFB];
	_ =	sdelay $0x3  }
0x9c: {  	_ =	strace s19  }
0x9d: {  	s9 =	sld [smem:$0x3FFC];
	_ =	sdelay $0x3  }
0x9e: {  	_ =	strace s9  }
0x9f: {  	s9 =	sld [smem:$0x3FFD];
	_ =	sdelay $0x3  }
0xa0: {  	_ =	strace s9  }
0xa1: {  	_ =	strace $0x8FFFFFFF  }
0xa2: {  	s20 =	sld [smem:$0x3FDB];
	_ =	sdelay $0x1  }
0xa3: {  	s10 =	simm.s32 $_scs_section_size  }
0xa4: {  	s11 =	simm.s32 $_size__tile_overlayer_lowered;
	s12 =	simm.s32 $_tile_overlayer_lowered  }
0xa5: {  	s23 =	simm.s32 $0x1BFF;
	s22 =	sshll.u32 s12, $0x1;
	s9 =	sadd.s32 s10, s20  }
0xa6: {  	s13 =	simm.s32 $0x0;
	s21 =	sshll.u32 s11, $0x1;
	s11 =	sadd.s32 s22, s9  }
0xa7: {  	[timem:s13], [sflag:s23] =	dma.local [hbm:s11], s21  }
0xa8: {  	_ =	swait.ge [sflag:s23], s21  }
0xa9: {  	s10 =	ssub.s32 $0x0, s21;
	[sflag:s23] =	ssyncset.done $0x0  }
0xaa: {  	[sflag:s23] =	ssyncadd.s32 s10;
	_ =	sdelay $0x1  }
0xab: {  	s24 =	simm.s32 $0x1B8B  }
0xac: {  	_ =	swait.ge [sflag:s24], $0x1  }
0xad: {  	[sflag:s24] =	ssyncset.done $0x0  }
0xae: {  	s25 =	simm.s32 $0x1B8E;
	[sflag:s24] =	ssyncadd.s32 $0xFFFFFFFF  }
0xaf: {  	s26 =	simm.s32 $execute0_lowered;
	[smem:$0x3FD2] =	sst s25  }
0xb0: {  	s10 =	sshll.u32 s26, $0x1;
	_ =	strace $0x80000046;
	[dreg:$0x1] =	wrdreg $0xFFFFFFFF  }
0xb1: {  	s28 =	simm.s32 $_size_execute0_lowered;
	s9 =	sadd.s32 s9, s10;
	[dreg:$0x0] =	wrdreg $0x0  }
0xb2: {  	s10 =	sshll.u32 s28, $0x1;
	[dreg:$0x2] =	wrdreg s9  }
0xb3: {  	[dreg:$0x3] =	wrdreg s10  }
0xb4: {  	[dreg:$0x4] =	wrdreg $0xC0  }
0xb5: {  	_ =	task [dreg:s13], $0x5FFFF  }
0xb6: {  	[dreg:$0x1] =	wrdreg $0xFFFFFFFF  }
0xb7: {  	[dreg:$0x0] =	wrdreg $0x60  }
0xb8: {  	[dreg:$0x2] =	wrdreg s2  }
0xb9: {  	[dreg:$0x3] =	wrdreg s16  }
0xba: {  	[dreg:$0x4] =	wrdreg s5  }
0xbb: {  	[dreg:$0x5] =	wrdreg s6  }
0xbc: {  	[dreg:$0x6] =	wrdreg s7  }
0xbd: {  	[dreg:$0x7] =	wrdreg s17  }
0xbe: {  	[dreg:$0x8] =	wrdreg s18  }
0xbf: {  	[dreg:$0x9] =	wrdreg $0x9  }
0xc0: {  	_ =	task.clear_ibuf [dreg:s13], $0xAFFFF;
	_ =	strace $0x90000046  }
0xc1: {  	s29 =	simm.s32 $0x9;
	_ =	strace $0x80000048  }
0xc2: {  	_ =	swait.ge [sflag:s29], $0x1  }
0xc3: {  	[sflag:s29] =	ssyncadd.s32 $0xFFFFFFFF  }
0xc4: {  	_ =	strace $0x90000048  }
0xc5: {  	_ =	sfence  }
0xc6: {  	s30 =	sld [smem:$0x0];
	_ =	sdelay $0x2  }
0xc7: {  	s31 =	sshll.u32 s1, $0xD;
	s1 =	sshrl.u32 s1, $0x2  }
0xc8: {  	s3 =	sand.u32 $0x4000, s31;
	s1 =	sadd.s32 s1, s30  }
0xc9: {  	s0 =	sor.u32 s3, s0;
	s1 =	sshll.u32 s1, $0x11  }
0xca: {  	s0 =	sor.u32 s1, s0  }
0xcb: {  	s0 =	sadd.s32 $0x8F2B, s0  }
0xcc: {  	[sflag:s0] =	ssyncadd.remote.s32 $0x1  }
0xcd: {  	_ =	sfence.sel $0xFFFF  }
0xce: {  	[dreg:$0x0] =	wrdreg $0xFFFFFFFF;
	(pc) =	sbr.abs _section_cstart, $3  }
0xcf: {  	[dreg:$0x1] =	wrdreg $0xFFFFFFFF  }
0xd0: {  	_ =	task.clear_ibuf [dreg:s13], $0x2FFFF;
	_ =	strace $0x9FFFFFFF  }
0xd1: {  	(tm) =	ssettm $0x7FFFFFFF  }
tec
execute0_lowered:
.L_overlay_start_1:
0x0: {  	(tag) =	ssettag $0x1  }
0x1: {  	v2 =	vimm.s32 $0xDCFE98BA  }
0x2: {  	v3 =	vimm.s32 $0x54761032;
	v4 =	vimm.s32 $0xBA98FEDC;
	v5 =	vimm.s32 $0x32107654  }
0x3: {  	v6 =	vimm.s32 $0xFEDCBA98;
	v2 =	vunpack.c.l.s4.s8 v2;
	v3 =	vunpack.c.l.s4.s8 v3  }
0x4: {  	v7 =	vimm.s32 $0x76543210;
	v4 =	vunpack.c.l.s4.s8 v4;
	v5 =	vunpack.c.l.s4.s8 v5  }
0x5: {  	v6 =	vunpack.c.l.s4.s8 v6;
	v2 =	vunpack.c.0.s8.s32 v2;
	v3 =	vunpack.c.0.s8.s32 v3  }
0x6: {  	s3 =	rddreg [dreg:$0x0];
	v7 =	vunpack.c.l.s4.s8 v7;
	v4 =	vunpack.c.0.s8.s32 v4;
	v5 =	vunpack.c.0.s8.s32 v5  }
0x7: {  	s2 =	rddreg [dreg:$0x1];
	v2 =	vcombine.low v3, v2;
	v3 =	vunpack.c.0.s8.s32 v6  }
0x8: {  	s0 =	rddreg [dreg:$0x2];
	v4 =	vcombine.low v5, v4;
	v5 =	vunpack.c.0.s8.s32 v7  }
0x9: {  	s1 =	rddreg [dreg:$0x3];
	vm3 =	vmmov $0x3;
	v6 =	vand.u32 $0xF, v3  }
0xa: {  	s4 =	rddreg [dreg:$0x5];
	s5 =	simm.s32 $0x0;
	v3 =	vand.u32 $0xF, v4;
	v4 =	vcombine.low v6, v5;
	v5 =	vimm.s32 $0x0  }
0xb: {  	vm1 =	vcmask $0xF0C;
	vm2 =	vcmask $0x714;
	[smem:$0x7FF] =	sst s5;
	v5 =	vsel vm3, $0xFFFFFFFF, v5  }
0xc: {  	v0 =	vimm.s32 $0xEFCDAB89;
	s6 =	rddreg [dreg:$0x6];
	vm1 =	vmor vm2, vm1;
	_ =	strace $0x80000047;
	[tilespmem:$0x1FF70] =	vst v5;
	v5 =	vimm.s32 $0x0  }
0xd: {  	v1 =	vimm.s32 $0x67452301;
	vm0 =	vmmov $0x1;
	v5 =	vsel vm1, $0xFFFFFFFF, v5  }
0xe: {  	vm6 =	vcmask $0x232C;
	vm1 =	vmmov $0x7;
	[tilespmem:$0x1FF80] =	vst v5;
	v5 =	vimm.s32 $0x0  }
0xf: {  	vm8 =	vmmov $0x3ff;
	vm10 =	vmmov $0x7ff;
	v5 =	vsel vm1, $0xFFFFFFFF, v5  }
0x10: {  	vm11 =	vcmask $0x2B34;
	vm1 =	vmmov $0xf;
	[tilespmem:$0x1FF90] =	vst v5;
	v5 =	vimm.s32 $0x0  }
0x11: {  	vm12 =	vmmov $0xfff;
	vm14 =	vcmask $0x2F38;
	v5 =	vsel vm1, $0xFFFFFFFF, v5  }
0x12: {  	s7 =	srdreg.scid;
	vm15 =	vmmov $0x1fff;
	vm1 =	vmmov $0x1f;
	[tilespmem:$0x1FFA0] =	vst v5;
	v5 =	vimm.s32 $0x0  }
0x13: {  	s9 =	stileid.u32;
	s17 =	simm.s32 $0x2;
	v0 =	vunpack.c.l.s4.s8 v0;
	v1 =	vunpack.c.l.s4.s8 v1;
	s7 =	sand.u32 $0x1, s7;
	v5 =	vsel vm1, $0xFFFFFFFF, v5  }
0x14: {  	s9 =	sshll.u32 s9, $0x7;
	vm2 =	vcmask $0x1724;
	s8 =	ssub.s32 $0x2, s7;
	s7 =	sshll.u32 s7, $0x6;
	vm3 =	vmmov $0x3f;
	[tilespmem:$0x1FFB0] =	vst v5;
	v5 =	vimm.s32 $0x0  }
0x15: {  	s19 =	simm.s32 $0x80;
	v0 =	vunpack.c.0.s8.s32 v0;
	s10 =	sshrl.u32 s8, $0x1;
	s15 =	sor.u32 s7, s9;
	vm1 =	vcmask $0x1F1C;
	v5 =	vsel vm3, $0xFFFFFFFF, v5  }
0x16: {  	s31 =	simm.s32 $0x1;
	v1 =	vunpack.c.0.s8.s32 v1;
	s16 =	ssub.s32 s8, s10;
	s9 =	sor.u32 $0x10, s15;
	vm1 =	vmor vm2, vm1;
	[tilespmem:$0x1FFC0] =	vst v5;
	v5 =	vimm.s32 $0x0  }
0x17: {  	vm5 =	vcmask $0x333C;
	vm9 =	vmmov $0x3fff;
	s7 =	sadd.s32 s3, s15;
	s28 =	sadd.s32 s2, s15;
	s11 =	sor.u32 $0x20, s15;
	v5 =	vsel vm1, $0xFFFFFFFF, v5  }
0x18: {  	s13 =	sor.u32 $0x30, s15;
	s14 =	sadd.s32 s4, s15;
	v1 =	vcombine.low v1, v0;
	[dreg:$0x8] =	wrdreg s7;
	vm1 =	vmmov $0x7f;
	[tilespmem:$0x1FFD0] =	vst v5;
	v5 =	vimm.s32 $0x0  }
0x19: {  	vm13 =	vmmov $0x7fff;
	s15 =	sadd.s32 s6, s15;
	v0 =	vimm.f32 $0.0e+00;
	[dreg:$0x9] =	wrdreg s28;
	s29 =	sadd.s32 s3, s9;
	v5 =	vsel vm1, $0xFFFFFFFF, v5  }
0x1a: {  	s30 =	sadd.s32 s2, s9;
	s10 =	sadd.s32 s3, s11;
	s11 =	sadd.s32 s2, s11;
	v1 =	vand.u32 $0xF, v1;
	vm3 =	vmmov $0x1ff;
	[tilespmem:$0x1FFE0] =	vst v5;
	v5 =	vimm.s32 $0x0  }
0x1b: {  	s12 =	sadd.s32 s3, s13;
	s13 =	sadd.s32 s2, s13;
	[dreg:$0xa] =	wrdreg s29;
	vm2 =	vcmask $0x2734;
	vm1 =	vcmask $0x2F2C;
	v5 =	vsel vm3, $0xFFFFFFFF, v5  }
0x1c: {  	s16 =	smax.u32 s16, $0x1;
	s2 =	simm.s32 $0x0;
	[dreg:$0xb] =	wrdreg s30;
	v2 =	vand.u32 $0xF, v2;
	vm1 =	vmor vm2, vm1;
	vm2 =	vmmov $0xff;
	[tilespmem:$0x1FFF0] =	vst v5  }
.LBB2_1:
0x1d: {  	s3 =	rddreg [dreg:$0x8]  }
0x1e: {  	[tilespmem:s5], [sflag:$0x2] =	stream.linear.gather [hbm4b:s3+s5], $0x80, $0x38;
	[tilespmem:$0x10E00] =	vst v63  }
0x1f: {  	_ =	swait.ge [sflag:s17], $0x80  }
0x20: {  	[sflag:s17] =	ssyncset.done $0x0  }
0x21: {  	s4 =	simm.s32 $0x200;
	s7 =	rddreg [dreg:$0x9];
	[sflag:s17] =	ssyncadd.s32 $0xFFFFFF80  }
0x22: {  	[tilespmem:s4], [sflag:$0x2] =	stream.linear.gather [hbm4b:s7+s5], $0x80, $0x38;
	[tilespmem:$0x10E00] =	vst v63  }
0x23: {  	_ =	swait.ge [sflag:s17], $0x80  }
0x24: {  	[sflag:s17] =	ssyncset.done $0x0  }
0x25: {  	s8 =	rddreg [dreg:$0xa];
	[sflag:s17] =	ssyncadd.s32 $0xFFFFFF80  }
0x26: {  	[tilespmem:s19], [sflag:$0x2] =	stream.linear.gather [hbm4b:s8+s5], $0x80, $0x38;
	[tilespmem:$0x10E00] =	vst v63  }
0x27: {  	_ =	swait.ge [sflag:s17], $0x80  }
0x28: {  	[sflag:s17] =	ssyncset.done $0x0  }
0x29: {  	s18 =	simm.s32 $0x280;
	s9 =	rddreg [dreg:$0xb];
	[sflag:s17] =	ssyncadd.s32 $0xFFFFFF80  }
0x2a: {  	[tilespmem:s18], [sflag:$0x2] =	stream.linear.gather [hbm4b:s9+s5], $0x80, $0x38;
	[tilespmem:$0x10E00] =	vst v63  }
0x2b: {  	_ =	swait.ge [sflag:s17], $0x80  }
0x2c: {  	[sflag:s17] =	ssyncset.done $0x0  }
0x2d: {  	s20 =	simm.s32 $0x100;
	[sflag:s17] =	ssyncadd.s32 $0xFFFFFF80  }
0x2e: {  	[tilespmem:s20], [sflag:$0x2] =	stream.linear.gather [hbm4b:s10+s5], $0x80, $0x38;
	[tilespmem:$0x10E00] =	vst v63  }
0x2f: {  	_ =	swait.ge [sflag:s17], $0x80  }
0x30: {  	[sflag:s17] =	ssyncset.done $0x0  }
0x31: {  	s21 =	simm.s32 $0x300;
	[sflag:s17] =	ssyncadd.s32 $0xFFFFFF80  }
0x32: {  	[tilespmem:s21], [sflag:$0x2] =	stream.linear.gather [hbm4b:s11+s5], $0x80, $0x38;
	[tilespmem:$0x10E00] =	vst v63  }
0x33: {  	_ =	swait.ge [sflag:s17], $0x80  }
0x34: {  	[sflag:s17] =	ssyncset.done $0x0  }
0x35: {  	s22 =	simm.s32 $0x180;
	[sflag:s17] =	ssyncadd.s32 $0xFFFFFF80  }
0x36: {  	[tilespmem:s22], [sflag:$0x2] =	stream.linear.gather [hbm4b:s12+s5], $0x80, $0x38;
	[tilespmem:$0x10E00] =	vst v63  }
0x37: {  	_ =	swait.ge [sflag:s17], $0x80  }
0x38: {  	[sflag:s17] =	ssyncset.done $0x0  }
0x39: {  	s23 =	simm.s32 $0x380;
	[sflag:s17] =	ssyncadd.s32 $0xFFFFFF80  }
0x3a: {  	[tilespmem:s23], [sflag:$0x2] =	stream.linear.gather [hbm4b:s13+s5], $0x80, $0x38;
	[tilespmem:$0x10E00] =	vst v63  }
0x3b: {  	_ =	swait.ge [sflag:s17], $0x80  }
0x3c: {  	[sflag:s17] =	ssyncset.done $0x0  }
0x3d: {  	[sflag:s17] =	ssyncadd.s32 $0xFFFFFF80  }
0x3e: {  	s25 =	simm.s32 $0x10C00;
	s24 =	rddreg [dreg:$0x4]  }
0x3f: {  	[tilespmem:s25], [sflag:$0x2] =	stream.linear.gather [hbm4b:s24+s5], $0x200, $0x38;
	[tilespmem:$0x10E00] =	vst v63  }
0x40: {  	_ =	swait.ge [sflag:s17], $0x200  }
0x41: {  	[sflag:s17] =	ssyncset.done $0x0  }
0x42: {  	[sflag:s17] =	ssyncadd.s32 $0xFFFFFE00  }
0x43: {  	v5 =	vld [tilespmem:$0x0]  }
0x44: {  	v6 =	vld [tilespmem:$0x200]  }
0x45: {  	v7 =	vld [tilespmem:$0x10];
	[tilespmem:$0x10800] =	vst v0  }
0x46: {  	v8 =	vld [tilespmem:$0x210];
	[tilespmem:$0x10A00] =	vst v0  }
0x47: {  	v9 =	vld [tilespmem:$0x20];
	[tilespmem:$0x10810] =	vst v0  }
0x48: {  	v10 =	vld [tilespmem:$0x220];
	[tilespmem:$0x10A10] =	vst v0;
	v5 =	vshrl.u32 v5, $0x1  }
0x49: {  	[tilespmem:$0x400] =	vst v5;
	v5 =	vshrl.u32 v6, $0x1;
	v6 =	vld [tilespmem:$0x30]  }
0x4a: {  	[tilespmem:$0x600] =	vst v5;
	v5 =	vshrl.u32 v7, $0x1;
	v7 =	vld [tilespmem:$0x230]  }
0x4b: {  	v37 =	vld [tilespmem:$0x40];
	[tilespmem:$0x410] =	vst v5;
	v5 =	vshrl.u32 v8, $0x1  }
0x4c: {  	v38 =	vld [tilespmem:$0x240];
	[tilespmem:$0x610] =	vst v5;
	v5 =	vshrl.u32 v9, $0x1  }
0x4d: {  	v39 =	vld [tilespmem:$0x50];
	[tilespmem:$0x420] =	vst v5;
	v5 =	vshrl.u32 v10, $0x1  }
0x4e: {  	[tilespmem:$0x620] =	vst v5;
	v5 =	vshrl.u32 v6, $0x1;
	v6 =	vld [tilespmem:$0x250]  }
0x4f: {  	[tilespmem:$0x430] =	vst v5;
	v5 =	vshrl.u32 v7, $0x1;
	v7 =	vld [tilespmem:$0x60]  }
0x50: {  	v40 =	vld [tilespmem:$0x260];
	[tilespmem:$0x630] =	vst v5;
	v5 =	vshrl.u32 v37, $0x1  }
0x51: {  	v41 =	vld [tilespmem:$0x70];
	[tilespmem:$0x440] =	vst v5;
	v5 =	vshrl.u32 v38, $0x1  }
0x52: {  	v42 =	vld [tilespmem:$0x270];
	[tilespmem:$0x640] =	vst v5;
	v5 =	vshrl.u32 v39, $0x1  }
0x53: {  	[tilespmem:$0x450] =	vst v5;
	v5 =	vshrl.u32 v6, $0x1;
	v6 =	vld [tilespmem:$0x80]  }
0x54: {  	[tilespmem:$0x650] =	vst v5;
	v5 =	vshrl.u32 v7, $0x1;
	v7 =	vld [tilespmem:$0x280]  }
0x55: {  	v43 =	vld [tilespmem:$0x90];
	[tilespmem:$0x460] =	vst v5;
	v5 =	vshrl.u32 v40, $0x1  }
0x56: {  	v44 =	vld [tilespmem:$0x290];
	[tilespmem:$0x660] =	vst v5;
	v5 =	vshrl.u32 v41, $0x1  }
0x57: {  	v45 =	vld [tilespmem:$0xA0];
	[tilespmem:$0x470] =	vst v5;
	v5 =	vshrl.u32 v42, $0x1  }
0x58: {  	[tilespmem:$0x670] =	vst v5;
	v5 =	vshrl.u32 v6, $0x1;
	v6 =	vld [tilespmem:$0x2A0]  }
0x59: {  	[tilespmem:$0x480] =	vst v5;
	v5 =	vshrl.u32 v7, $0x1;
	v7 =	vld [tilespmem:$0xB0]  }
0x5a: {  	v46 =	vld [tilespmem:$0x2B0];
	[tilespmem:$0x680] =	vst v5;
	v5 =	vshrl.u32 v43, $0x1  }
0x5b: {  	v47 =	vld [tilespmem:$0xC0];
	[tilespmem:$0x490] =	vst v5;
	v5 =	vshrl.u32 v44, $0x1  }
0x5c: {  	v48 =	vld [tilespmem:$0x2C0];
	[tilespmem:$0x690] =	vst v5;
	v5 =	vshrl.u32 v45, $0x1  }
0x5d: {  	[tilespmem:$0x4A0] =	vst v5;
	v5 =	vshrl.u32 v6, $0x1;
	v6 =	vld [tilespmem:$0xD0]  }
0x5e: {  	[tilespmem:$0x6A0] =	vst v5;
	v5 =	vshrl.u32 v7, $0x1;
	v7 =	vld [tilespmem:$0x2D0]  }
0x5f: {  	v49 =	vld [tilespmem:$0xE0];
	[tilespmem:$0x4B0] =	vst v5;
	v5 =	vshrl.u32 v46, $0x1  }
0x60: {  	v50 =	vld [tilespmem:$0x2E0];
	[tilespmem:$0x6B0] =	vst v5;
	v5 =	vshrl.u32 v47, $0x1  }
0x61: {  	v51 =	vld [tilespmem:$0xF0];
	[tilespmem:$0x4C0] =	vst v5;
	v5 =	vshrl.u32 v48, $0x1  }
0x62: {  	[tilespmem:$0x6C0] =	vst v5;
	v5 =	vshrl.u32 v6, $0x1;
	v6 =	vld [tilespmem:$0x2F0]  }
0x63: {  	[tilespmem:$0x4D0] =	vst v5;
	v5 =	vshrl.u32 v7, $0x1;
	v7 =	vld [tilespmem:$0x100]  }
0x64: {  	v52 =	vld [tilespmem:$0x300];
	[tilespmem:$0x6D0] =	vst v5;
	v5 =	vshrl.u32 v49, $0x1  }
0x65: {  	v53 =	vld [tilespmem:$0x110];
	[tilespmem:$0x4E0] =	vst v5;
	v5 =	vshrl.u32 v50, $0x1  }
0x66: {  	v54 =	vld [tilespmem:$0x310];
	[tilespmem:$0x6E0] =	vst v5;
	v5 =	vshrl.u32 v51, $0x1  }
0x67: {  	[tilespmem:$0x4F0] =	vst v5;
	v5 =	vshrl.u32 v6, $0x1;
	v6 =	vld [tilespmem:$0x120]  }
0x68: {  	[tilespmem:$0x6F0] =	vst v5;
	v5 =	vshrl.u32 v7, $0x1;
	v7 =	vld [tilespmem:$0x320]  }
0x69: {  	v55 =	vld [tilespmem:$0x130];
	[tilespmem:$0x500] =	vst v5;
	v5 =	vshrl.u32 v52, $0x1  }
0x6a: {  	v56 =	vld [tilespmem:$0x330];
	[tilespmem:$0x700] =	vst v5;
	v5 =	vshrl.u32 v53, $0x1  }
0x6b: {  	v57 =	vld [tilespmem:$0x140];
	[tilespmem:$0x510] =	vst v5;
	v5 =	vshrl.u32 v54, $0x1  }
0x6c: {  	[tilespmem:$0x710] =	vst v5;
	v5 =	vshrl.u32 v6, $0x1;
	v6 =	vld [tilespmem:$0x340]  }
0x6d: {  	[tilespmem:$0x520] =	vst v5;
	v5 =	vshrl.u32 v7, $0x1;
	v7 =	vld [tilespmem:$0x150]  }
0x6e: {  	v58 =	vld [tilespmem:$0x350];
	[tilespmem:$0x720] =	vst v5;
	v5 =	vshrl.u32 v55, $0x1  }
0x6f: {  	v59 =	vld [tilespmem:$0x160];
	[tilespmem:$0x530] =	vst v5;
	v5 =	vshrl.u32 v56, $0x1  }
0x70: {  	v60 =	vld [tilespmem:$0x360];
	[tilespmem:$0x730] =	vst v5;
	v5 =	vshrl.u32 v57, $0x1  }
0x71: {  	[tilespmem:$0x540] =	vst v5;
	v5 =	vshrl.u32 v6, $0x1;
	v6 =	vld [tilespmem:$0x170]  }
0x72: {  	[tilespmem:$0x740] =	vst v5;
	v5 =	vshrl.u32 v7, $0x1;
	v7 =	vld [tilespmem:$0x370]  }
0x73: {  	v61 =	vld [tilespmem:$0x180];
	[tilespmem:$0x550] =	vst v5;
	v5 =	vshrl.u32 v58, $0x1  }
0x74: {  	v62 =	vld [tilespmem:$0x380];
	[tilespmem:$0x750] =	vst v5;
	v5 =	vshrl.u32 v59, $0x1  }
0x75: {  	v63 =	vld [tilespmem:$0x190];
	[tilespmem:$0x560] =	vst v5;
	v5 =	vshrl.u32 v60, $0x1  }
0x76: {  	[tilespmem:$0x760] =	vst v5;
	v5 =	vshrl.u32 v6, $0x1;
	v6 =	vld [tilespmem:$0x390]  }
0x77: {  	[tilespmem:$0x570] =	vst v5;
	v5 =	vshrl.u32 v7, $0x1  }
0x78: {  	[tilespmem:$0x770] =	vst v5;
	v5 =	vshrl.u32 v61, $0x1  }
0x79: {  	[tilespmem:$0x580] =	vst v5;
	v5 =	vshrl.u32 v62, $0x1  }
0x7a: {  	[tilespmem:$0x780] =	vst v5;
	v5 =	vshrl.u32 v63, $0x1  }
0x7b: {  	[tilespmem:$0x590] =	vst v5;
	v5 =	vshrl.u32 v6, $0x1  }
0x7c: {  	[tilespmem:$0x790] =	vst v5;
	v5 =	vld [tilespmem:$0x1A0]  }
0x7d: {  	[tilespmem:$0x10820] =	vst v0  }
0x7e: {  	[tilespmem:$0x10A20] =	vst v0  }
0x7f: {  	[tilespmem:$0x10830] =	vst v0  }
0x80: {  	[tilespmem:$0x10A30] =	vst v0  }
0x81: {  	[tilespmem:$0x10840] =	vst v0;
	v5 =	vshrl.u32 v5, $0x1  }
0x82: {  	[tilespmem:$0x5A0] =	vst v5;
	v5 =	vld [tilespmem:$0x3A0]  }
0x83: {  	[tilespmem:$0x10A40] =	vst v0  }
0x84: {  	[tilespmem:$0x10850] =	vst v0  }
0x85: {  	[tilespmem:$0x10A50] =	vst v0  }
0x86: {  	[tilespmem:$0x10860] =	vst v0  }
0x87: {  	[tilespmem:$0x10A60] =	vst v0;
	v5 =	vshrl.u32 v5, $0x1  }
0x88: {  	[tilespmem:$0x7A0] =	vst v5;
	v5 =	vld [tilespmem:$0x1B0]  }
0x89: {  	[tilespmem:$0x10870] =	vst v0  }
0x8a: {  	[tilespmem:$0x10A70] =	vst v0  }
0x8b: {  	[tilespmem:$0x10880] =	vst v0  }
0x8c: {  	[tilespmem:$0x10A80] =	vst v0  }
0x8d: {  	[tilespmem:$0x10890] =	vst v0;
	v5 =	vshrl.u32 v5, $0x1  }
0x8e: {  	[tilespmem:$0x5B0] =	vst v5;
	v5 =	vld [tilespmem:$0x3B0]  }
0x8f: {  	[tilespmem:$0x10A90] =	vst v0  }
0x90: {  	[tilespmem:$0x108A0] =	vst v0  }
0x91: {  	[tilespmem:$0x10AA0] =	vst v0  }
0x92: {  	[tilespmem:$0x108B0] =	vst v0  }
0x93: {  	[tilespmem:$0x10AB0] =	vst v0;
	v5 =	vshrl.u32 v5, $0x1  }
0x94: {  	[tilespmem:$0x7B0] =	vst v5;
	v5 =	vld [tilespmem:$0x1C0]  }
0x95: {  	[tilespmem:$0x108C0] =	vst v0  }
0x96: {  	[tilespmem:$0x10AC0] =	vst v0  }
0x97: {  	[tilespmem:$0x108D0] =	vst v0  }
0x98: {  	[tilespmem:$0x10AD0] =	vst v0  }
0x99: {  	[tilespmem:$0x108E0] =	vst v0;
	v5 =	vshrl.u32 v5, $0x1  }
0x9a: {  	[tilespmem:$0x5C0] =	vst v5;
	v5 =	vld [tilespmem:$0x3C0]  }
0x9b: {  	[tilespmem:$0x10AE0] =	vst v0  }
0x9c: {  	[tilespmem:$0x108F0] =	vst v0  }
0x9d: {  	[tilespmem:$0x10AF0] =	vst v0  }
0x9e: {  	[tilespmem:$0x10900] =	vst v0  }
0x9f: {  	[tilespmem:$0x10B00] =	vst v0;
	v5 =	vshrl.u32 v5, $0x1  }
0xa0: {  	[tilespmem:$0x7C0] =	vst v5;
	v5 =	vld [tilespmem:$0x1D0]  }
0xa1: {  	[tilespmem:$0x10910] =	vst v0  }
0xa2: {  	[tilespmem:$0x10B10] =	vst v0  }
0xa3: {  	[tilespmem:$0x10920] =	vst v0  }
0xa4: {  	[tilespmem:$0x10B20] =	vst v0  }
0xa5: {  	[tilespmem:$0x10930] =	vst v0;
	v5 =	vshrl.u32 v5, $0x1  }
0xa6: {  	[tilespmem:$0x5D0] =	vst v5;
	v5 =	vld [tilespmem:$0x3D0]  }
0xa7: {  	[tilespmem:$0x10B30] =	vst v0  }
0xa8: {  	[tilespmem:$0x10940] =	vst v0  }
0xa9: {  	[tilespmem:$0x10B40] =	vst v0  }
0xaa: {  	[tilespmem:$0x10950] =	vst v0  }
0xab: {  	[tilespmem:$0x10B50] =	vst v0;
	v5 =	vshrl.u32 v5, $0x1  }
0xac: {  	[tilespmem:$0x7D0] =	vst v5;
	v5 =	vld [tilespmem:$0x1E0]  }
0xad: {  	[tilespmem:$0x10960] =	vst v0  }
0xae: {  	[tilespmem:$0x10B60] =	vst v0  }
0xaf: {  	[tilespmem:$0x10970] =	vst v0  }
0xb0: {  	[tilespmem:$0x10B70] =	vst v0  }
0xb1: {  	[tilespmem:$0x10980] =	vst v0;
	v5 =	vshrl.u32 v5, $0x1  }
0xb2: {  	[tilespmem:$0x5E0] =	vst v5;
	v5 =	vld [tilespmem:$0x3E0]  }
0xb3: {  	[tilespmem:$0x10B80] =	vst v0  }
0xb4: {  	[tilespmem:$0x10990] =	vst v0  }
0xb5: {  	[tilespmem:$0x10B90] =	vst v0  }
0xb6: {  	[tilespmem:$0x109A0] =	vst v0  }
0xb7: {  	[tilespmem:$0x10BA0] =	vst v0;
	v5 =	vshrl.u32 v5, $0x1  }
0xb8: {  	[tilespmem:$0x7E0] =	vst v5;
	v5 =	vld [tilespmem:$0x1F0]  }
0xb9: {  	[tilespmem:$0x109B0] =	vst v0  }
0xba: {  	[tilespmem:$0x10BB0] =	vst v0  }
0xbb: {  	[tilespmem:$0x109C0] =	vst v0  }
0xbc: {  	[tilespmem:$0x10BC0] =	vst v0  }
0xbd: {  	[tilespmem:$0x109D0] =	vst v0;
	v5 =	vshrl.u32 v5, $0x1  }
0xbe: {  	[tilespmem:$0x5F0] =	vst v5;
	v5 =	vld [tilespmem:$0x3F0]  }
0xbf: {  	[tilespmem:$0x10BD0] =	vst v0  }
0xc0: {  	[tilespmem:$0x109E0] =	vst v0  }
0xc1: {  	[tilespmem:$0x10BE0] =	vst v0  }
0xc2: {  	[tilespmem:$0x109F0] =	vst v0  }
0xc3: {  	s26 =	simm.s32 $0x400;
	[tilespmem:$0x10BF0] =	vst v0;
	v5 =	vshrl.u32 v5, $0x1  }
0xc4: {  	s28 =	simm.s32 $0x800;
	s29 =	simm.s32 $0x600;
	s30 =	simm.s32 $0x8800;
	[tilespmem:$0x7F0] =	vst v5  }
0xc5: {  	[tilespmem:s28], [sflag:$0x1] =	stream.indirect.gather [hbm4b:s0+s19], $0x80, s26, s19, $0xb8;
	[tilespmem:$0x10E00] =	vst v63  }
0xc6: {  	p0 =	por $0x0, $0x0;
	s18 =	simm.s32 $0x0;
	s20 =	simm.s32 $0x0  }
0xc7: {  	[tilespmem:s30], [sflag:$0x1] =	stream.indirect.gather [hbm4b:s1+s19], $0x80, s29, s19, $0xb8;
	[tilespmem:$0x10E00] =	vst v63  }
.LBB2_2:
0xc8: {  	_ =	swait.ge [sflag:s31], $0x4000  }
0xc9: {  	p1 =	seq.s32 s20, $0x17;
	[sflag:s31] =	ssyncset.done $0x0  }
0xca: {  	s4 =	sadd.s32 @!p1 $0x1, s20;
	s25 =	simm.s32 @!p1 $0x80;
	[sflag:s31] =	ssyncadd.s32 $0xFFFFC000  }
0xcb: {  	s6 =	sshll.u32 @!p1 s4, $0x7;
	s21 =	sshrl.u32 @!p1 s4, $0x2;
	s4 =	sshll.u32 @!p1 s4, $0xE  }
0xcc: {  	_ =	swait.ge [sflag:s31], $0x4000;
	s6 =	sand.u32 @!p1 $0x180, s6;
	s21 =	smul.u32 @!p1 $0xC3500, s21  }
0xcd: {  	s4 =	sand.u32 @!p1 $0x4000, s4;
	[sflag:s31] =	ssyncset.done $0x0;
	s22 =	sor.u32 @!p1 $0x400, s6  }
0xce: {  	s23 =	sor.u32 @!p1 $0x800, s4;
	[sflag:s31] =	ssyncadd.s32 $0xFFFFC000;
	s24 =	sadd.s32 @!p1 s0, s21  }
0xcf: {  	[tilespmem:s23], [sflag:$0x1] =	stream.indirect.gather @!p1 [hbm4b:s24+s25], $0x80, s22, s25, $0xb8;
	[tilespmem:$0x10E00] =	vst v63  }
0xd0: {  	s6 =	sor.u32 @!p1 $0x600, s6;
	s4 =	sor.u32 @!p1 $0x8800, s4;
	s21 =	sadd.s32 @!p1 s1, s21  }
0xd1: {  	[tilespmem:s4], [sflag:$0x1] =	stream.indirect.gather @!p1 [hbm4b:s21+s25], $0x80, s6, s25, $0xb8;
	[tilespmem:$0x10E00] =	vst v63  }
0xd2: {  	v9 =	vld [tilespmem:$0x10D80];
	_ =	sdelay $0x2  }
0xd3: {  	s3 =	sshrl.u32 s20, $0x2  }
0xd4: {  	v10 =	vmov s3  }
0xd5: {  	s29 =	sshll.u32 s3, $0x6;
	v9 =	vperm.xlane v9, v10;
	v10 =	vld [tilespmem:$0x1FFF0]  }
0xd6: {  	s4 =	sand.u32 $0x3FFFFFC0, s29  }
0xd7: {  	s30 =	sshll.u32 s18, $0x7;
	s6 =	simm.s32 $0x1;
	v5 =	vld [tilespmem:s4+$0x10C00]  }
0xd8: {  	s28 =	simm.s32 $0x0;
	s21 =	sand.u32 $0x180, s30;
	s6 =	simm.s32 @!p0 $0x0;
	v6 =	vld [tilespmem:s4+$0x10C10]  }
0xd9: {  	vm3 =	vmmov vm2;
	s24 =	sor.u32 $0x200, s21;
	v7 =	vld [tilespmem:s4+$0x10C20];
	s25 =	sor.u32 $0x10800, s21;
	s6 =	sshll.u32 s6, $0xE  }
0xda: {  	vm2 =	vmmov vm3;
	vm3 =	vcmask $0x1F28;
	s26 =	sor.u32 $0x10A00, s21;
	v8 =	vld [tilespmem:s4+$0x10C30];
	s22 =	sor.u32 $0x8800, s6;
	s23 =	sor.u32 $0x800, s6;
	vm4 =	vnez.u8 v10  }
.LBB2_3:
0xdb: {  	v11 =	vld [tilespmem:s21+$0x0];
	_ =	sdelay $0x3  }
0xdc: {  	v10 =	vld [tilespmem:s24+$0x0]  }
0xdd: {  	(v2sf) =	vpush v11, $0x0;
	_ =	sdelay $0x3  }
0xde: {  	(v2sf) =	vpush v10, $0x0;
	_ =	sdelay $0x3  }
0xdf: {  	(v2sf) =	vpush v11, $0x1  }
0xe0: {  	(v2sf) =	vpush v10, $0x1  }
0xe1: {  	(v2sf) =	vpush v11, $0x2  }
0xe2: {  	(v2sf) =	vpush v10, $0x2;
	_ =	sdelay $0x3  }
0xe3: {  	s3 =	spop (v2sf)  }
0xe4: {  	s3 =	sand.u32 $0x1, s3  }
0xe5: {  	s3 =	sshll.u32 s3, $0x6  }
0xe6: {  	s29 =	sshra.s32 s28, $0x2;
	s3 =	sadd.s32 s3, s23  }
0xe7: {  	s4 =	spop (v2sf);
	s3 =	sadd.s32 s29, s3  }
0xe8: {  	s4 =	sand.u32 $0x1, s4;
	v12 =	vld [tilespmem:s3+$0x0]  }
0xe9: {  	s4 =	sshll.u32 s4, $0x6;
	v14 =	vld [tilespmem:s3+$0x10]  }
0xea: {  	s4 =	sadd.s32 s4, s22;
	v16 =	vld [tilespmem:s3+$0x20]  }
0xeb: {  	s7 =	spop (v2sf);
	s4 =	sadd.s32 s29, s4;
	v18 =	vld [tilespmem:s3+$0x30]  }
0xec: {  	s8 =	spop (v2sf);
	s3 =	sand.u32 $0x1, s7;
	v13 =	vld [tilespmem:s4+$0x0]  }
0xed: {  	(v2sf) =	vpush v11, $0x3;
	s6 =	spop (v2sf);
	v15 =	vld [tilespmem:s4+$0x10];
	s3 =	sshll.u32 s3, $0x6  }
0xee: {  	s30 =	spop (v2sf);
	(v2sf) =	vpush v10, $0x3;
	v17 =	vld [tilespmem:s4+$0x20];
	s3 =	sadd.s32 s3, s23  }
0xef: {  	v19 =	vld [tilespmem:s4+$0x30];
	s3 =	sadd.s32 s29, s3  }
0xf0: {  	s4 =	sand.u32 $0x1, s8;
	v44 =	vld [tilespmem:s3+$0x80]  }
0xf1: {  	s4 =	sshll.u32 s4, $0x6;
	v46 =	vld [tilespmem:s3+$0x90]  }
0xf2: {  	(v2sf) =	vpush v11, $0x4;
	s4 =	sadd.s32 s4, s22;
	v20 =	vld [tilespmem:s3+$0xA0]  }
0xf3: {  	(v2sf) =	vpush v10, $0x4;
	s4 =	sadd.s32 s29, s4;
	v51 =	vld [tilespmem:s3+$0xB0]  }
0xf4: {  	s6 =	sand.u32 $0x1, s6;
	(v2sf) =	vpush v11, $0x5;
	v45 =	vld [tilespmem:s4+$0x80]  }
0xf5: {  	s6 =	sshll.u32 s6, $0x6;
	v49 =	vld [tilespmem:s4+$0x90];
	v12 =	vmul.f32 v13, v12;
	v14 =	vmul.f32 v15, v14  }
0xf6: {  	s30 =	sand.u32 $0x1, s30;
	s9 =	sadd.s32 s6, s23;
	v50 =	vld [tilespmem:s4+$0xA0];
	v13 =	vmul.f32 v13, v5;
	v15 =	vmul.f32 v15, v6  }
0xf7: {  	s30 =	sshll.u32 s30, $0x6;
	s3 =	sadd.s32 s29, s9;
	(v2sf) =	vpush v10, $0x5;
	v23 =	vld [tilespmem:s4+$0xB0];
	v40 =	vmul.f32 v17, v16;
	v12 =	vadd.f32 v14, v12  }
0xf8: {  	s6 =	sadd.s32 s30, s22;
	v24 =	vld [tilespmem:s3+$0x100];
	v41 =	vmul.f32 v17, v7;
	v13 =	vadd.f32 v15, v13  }
0xf9: {  	s4 =	sadd.s32 s29, s6;
	v26 =	vld [tilespmem:s3+$0x110];
	v42 =	vmul.f32 v19, v18;
	v43 =	vmul.f32 v19, v8;
	v12 =	vadd.f32 v40, v12  }
0xfa: {  	v29 =	vld [tilespmem:s4+$0x110];
	v13 =	vadd.f32 v41, v13;
	v53 =	vmul.f32 v45, v5;
	v25 =	vmul.f32 v49, v6  }
0xfb: {  	v52 =	vld [tilespmem:s4+$0x100];
	v14 =	vmul.f32 v45, v44;
	v15 =	vmul.f32 v49, v46  }
0xfc: {  	v58 =	vld [tilespmem:s3+$0x130];
	v54 =	vmul.f32 v50, v7;
	v12 =	vadd.f32 v42, v12;
	v13 =	vadd.f32 v43, v13;
	s7 =	spop (v2sf)  }
0xfd: {  	v55 =	vld [tilespmem:s4+$0x120];
	v57 =	vmul.f32 v23, v8;
	v59 =	vmul.f32 v50, v20;
	v14 =	vadd.f32 v15, v14;
	s8 =	spop (v2sf)  }
0xfe: {  	vm7 =	vcmask $0x30C;
	v60 =	vld [tilespmem:s4+$0x130];
	v47 =	vperm.xlane v12, v1;
	v48 =	vperm.xlane v13, v1;
	s4 =	sand.u32 $0x1, s8  }
0xff: {  	v62 =	vmul.f32 v29, v26;
	v26 =	vmul.f32 v23, v51;
	v14 =	vadd.f32 v59, v14;
	s4 =	sshll.u32 s4, $0x6  }
0x100: {  	v61 =	vmul.f32 v52, v24;
	v12 =	vadd.f32 v12, v47;
	v13 =	vadd.f32 v48, v13;
	s4 =	sadd.s32 s4, s22  }
0x101: {  	v30 =	vld [tilespmem:s3+$0x120];
	v31 =	vmul.f32 v29, v6;
	s3 =	sand.u32 $0x1, s7;
	v14 =	vadd.f32 v26, v14;
	s9 =	spop (v2sf);
	(v2sf) =	vpush v11, $0x6;
	s4 =	sadd.s32 s29, s4  }
0x102: {  	s3 =	sshll.u32 s3, $0x6;
	s7 =	spop (v2sf);
	(v2sf) =	vpush v10, $0x6;
	v21 =	vperm.xlane v12, v2;
	v22 =	vperm.xlane v13, v2;
	v39 =	vld [tilespmem:s4+$0x180]  }
0x103: {  	v33 =	vmul.f32 v60, v58;
	s6 =	sand.u32 $0x1, s9;
	v34 =	vperm.xlane v14, v1;
	s9 =	sand.u32 $0x1, s7;
	s7 =	spop (v2sf);
	(v2sf) =	vpush v11, $0x7;
	v41 =	vld [tilespmem:s4+$0x190]  }
0x104: {  	v16 =	vmul.f32 v55, v7;
	s3 =	sadd.s32 s3, s23;
	v12 =	vadd.f32 v21, v12;
	v13 =	vadd.f32 v22, v13;
	v46 =	vld [tilespmem:s4+$0x1A0]  }
0x105: {  	v36 =	vmul.f32 v60, v8;
	s3 =	sadd.s32 s29, s3;
	s8 =	sshll.u32 s6, $0x6;
	v22 =	vadd.f32 v25, v53;
	v14 =	vadd.f32 v14, v34;
	v50 =	vld [tilespmem:s4+$0x1B0]  }
0x106: {  	v20 =	vadd.f32 v62, v61;
	v53 =	vld [tilespmem:s3+$0x1A0];
	s4 =	sadd.s32 s8, s23;
	s8 =	spop (v2sf);
	(v2sf) =	vpush v10, $0x7;
	v28 =	vperm.xlane v13, v3  }
0x107: {  	s6 =	sshll.u32 s9, $0x6;
	v27 =	vperm.xlane v12, v3;
	v56 =	vadd.f32 v54, v22;
	v40 =	vperm.xlane v14, v2  }
0x108: {  	s6 =	sadd.s32 s6, s22;
	v13 =	vadd.f32 v28, v13;
	v28 =	vmul.f32 v55, v30;
	v30 =	vmul.f32 v52, v5  }
0x109: {  	s30 =	sadd.s32 s29, s4;
	s4 =	sadd.s32 s29, s6;
	v19 =	vadd.f32 v57, v56;
	v51 =	vmul.f32 v39, v5;
	v52 =	vmul.f32 v41, v6  }
0x10a: {  	v59 =	vld [tilespmem:s4+$0x200];
	v12 =	vadd.f32 v27, v12;
	v58 =	vmul.f32 v46, v7;
	v60 =	vmul.f32 v50, v8  }
0x10b: {  	v48 =	vld [tilespmem:s3+$0x190];
	v14 =	vadd.f32 v40, v14;
	v62 =	vmul.f32 v46, v53;
	v27 =	vperm.xlane v19, v1  }
0x10c: {  	v56 =	vld [tilespmem:s3+$0x1B0];
	v63 =	vperm.xlane v13, v4;
	v32 =	vadd.f32 v28, v20;
	v15 =	vadd.f32 v31, v30  }
0x10d: {  	v42 =	vperm.xlane v12, v4;
	v22 =	vadd.f32 v52, v51;
	v18 =	vadd.f32 v27, v19  }
0x10e: {  	v49 =	vperm.xlane v14, v3;
	v31 =	vld [tilespmem:s30+$0x200];
	v13 =	vadd.f32 v63, v13;
	v19 =	vadd.f32 v33, v32  }
0x10f: {  	v43 =	vld [tilespmem:s3+$0x180];
	v20 =	vmul.f32 v59, v5;
	v15 =	vadd.f32 v16, v15;
	v12 =	vadd.f32 v42, v12  }
0x110: {  	v61 =	vld [tilespmem:s30+$0x210];
	v14 =	vadd.f32 v49, v14;
	v16 =	vmul.f32 v41, v48;
	v22 =	vadd.f32 v58, v22  }
0x111: {  	s3 =	sand.u32 $0x1, s7;
	v63 =	vld [tilespmem:s4+$0x210];
	v34 =	vmul.f32 v50, v56;
	v35 =	vperm.xlane v18, v2;
	v13 =	vadd.f32 v13, v9  }
0x112: {  	s3 =	sshll.u32 s3, $0x6;
	v38 =	vperm.xlane v19, v1;
	v15 =	vadd.f32 v36, v15;
	v32 =	vperm.xlane v14, v4  }
0x113: {  	s3 =	sadd.s32 s3, s23;
	v22 =	vadd.f32 v60, v22;
	v40 =	vmul.f32 v59, v31;
	s9 =	spop (v2sf);
	(v2sf) =	vpush v11, $0x8  }
0x114: {  	s3 =	sadd.s32 s29, s3;
	v33 =	vld [tilespmem:s30+$0x220];
	v37 =	vadd.f32 v35, v18;
	v18 =	vadd.f32 v19, v38;
	v45 =	vperm.xlane v15, v1  }
0x115: {  	v49 =	vld [tilespmem:s3+$0x290];
	v13 =	vsel vm0, v13, v9;
	v19 =	vmul.f32 v39, v43;
	v36 =	vperm.xlane v22, v1  }
0x116: {  	v35 =	vld [tilespmem:s4+$0x220];
	v14 =	vadd.f32 v32, v14;
	v25 =	vmul.f32 v63, v61;
	v24 =	vmul.f32 v63, v6  }
0x117: {  	v39 =	vld [tilespmem:s4+$0x230];
	s4 =	sand.u32 $0x1, s8;
	v44 =	vperm.xlane v37, v3;
	v15 =	vadd.f32 v45, v15;
	v16 =	vadd.f32 v16, v19  }
0x118: {  	v58 =	vld [tilespmem:s3+$0x2B0];
	s4 =	sshll.u32 s4, $0x6;
	v47 =	vperm.xlane v18, v2;
	v22 =	vadd.f32 v36, v22;
	v25 =	vadd.f32 v25, v40  }
0x119: {  	s4 =	sadd.s32 s4, s22;
	v45 =	vld [tilespmem:s3+$0x280];
	v12 =	vsel vm0, v12, v14;
	v20 =	vadd.f32 v24, v20;
	v17 =	vadd.f32 v44, v37  }
0x11a: {  	s4 =	sadd.s32 s29, s4;
	v18 =	vadd.f32 v47, v18;
	v55 =	vperm.xlane v15, v2;
	v16 =	vadd.f32 v62, v16;
	v37 =	vld [tilespmem:s30+$0x230]  }
0x11b: {  	v48 =	vld [tilespmem:s4+$0x280];
	s30 =	spop (v2sf);
	(v2sf) =	vpush v10, $0x8;
	v42 =	vperm.xlane v22, v2;
	v23 =	vmul.f32 v35, v33  }
0x11c: {  	v51 =	vld [tilespmem:s4+$0x290];
	v21 =	vmul.f32 v35, v7;
	v19 =	vmul.f32 v39, v8;
	v15 =	vadd.f32 v55, v15  }
0x11d: {  	v62 =	vld [tilespmem:s4+$0x2B0];
	v54 =	vperm.xlane v17, v4;
	v57 =	vperm.xlane v18, v3;
	v16 =	vadd.f32 v34, v16  }
0x11e: {  	v22 =	vadd.f32 v42, v22;
	v23 =	vadd.f32 v23, v25;
	v28 =	vperm.xlane v15, v3  }
0x11f: {  	v20 =	vadd.f32 v21, v20;
	v41 =	vperm.xlane v16, v1;
	v43 =	vmul.f32 v39, v37  }
0x120: {  	v53 =	vld [tilespmem:s3+$0x2A0];
	v17 =	vadd.f32 v54, v17;
	v47 =	vperm.xlane v22, v3;
	v24 =	vmul.f32 v48, v45  }
0x121: {  	v55 =	vld [tilespmem:s4+$0x2A0];
	v18 =	vadd.f32 v57, v18;
	v21 =	vmul.f32 v51, v49;
	v33 =	vmul.f32 v48, v5  }
0x122: {  	v52 =	vadd.f32 v19, v20;
	v34 =	vmul.f32 v51, v6;
	v39 =	vmul.f32 v62, v58  }
0x123: {  	v17 =	vadd.f32 v17, v9;
	v38 =	vperm.xlane v18, v4;
	v15 =	vadd.f32 v28, v15  }
0x124: {  	v16 =	vadd.f32 v16, v41;
	v41 =	vmul.f32 v62, v8;
	v23 =	vadd.f32 v43, v23  }
0x125: {  	s3 =	sand.u32 $0x1, s9;
	v22 =	vadd.f32 v47, v22;
	v60 =	vperm.xlane v52, v1;
	v35 =	vadd.f32 v21, v24  }
0x126: {  	v59 =	vld [tilespmem:$0x1FF70];
	s3 =	sshll.u32 s3, $0x6;
	s4 =	sand.u32 $0x1, s30;
	v19 =	vmul.f32 v55, v53;
	v36 =	vmul.f32 v55, v7;
	v18 =	vadd.f32 v38, v18  }
0x127: {  	s3 =	sadd.s32 s3, s23;
	s4 =	sshll.u32 s4, $0x6;
	v44 =	vperm.xlane v15, v4;
	v46 =	vperm.xlane v16, v2;
	v17 =	vsel vm7, v13, v17  }
0x128: {  	v63 =	vld [tilespmem:$0x1FF80];
	s3 =	sadd.s32 s29, s3;
	s4 =	sadd.s32 s4, s22;
	vm7 =	vmmov vm13;
	vm13 =	vmmov vm9;
	vm9 =	vmmov vm5  }
0x129: {  	v37 =	vld [tilespmem:s3+$0x300];
	s4 =	sadd.s32 s29, s4;
	vm5 =	vmmov vm15;
	vm15 =	vmmov vm14;
	vm14 =	vmmov vm12  }
0x12a: {  	v40 =	vld [tilespmem:s4+$0x300];
	vm12 =	vmmov vm11;
	vm11 =	vmmov vm10;
	vm10 =	vmmov vm8  }
0x12b: {  	v48 =	vld [tilespmem:s4+$0x320];
	vm8 =	vmmov vm6;
	vm6 =	vnez.u8 v59;
	v50 =	vperm.xlane v23, v1  }
0x12c: {  	v57 =	vperm.xlane v22, v4;
	v14 =	vadd.f32 v60, v52;
	v15 =	vadd.f32 v44, v15  }
0x12d: {  	v53 =	vld [tilespmem:s4+$0x330];
	v16 =	vadd.f32 v46, v16;
	v12 =	vsel vm6, v12, v18;
	v18 =	vadd.f32 v19, v35  }
0x12e: {  	vm6 =	vnez.u8 v63;
	v44 =	vld [tilespmem:s4+$0x310];
	s4 =	spop (v2sf);
	(v2sf) =	vpush v11, $0x9;
	v54 =	vadd.f32 v23, v50  }
0x12f: {  	v38 =	vperm.xlane v14, v2;
	v22 =	vadd.f32 v57, v22;
	v23 =	vmul.f32 v40, v37  }
0x130: {  	v42 =	vld [tilespmem:s3+$0x310];
	s6 =	spop (v2sf);
	v25 =	vmul.f32 v40, v5;
	v58 =	vmul.f32 v48, v7;
	(v2sf) =	vpush v10, $0x9  }
0x131: {  	v46 =	vld [tilespmem:s3+$0x320];
	v13 =	vadd.f32 v15, v13;
	v56 =	vperm.xlane v16, v3;
	v18 =	vadd.f32 v39, v18  }
0x132: {  	v24 =	vmul.f32 v53, v8;
	s7 =	spop (v2sf);
	(v2sf) =	vpush v11, $0xA;
	v61 =	vperm.xlane v54, v2  }
0x133: {  	v50 =	vld [tilespmem:s3+$0x330];
	v14 =	vadd.f32 v38, v14;
	v22 =	vadd.f32 v22, v17;
	v13 =	vsel vm6, v17, v13  }
0x134: {  	s3 =	sand.u32 $0x1, s4;
	vm6 =	vmmov vm8;
	v15 =	vadd.f32 v56, v16;
	v47 =	vperm.xlane v18, v1  }
0x135: {  	s3 =	sshll.u32 s3, $0x6;
	v16 =	vadd.f32 v34, v33;
	v51 =	vperm.xlane v14, v3;
	v26 =	vmul.f32 v44, v42  }
0x136: {  	s4 =	sand.u32 $0x1, s6;
	s3 =	sadd.s32 s3, s23;
	v38 =	vld [tilespmem:$0x1FFA0];
	v20 =	vadd.f32 v61, v54;
	v21 =	vmul.f32 v48, v46;
	v19 =	vmul.f32 v44, v6  }
0x137: {  	s4 =	sshll.u32 s4, $0x6;
	s3 =	sadd.s32 s29, s3;
	v34 =	vld [tilespmem:$0x1FF90];
	s8 =	spop (v2sf);
	(v2sf) =	vpush v10, $0xA;
	v16 =	vadd.f32 v36, v16;
	v45 =	vperm.xlane v15, v4  }
0x138: {  	s4 =	sadd.s32 s4, s22;
	v59 =	vld [tilespmem:s3+$0x380];
	v18 =	vadd.f32 v18, v47;
	v56 =	vmul.f32 v53, v50;
	v14 =	vadd.f32 v51, v14  }
0x139: {  	s4 =	sadd.s32 s29, s4;
	v63 =	vld [tilespmem:s3+$0x390];
	v43 =	vperm.xlane v20, v3;
	v23 =	vadd.f32 v26, v23;
	v19 =	vadd.f32 v19, v25  }
0x13a: {  	v62 =	vld [tilespmem:s4+$0x380];
	v16 =	vadd.f32 v41, v16;
	v15 =	vadd.f32 v45, v15;
	v54 =	vperm.xlane v18, v2  }
0x13b: {  	v33 =	vld [tilespmem:s4+$0x390];
	v20 =	vadd.f32 v43, v20;
	v21 =	vadd.f32 v21, v23;
	v57 =	vperm.xlane v14, v4  }
0x13c: {  	v36 =	vld [tilespmem:s3+$0x3A0];
	v19 =	vadd.f32 v58, v19;
	vm8 =	vnez.u8 v34;
	v49 =	vperm.xlane v16, v1  }
0x13d: {  	v37 =	vld [tilespmem:s4+$0x3A0];
	v18 =	vadd.f32 v54, v18;
	v12 =	vsel vm8, v12, v15;
	vm8 =	vmmov vm10  }
0x13e: {  	vm10 =	vcmask $0xB14;
	v52 =	vperm.xlane v20, v4;
	v21 =	vadd.f32 v56, v21  }
0x13f: {  	v44 =	vld [tilespmem:s4+$0x3B0];
	s4 =	sand.u32 $0x1, s8;
	v14 =	vadd.f32 v57, v14;
	v35 =	vadd.f32 v24, v19;
	v13 =	vsel vm10, v13, v22  }
0x140: {  	s4 =	sshll.u32 s4, $0x6;
	v41 =	vld [tilespmem:s3+$0x3B0];
	vm10 =	vmmov vm11;
	v45 =	vmul.f32 v62, v59;
	v25 =	vmul.f32 v33, v63  }
0x141: {  	s4 =	sadd.s32 s4, s22;
	vm11 =	vnez.u8 v38;
	v23 =	vmul.f32 v62, v5;
	v46 =	vmul.f32 v33, v6  }
0x142: {  	s4 =	sadd.s32 s29, s4;
	v19 =	vmul.f32 v37, v36;
	v22 =	vmul.f32 v37, v7;
	v16 =	vadd.f32 v49, v16  }
0x143: {  	v53 =	vld [tilespmem:s4+$0x400];
	v60 =	vperm.xlane v18, v3;
	v20 =	vadd.f32 v52, v20;
	v32 =	vperm.xlane v21, v1  }
0x144: {  	s3 =	sand.u32 $0x1, s7;
	v14 =	vadd.f32 v14, v17;
	v42 =	vperm.xlane v35, v1;
	v47 =	vadd.f32 v25, v45  }
0x145: {  	s3 =	sshll.u32 s3, $0x6;
	v58 =	vld [tilespmem:$0x1FFB0];
	v49 =	vadd.f32 v46, v23;
	v52 =	vmul.f32 v44, v41;
	v55 =	vperm.xlane v16, v2  }
0x146: {  	s3 =	sadd.s32 s3, s23;
	v57 =	vld [tilespmem:s4+$0x410];
	v18 =	vadd.f32 v60, v18;
	v21 =	vadd.f32 v21, v32;
	v12 =	vsel vm11, v12, v20  }
0x147: {  	s3 =	sadd.s32 s29, s3;
	vm11 =	vmmov vm12;
	v15 =	vadd.f32 v42, v35;
	v17 =	vadd.f32 v19, v47  }
0x148: {  	v50 =	vld [tilespmem:s3+$0x400];
	vm12 =	vcmask $0xF18;
	s9 =	spop (v2sf);
	v42 =	vmul.f32 v53, v5;
	(v2sf) =	vpush v11, $0xB  }
0x149: {  	v56 =	vld [tilespmem:s3+$0x410];
	v16 =	vadd.f32 v55, v16;
	v39 =	vperm.xlane v18, v4;
	v55 =	vmul.f32 v44, v8  }
0x14a: {  	v36 =	vld [tilespmem:s4+$0x430];
	v14 =	vsel vm12, v13, v14;
	vm12 =	vmmov vm14;
	vm14 =	vnez.u8 v58  }
0x14b: {  	v34 =	vld [tilespmem:s3+$0x430];
	s30 =	spop (v2sf);
	v19 =	vmul.f32 v57, v6;
	(v2sf) =	vpush v10, $0xB;
	v43 =	vperm.xlane v21, v2  }
0x14c: {  	v51 =	vperm.xlane v15, v2;
	v17 =	vadd.f32 v52, v17;
	(v2sf) =	vpush v11, $0xC  }
0x14d: {  	v32 =	vld [tilespmem:s4+$0x420];
	v37 =	vmul.f32 v53, v50;
	v18 =	vadd.f32 v39, v18;
	v19 =	vadd.f32 v19, v42  }
0x14e: {  	v38 =	vmul.f32 v57, v56;
	(v2sf) =	vpush v10, $0xC;
	v48 =	vadd.f32 v43, v21  }
0x14f: {  	v61 =	vperm.xlane v16, v3;
	v21 =	vadd.f32 v22, v49;
	v15 =	vadd.f32 v51, v15  }
0x150: {  	s4 =	sand.u32 $0x1, s30;
	v63 =	vperm.xlane v17, v1;
	v20 =	vadd.f32 v38, v37;
	v43 =	vmul.f32 v36, v34  }
0x151: {  	s4 =	sshll.u32 s4, $0x6;
	(v2sf) =	vpush v11, $0xD;
	v16 =	vadd.f32 v61, v16;
	v18 =	vsel vm14, v12, v18  }
0x152: {  	s4 =	sadd.s32 s4, s22;
	vm14 =	vmmov vm15;
	v44 =	vmul.f32 v32, v7;
	vm15 =	vcmask $0x131C  }
0x153: {  	v61 =	vld [tilespmem:s3+$0x420];
	s4 =	sadd.s32 s29, s4;
	(v2sf) =	vpush v10, $0xD;
	v54 =	vperm.xlane v48, v3;
	v60 =	vadd.f32 v55, v21  }
0x154: {  	s6 =	spop (v2sf);
	v62 =	vperm.xlane v15, v3;
	v17 =	vadd.f32 v17, v63;
	v47 =	vld [tilespmem:s4+$0x480];
	(v2sf) =	vpush v11, $0xE  }
0x155: {  	s7 =	spop (v2sf);
	v52 =	vld [tilespmem:s4+$0x490];
	v40 =	vperm.xlane v16, v4;
	v19 =	vadd.f32 v44, v19;
	(v2sf) =	vpush v10, $0xE  }
0x156: {  	s3 =	sand.u32 $0x1, s9;
	v57 =	vld [tilespmem:s4+$0x4A0];
	v59 =	vadd.f32 v54, v48;
	v15 =	vadd.f32 v62, v15;
	v48 =	vmul.f32 v36, v8  }
0x157: {  	s3 =	sshll.u32 s3, $0x6;
	v63 =	vld [tilespmem:s4+$0x4B0];
	v33 =	vperm.xlane v60, v1;
	v16 =	vadd.f32 v40, v16;
	v40 =	vperm.xlane v17, v2  }
0x158: {  	s3 =	sadd.s32 s3, s23;
	v35 =	vperm.xlane v59, v4;
	v39 =	vperm.xlane v15, v4;
	v54 =	vadd.f32 v48, v19  }
0x159: {  	v58 =	vld [tilespmem:$0x1FFC0];
	s3 =	sadd.s32 s29, s3;
	v21 =	vmul.f32 v32, v61;
	v13 =	vadd.f32 v16, v13;
	v16 =	vadd.f32 v33, v60  }
0x15a: {  	v45 =	vld [tilespmem:s3+$0x480];
	v17 =	vadd.f32 v40, v17;
	v32 =	vmul.f32 v47, v5;
	v33 =	vmul.f32 v52, v6  }
0x15b: {  	s4 =	sand.u32 $0x1, s7;
	v49 =	vld [tilespmem:s3+$0x490];
	v22 =	vadd.f32 v35, v59;
	v20 =	vadd.f32 v21, v20;
	v60 =	vperm.xlane v54, v1  }
0x15c: {  	s4 =	sshll.u32 s4, $0x6;
	v55 =	vld [tilespmem:s3+$0x4A0];
	v15 =	vadd.f32 v39, v15;
	v35 =	vmul.f32 v57, v7;
	v39 =	vmul.f32 v63, v8  }
0x15d: {  	s4 =	sadd.s32 s4, s22;
	v61 =	vld [tilespmem:s3+$0x4B0];
	v41 =	vperm.xlane v16, v2;
	v46 =	vperm.xlane v17, v3;
	v12 =	vsel vm15, v14, v13  }
0x15e: {  	v42 =	vld [tilespmem:$0x1FFE0];
	s4 =	sadd.s32 s29, s4;
	vm15 =	vmmov vm5;
	vm5 =	vnez.u8 v58;
	v19 =	vadd.f32 v33, v32  }
0x15f: {  	v38 =	vld [tilespmem:s4+$0x500];
	v20 =	vadd.f32 v43, v20;
	v53 =	vadd.f32 v15, v14;
	v18 =	vsel vm5, v18, v22  }
0x160: {  	s3 =	sand.u32 $0x1, s6;
	v59 =	vld [tilespmem:$0x1FFD0];
	vm5 =	vmmov vm9;
	v14 =	vadd.f32 v60, v54;
	v31 =	vmul.f32 v47, v45  }
0x161: {  	v48 =	vld [tilespmem:s4+$0x530];
	s3 =	sshll.u32 s3, $0x6;
	v24 =	vmul.f32 v52, v49;
	v15 =	vmul.f32 v57, v55;
	v16 =	vadd.f32 v41, v16  }
0x162: {  	v40 =	vld [tilespmem:s4+$0x510];
	s3 =	sadd.s32 s3, s23;
	v17 =	vadd.f32 v46, v17;
	v36 =	vmul.f32 v63, v61;
	v19 =	vadd.f32 v35, v19  }
0x163: {  	s3 =	sadd.s32 s29, s3;
	v45 =	vld [tilespmem:s4+$0x520];
	s8 =	spop (v2sf);
	(v2sf) =	vpush v11, $0xF;
	v51 =	vperm.xlane v20, v1;
	v34 =	vperm.xlane v14, v2  }
0x164: {  	v49 =	vld [tilespmem:s3+$0x500];
	v22 =	vadd.f32 v24, v31;
	s9 =	spop (v2sf);
	(v2sf) =	vpush v10, $0xF;
	v50 =	vperm.xlane v16, v3  }
0x165: {  	v58 =	vld [tilespmem:s3+$0x510];
	v56 =	vperm.xlane v17, v4;
	vm9 =	vnez.u8 v59;
	v43 =	vadd.f32 v39, v19  }
0x166: {  	v59 =	vmul.f32 v48, v8;
	v20 =	vadd.f32 v20, v51;
	v13 =	vsel vm9, v12, v53  }
0x167: {  	v11 =	vld [tilespmem:s3+$0x530];
	vm9 =	vmmov vm13;
	v14 =	vadd.f32 v34, v14;
	v15 =	vadd.f32 v15, v22  }
0x168: {  	s30 =	sand.u32 $0x1, s9;
	vm13 =	vnez.u8 v42;
	v51 =	vmul.f32 v40, v6;
	v47 =	vperm.xlane v43, v1  }
0x169: {  	s30 =	sshll.u32 s30, $0x6;
	v16 =	vadd.f32 v50, v16;
	v50 =	vmul.f32 v38, v5;
	v55 =	vmul.f32 v45, v7  }
0x16a: {  	v17 =	vadd.f32 v56, v17;
	s7 =	sadd.s32 s30, s22;
	v21 =	vmul.f32 v38, v49;
	v10 =	vmul.f32 v40, v58  }
0x16b: {  	v27 =	vperm.xlane v20, v2;
	v15 =	vadd.f32 v36, v15;
	v41 =	vperm.xlane v14, v3;
	s4 =	sadd.s32 s29, s7  }
0x16c: {  	v11 =	vmul.f32 v48, v11;
	v62 =	vperm.xlane v16, v4;
	v17 =	vsel vm13, v18, v17;
	v29 =	vld [tilespmem:s4+$0x580]  }
0x16d: {  	vm13 =	vmmov vm7;
	vm7 =	vcmask $0x1B24;
	v18 =	vadd.f32 v47, v43;
	v56 =	vld [tilespmem:s4+$0x590]  }
0x16e: {  	s6 =	sand.u32 $0x1, s8;
	v54 =	vadd.f32 v51, v50;
	v60 =	vld [tilespmem:s4+$0x5A0];
	v20 =	vadd.f32 v27, v20;
	v44 =	vperm.xlane v15, v1  }
0x16f: {  	s8 =	sshll.u32 s6, $0x6;
	v25 =	vld [tilespmem:s4+$0x5B0];
	v14 =	vadd.f32 v41, v14;
	v16 =	vadd.f32 v62, v16;
	v57 =	vperm.xlane v18, v2  }
0x170: {  	s9 =	spop (v2sf);
	v10 =	vadd.f32 v10, v21;
	v62 =	vld [tilespmem:s3+$0x520];
	s3 =	sadd.s32 s8, s23;
	v37 =	vperm.xlane v20, v3;
	v15 =	vadd.f32 v15, v44  }
0x171: {  	s4 =	sand.u32 $0x1, s9;
	v52 =	vperm.xlane v14, v4;
	s3 =	sadd.s32 s29, s3;
	v16 =	vadd.f32 v16, v12;
	v18 =	vadd.f32 v57, v18  }
0x172: {  	s30 =	spop (v2sf);
	s4 =	sshll.u32 s4, $0x6;
	v38 =	vld [tilespmem:s3+$0x580];
	v20 =	vadd.f32 v37, v20;
	v53 =	vperm.xlane v15, v2;
	v63 =	vmul.f32 v29, v5  }
0x173: {  	s6 =	sand.u32 $0x1, s30;
	s4 =	sadd.s32 s4, s23;
	v39 =	vld [tilespmem:s3+$0x590];
	v14 =	vadd.f32 v52, v14;
	v32 =	vmul.f32 v56, v6;
	v36 =	vmul.f32 v60, v7  }
0x174: {  	s6 =	sshll.u32 s6, $0x6;
	s30 =	sadd.s32 s29, s4;
	v43 =	vld [tilespmem:s3+$0x5A0];
	v41 =	vmul.f32 v25, v8;
	v13 =	vsel vm7, v13, v16;
	v35 =	vperm.xlane v18, v3  }
0x175: {  	s4 =	sadd.s32 s6, s22;
	v47 =	vld [tilespmem:s30+$0x600];
	v46 =	vperm.xlane v20, v4;
	v15 =	vadd.f32 v53, v15;
	v26 =	vadd.f32 v32, v63  }
0x176: {  	v37 =	vmul.f32 v45, v62;
	v45 =	vld [tilespmem:s3+$0x5B0];
	s3 =	sadd.s32 s29, s4;
	v12 =	vadd.f32 v14, v12;
	v18 =	vadd.f32 v35, v18  }
0x177: {  	s6 =	spop (v2sf);
	v49 =	vld [tilespmem:s3+$0x600];
	v16 =	vadd.f32 v46, v20;
	v20 =	vadd.f32 v55, v54;
	v61 =	vperm.xlane v15, v3  }
0x178: {  	s7 =	spop (v2sf);
	s6 =	sand.u32 $0x1, s6;
	v58 =	vld [tilespmem:s3+$0x620];
	v40 =	vadd.f32 v36, v26;
	v21 =	vadd.f32 v37, v10;
	v22 =	vmul.f32 v56, v39  }
0x179: {  	s6 =	sshll.u32 s6, $0x6;
	s4 =	sand.u32 $0x1, s7;
	v54 =	vld [tilespmem:s3+$0x610];
	v46 =	vperm.xlane v18, v4;
	v20 =	vadd.f32 v59, v20;
	v15 =	vadd.f32 v61, v15  }
0x17a: {  	s6 =	sadd.s32 s6, s23;
	v53 =	vld [tilespmem:s30+$0x610];
	s4 =	sshll.u32 s4, $0x6;
	v10 =	vsel vm2, v17, v16;
	v24 =	vadd.f32 v41, v40;
	v59 =	vmul.f32 v60, v43  }
0x17b: {  	s6 =	sadd.s32 s29, s6;
	s7 =	sadd.s32 s4, s22;
	v26 =	vld [tilespmem:s3+$0x630];
	v21 =	vadd.f32 v11, v21;
	v17 =	vmul.f32 v25, v45;
	v34 =	vperm.xlane v20, v1  }
0x17c: {  	s4 =	spop (v2sf);
	v36 =	vld [tilespmem:s6+$0x680];
	s7 =	sadd.s32 s29, s7;
	v50 =	vadd.f32 v46, v18;
	v44 =	vperm.xlane v15, v4;
	v48 =	vperm.xlane v24, v1  }
0x17d: {  	v55 =	vsel vm3, v13, v12;
	s8 =	spop (v2sf);
	v63 =	vld [tilespmem:s7+$0x680];
	v51 =	vperm.xlane v21, v1;
	v39 =	vmul.f32 v49, v5  }
0x17e: {  	s8 =	sand.u32 $0x1, s8;
	v30 =	vld [tilespmem:s7+$0x6A0];
	v45 =	vmul.f32 v58, v7;
	v13 =	vadd.f32 v50, v13;
	v40 =	vmul.f32 v54, v6  }
0x17f: {  	s3 =	spop (v2sf);
	v32 =	vld [tilespmem:s7+$0x6B0];
	s8 =	sshll.u32 s8, $0x6;
	v19 =	vadd.f32 v34, v20;
	v11 =	vadd.f32 v44, v15;
	v20 =	vmul.f32 v29, v38  }
0x180: {  	s9 =	spop (v2sf);
	s8 =	sadd.s32 s8, s22;
	v14 =	vadd.f32 v48, v24;
	v56 =	vadd.f32 v21, v51;
	v21 =	vld [tilespmem:s7+$0x690];
	v15 =	vmul.f32 v49, v47  }
0x181: {  	s9 =	sand.u32 $0x1, s9;
	v44 =	vld [tilespmem:s30+$0x620];
	s7 =	sadd.s32 s29, s8;
	v47 =	vmul.f32 v54, v53;
	v48 =	vmul.f32 v26, v8;
	v13 =	vsel vm6, v55, v13  }
0x182: {  	s8 =	sshll.u32 s9, $0x6;
	v43 =	vadd.f32 v40, v39;
	v25 =	vld [tilespmem:s7+$0x710];
	v49 =	vmul.f32 v63, v5;
	v60 =	vperm.xlane v14, v2  }
0x183: {  	s8 =	sadd.s32 s8, s22;
	v39 =	vld [tilespmem:s6+$0x690];
	v29 =	vmul.f32 v63, v36;
	v42 =	vperm.xlane v19, v2;
	v20 =	vadd.f32 v22, v20  }
0x184: {  	v27 =	vld [tilespmem:s7+$0x720];
	v61 =	vperm.xlane v56, v2;
	s8 =	sadd.s32 s29, s8;
	v15 =	vadd.f32 v47, v15;
	v14 =	vadd.f32 v60, v14  }
0x185: {  	v10 =	vsel vm4, v10, v11;
	v33 =	vld [tilespmem:s8+$0x780];
	v19 =	vadd.f32 v42, v19;
	v20 =	vadd.f32 v59, v20  }
0x186: {  	v23 =	vld [tilespmem:s8+$0x790];
	v12 =	vadd.f32 v61, v56;
	v50 =	vmul.f32 v21, v6;
	v42 =	vperm.xlane v14, v3  }
0x187: {  	v31 =	vld [tilespmem:s8+$0x7A0];
	v52 =	vperm.xlane v19, v3;
	v41 =	vadd.f32 v17, v20;
	v20 =	vadd.f32 v45, v43  }
0x188: {  	v17 =	vld [tilespmem:s7+$0x700];
	v35 =	vmul.f32 v25, v6;
	v21 =	vmul.f32 v21, v39;
	v14 =	vadd.f32 v42, v14  }
0x189: {  	v61 =	vld [tilespmem:s6+$0x6A0];
	v57 =	vadd.f32 v52, v19;
	v46 =	vperm.xlane v41, v1;
	v19 =	vmul.f32 v58, v44  }
0x18a: {  	v51 =	vadd.f32 v50, v49;
	v52 =	vmul.f32 v30, v7;
	v34 =	vperm.xlane v14, v4  }
0x18b: {  	v20 =	vadd.f32 v48, v20;
	v37 =	vmul.f32 v23, v6;
	v62 =	vperm.xlane v57, v4  }
0x18c: {  	v58 =	vmul.f32 v27, v7;
	v59 =	vmul.f32 v31, v7;
	v14 =	vadd.f32 v34, v14;
	v34 =	vld [tilespmem:s7+$0x730]  }
0x18d: {  	s4 =	sand.u32 $0x1, s4;
	v24 =	vld [tilespmem:s8+$0x7B0];
	v21 =	vadd.f32 v21, v29;
	v56 =	vmul.f32 v17, v5;
	v18 =	vadd.f32 v62, v57  }
0x18e: {  	s4 =	sshll.u32 s4, $0x6;
	v30 =	vmul.f32 v30, v61;
	v54 =	vadd.f32 v52, v51;
	v57 =	vmul.f32 v33, v5  }
0x18f: {  	s4 =	sadd.s32 s4, s23;
	v40 =	vld [tilespmem:s30+$0x630];
	v28 =	vadd.f32 v35, v56;
	v18 =	vadd.f32 v18, v55;
	v55 =	vmul.f32 v32, v8  }
0x190: {  	s4 =	sadd.s32 s29, s4;
	v53 =	vperm.xlane v20, v1;
	v15 =	vadd.f32 v19, v15;
	v22 =	vadd.f32 v37, v57  }
0x191: {  	v50 =	vld [tilespmem:s4+$0x720];
	v28 =	vadd.f32 v58, v28;
	v19 =	vadd.f32 v55, v54;
	v60 =	vmul.f32 v34, v8  }
0x192: {  	v16 =	vadd.f32 v41, v46;
	v62 =	vmul.f32 v24, v8;
	v22 =	vadd.f32 v59, v22  }
0x193: {  	v42 =	vld [tilespmem:s6+$0x6B0];
	v20 =	vadd.f32 v53, v20;
	v41 =	vperm.xlane v19, v1;
	v28 =	vadd.f32 v60, v28  }
0x194: {  	v26 =	vmul.f32 v26, v40;
	v21 =	vadd.f32 v30, v21;
	v22 =	vadd.f32 v62, v22  }
0x195: {  	v46 =	vld [tilespmem:s4+$0x700];
	v38 =	vperm.xlane v20, v2;
	v19 =	vadd.f32 v41, v19;
	v43 =	vperm.xlane v28, v1  }
0x196: {  	v15 =	vadd.f32 v26, v15;
	v61 =	vmul.f32 v27, v50;
	v44 =	vperm.xlane v22, v1  }
0x197: {  	s3 =	sand.u32 $0x1, s3;
	v48 =	vld [tilespmem:s4+$0x710];
	v20 =	vadd.f32 v38, v20;
	v41 =	vperm.xlane v19, v2;
	v28 =	vadd.f32 v43, v28  }
0x198: {  	s3 =	sshll.u32 s3, $0x6;
	v32 =	vmul.f32 v32, v42;
	v37 =	vperm.xlane v15, v1;
	v22 =	vadd.f32 v44, v22  }
0x199: {  	s3 =	sadd.s32 s3, s23;
	v63 =	vperm.xlane v20, v3;
	v19 =	vadd.f32 v41, v19;
	v49 =	vperm.xlane v28, v2  }
0x19a: {  	s3 =	sadd.s32 s29, s3;
	v14 =	vadd.f32 v14, v13;
	v17 =	vmul.f32 v17, v46;
	v51 =	vperm.xlane v22, v2  }
0x19b: {  	v52 =	vld [tilespmem:s3+$0x780];
	v20 =	vadd.f32 v63, v20;
	v47 =	vperm.xlane v19, v3;
	v28 =	vadd.f32 v49, v28  }
0x19c: {  	v18 =	vsel vm1, v13, v18;
	v55 =	vmul.f32 v25, v48;
	v22 =	vadd.f32 v51, v22  }
0x19d: {  	v54 =	vld [tilespmem:s3+$0x790];
	v45 =	vperm.xlane v20, v4;
	v19 =	vadd.f32 v47, v19;
	v56 =	vperm.xlane v28, v3  }
0x19e: {  	v21 =	vadd.f32 v32, v21;
	v14 =	vsel vm11, v18, v14;
	v58 =	vperm.xlane v22, v3  }
0x19f: {  	v57 =	vld [tilespmem:s3+$0x7A0];
	v20 =	vadd.f32 v45, v20;
	v53 =	vperm.xlane v19, v4;
	v59 =	vadd.f32 v56, v28  }
0x1a0: {  	v17 =	vadd.f32 v55, v17;
	v62 =	vmul.f32 v33, v52;
	v60 =	vld [tilespmem:s4+$0x730];
	v22 =	vadd.f32 v58, v22  }
0x1a1: {  	v63 =	vld [tilespmem:s3+$0x7B0];
	v13 =	vadd.f32 v20, v13;
	v19 =	vadd.f32 v53, v19;
	v28 =	vperm.xlane v59, v4  }
0x1a2: {  	v17 =	vadd.f32 v61, v17;
	v23 =	vmul.f32 v23, v54;
	v32 =	vperm.xlane v22, v4  }
0x1a3: {  	v13 =	vsel vm14, v14, v13;
	v14 =	vadd.f32 v19, v14;
	v18 =	vadd.f32 v28, v59  }
0x1a4: {  	v33 =	vmul.f32 v31, v57;
	v23 =	vadd.f32 v23, v62;
	v19 =	vadd.f32 v32, v22  }
0x1a5: {  	v20 =	vmul.f32 v34, v60;
	v14 =	vsel vm5, v13, v14;
	v13 =	vadd.f32 v18, v13  }
0x1a6: {  	v35 =	vmul.f32 v24, v63;
	v34 =	vadd.f32 v33, v23;
	v36 =	vadd.f32 v19, v14  }
0x1a7: {  	v38 =	vperm.xlane v16, v2;
	v11 =	vadd.f32 v20, v17;
	v13 =	vsel vm9, v14, v13  }
0x1a8: {  	v39 =	vperm.xlane v21, v1;
	v18 =	vadd.f32 v35, v34;
	v13 =	vsel vm13, v13, v36  }
0x1a9: {  	v40 =	vperm.xlane v11, v1;
	v14 =	vadd.f32 v15, v37;
	v13 =	vsub.f32 $0.0e+00, v13  }
0x1aa: {  	v16 =	vadd.f32 v38, v16;
	v17 =	vadd.f32 v21, v39;
	v41 =	vperm.xlane v18, v1  }
0x1ab: {  	v11 =	vadd.f32 v11, v40;
	v42 =	vperm.xlane v14, v2;
	v13 =	vmul.f32 $1.442695020e+00, v13  }
0x1ac: {  	v43 =	vperm.xlane v12, v3;
	v44 =	vperm.xlane v17, v2;
	v18 =	vadd.f32 v18, v41  }
0x1ad: {  	v45 =	vperm.xlane v11, v2;
	v14 =	vadd.f32 v42, v14;
	(erf) = vpow2.f32 v13  }
0x1ae: {  	v46 =	vperm.xlane v16, v3;
	v17 =	vadd.f32 v44, v17;
	v47 =	vperm.xlane v18, v2  }
0x1af: {  	v12 =	vadd.f32 v43, v12;
	v11 =	vadd.f32 v45, v11;
	v48 =	vperm.xlane v14, v3  }
0x1b0: {  	v49 =	vperm.xlane v17, v3;
	v13 =	vadd.f32 v46, v16;
	v18 =	vadd.f32 v47, v18  }
0x1b1: {  	v50 =	vperm.xlane v12, v4;
	v51 =	vperm.xlane v11, v3;
	v14 =	vadd.f32 v48, v14  }
0x1b2: {  	v16 =	vadd.f32 v49, v17;
	v52 =	vperm.xlane v13, v4;
	v53 =	vperm.xlane v18, v3  }
0x1b3: {  	v12 =	vadd.f32 v50, v12;
	v11 =	vadd.f32 v51, v11;
	v54 =	vperm.xlane v14, v4  }
0x1b4: {  	v55 =	vperm.xlane v16, v4;
	v13 =	vadd.f32 v52, v13;
	v17 =	vadd.f32 v53, v18  }
0x1b5: {  	v10 =	vsel vm8, v10, v12;
	v57 =	vperm.xlane v11, v4;
	v56 =	vadd.f32 v54, v14  }
0x1b6: {  	v61 =	vld [tilespmem:s25+$0x0];
	v58 =	vadd.f32 v55, v16;
	v10 =	vsel vm10, v10, v13;
	v59 =	vperm.xlane v17, v4;
	v60 =	vpop (erf)  }
0x1b7: {  	v11 =	vadd.f32 v57, v11;
	v10 =	vsel vm12, v10, v56;
	v62 =	vadd.f32 $1.000000000e+00, v60  }
0x1b8: {  	v63 =	vadd.f32 v59, v17;
	v10 =	vsel vm15, v10, v58  }
0x1b9: {  	v10 =	vsel vm9, v10, v11;
	(erf) = vrcp.f32 v62  }
0x1ba: {  	v10 =	vsel vm13, v10, v63  }
0x1bb: {  	v10 =	vadd.f32 v10, v61;
	_ =	sdelay $0x1  }
0x1bc: {  	[tilespmem:s25+$0x0] =	vst v10  }
0x1bd: {  	v10 =	vld [tilespmem:s26+$0x0];
	_ =	sdelay $0x1  }
0x1be: {  	p1 =	sne.s32 s28, $0xE000  }
.Ltmp0:
0x1bf: {  	_ = 	snop;
	(pc) =	sbr.rel @p1 .LBB2_3-.Ltmp0, $4  }
0x1c0: {  	v11 =	vpop (erf)  }
0x1c1: {  	v10 =	vadd.f32 v11, v10  }
0x1c2: {  	s24 =	sadd.s32 $0x10, s24;
	s21 =	sadd.s32 $0x10, s21  }
0x1c3: {  	s28 =	sadd.s32 $0x2000, s28;
	s25 =	sadd.s32 $0x10, s25;
	[tilespmem:s26+$0x0] =	vst v10;
	s26 =	sadd.s32 $0x10, s26  }
0x1c4: {  	s20 =	sadd.s32 $0x1, s20  }
0x1c5: {  	p1 =	sne.s32 s20, $0x18  }
.Ltmp1:
0x1c6: {  	_ = 	snop;
	(pc) =	sbr.rel @p1 .LBB2_2-.Ltmp1, $2  }
0x1c7: {  	_ =	sdelay $0x2  }
0x1c8: {  	p0 =	por !p0, !p0;
	s18 =	sadd.s32 $0x1, s18  }
0x1c9: {  	v5 =	vld [tilespmem:$0x10800]  }
0x1ca: {  	v6 =	vld [tilespmem:$0x10A00]  }
0x1cb: {  	v7 =	vld [tilespmem:$0x10810]  }
0x1cc: {  	v8 =	vld [tilespmem:$0x10A10]  }
0x1cd: {  	v9 =	vld [tilespmem:$0x10820]  }
0x1ce: {  	v10 =	vld [tilespmem:$0x10A20];
	v5 =	vmul.f32 $1.666666720e-01, v5  }
0x1cf: {  	v11 =	vld [tilespmem:$0x10830];
	v6 =	vmul.f32 $1.666666720e-01, v6  }
0x1d0: {  	[tilespmem:$0x10800] =	vst v5;
	v5 =	vmul.f32 $1.666666720e-01, v7;
	v7 =	vld [tilespmem:$0x10A30]  }
0x1d1: {  	v19 =	vld [tilespmem:$0x10840];
	[tilespmem:$0x10A00] =	vst v6;
	v6 =	vmul.f32 $1.666666720e-01, v8  }
0x1d2: {  	v20 =	vld [tilespmem:$0x10A40];
	[tilespmem:$0x10810] =	vst v5;
	v5 =	vmul.f32 $1.666666720e-01, v9  }
0x1d3: {  	v21 =	vld [tilespmem:$0x10850];
	[tilespmem:$0x10A10] =	vst v6;
	v6 =	vmul.f32 $1.666666720e-01, v10  }
0x1d4: {  	v22 =	vld [tilespmem:$0x10A50];
	[tilespmem:$0x10820] =	vst v5;
	v5 =	vmul.f32 $1.666666720e-01, v11  }
0x1d5: {  	[tilespmem:$0x10A20] =	vst v6;
	v6 =	vmul.f32 $1.666666720e-01, v7;
	v7 =	vld [tilespmem:$0x10860]  }
0x1d6: {  	v23 =	vld [tilespmem:$0x10A60];
	[tilespmem:$0x10830] =	vst v5;
	v5 =	vmul.f32 $1.666666720e-01, v19  }
0x1d7: {  	v24 =	vld [tilespmem:$0x10870];
	[tilespmem:$0x10A30] =	vst v6;
	v6 =	vmul.f32 $1.666666720e-01, v20  }
0x1d8: {  	v25 =	vld [tilespmem:$0x10A70];
	[tilespmem:$0x10840] =	vst v5;
	v5 =	vmul.f32 $1.666666720e-01, v21  }
0x1d9: {  	v26 =	vld [tilespmem:$0x10880];
	[tilespmem:$0x10A40] =	vst v6;
	v6 =	vmul.f32 $1.666666720e-01, v22  }
0x1da: {  	[tilespmem:$0x10850] =	vst v5;
	v5 =	vmul.f32 $1.666666720e-01, v7;
	v7 =	vld [tilespmem:$0x10A80]  }
0x1db: {  	v27 =	vld [tilespmem:$0x10890];
	[tilespmem:$0x10A50] =	vst v6;
	v6 =	vmul.f32 $1.666666720e-01, v23  }
0x1dc: {  	v28 =	vld [tilespmem:$0x10A90];
	[tilespmem:$0x10860] =	vst v5;
	v5 =	vmul.f32 $1.666666720e-01, v24  }
0x1dd: {  	v29 =	vld [tilespmem:$0x108A0];
	[tilespmem:$0x10A60] =	vst v6;
	v6 =	vmul.f32 $1.666666720e-01, v25  }
0x1de: {  	v30 =	vld [tilespmem:$0x10AA0];
	[tilespmem:$0x10870] =	vst v5;
	v5 =	vmul.f32 $1.666666720e-01, v26  }
0x1df: {  	[tilespmem:$0x10A70] =	vst v6;
	v6 =	vmul.f32 $1.666666720e-01, v7;
	v7 =	vld [tilespmem:$0x108B0]  }
0x1e0: {  	v31 =	vld [tilespmem:$0x10AB0];
	[tilespmem:$0x10880] =	vst v5;
	v5 =	vmul.f32 $1.666666720e-01, v27  }
0x1e1: {  	v32 =	vld [tilespmem:$0x108C0];
	[tilespmem:$0x10A80] =	vst v6;
	v6 =	vmul.f32 $1.666666720e-01, v28  }
0x1e2: {  	v33 =	vld [tilespmem:$0x10AC0];
	[tilespmem:$0x10890] =	vst v5;
	v5 =	vmul.f32 $1.666666720e-01, v29  }
0x1e3: {  	v34 =	vld [tilespmem:$0x108D0];
	[tilespmem:$0x10A90] =	vst v6;
	v6 =	vmul.f32 $1.666666720e-01, v30  }
0x1e4: {  	[tilespmem:$0x108A0] =	vst v5;
	v5 =	vmul.f32 $1.666666720e-01, v7;
	v7 =	vld [tilespmem:$0x10AD0]  }
0x1e5: {  	v35 =	vld [tilespmem:$0x108E0];
	[tilespmem:$0x10AA0] =	vst v6;
	v6 =	vmul.f32 $1.666666720e-01, v31  }
0x1e6: {  	v36 =	vld [tilespmem:$0x10AE0];
	[tilespmem:$0x108B0] =	vst v5;
	v5 =	vmul.f32 $1.666666720e-01, v32  }
0x1e7: {  	v37 =	vld [tilespmem:$0x108F0];
	[tilespmem:$0x10AB0] =	vst v6;
	v6 =	vmul.f32 $1.666666720e-01, v33  }
0x1e8: {  	v38 =	vld [tilespmem:$0x10AF0];
	[tilespmem:$0x108C0] =	vst v5;
	v5 =	vmul.f32 $1.666666720e-01, v34  }
0x1e9: {  	[tilespmem:$0x10AC0] =	vst v6;
	v6 =	vmul.f32 $1.666666720e-01, v7;
	v7 =	vld [tilespmem:$0x10900]  }
0x1ea: {  	v39 =	vld [tilespmem:$0x10B00];
	[tilespmem:$0x108D0] =	vst v5;
	v5 =	vmul.f32 $1.666666720e-01, v35  }
0x1eb: {  	v40 =	vld [tilespmem:$0x10910];
	[tilespmem:$0x10AD0] =	vst v6;
	v6 =	vmul.f32 $1.666666720e-01, v36  }
0x1ec: {  	v41 =	vld [tilespmem:$0x10B10];
	[tilespmem:$0x108E0] =	vst v5;
	v5 =	vmul.f32 $1.666666720e-01, v37  }
0x1ed: {  	v42 =	vld [tilespmem:$0x10920];
	[tilespmem:$0x10AE0] =	vst v6;
	v6 =	vmul.f32 $1.666666720e-01, v38  }
0x1ee: {  	[tilespmem:$0x108F0] =	vst v5;
	v5 =	vmul.f32 $1.666666720e-01, v7;
	v7 =	vld [tilespmem:$0x10B20]  }
0x1ef: {  	v43 =	vld [tilespmem:$0x10930];
	[tilespmem:$0x10AF0] =	vst v6;
	v6 =	vmul.f32 $1.666666720e-01, v39  }
0x1f0: {  	v44 =	vld [tilespmem:$0x10B30];
	[tilespmem:$0x10900] =	vst v5;
	v5 =	vmul.f32 $1.666666720e-01, v40  }
0x1f1: {  	v45 =	vld [tilespmem:$0x10940];
	[tilespmem:$0x10B00] =	vst v6;
	v6 =	vmul.f32 $1.666666720e-01, v41  }
0x1f2: {  	v46 =	vld [tilespmem:$0x10B40];
	[tilespmem:$0x10910] =	vst v5;
	v5 =	vmul.f32 $1.666666720e-01, v42  }
0x1f3: {  	[tilespmem:$0x10B10] =	vst v6;
	v6 =	vmul.f32 $1.666666720e-01, v7;
	v7 =	vld [tilespmem:$0x10950]  }
0x1f4: {  	v47 =	vld [tilespmem:$0x10B50];
	[tilespmem:$0x10920] =	vst v5;
	v5 =	vmul.f32 $1.666666720e-01, v43  }
0x1f5: {  	v48 =	vld [tilespmem:$0x10960];
	[tilespmem:$0x10B20] =	vst v6;
	v6 =	vmul.f32 $1.666666720e-01, v44  }
0x1f6: {  	v49 =	vld [tilespmem:$0x10B60];
	[tilespmem:$0x10930] =	vst v5;
	v5 =	vmul.f32 $1.666666720e-01, v45  }
0x1f7: {  	v50 =	vld [tilespmem:$0x10970];
	[tilespmem:$0x10B30] =	vst v6;
	v6 =	vmul.f32 $1.666666720e-01, v46  }
0x1f8: {  	[tilespmem:$0x10940] =	vst v5;
	v5 =	vmul.f32 $1.666666720e-01, v7;
	v7 =	vld [tilespmem:$0x10B70]  }
0x1f9: {  	v51 =	vld [tilespmem:$0x10980];
	[tilespmem:$0x10B40] =	vst v6;
	v6 =	vmul.f32 $1.666666720e-01, v47  }
0x1fa: {  	v52 =	vld [tilespmem:$0x10B80];
	[tilespmem:$0x10950] =	vst v5;
	v5 =	vmul.f32 $1.666666720e-01, v48  }
0x1fb: {  	v53 =	vld [tilespmem:$0x10990];
	[tilespmem:$0x10B50] =	vst v6;
	v6 =	vmul.f32 $1.666666720e-01, v49  }
0x1fc: {  	v54 =	vld [tilespmem:$0x10B90];
	[tilespmem:$0x10960] =	vst v5;
	v5 =	vmul.f32 $1.666666720e-01, v50  }
0x1fd: {  	[tilespmem:$0x10B60] =	vst v6;
	v6 =	vmul.f32 $1.666666720e-01, v7;
	v7 =	vld [tilespmem:$0x109A0]  }
0x1fe: {  	v55 =	vld [tilespmem:$0x10BA0];
	[tilespmem:$0x10970] =	vst v5;
	v5 =	vmul.f32 $1.666666720e-01, v51  }
0x1ff: {  	v56 =	vld [tilespmem:$0x109B0];
	[tilespmem:$0x10B70] =	vst v6;
	v6 =	vmul.f32 $1.666666720e-01, v52  }
0x200: {  	v57 =	vld [tilespmem:$0x10BB0];
	[tilespmem:$0x10980] =	vst v5;
	v5 =	vmul.f32 $1.666666720e-01, v53  }
0x201: {  	v58 =	vld [tilespmem:$0x109C0];
	[tilespmem:$0x10B80] =	vst v6;
	v6 =	vmul.f32 $1.666666720e-01, v54  }
0x202: {  	[tilespmem:$0x10990] =	vst v5;
	v5 =	vmul.f32 $1.666666720e-01, v7;
	v7 =	vld [tilespmem:$0x10BC0]  }
0x203: {  	v59 =	vld [tilespmem:$0x109D0];
	[tilespmem:$0x10B90] =	vst v6;
	v6 =	vmul.f32 $1.666666720e-01, v55  }
0x204: {  	v60 =	vld [tilespmem:$0x10BD0];
	[tilespmem:$0x109A0] =	vst v5;
	v5 =	vmul.f32 $1.666666720e-01, v56  }
0x205: {  	v61 =	vld [tilespmem:$0x109E0];
	[tilespmem:$0x10BA0] =	vst v6;
	v6 =	vmul.f32 $1.666666720e-01, v57  }
0x206: {  	v62 =	vld [tilespmem:$0x10BE0];
	[tilespmem:$0x109B0] =	vst v5;
	v5 =	vmul.f32 $1.666666720e-01, v58  }
0x207: {  	[tilespmem:$0x10BB0] =	vst v6;
	v6 =	vmul.f32 $1.666666720e-01, v7;
	v7 =	vld [tilespmem:$0x109F0]  }
0x208: {  	v63 =	vld [tilespmem:$0x10BF0];
	[tilespmem:$0x109C0] =	vst v5;
	v5 =	vmul.f32 $1.666666720e-01, v59  }
0x209: {  	[tilespmem:$0x10BC0] =	vst v6;
	v6 =	vmul.f32 $1.666666720e-01, v60  }
0x20a: {  	[tilespmem:$0x109D0] =	vst v5;
	v5 =	vmul.f32 $1.666666720e-01, v61  }
0x20b: {  	[tilespmem:$0x10BD0] =	vst v6;
	v6 =	vmul.f32 $1.666666720e-01, v62  }
0x20c: {  	[tilespmem:$0x109E0] =	vst v5;
	v5 =	vmul.f32 $1.666666720e-01, v7  }
0x20d: {  	[tilespmem:$0x10BE0] =	vst v6;
	v6 =	vmul.f32 $1.666666720e-01, v63  }
0x20e: {  	[tilespmem:$0x109F0] =	vst v5  }
0x20f: {  	s3 =	simm.s32 $0x10800;
	[tilespmem:$0x10BF0] =	vst v6  }
0x210: {  	[hbm4b:s14+s5] =	stream.linear.scatter [tilespmem:s3], [sflag:$0x2], $0x200, $0x38;
	[tilespmem:$0x10E00] =	vst v63  }
0x211: {  	s2 =	sadd.s32 $0x1, s2;
	_ =	swait.ge [sflag:s17], $0x200  }
0x212: {  	p0 =	sne.s32 s2, s16;
	[sflag:s17] =	ssyncset.done $0x0  }
.Ltmp2:
0x213: {  	s30 =	simm.s32 $0x10A00;
	[sflag:s17] =	ssyncadd.s32 $0xFFFFFE00;
	(pc) =	sbr.rel @p0 .LBB2_1-.Ltmp2, $4  }
0x214: {  	[hbm4b:s15+s5] =	stream.linear.scatter [tilespmem:s30], [sflag:$0x2], $0x200, $0x38;
	[tilespmem:$0x10E00] =	vst v63  }
0x215: {  	_ =	swait.ge [sflag:s17], $0x200  }
0x216: {  	[sflag:s17] =	ssyncset.done $0x0  }
0x217: {  	[sflag:s17] =	ssyncadd.s32 $0xFFFFFE00  }
0x218: {  	_ =	sfence.sel $0x180000  }
0x219: {  	[bflag:$0x0] =	sbarrier.arrive $0xFFFF  }
0x21a: {  	_ =	strace $0x90000047  }
0x21b: {  	s0 =	stileid.u32;
	[bflag:$0x2] =	sbarrier.arrive $0xFFFF  }
0x21c: {  	p0 =	sne.s32 s0, $0x0;
	s0 =	rddreg [dreg:$0x7]  }
0x21d: {  	s0 =	sadd.s32 @!p0 $0x100000, s0  }
0x21e: {  	[sflag:s0] =	ssyncadd.tile.s32 @!p0 $0x1;
	_ =	shalt  }
.Lfunc_end2:
_tile_overlayer_lowered:
.L_overlay_start_2:
0x21f: {  	(tag) =	ssettag $0x2  }
0x220: {  	s0 =	rddreg [dreg:$0x0];
	s2 =	stileid.u32  }
0x221: {  	s1 =	rddreg [dreg:$0x1];
	p0 =	sne.s32 s2, $0x0  }
0x222: {  	s3 =	rddreg [dreg:$0x2];
	[bflag:$0x3] =	sbarrier.arrive $0xFFFF;
	s2 =	simm.s32 @!p0 $0x1C02  }
0x223: {  	[timem:s3], [sflag:s2] =	dma.local @!p0 [hbm:s0], s1  }
0x224: {  	s0 =	simm.s32 @!p0 $0x2  }
0x225: {  	_ =	swait.ge @!p0 [sflag:s0], s1  }
0x226: {  	s1 =	ssub.s32 @!p0 $0x0, s1;
	[sflag:s0] =	ssyncset.done @!p0 $0x0  }
0x227: {  	[sflag:s0] =	ssyncadd.s32 @!p0 s1  }
0x228: {  	[bflag:$0x3] =	sbarrier.arrive $0xFFFF  }
0x229: {  	_ =	shalt  }

</sc_bundles>
